<compile_context>
chip_gen: v7x
topology: tpu7x:2x2x1
jax: 0.10.2.dev20260603
libtpu: 0.0.44.dev20260713+nightly
codegen_flags: <defaults>
</compile_context>

<pallas_src>
import jax
import jax.numpy as jnp
from jax import lax
from jax.experimental import pallas as pl
from jax.experimental.pallas import tpu as pltpu
from jax.experimental.pallas import tpu_sc as plsc

N = 10000
E = 320000
D = 128

NC = 2
NS = 16
NW = NC * NS
CH = 128
KB = 8
NDEP = 2
EPW = 10240
K = EPW // CH
E_PAD = NW * EPW
NBLK = E_PAD // (KB * CH)
B0 = 18
B1 = 2
NPAD = 10240
RPT = NPAD // NS
DUMMY = N
LW = 128
NR = NPAD // LW
REG = 8

_mesh = plsc.VectorSubcoreMesh(core_axis_name="c", subcore_axis_name="s",
                               num_cores=NC, num_subcores=NS)


def _segsum_body(x_hbm, src_hbm, dst_hbm, agg_out, src_v, dst_v, b0, b1,
                 acc_sh, g0, g1, s0, s1):
  c = lax.axis_index("c")
  s = lax.axis_index("s")

  zv = jnp.zeros((16,), jnp.float32)

  def zrow(i, carry):
    for kk in range(D // 16):
      b0[i, pl.ds(kk * 16, 16)] = zv
    return carry

  lax.fori_loop(0, CH, zrow, 0)
  for r in range(RPT // CH):
    pltpu.sync_copy(b0, acc_sh.at[pl.ds(s * RPT + r * CH, CH)])
  plsc.subcore_barrier()

  bufs = (b0, b1)
  gsems = (g0, g1)
  ssems = (s0, s1)
  nblk = B0 + c * (B1 - B0)
  base = (1 - c) * (s * B0) + c * (NS * B0 + s * B1)

  def blk(b, carry):
    pltpu.sync_copy(src_hbm.at[base + b], src_v)
    pltpu.sync_copy(dst_hbm.at[base + b], dst_v)
    gcps = [None] * KB
    scps = [None] * KB
    for t in range(KB + NDEP - 1):
      jj = t
      if jj < KB:
        slot = jj % NDEP
        if jj >= NDEP:
          scps[jj - NDEP].wait()
        gcps[jj] = pltpu.async_copy(x_hbm.at[src_v.at[jj]], bufs[slot],
                                    gsems[slot])
      j2 = t - (NDEP - 1)
      if 0 <= j2 < KB:
        gcps[j2].wait()
        scps[j2] = pltpu.async_copy(bufs[j2 % NDEP],
                                    acc_sh.at[dst_v.at[j2]],
                                    ssems[j2 % NDEP], add=True)
    for j2 in range(KB - NDEP, KB):
      scps[j2].wait()
    return carry

  lax.fori_loop(0, nblk, blk, 0)
  plsc.subcore_barrier()

  pltpu.sync_copy(acc_sh.at[pl.ds(s * RPT, RPT)],
                  agg_out.at[c, pl.ds(s * RPT, RPT)])


_segsum = pl.kernel(
    _segsum_body,
    out_type=[jax.ShapeDtypeStruct((NC, NPAD, D), jnp.float32)],
    mesh=_mesh,
    scratch_types=[
        pltpu.VMEM((KB, CH), jnp.int32),
        pltpu.VMEM((KB, CH), jnp.int32),
        pltpu.VMEM((CH, D), jnp.float32),
        pltpu.VMEM((CH, D), jnp.float32),
        pltpu.VMEM_SHARED((NPAD, D), jnp.float32),
        pltpu.SemaphoreType.DMA,
        pltpu.SemaphoreType.DMA,
        pltpu.SemaphoreType.DMA,
        pltpu.SemaphoreType.DMA,
    ])


def _count_body(dst_hbm, cnt_out, dst_v, hist):
  c = lax.axis_index("c")
  s = lax.axis_index("s")
  w = s * NC + c
  pltpu.sync_copy(dst_hbm.at[w], dst_v)
  zv = jnp.zeros((16,), jnp.float32)

  def zrow(i, carry):
    for kk in range(LW // 16):
      hist[i, pl.ds(kk * 16, 16)] = zv
    return carry

  lax.fori_loop(0, REG * NR, zrow, 0)

  lane = lax.iota(jnp.int32, 16)
  region = jnp.bitwise_and(lane, REG - 1)
  mlo = lane < 8
  mhi = lane >= 8
  onesv = jnp.ones((16,), jnp.float32)

  def jrow(j, carry):
    for kk in range(CH // 16):
      d = dst_v[j, pl.ds(kk * 16, 16)]
      row = region * NR + lax.shift_right_logical(d, 7)
      col = jnp.bitwise_and(d, 127)
      plsc.addupdate_scatter(hist, [row, col], onesv, mask=mlo)
      plsc.addupdate_scatter(hist, [row, col], onesv, mask=mhi)
    return carry

  lax.fori_loop(0, K, jrow, 0)

  def rrow(i, carry):
    for kk in range(LW // 16):
      acc = hist[i, pl.ds(kk * 16, 16)]
      for r in range(1, REG):
        acc = acc + hist[r * NR + i, pl.ds(kk * 16, 16)]
      hist[i, pl.ds(kk * 16, 16)] = acc
    return carry

  lax.fori_loop(0, NR, rrow, 0)
  pltpu.sync_copy(hist.at[pl.ds(0, NR)], cnt_out.at[w])


_count = pl.kernel(
    _count_body,
    out_type=jax.ShapeDtypeStruct((NW, NR, LW), jnp.float32),
    mesh=_mesh,
    scratch_types=[pltpu.VMEM((K, CH), jnp.int32),
                   pltpu.VMEM((REG * NR, LW), jnp.float32)],
    compiler_params=pltpu.CompilerParams(needs_layout_passes=False))


def _cntsum_body(cnt_ref, out_ref):
  out_ref[...] = jnp.maximum(jnp.sum(cnt_ref[...], axis=0), 1.0)


_cntsum = pl.pallas_call(
    _cntsum_body,
    out_shape=jax.ShapeDtypeStruct((NR, LW), jnp.float32))


def _dense_body_prelu(agg_ref, cnt_ref, x_ref, wl_ref, b_ref, wr_ref,
                      a_ref, out_ref):
  mean = (agg_ref[0, :N, :] + agg_ref[1, :N, :]) / cnt_ref[...]
  h = lax.dot_general(mean, wl_ref[...], (((1,), (1,)), ((), ())),
                      preferred_element_type=jnp.float32)
  h = h + b_ref[...]
  h = h + lax.dot_general(x_ref[...], wr_ref[...], (((1,), (1,)), ((), ())),
                          preferred_element_type=jnp.float32)
  a = a_ref[...]
  out_ref[...] = jnp.maximum(h, 0.0) + a * jnp.minimum(h, 0.0)


def _dense_body(agg_ref, cnt_ref, x_ref, wl_ref, b_ref, wr_ref, out_ref):
  mean = (agg_ref[0, :N, :] + agg_ref[1, :N, :]) / cnt_ref[...]
  h = lax.dot_general(mean, wl_ref[...], (((1,), (1,)), ((), ())),
                      preferred_element_type=jnp.float32)
  h = h + b_ref[...]
  h = h + lax.dot_general(x_ref[...], wr_ref[...], (((1,), (1,)), ((), ())),
                          preferred_element_type=jnp.float32)
  out_ref[...] = h


_dense1 = pl.pallas_call(
    _dense_body_prelu,
    out_shape=jax.ShapeDtypeStruct((N, D), jnp.float32))
_dense2 = pl.pallas_call(
    _dense_body,
    out_shape=jax.ShapeDtypeStruct((N, D), jnp.float32))


@jax.jit
def kernel(x, edge_index, W1l, b1, W1r, a1, W2l, b2, W2r):
  src = edge_index[0]
  dst = edge_index[1]
  pad = E_PAD - E
  srcf = jnp.concatenate([src, jnp.zeros((pad,), jnp.int32)])
  dpad = DUMMY + jnp.arange(pad, dtype=jnp.int32) % (NPAD - N)
  dstf = jnp.concatenate([dst, dpad])
  srcp = srcf.reshape(NBLK, KB, CH)
  dstp = dstf.reshape(NBLK, KB, CH)

  cnt32 = _count(dstf.reshape(NW, K, CH))
  cntc = _cntsum(cnt32).reshape(NPAD, 1)[:N]
  b1r = b1.reshape(1, D)
  b2r = b2.reshape(1, D)

  (aggp,) = _segsum(x, srcp, dstp)
  h = _dense1(aggp, cntc, x, W1l, b1r, W1r, a1.reshape(1, 1))
  (aggp2,) = _segsum(h, srcp, dstp)
  out = _dense2(aggp2, cntc, h, W2l, b2r, W2r)
  return out

# --- scband reference (transcript-rebuilt; emitter-appended) ---
"""Pipeline reference for scband-gcnencoder-5995774345966 (READ-ONLY COPY).

The authoritative reference and input builder live on the scoring server;
editing this copy changes nothing except your own understanding.
"""

import jax, jax.numpy as jnp
import numpy as np

N = 10000
E = 320000
D = 128
H = 128


def setup_inputs(seed: int = 0) -> dict:
    key = jax.random.key(seed)
    ks = jax.random.split(key, 10)
    x = jax.random.normal(ks[0], (N, D), dtype=jnp.float32)
    edge_index = jax.random.randint(ks[1], (2, E), 0, N, dtype=jnp.int32)
    s = 1.0 / np.sqrt(D)
    # SAGEConv layer 1: lin_l applied to mean-aggregated neighbors (with bias), lin_r to root (no bias)
    W1l = jax.random.normal(ks[2], (H, D), dtype=jnp.float32) * s
    b1 = jnp.zeros((H,), dtype=jnp.float32)
    W1r = jax.random.normal(ks[3], (H, D), dtype=jnp.float32) * s
    # PReLU single shared parameter, init 0.25
    a1 = jnp.full((1,), 0.25, dtype=jnp.float32)
    sh = 1.0 / np.sqrt(H)
    W2l = jax.random.normal(ks[4], (H, H), dtype=jnp.float32) * sh
    b2 = jnp.zeros((H,), dtype=jnp.float32)
    W2r = jax.random.normal(ks[5], (H, H), dtype=jnp.float32) * sh
    return {"x": x, "edge_index": edge_index, "W1l": W1l, "b1": b1, "W1r": W1r,
            "a1": a1, "W2l": W2l, "b2": b2, "W2r": W2r}


def _sage_conv(x, edge_index, Wl, b, Wr):
    src = edge_index[0]
    dst = edge_index[1]
    # gather source node features along edges
    msgs = jnp.take(x, src, axis=0)
    # mean aggregation at destination nodes via scatter-add
    agg = jax.ops.segment_sum(msgs, dst, num_segments=N)
    cnt = jax.ops.segment_sum(jnp.ones((edge_index.shape[1],), dtype=jnp.float32), dst, num_segments=N)
    mean = agg / jnp.clip(cnt, 1.0, None)[:, None]
    return mean @ Wl.T + b + x @ Wr.T


def _prelu(x, a):
    return jnp.maximum(x, 0.0) + a * jnp.minimum(x, 0.0)


def reference(x, edge_index, W1l, b1, W1r, a1, W2l, b2, W2r):
    h = _sage_conv(x, edge_index, W1l, b1, W1r)
    h = _prelu(h, a1)
    out = _sage_conv(h, edge_index, W2l, b2, W2r)
    return out

if __name__ == "__main__":
    import jax
    _d = setup_inputs()
    print(jax.jit(kernel)(*tuple(_d.values())))

</pallas_src>

<mosaic_0001>
#map = affine_map<(d0, d1) -> (0, 0)>
#map1 = affine_map<(d0, d1) -> (0, 0, 0)>
module attributes {stable_mosaic.version = 14 : i64} {
  func.func @_segsum_body(%arg0: i32, %arg1: i32, %arg2: memref<10000x128xf32, #tpu.memory_space<hbm>>, %arg3: memref<320x8x128xi32, #tpu.memory_space<hbm>>, %arg4: memref<320x8x128xi32, #tpu.memory_space<hbm>>, %arg5: memref<2x10240x128xf32, #tpu.memory_space<hbm>>, %arg6: memref<8x128xi32, #tpu.memory_space<vmem>>, %arg7: memref<8x128xi32, #tpu.memory_space<vmem>>, %arg8: memref<128x128xf32, #tpu.memory_space<vmem>>, %arg9: memref<128x128xf32, #tpu.memory_space<vmem>>, %arg10: memref<10240x128xf32, #tpu.memory_space<vmem_shared>>, %arg11: memref<!tpu.dma_semaphore, #tpu.memory_space<semaphore_mem>>, %arg12: memref<!tpu.dma_semaphore, #tpu.memory_space<semaphore_mem>>, %arg13: memref<!tpu.dma_semaphore, #tpu.memory_space<semaphore_mem>>, %arg14: memref<!tpu.dma_semaphore, #tpu.memory_space<semaphore_mem>>) attributes {dimension_semantics = [#tpu.dimension_semantics<core_parallel>, #tpu.dimension_semantics<subcore_parallel>], iteration_bounds = array<i64: 2, 16>, scalar_prefetch = 0 : i64, scratch_operands = 9 : i64, tpu.core_type = #tpu.core_type<sc_vector_subcore>, window_params = [{transform_indices = #map}, {transform_indices = #map1}, {transform_indices = #map1}, {transform_indices = #map1}]} {
    %broadcast_in_dim3A = arith.constant 0.000000e+00 : f32
    %broadcast_in_dim3A_0 = vector.broadcast %broadcast_in_dim3A : f32 to vector<16xf32>
    %scan3A = arith.constant 0 : i32
    %scan3A_1 = arith.constant 0 : i32
    %scan3A_2 = arith.constant 128 : i32
    %scan3A_3 = arith.addi %scan3A_1, %scan3A_2 : i32
    %scan3A_4 = arith.constant 1 : i32
    scf.for %scan3A_52 = %scan3A_1 to %scan3A_3 step %scan3A_4  : i32 {
      %swap3A = arith.index_cast %scan3A_52 : i32 to index
      %swap3A_53 = arith.constant 0 : index
      %swap3A_54 = tpu.vector_load %arg8[%swap3A, %swap3A_53] {strides = array<i32>} : memref<128x128xf32, #tpu.memory_space<vmem>>, vector<1x16xf32>,
      %swap3A_55 = vector.shape_cast %swap3A_54 : vector<1x16xf32> to vector<16xf32>
      %swap3A_56 = vector.shape_cast %broadcast_in_dim3A_0 : vector<16xf32> to vector<1x16xf32>
      tpu.vector_store %arg8[%swap3A, %swap3A_53], %swap3A_56 {strides = array<i32>} : memref<128x128xf32, #tpu.memory_space<vmem>>, vector<1x16xf32>,
      %swap3A_57 = arith.index_cast %scan3A_52 : i32 to index
      %swap3A_58 = arith.constant 16 : index
      %swap3A_59 = tpu.vector_load %arg8[%swap3A_57, %swap3A_58] {strides = array<i32>} : memref<128x128xf32, #tpu.memory_space<vmem>>, vector<1x16xf32>,
      %swap3A_60 = vector.shape_cast %swap3A_59 : vector<1x16xf32> to vector<16xf32>
      %swap3A_61 = vector.shape_cast %broadcast_in_dim3A_0 : vector<16xf32> to vector<1x16xf32>
      tpu.vector_store %arg8[%swap3A_57, %swap3A_58], %swap3A_61 {strides = array<i32>} : memref<128x128xf32, #tpu.memory_space<vmem>>, vector<1x16xf32>,
      %swap3A_62 = arith.index_cast %scan3A_52 : i32 to index
      %swap3A_63 = arith.constant 32 : index
      %swap3A_64 = tpu.vector_load %arg8[%swap3A_62, %swap3A_63] {strides = array<i32>} : memref<128x128xf32, #tpu.memory_space<vmem>>, vector<1x16xf32>,
      %swap3A_65 = vector.shape_cast %swap3A_64 : vector<1x16xf32> to vector<16xf32>
      %swap3A_66 = vector.shape_cast %broadcast_in_dim3A_0 : vector<16xf32> to vector<1x16xf32>
      tpu.vector_store %arg8[%swap3A_62, %swap3A_63], %swap3A_66 {strides = array<i32>} : memref<128x128xf32, #tpu.memory_space<vmem>>, vector<1x16xf32>,
      %swap3A_67 = arith.index_cast %scan3A_52 : i32 to index
      %swap3A_68 = arith.constant 48 : index
      %swap3A_69 = tpu.vector_load %arg8[%swap3A_67, %swap3A_68] {strides = array<i32>} : memref<128x128xf32, #tpu.memory_space<vmem>>, vector<1x16xf32>,
      %swap3A_70 = vector.shape_cast %swap3A_69 : vector<1x16xf32> to vector<16xf32>
      %swap3A_71 = vector.shape_cast %broadcast_in_dim3A_0 : vector<16xf32> to vector<1x16xf32>
      tpu.vector_store %arg8[%swap3A_67, %swap3A_68], %swap3A_71 {strides = array<i32>} : memref<128x128xf32, #tpu.memory_space<vmem>>, vector<1x16xf32>,
      %swap3A_72 = arith.index_cast %scan3A_52 : i32 to index
      %swap3A_73 = arith.constant 64 : index
      %swap3A_74 = tpu.vector_load %arg8[%swap3A_72, %swap3A_73] {strides = array<i32>} : memref<128x128xf32, #tpu.memory_space<vmem>>, vector<1x16xf32>,
      %swap3A_75 = vector.shape_cast %swap3A_74 : vector<1x16xf32> to vector<16xf32>
      %swap3A_76 = vector.shape_cast %broadcast_in_dim3A_0 : vector<16xf32> to vector<1x16xf32>
      tpu.vector_store %arg8[%swap3A_72, %swap3A_73], %swap3A_76 {strides = array<i32>} : memref<128x128xf32, #tpu.memory_space<vmem>>, vector<1x16xf32>,
      %swap3A_77 = arith.index_cast %scan3A_52 : i32 to index
      %swap3A_78 = arith.constant 80 : index
      %swap3A_79 = tpu.vector_load %arg8[%swap3A_77, %swap3A_78] {strides = array<i32>} : memref<128x128xf32, #tpu.memory_space<vmem>>, vector<1x16xf32>,
      %swap3A_80 = vector.shape_cast %swap3A_79 : vector<1x16xf32> to vector<16xf32>
      %swap3A_81 = vector.shape_cast %broadcast_in_dim3A_0 : vector<16xf32> to vector<1x16xf32>
      tpu.vector_store %arg8[%swap3A_77, %swap3A_78], %swap3A_81 {strides = array<i32>} : memref<128x128xf32, #tpu.memory_space<vmem>>, vector<1x16xf32>,
      %swap3A_82 = arith.index_cast %scan3A_52 : i32 to index
      %swap3A_83 = arith.constant 96 : index
      %swap3A_84 = tpu.vector_load %arg8[%swap3A_82, %swap3A_83] {strides = array<i32>} : memref<128x128xf32, #tpu.memory_space<vmem>>, vector<1x16xf32>,
      %swap3A_85 = vector.shape_cast %swap3A_84 : vector<1x16xf32> to vector<16xf32>
      %swap3A_86 = vector.shape_cast %broadcast_in_dim3A_0 : vector<16xf32> to vector<1x16xf32>
      tpu.vector_store %arg8[%swap3A_82, %swap3A_83], %swap3A_86 {strides = array<i32>} : memref<128x128xf32, #tpu.memory_space<vmem>>, vector<1x16xf32>,
      %swap3A_87 = arith.index_cast %scan3A_52 : i32 to index
      %swap3A_88 = arith.constant 112 : index
      %swap3A_89 = tpu.vector_load %arg8[%swap3A_87, %swap3A_88] {strides = array<i32>} : memref<128x128xf32, #tpu.memory_space<vmem>>, vector<1x16xf32>,
      %swap3A_90 = vector.shape_cast %swap3A_89 : vector<1x16xf32> to vector<16xf32>
      %swap3A_91 = vector.shape_cast %broadcast_in_dim3A_0 : vector<16xf32> to vector<1x16xf32>
      tpu.vector_store %arg8[%swap3A_87, %swap3A_88], %swap3A_91 {strides = array<i32>} : memref<128x128xf32, #tpu.memory_space<vmem>>, vector<1x16xf32>,
    }
    %scan3A_5 = arith.constant 128 : i32
    %mul3A = arith.constant 640 : i32
    %mul3A_6 = arith.muli %arg1, %mul3A : i32
    %add3A = arith.constant 0 : i32
    %add3A_7 = arith.addi %mul3A_6, %add3A : i32
    "tpu.region"() ({
      %run_scoped3A = tpu.sem_alloc : memref<!tpu.dma_semaphore, #tpu.memory_space<semaphore_mem>>
      %dma_start3A = arith.constant 0 : i32
      %dma_start3A_52 = tpu.memref_slice %arg10[%add3A_7, %dma_start3A] : memref<10240x128xf32, #tpu.memory_space<vmem_shared>> -> memref<128x128xf32, #tpu.memory_space<vmem_shared>>
      %dma_start3A_53 = arith.constant 0 : i32
      %dma_start3A_54 = tpu.memref_slice %arg10[%add3A_7, %dma_start3A_53] : memref<10240x128xf32, #tpu.memory_space<vmem_shared>> -> memref<128x128xf32, #tpu.memory_space<vmem_shared>>
      tpu.enqueue_dma source(%arg8 : memref<128x128xf32, #tpu.memory_space<vmem>>) target(%dma_start3A_54 : memref<128x128xf32, #tpu.memory_space<vmem_shared>>) target_semaphore(%run_scoped3A : memref<!tpu.dma_semaphore, #tpu.memory_space<semaphore_mem>>)
      %dma_wait3A = arith.constant 0 : i32
      %dma_wait3A_55 = tpu.memref_slice %arg10[%add3A_7, %dma_wait3A] : memref<10240x128xf32, #tpu.memory_space<vmem_shared>> -> memref<128x128xf32, #tpu.memory_space<vmem_shared>>
      %dma_wait3A_56 = arith.constant 0 : i32
      %dma_wait3A_57 = tpu.memref_slice %arg10[%add3A_7, %dma_wait3A_56] : memref<10240x128xf32, #tpu.memory_space<vmem_shared>> -> memref<128x128xf32, #tpu.memory_space<vmem_shared>>
      tpu.wait_dma2 semaphore(%run_scoped3A : memref<!tpu.dma_semaphore, #tpu.memory_space<semaphore_mem>>) src(%arg8 : memref<128x128xf32, #tpu.memory_space<vmem>>) dst(%dma_wait3A_57 : memref<128x128xf32, #tpu.memory_space<vmem_shared>>)
      tpu.yield
    }) : () -> ()
    %mul3A_8 = arith.constant 640 : i32
    %mul3A_9 = arith.muli %arg1, %mul3A_8 : i32
    %add3A_10 = arith.constant 128 : i32
    %add3A_11 = arith.addi %mul3A_9, %add3A_10 : i32
    "tpu.region"() ({
      %run_scoped3A = tpu.sem_alloc : memref<!tpu.dma_semaphore, #tpu.memory_space<semaphore_mem>>
      %dma_start3A = arith.constant 0 : i32
      %dma_start3A_52 = tpu.memref_slice %arg10[%add3A_11, %dma_start3A] : memref<10240x128xf32, #tpu.memory_space<vmem_shared>> -> memref<128x128xf32, #tpu.memory_space<vmem_shared>>
      %dma_start3A_53 = arith.constant 0 : i32
      %dma_start3A_54 = tpu.memref_slice %arg10[%add3A_11, %dma_start3A_53] : memref<10240x128xf32, #tpu.memory_space<vmem_shared>> -> memref<128x128xf32, #tpu.memory_space<vmem_shared>>
      tpu.enqueue_dma source(%arg8 : memref<128x128xf32, #tpu.memory_space<vmem>>) target(%dma_start3A_54 : memref<128x128xf32, #tpu.memory_space<vmem_shared>>) target_semaphore(%run_scoped3A : memref<!tpu.dma_semaphore, #tpu.memory_space<semaphore_mem>>)
      %dma_wait3A = arith.constant 0 : i32
      %dma_wait3A_55 = tpu.memref_slice %arg10[%add3A_11, %dma_wait3A] : memref<10240x128xf32, #tpu.memory_space<vmem_shared>> -> memref<128x128xf32, #tpu.memory_space<vmem_shared>>
      %dma_wait3A_56 = arith.constant 0 : i32
      %dma_wait3A_57 = tpu.memref_slice %arg10[%add3A_11, %dma_wait3A_56] : memref<10240x128xf32, #tpu.memory_space<vmem_shared>> -> memref<128x128xf32, #tpu.memory_space<vmem_shared>>
      tpu.wait_dma2 semaphore(%run_scoped3A : memref<!tpu.dma_semaphore, #tpu.memory_space<semaphore_mem>>) src(%arg8 : memref<128x128xf32, #tpu.memory_space<vmem>>) dst(%dma_wait3A_57 : memref<128x128xf32, #tpu.memory_space<vmem_shared>>)
      tpu.yield
    }) : () -> ()
    %mul3A_12 = arith.constant 640 : i32
    %mul3A_13 = arith.muli %arg1, %mul3A_12 : i32
    %add3A_14 = arith.constant 256 : i32
    %add3A_15 = arith.addi %mul3A_13, %add3A_14 : i32
    "tpu.region"() ({
      %run_scoped3A = tpu.sem_alloc : memref<!tpu.dma_semaphore, #tpu.memory_space<semaphore_mem>>
      %dma_start3A = arith.constant 0 : i32
      %dma_start3A_52 = tpu.memref_slice %arg10[%add3A_15, %dma_start3A] : memref<10240x128xf32, #tpu.memory_space<vmem_shared>> -> memref<128x128xf32, #tpu.memory_space<vmem_shared>>
      %dma_start3A_53 = arith.constant 0 : i32
      %dma_start3A_54 = tpu.memref_slice %arg10[%add3A_15, %dma_start3A_53] : memref<10240x128xf32, #tpu.memory_space<vmem_shared>> -> memref<128x128xf32, #tpu.memory_space<vmem_shared>>
      tpu.enqueue_dma source(%arg8 : memref<128x128xf32, #tpu.memory_space<vmem>>) target(%dma_start3A_54 : memref<128x128xf32, #tpu.memory_space<vmem_shared>>) target_semaphore(%run_scoped3A : memref<!tpu.dma_semaphore, #tpu.memory_space<semaphore_mem>>)
      %dma_wait3A = arith.constant 0 : i32
      %dma_wait3A_55 = tpu.memref_slice %arg10[%add3A_15, %dma_wait3A] : memref<10240x128xf32, #tpu.memory_space<vmem_shared>> -> memref<128x128xf32, #tpu.memory_space<vmem_shared>>
      %dma_wait3A_56 = arith.constant 0 : i32
      %dma_wait3A_57 = tpu.memref_slice %arg10[%add3A_15, %dma_wait3A_56] : memref<10240x128xf32, #tpu.memory_space<vmem_shared>> -> memref<128x128xf32, #tpu.memory_space<vmem_shared>>
      tpu.wait_dma2 semaphore(%run_scoped3A : memref<!tpu.dma_semaphore, #tpu.memory_space<semaphore_mem>>) src(%arg8 : memref<128x128xf32, #tpu.memory_space<vmem>>) dst(%dma_wait3A_57 : memref<128x128xf32, #tpu.memory_space<vmem_shared>>)
      tpu.yield
    }) : () -> ()
    %mul3A_16 = arith.constant 640 : i32
    %mul3A_17 = arith.muli %arg1, %mul3A_16 : i32
    %add3A_18 = arith.constant 384 : i32
    %add3A_19 = arith.addi %mul3A_17, %add3A_18 : i32
    "tpu.region"() ({
      %run_scoped3A = tpu.sem_alloc : memref<!tpu.dma_semaphore, #tpu.memory_space<semaphore_mem>>
      %dma_start3A = arith.constant 0 : i32
      %dma_start3A_52 = tpu.memref_slice %arg10[%add3A_19, %dma_start3A] : memref<10240x128xf32, #tpu.memory_space<vmem_shared>> -> memref<128x128xf32, #tpu.memory_space<vmem_shared>>
      %dma_start3A_53 = arith.constant 0 : i32
      %dma_start3A_54 = tpu.memref_slice %arg10[%add3A_19, %dma_start3A_53] : memref<10240x128xf32, #tpu.memory_space<vmem_shared>> -> memref<128x128xf32, #tpu.memory_space<vmem_shared>>
      tpu.enqueue_dma source(%arg8 : memref<128x128xf32, #tpu.memory_space<vmem>>) target(%dma_start3A_54 : memref<128x128xf32, #tpu.memory_space<vmem_shared>>) target_semaphore(%run_scoped3A : memref<!tpu.dma_semaphore, #tpu.memory_space<semaphore_mem>>)
      %dma_wait3A = arith.constant 0 : i32
      %dma_wait3A_55 = tpu.memref_slice %arg10[%add3A_19, %dma_wait3A] : memref<10240x128xf32, #tpu.memory_space<vmem_shared>> -> memref<128x128xf32, #tpu.memory_space<vmem_shared>>
      %dma_wait3A_56 = arith.constant 0 : i32
      %dma_wait3A_57 = tpu.memref_slice %arg10[%add3A_19, %dma_wait3A_56] : memref<10240x128xf32, #tpu.memory_space<vmem_shared>> -> memref<128x128xf32, #tpu.memory_space<vmem_shared>>
      tpu.wait_dma2 semaphore(%run_scoped3A : memref<!tpu.dma_semaphore, #tpu.memory_space<semaphore_mem>>) src(%arg8 : memref<128x128xf32, #tpu.memory_space<vmem>>) dst(%dma_wait3A_57 : memref<128x128xf32, #tpu.memory_space<vmem_shared>>)
      tpu.yield
    }) : () -> ()
    %mul3A_20 = arith.constant 640 : i32
    %mul3A_21 = arith.muli %arg1, %mul3A_20 : i32
    %add3A_22 = arith.constant 512 : i32
    %add3A_23 = arith.addi %mul3A_21, %add3A_22 : i32
    "tpu.region"() ({
      %run_scoped3A = tpu.sem_alloc : memref<!tpu.dma_semaphore, #tpu.memory_space<semaphore_mem>>
      %dma_start3A = arith.constant 0 : i32
      %dma_start3A_52 = tpu.memref_slice %arg10[%add3A_23, %dma_start3A] : memref<10240x128xf32, #tpu.memory_space<vmem_shared>> -> memref<128x128xf32, #tpu.memory_space<vmem_shared>>
      %dma_start3A_53 = arith.constant 0 : i32
      %dma_start3A_54 = tpu.memref_slice %arg10[%add3A_23, %dma_start3A_53] : memref<10240x128xf32, #tpu.memory_space<vmem_shared>> -> memref<128x128xf32, #tpu.memory_space<vmem_shared>>
      tpu.enqueue_dma source(%arg8 : memref<128x128xf32, #tpu.memory_space<vmem>>) target(%dma_start3A_54 : memref<128x128xf32, #tpu.memory_space<vmem_shared>>) target_semaphore(%run_scoped3A : memref<!tpu.dma_semaphore, #tpu.memory_space<semaphore_mem>>)
      %dma_wait3A = arith.constant 0 : i32
      %dma_wait3A_55 = tpu.memref_slice %arg10[%add3A_23, %dma_wait3A] : memref<10240x128xf32, #tpu.memory_space<vmem_shared>> -> memref<128x128xf32, #tpu.memory_space<vmem_shared>>
      %dma_wait3A_56 = arith.constant 0 : i32
      %dma_wait3A_57 = tpu.memref_slice %arg10[%add3A_23, %dma_wait3A_56] : memref<10240x128xf32, #tpu.memory_space<vmem_shared>> -> memref<128x128xf32, #tpu.memory_space<vmem_shared>>
      tpu.wait_dma2 semaphore(%run_scoped3A : memref<!tpu.dma_semaphore, #tpu.memory_space<semaphore_mem>>) src(%arg8 : memref<128x128xf32, #tpu.memory_space<vmem>>) dst(%dma_wait3A_57 : memref<128x128xf32, #tpu.memory_space<vmem_shared>>)
      tpu.yield
    }) : () -> ()
    %barrier3A = arith.constant 0 : index
    tpu.barrier barrier_id(%barrier3A)
    %mul3A_24 = arith.constant -16 : i32
    %mul3A_25 = arith.muli %arg0, %mul3A_24 : i32
    %add3A_26 = arith.constant 18 : i32
    %add3A_27 = arith.addi %add3A_26, %mul3A_25 : i32
    %sub3A = arith.constant 1 : i32
    %sub3A_28 = arith.subi %sub3A, %arg0 : i32
    %mul3A_29 = arith.constant 18 : i32
    %mul3A_30 = arith.muli %arg1, %mul3A_29 : i32
    %mul3A_31 = arith.muli %sub3A_28, %mul3A_30 : i32
    %mul3A_32 = arith.constant 2 : i32
    %mul3A_33 = arith.muli %arg1, %mul3A_32 : i32
    %add3A_34 = arith.constant 288 : i32
    %add3A_35 = arith.addi %add3A_34, %mul3A_33 : i32
    %mul3A_36 = arith.muli %arg0, %add3A_35 : i32
    %add3A_37 = arith.addi %mul3A_31, %mul3A_36 : i32
    %while3A = arith.constant 0 : i32
    %while3A_38 = arith.constant 0 : i32
    %while3A_39 = arith.subi %add3A_27, %while3A_38 : i32
    %while3A_40 = arith.addi %while3A_38, %while3A_39 : i32
    %while3A_41 = arith.constant 1 : i32
    %while3A_42 = arith.divsi %while3A_39, %while3A_41 : i32
    %while3A_43 = arith.muli %while3A_42, %while3A_41 : i32
    %while3A_44 = arith.addi %while3A_38, %while3A_43 : i32
    %while3A_45 = arith.constant 1 : i32
    scf.for %while3A_52 = %while3A_38 to %while3A_44 step %while3A_45  : i32 {
      %add3A_53 = arith.addi %add3A_37, %while3A_52 : i32
      "tpu.region"() ({
        %run_scoped3A = tpu.sem_alloc : memref<!tpu.dma_semaphore, #tpu.memory_space<semaphore_mem>>
        %dma_start3A_277 = arith.constant 0 : i32
        %dma_start3A_278 = arith.constant 0 : i32
        %dma_start3A_279 = tpu.memref_slice %arg3[%add3A_53, %dma_start3A_277, %dma_start3A_278] : memref<320x8x128xi32, #tpu.memory_space<hbm>> -> memref<1x8x128xi32, #tpu.memory_space<hbm>>
        %dma_start3A_280 = tpu.memref_squeeze %dma_start3A_279 : memref<1x8x128xi32, #tpu.memory_space<hbm>> -> memref<8x128xi32, #tpu.memory_space<hbm>>
        %dma_start3A_281 = arith.constant 0 : i32
        %dma_start3A_282 = arith.constant 0 : i32
        %dma_start3A_283 = tpu.memref_slice %arg3[%add3A_53, %dma_start3A_281, %dma_start3A_282] : memref<320x8x128xi32, #tpu.memory_space<hbm>> -> memref<1x8x128xi32, #tpu.memory_space<hbm>>
        %dma_start3A_284 = tpu.memref_squeeze %dma_start3A_283 : memref<1x8x128xi32, #tpu.memory_space<hbm>> -> memref<8x128xi32, #tpu.memory_space<hbm>>
        tpu.enqueue_dma source(%dma_start3A_284 : memref<8x128xi32, #tpu.memory_space<hbm>>) target(%arg6 : memref<8x128xi32, #tpu.memory_space<vmem>>) target_semaphore(%run_scoped3A : memref<!tpu.dma_semaphore, #tpu.memory_space<semaphore_mem>>)
        %dma_wait3A_285 = arith.constant 0 : i32
        %dma_wait3A_286 = arith.constant 0 : i32
        %dma_wait3A_287 = tpu.memref_slice %arg3[%add3A_53, %dma_wait3A_285, %dma_wait3A_286] : memref<320x8x128xi32, #tpu.memory_space<hbm>> -> memref<1x8x128xi32, #tpu.memory_space<hbm>>
        %dma_wait3A_288 = tpu.memref_squeeze %dma_wait3A_287 : memref<1x8x128xi32, #tpu.memory_space<hbm>> -> memref<8x128xi32, #tpu.memory_space<hbm>>
        %dma_wait3A_289 = arith.constant 0 : i32
        %dma_wait3A_290 = arith.constant 0 : i32
        %dma_wait3A_291 = tpu.memref_slice %arg3[%add3A_53, %dma_wait3A_289, %dma_wait3A_290] : memref<320x8x128xi32, #tpu.memory_space<hbm>> -> memref<1x8x128xi32, #tpu.memory_space<hbm>>
        %dma_wait3A_292 = tpu.memref_squeeze %dma_wait3A_291 : memref<1x8x128xi32, #tpu.memory_space<hbm>> -> memref<8x128xi32, #tpu.memory_space<hbm>>
        tpu.wait_dma2 semaphore(%run_scoped3A : memref<!tpu.dma_semaphore, #tpu.memory_space<semaphore_mem>>) src(%dma_wait3A_292 : memref<8x128xi32, #tpu.memory_space<hbm>>) dst(%arg6 : memref<8x128xi32, #tpu.memory_space<vmem>>)
        tpu.yield
      }) : () -> ()
      %add3A_54 = arith.addi %add3A_37, %while3A_52 : i32
      "tpu.region"() ({
        %run_scoped3A = tpu.sem_alloc : memref<!tpu.dma_semaphore, #tpu.memory_space<semaphore_mem>>
        %dma_start3A_277 = arith.constant 0 : i32
        %dma_start3A_278 = arith.constant 0 : i32
        %dma_start3A_279 = tpu.memref_slice %arg4[%add3A_54, %dma_start3A_277, %dma_start3A_278] : memref<320x8x128xi32, #tpu.memory_space<hbm>> -> memref<1x8x128xi32, #tpu.memory_space<hbm>>
        %dma_start3A_280 = tpu.memref_squeeze %dma_start3A_279 : memref<1x8x128xi32, #tpu.memory_space<hbm>> -> memref<8x128xi32, #tpu.memory_space<hbm>>
        %dma_start3A_281 = arith.constant 0 : i32
        %dma_start3A_282 = arith.constant 0 : i32
        %dma_start3A_283 = tpu.memref_slice %arg4[%add3A_54, %dma_start3A_281, %dma_start3A_282] : memref<320x8x128xi32, #tpu.memory_space<hbm>> -> memref<1x8x128xi32, #tpu.memory_space<hbm>>
        %dma_start3A_284 = tpu.memref_squeeze %dma_start3A_283 : memref<1x8x128xi32, #tpu.memory_space<hbm>> -> memref<8x128xi32, #tpu.memory_space<hbm>>
        tpu.enqueue_dma source(%dma_start3A_284 : memref<8x128xi32, #tpu.memory_space<hbm>>) target(%arg7 : memref<8x128xi32, #tpu.memory_space<vmem>>) target_semaphore(%run_scoped3A : memref<!tpu.dma_semaphore, #tpu.memory_space<semaphore_mem>>)
        %dma_wait3A_285 = arith.constant 0 : i32
        %dma_wait3A_286 = arith.constant 0 : i32
        %dma_wait3A_287 = tpu.memref_slice %arg4[%add3A_54, %dma_wait3A_285, %dma_wait3A_286] : memref<320x8x128xi32, #tpu.memory_space<hbm>> -> memref<1x8x128xi32, #tpu.memory_space<hbm>>
        %dma_wait3A_288 = tpu.memref_squeeze %dma_wait3A_287 : memref<1x8x128xi32, #tpu.memory_space<hbm>> -> memref<8x128xi32, #tpu.memory_space<hbm>>
        %dma_wait3A_289 = arith.constant 0 : i32
        %dma_wait3A_290 = arith.constant 0 : i32
        %dma_wait3A_291 = tpu.memref_slice %arg4[%add3A_54, %dma_wait3A_289, %dma_wait3A_290] : memref<320x8x128xi32, #tpu.memory_space<hbm>> -> memref<1x8x128xi32, #tpu.memory_space<hbm>>
        %dma_wait3A_292 = tpu.memref_squeeze %dma_wait3A_291 : memref<1x8x128xi32, #tpu.memory_space<hbm>> -> memref<8x128xi32, #tpu.memory_space<hbm>>
        tpu.wait_dma2 semaphore(%run_scoped3A : memref<!tpu.dma_semaphore, #tpu.memory_space<semaphore_mem>>) src(%dma_wait3A_292 : memref<8x128xi32, #tpu.memory_space<hbm>>) dst(%arg7 : memref<8x128xi32, #tpu.memory_space<vmem>>)
        tpu.yield
      }) : () -> ()
      %dma_start3A = arith.constant 0 : i32
      %dma_start3A_55 = arith.constant 0 : i32
      %dma_start3A_56 = tpu.memref_slice %arg6[%dma_start3A, %dma_start3A_55] : memref<8x128xi32, #tpu.memory_space<vmem>> -> memref<1x128xi32, #tpu.memory_space<vmem>>
      %dma_start3A_57 = tpu.memref_squeeze %dma_start3A_56 : memref<1x128xi32, #tpu.memory_space<vmem>> -> memref<128xi32, #tpu.memory_space<vmem>>
      %dma_start3A_58 = arith.constant 0 : i32
      %dma_start3A_59 = arith.constant 0 : i32
      %dma_start3A_60 = tpu.memref_slice %arg2[%dma_start3A_58, %dma_start3A_59] : memref<10000x128xf32, #tpu.memory_space<hbm>> -> memref<10000x128xf32, #tpu.memory_space<hbm>>
      tpu.enqueue_indirect_dma source(%dma_start3A_60 : memref<10000x128xf32, #tpu.memory_space<hbm>>) target(%arg8 : memref<128x128xf32, #tpu.memory_space<vmem>>) offsets(%dma_start3A_57 : memref<128xi32, #tpu.memory_space<vmem>>) semaphore(%arg11 : memref<!tpu.dma_semaphore, #tpu.memory_space<semaphore_mem>>)
      %dma_start3A_61 = arith.constant 1 : i32
      %dma_start3A_62 = arith.constant 0 : i32
      %dma_start3A_63 = tpu.memref_slice %arg6[%dma_start3A_61, %dma_start3A_62] : memref<8x128xi32, #tpu.memory_space<vmem>> -> memref<1x128xi32, #tpu.memory_space<vmem>>
      %dma_start3A_64 = tpu.memref_squeeze %dma_start3A_63 : memref<1x128xi32, #tpu.memory_space<vmem>> -> memref<128xi32, #tpu.memory_space<vmem>>
      %dma_start3A_65 = arith.constant 0 : i32
      %dma_start3A_66 = arith.constant 0 : i32
      %dma_start3A_67 = tpu.memref_slice %arg2[%dma_start3A_65, %dma_start3A_66] : memref<10000x128xf32, #tpu.memory_space<hbm>> -> memref<10000x128xf32, #tpu.memory_space<hbm>>
      tpu.enqueue_indirect_dma source(%dma_start3A_67 : memref<10000x128xf32, #tpu.memory_space<hbm>>) target(%arg9 : memref<128x128xf32, #tpu.memory_space<vmem>>) offsets(%dma_start3A_64 : memref<128xi32, #tpu.memory_space<vmem>>) semaphore(%arg12 : memref<!tpu.dma_semaphore, #tpu.memory_space<semaphore_mem>>)
      %dma_wait3A = arith.constant 0 : i32
      %dma_wait3A_68 = arith.constant 0 : i32
      %dma_wait3A_69 = tpu.memref_slice %arg6[%dma_wait3A, %dma_wait3A_68] : memref<8x128xi32, #tpu.memory_space<vmem>> -> memref<1x128xi32, #tpu.memory_space<vmem>>
      %dma_wait3A_70 = tpu.memref_squeeze %dma_wait3A_69 : memref<1x128xi32, #tpu.memory_space<vmem>> -> memref<128xi32, #tpu.memory_space<vmem>>
      %dma_wait3A_71 = arith.constant 0 : i32
      %dma_wait3A_72 = arith.constant 0 : i32
      %dma_wait3A_73 = tpu.memref_slice %arg2[%dma_wait3A_71, %dma_wait3A_72] : memref<10000x128xf32, #tpu.memory_space<hbm>> -> memref<10000x128xf32, #tpu.memory_space<hbm>>
      tpu.wait_indirect_dma semaphore(%arg11 : memref<!tpu.dma_semaphore, #tpu.memory_space<semaphore_mem>>) src(%dma_wait3A_73 : memref<10000x128xf32, #tpu.memory_space<hbm>>) dst(%arg8 : memref<128x128xf32, #tpu.memory_space<vmem>>)
      %dma_start3A_74 = arith.constant 0 : i32
      %dma_start3A_75 = arith.constant 0 : i32
      %dma_start3A_76 = tpu.memref_slice %arg7[%dma_start3A_74, %dma_start3A_75] : memref<8x128xi32, #tpu.memory_space<vmem>> -> memref<1x128xi32, #tpu.memory_space<vmem>>
      %dma_start3A_77 = tpu.memref_squeeze %dma_start3A_76 : memref<1x128xi32, #tpu.memory_space<vmem>> -> memref<128xi32, #tpu.memory_space<vmem>>
      %dma_start3A_78 = arith.constant 0 : i32
      %dma_start3A_79 = arith.constant 0 : i32
      %dma_start3A_80 = tpu.memref_slice %arg10[%dma_start3A_78, %dma_start3A_79] : memref<10240x128xf32, #tpu.memory_space<vmem_shared>> -> memref<10240x128xf32, #tpu.memory_space<vmem_shared>>
      tpu.enqueue_indirect_dma source(%arg8 : memref<128x128xf32, #tpu.memory_space<vmem>>) target(%dma_start3A_80 : memref<10240x128xf32, #tpu.memory_space<vmem_shared>>) offsets(%dma_start3A_77 : memref<128xi32, #tpu.memory_space<vmem>>) semaphore(%arg13 : memref<!tpu.dma_semaphore, #tpu.memory_space<semaphore_mem>>) {add = true}
      %dma_wait3A_81 = arith.constant 0 : i32
      %dma_wait3A_82 = arith.constant 0 : i32
      %dma_wait3A_83 = tpu.memref_slice %arg7[%dma_wait3A_81, %dma_wait3A_82] : memref<8x128xi32, #tpu.memory_space<vmem>> -> memref<1x128xi32, #tpu.memory_space<vmem>>
      %dma_wait3A_84 = tpu.memref_squeeze %dma_wait3A_83 : memref<1x128xi32, #tpu.memory_space<vmem>> -> memref<128xi32, #tpu.memory_space<vmem>>
      %dma_wait3A_85 = arith.constant 0 : i32
      %dma_wait3A_86 = arith.constant 0 : i32
      %dma_wait3A_87 = tpu.memref_slice %arg10[%dma_wait3A_85, %dma_wait3A_86] : memref<10240x128xf32, #tpu.memory_space<vmem_shared>> -> memref<10240x128xf32, #tpu.memory_space<vmem_shared>>
      tpu.wait_indirect_dma semaphore(%arg13 : memref<!tpu.dma_semaphore, #tpu.memory_space<semaphore_mem>>) src(%arg8 : memref<128x128xf32, #tpu.memory_space<vmem>>) dst(%dma_wait3A_87 : memref<10240x128xf32, #tpu.memory_space<vmem_shared>>)
      %dma_start3A_88 = arith.constant 2 : i32
      %dma_start3A_89 = arith.constant 0 : i32
      %dma_start3A_90 = tpu.memref_slice %arg6[%dma_start3A_88, %dma_start3A_89] : memref<8x128xi32, #tpu.memory_space<vmem>> -> memref<1x128xi32, #tpu.memory_space<vmem>>
      %dma_start3A_91 = tpu.memref_squeeze %dma_start3A_90 : memref<1x128xi32, #tpu.memory_space<vmem>> -> memref<128xi32, #tpu.memory_space<vmem>>
      %dma_start3A_92 = arith.constant 0 : i32
      %dma_start3A_93 = arith.constant 0 : i32
      %dma_start3A_94 = tpu.memref_slice %arg2[%dma_start3A_92, %dma_start3A_93] : memref<10000x128xf32, #tpu.memory_space<hbm>> -> memref<10000x128xf32, #tpu.memory_space<hbm>>
      tpu.enqueue_indirect_dma source(%dma_start3A_94 : memref<10000x128xf32, #tpu.memory_space<hbm>>) target(%arg8 : memref<128x128xf32, #tpu.memory_space<vmem>>) offsets(%dma_start3A_91 : memref<128xi32, #tpu.memory_space<vmem>>) semaphore(%arg11 : memref<!tpu.dma_semaphore, #tpu.memory_space<semaphore_mem>>)
      %dma_wait3A_95 = arith.constant 1 : i32
      %dma_wait3A_96 = arith.constant 0 : i32
      %dma_wait3A_97 = tpu.memref_slice %arg6[%dma_wait3A_95, %dma_wait3A_96] : memref<8x128xi32, #tpu.memory_space<vmem>> -> memref<1x128xi32, #tpu.memory_space<vmem>>
      %dma_wait3A_98 = tpu.memref_squeeze %dma_wait3A_97 : memref<1x128xi32, #tpu.memory_space<vmem>> -> memref<128xi32, #tpu.memory_space<vmem>>
      %dma_wait3A_99 = arith.constant 0 : i32
      %dma_wait3A_100 = arith.constant 0 : i32
      %dma_wait3A_101 = tpu.memref_slice %arg2[%dma_wait3A_99, %dma_wait3A_100] : memref<10000x128xf32, #tpu.memory_space<hbm>> -> memref<10000x128xf32, #tpu.memory_space<hbm>>
      tpu.wait_indirect_dma semaphore(%arg12 : memref<!tpu.dma_semaphore, #tpu.memory_space<semaphore_mem>>) src(%dma_wait3A_101 : memref<10000x128xf32, #tpu.memory_space<hbm>>) dst(%arg9 : memref<128x128xf32, #tpu.memory_space<vmem>>)
      %dma_start3A_102 = arith.constant 1 : i32
      %dma_start3A_103 = arith.constant 0 : i32
      %dma_start3A_104 = tpu.memref_slice %arg7[%dma_start3A_102, %dma_start3A_103] : memref<8x128xi32, #tpu.memory_space<vmem>> -> memref<1x128xi32, #tpu.memory_space<vmem>>
      %dma_start3A_105 = tpu.memref_squeeze %dma_start3A_104 : memref<1x128xi32, #tpu.memory_space<vmem>> -> memref<128xi32, #tpu.memory_space<vmem>>
      %dma_start3A_106 = arith.constant 0 : i32
      %dma_start3A_107 = arith.constant 0 : i32
      %dma_start3A_108 = tpu.memref_slice %arg10[%dma_start3A_106, %dma_start3A_107] : memref<10240x128xf32, #tpu.memory_space<vmem_shared>> -> memref<10240x128xf32, #tpu.memory_space<vmem_shared>>
      tpu.enqueue_indirect_dma source(%arg9 : memref<128x128xf32, #tpu.memory_space<vmem>>) target(%dma_start3A_108 : memref<10240x128xf32, #tpu.memory_space<vmem_shared>>) offsets(%dma_start3A_105 : memref<128xi32, #tpu.memory_space<vmem>>) semaphore(%arg14 : memref<!tpu.dma_semaphore, #tpu.memory_space<semaphore_mem>>) {add = true}
      %dma_wait3A_109 = arith.constant 1 : i32
      %dma_wait3A_110 = arith.constant 0 : i32
      %dma_wait3A_111 = tpu.memref_slice %arg7[%dma_wait3A_109, %dma_wait3A_110] : memref<8x128xi32, #tpu.memory_space<vmem>> -> memref<1x128xi32, #tpu.memory_space<vmem>>
      %dma_wait3A_112 = tpu.memref_squeeze %dma_wait3A_111 : memref<1x128xi32, #tpu.memory_space<vmem>> -> memref<128xi32, #tpu.memory_space<vmem>>
      %dma_wait3A_113 = arith.constant 0 : i32
      %dma_wait3A_114 = arith.constant 0 : i32
      %dma_wait3A_115 = tpu.memref_slice %arg10[%dma_wait3A_113, %dma_wait3A_114] : memref<10240x128xf32, #tpu.memory_space<vmem_shared>> -> memref<10240x128xf32, #tpu.memory_space<vmem_shared>>
      tpu.wait_indirect_dma semaphore(%arg14 : memref<!tpu.dma_semaphore, #tpu.memory_space<semaphore_mem>>) src(%arg9 : memref<128x128xf32, #tpu.memory_space<vmem>>) dst(%dma_wait3A_115 : memref<10240x128xf32, #tpu.memory_space<vmem_shared>>)
      %dma_start3A_116 = arith.constant 3 : i32
      %dma_start3A_117 = arith.constant 0 : i32
      %dma_start3A_118 = tpu.memref_slice %arg6[%dma_start3A_116, %dma_start3A_117] : memref<8x128xi32, #tpu.memory_space<vmem>> -> memref<1x128xi32, #tpu.memory_space<vmem>>
      %dma_start3A_119 = tpu.memref_squeeze %dma_start3A_118 : memref<1x128xi32, #tpu.memory_space<vmem>> -> memref<128xi32, #tpu.memory_space<vmem>>
      %dma_start3A_120 = arith.constant 0 : i32
      %dma_start3A_121 = arith.constant 0 : i32
      %dma_start3A_122 = tpu.memref_slice %arg2[%dma_start3A_120, %dma_start3A_121] : memref<10000x128xf32, #tpu.memory_space<hbm>> -> memref<10000x128xf32, #tpu.memory_space<hbm>>
      tpu.enqueue_indirect_dma source(%dma_start3A_122 : memref<10000x128xf32, #tpu.memory_space<hbm>>) target(%arg9 : memref<128x128xf32, #tpu.memory_space<vmem>>) offsets(%dma_start3A_119 : memref<128xi32, #tpu.memory_space<vmem>>) semaphore(%arg12 : memref<!tpu.dma_semaphore, #tpu.memory_space<semaphore_mem>>)
      %dma_wait3A_123 = arith.constant 2 : i32
      %dma_wait3A_124 = arith.constant 0 : i32
      %dma_wait3A_125 = tpu.memref_slice %arg6[%dma_wait3A_123, %dma_wait3A_124] : memref<8x128xi32, #tpu.memory_space<vmem>> -> memref<1x128xi32, #tpu.memory_space<vmem>>
      %dma_wait3A_126 = tpu.memref_squeeze %dma_wait3A_125 : memref<1x128xi32, #tpu.memory_space<vmem>> -> memref<128xi32, #tpu.memory_space<vmem>>
      %dma_wait3A_127 = arith.constant 0 : i32
      %dma_wait3A_128 = arith.constant 0 : i32
      %dma_wait3A_129 = tpu.memref_slice %arg2[%dma_wait3A_127, %dma_wait3A_128] : memref<10000x128xf32, #tpu.memory_space<hbm>> -> memref<10000x128xf32, #tpu.memory_space<hbm>>
      tpu.wait_indirect_dma semaphore(%arg11 : memref<!tpu.dma_semaphore, #tpu.memory_space<semaphore_mem>>) src(%dma_wait3A_129 : memref<10000x128xf32, #tpu.memory_space<hbm>>) dst(%arg8 : memref<128x128xf32, #tpu.memory_space<vmem>>)
      %dma_start3A_130 = arith.constant 2 : i32
      %dma_start3A_131 = arith.constant 0 : i32
      %dma_start3A_132 = tpu.memref_slice %arg7[%dma_start3A_130, %dma_start3A_131] : memref<8x128xi32, #tpu.memory_space<vmem>> -> memref<1x128xi32, #tpu.memory_space<vmem>>
      %dma_start3A_133 = tpu.memref_squeeze %dma_start3A_132 : memref<1x128xi32, #tpu.memory_space<vmem>> -> memref<128xi32, #tpu.memory_space<vmem>>
      %dma_start3A_134 = arith.constant 0 : i32
      %dma_start3A_135 = arith.constant 0 : i32
      %dma_start3A_136 = tpu.memref_slice %arg10[%dma_start3A_134, %dma_start3A_135] : memref<10240x128xf32, #tpu.memory_space<vmem_shared>> -> memref<10240x128xf32, #tpu.memory_space<vmem_shared>>
      tpu.enqueue_indirect_dma source(%arg8 : memref<128x128xf32, #tpu.memory_space<vmem>>) target(%dma_start3A_136 : memref<10240x128xf32, #tpu.memory_space<vmem_shared>>) offsets(%dma_start3A_133 : memref<128xi32, #tpu.memory_space<vmem>>) semaphore(%arg13 : memref<!tpu.dma_semaphore, #tpu.memory_space<semaphore_mem>>) {add = true}
      %dma_wait3A_137 = arith.constant 2 : i32
      %dma_wait3A_138 = arith.constant 0 : i32
      %dma_wait3A_139 = tpu.memref_slice %arg7[%dma_wait3A_137, %dma_wait3A_138] : memref<8x128xi32, #tpu.memory_space<vmem>> -> memref<1x128xi32, #tpu.memory_space<vmem>>
      %dma_wait3A_140 = tpu.memref_squeeze %dma_wait3A_139 : memref<1x128xi32, #tpu.memory_space<vmem>> -> memref<128xi32, #tpu.memory_space<vmem>>
      %dma_wait3A_141 = arith.constant 0 : i32
      %dma_wait3A_142 = arith.constant 0 : i32
      %dma_wait3A_143 = tpu.memref_slice %arg10[%dma_wait3A_141, %dma_wait3A_142] : memref<10240x128xf32, #tpu.memory_space<vmem_shared>> -> memref<10240x128xf32, #tpu.memory_space<vmem_shared>>
      tpu.wait_indirect_dma semaphore(%arg13 : memref<!tpu.dma_semaphore, #tpu.memory_space<semaphore_mem>>) src(%arg8 : memref<128x128xf32, #tpu.memory_space<vmem>>) dst(%dma_wait3A_143 : memref<10240x128xf32, #tpu.memory_space<vmem_shared>>)
      %dma_start3A_144 = arith.constant 4 : i32
      %dma_start3A_145 = arith.constant 0 : i32
      %dma_start3A_146 = tpu.memref_slice %arg6[%dma_start3A_144, %dma_start3A_145] : memref<8x128xi32, #tpu.memory_space<vmem>> -> memref<1x128xi32, #tpu.memory_space<vmem>>
      %dma_start3A_147 = tpu.memref_squeeze %dma_start3A_146 : memref<1x128xi32, #tpu.memory_space<vmem>> -> memref<128xi32, #tpu.memory_space<vmem>>
      %dma_start3A_148 = arith.constant 0 : i32
      %dma_start3A_149 = arith.constant 0 : i32
      %dma_start3A_150 = tpu.memref_slice %arg2[%dma_start3A_148, %dma_start3A_149] : memref<10000x128xf32, #tpu.memory_space<hbm>> -> memref<10000x128xf32, #tpu.memory_space<hbm>>
      tpu.enqueue_indirect_dma source(%dma_start3A_150 : memref<10000x128xf32, #tpu.memory_space<hbm>>) target(%arg8 : memref<128x128xf32, #tpu.memory_space<vmem>>) offsets(%dma_start3A_147 : memref<128xi32, #tpu.memory_space<vmem>>) semaphore(%arg11 : memref<!tpu.dma_semaphore, #tpu.memory_space<semaphore_mem>>)
      %dma_wait3A_151 = arith.constant 3 : i32
      %dma_wait3A_152 = arith.constant 0 : i32
      %dma_wait3A_153 = tpu.memref_slice %arg6[%dma_wait3A_151, %dma_wait3A_152] : memref<8x128xi32, #tpu.memory_space<vmem>> -> memref<1x128xi32, #tpu.memory_space<vmem>>
      %dma_wait3A_154 = tpu.memref_squeeze %dma_wait3A_153 : memref<1x128xi32, #tpu.memory_space<vmem>> -> memref<128xi32, #tpu.memory_space<vmem>>
      %dma_wait3A_155 = arith.constant 0 : i32
      %dma_wait3A_156 = arith.constant 0 : i32
      %dma_wait3A_157 = tpu.memref_slice %arg2[%dma_wait3A_155, %dma_wait3A_156] : memref<10000x128xf32, #tpu.memory_space<hbm>> -> memref<10000x128xf32, #tpu.memory_space<hbm>>
      tpu.wait_indirect_dma semaphore(%arg12 : memref<!tpu.dma_semaphore, #tpu.memory_space<semaphore_mem>>) src(%dma_wait3A_157 : memref<10000x128xf32, #tpu.memory_space<hbm>>) dst(%arg9 : memref<128x128xf32, #tpu.memory_space<vmem>>)
      %dma_start3A_158 = arith.constant 3 : i32
      %dma_start3A_159 = arith.constant 0 : i32
      %dma_start3A_160 = tpu.memref_slice %arg7[%dma_start3A_158, %dma_start3A_159] : memref<8x128xi32, #tpu.memory_space<vmem>> -> memref<1x128xi32, #tpu.memory_space<vmem>>
      %dma_start3A_161 = tpu.memref_squeeze %dma_start3A_160 : memref<1x128xi32, #tpu.memory_space<vmem>> -> memref<128xi32, #tpu.memory_space<vmem>>
      %dma_start3A_162 = arith.constant 0 : i32
      %dma_start3A_163 = arith.constant 0 : i32
      %dma_start3A_164 = tpu.memref_slice %arg10[%dma_start3A_162, %dma_start3A_163] : memref<10240x128xf32, #tpu.memory_space<vmem_shared>> -> memref<10240x128xf32, #tpu.memory_space<vmem_shared>>
      tpu.enqueue_indirect_dma source(%arg9 : memref<128x128xf32, #tpu.memory_space<vmem>>) target(%dma_start3A_164 : memref<10240x128xf32, #tpu.memory_space<vmem_shared>>) offsets(%dma_start3A_161 : memref<128xi32, #tpu.memory_space<vmem>>) semaphore(%arg14 : memref<!tpu.dma_semaphore, #tpu.memory_space<semaphore_mem>>) {add = true}
      %dma_wait3A_165 = arith.constant 3 : i32
      %dma_wait3A_166 = arith.constant 0 : i32
      %dma_wait3A_167 = tpu.memref_slice %arg7[%dma_wait3A_165, %dma_wait3A_166] : memref<8x128xi32, #tpu.memory_space<vmem>> -> memref<1x128xi32, #tpu.memory_space<vmem>>
      %dma_wait3A_168 = tpu.memref_squeeze %dma_wait3A_167 : memref<1x128xi32, #tpu.memory_space<vmem>> -> memref<128xi32, #tpu.memory_space<vmem>>
      %dma_wait3A_169 = arith.constant 0 : i32
      %dma_wait3A_170 = arith.constant 0 : i32
      %dma_wait3A_171 = tpu.memref_slice %arg10[%dma_wait3A_169, %dma_wait3A_170] : memref<10240x128xf32, #tpu.memory_space<vmem_shared>> -> memref<10240x128xf32, #tpu.memory_space<vmem_shared>>
      tpu.wait_indirect_dma semaphore(%arg14 : memref<!tpu.dma_semaphore, #tpu.memory_space<semaphore_mem>>) src(%arg9 : memref<128x128xf32, #tpu.memory_space<vmem>>) dst(%dma_wait3A_171 : memref<10240x128xf32, #tpu.memory_space<vmem_shared>>)
      %dma_start3A_172 = arith.constant 5 : i32
      %dma_start3A_173 = arith.constant 0 : i32
      %dma_start3A_174 = tpu.memref_slice %arg6[%dma_start3A_172, %dma_start3A_173] : memref<8x128xi32, #tpu.memory_space<vmem>> -> memref<1x128xi32, #tpu.memory_space<vmem>>
      %dma_start3A_175 = tpu.memref_squeeze %dma_start3A_174 : memref<1x128xi32, #tpu.memory_space<vmem>> -> memref<128xi32, #tpu.memory_space<vmem>>
      %dma_start3A_176 = arith.constant 0 : i32
      %dma_start3A_177 = arith.constant 0 : i32
      %dma_start3A_178 = tpu.memref_slice %arg2[%dma_start3A_176, %dma_start3A_177] : memref<10000x128xf32, #tpu.memory_space<hbm>> -> memref<10000x128xf32, #tpu.memory_space<hbm>>
      tpu.enqueue_indirect_dma source(%dma_start3A_178 : memref<10000x128xf32, #tpu.memory_space<hbm>>) target(%arg9 : memref<128x128xf32, #tpu.memory_space<vmem>>) offsets(%dma_start3A_175 : memref<128xi32, #tpu.memory_space<vmem>>) semaphore(%arg12 : memref<!tpu.dma_semaphore, #tpu.memory_space<semaphore_mem>>)
      %dma_wait3A_179 = arith.constant 4 : i32
      %dma_wait3A_180 = arith.constant 0 : i32
      %dma_wait3A_181 = tpu.memref_slice %arg6[%dma_wait3A_179, %dma_wait3A_180] : memref<8x128xi32, #tpu.memory_space<vmem>> -> memref<1x128xi32, #tpu.memory_space<vmem>>
      %dma_wait3A_182 = tpu.memref_squeeze %dma_wait3A_181 : memref<1x128xi32, #tpu.memory_space<vmem>> -> memref<128xi32, #tpu.memory_space<vmem>>
      %dma_wait3A_183 = arith.constant 0 : i32
      %dma_wait3A_184 = arith.constant 0 : i32
      %dma_wait3A_185 = tpu.memref_slice %arg2[%dma_wait3A_183, %dma_wait3A_184] : memref<10000x128xf32, #tpu.memory_space<hbm>> -> memref<10000x128xf32, #tpu.memory_space<hbm>>
      tpu.wait_indirect_dma semaphore(%arg11 : memref<!tpu.dma_semaphore, #tpu.memory_space<semaphore_mem>>) src(%dma_wait3A_185 : memref<10000x128xf32, #tpu.memory_space<hbm>>) dst(%arg8 : memref<128x128xf32, #tpu.memory_space<vmem>>)
      %dma_start3A_186 = arith.constant 4 : i32
      %dma_start3A_187 = arith.constant 0 : i32
      %dma_start3A_188 = tpu.memref_slice %arg7[%dma_start3A_186, %dma_start3A_187] : memref<8x128xi32, #tpu.memory_space<vmem>> -> memref<1x128xi32, #tpu.memory_space<vmem>>
      %dma_start3A_189 = tpu.memref_squeeze %dma_start3A_188 : memref<1x128xi32, #tpu.memory_space<vmem>> -> memref<128xi32, #tpu.memory_space<vmem>>
      %dma_start3A_190 = arith.constant 0 : i32
      %dma_start3A_191 = arith.constant 0 : i32
      %dma_start3A_192 = tpu.memref_slice %arg10[%dma_start3A_190, %dma_start3A_191] : memref<10240x128xf32, #tpu.memory_space<vmem_shared>> -> memref<10240x128xf32, #tpu.memory_space<vmem_shared>>
      tpu.enqueue_indirect_dma source(%arg8 : memref<128x128xf32, #tpu.memory_space<vmem>>) target(%dma_start3A_192 : memref<10240x128xf32, #tpu.memory_space<vmem_shared>>) offsets(%dma_start3A_189 : memref<128xi32, #tpu.memory_space<vmem>>) semaphore(%arg13 : memref<!tpu.dma_semaphore, #tpu.memory_space<semaphore_mem>>) {add = true}
      %dma_wait3A_193 = arith.constant 4 : i32
      %dma_wait3A_194 = arith.constant 0 : i32
      %dma_wait3A_195 = tpu.memref_slice %arg7[%dma_wait3A_193, %dma_wait3A_194] : memref<8x128xi32, #tpu.memory_space<vmem>> -> memref<1x128xi32, #tpu.memory_space<vmem>>
      %dma_wait3A_196 = tpu.memref_squeeze %dma_wait3A_195 : memref<1x128xi32, #tpu.memory_space<vmem>> -> memref<128xi32, #tpu.memory_space<vmem>>
      %dma_wait3A_197 = arith.constant 0 : i32
      %dma_wait3A_198 = arith.constant 0 : i32
      %dma_wait3A_199 = tpu.memref_slice %arg10[%dma_wait3A_197, %dma_wait3A_198] : memref<10240x128xf32, #tpu.memory_space<vmem_shared>> -> memref<10240x128xf32, #tpu.memory_space<vmem_shared>>
      tpu.wait_indirect_dma semaphore(%arg13 : memref<!tpu.dma_semaphore, #tpu.memory_space<semaphore_mem>>) src(%arg8 : memref<128x128xf32, #tpu.memory_space<vmem>>) dst(%dma_wait3A_199 : memref<10240x128xf32, #tpu.memory_space<vmem_shared>>)
      %dma_start3A_200 = arith.constant 6 : i32
      %dma_start3A_201 = arith.constant 0 : i32
      %dma_start3A_202 = tpu.memref_slice %arg6[%dma_start3A_200, %dma_start3A_201] : memref<8x128xi32, #tpu.memory_space<vmem>> -> memref<1x128xi32, #tpu.memory_space<vmem>>
      %dma_start3A_203 = tpu.memref_squeeze %dma_start3A_202 : memref<1x128xi32, #tpu.memory_space<vmem>> -> memref<128xi32, #tpu.memory_space<vmem>>
      %dma_start3A_204 = arith.constant 0 : i32
      %dma_start3A_205 = arith.constant 0 : i32
      %dma_start3A_206 = tpu.memref_slice %arg2[%dma_start3A_204, %dma_start3A_205] : memref<10000x128xf32, #tpu.memory_space<hbm>> -> memref<10000x128xf32, #tpu.memory_space<hbm>>
      tpu.enqueue_indirect_dma source(%dma_start3A_206 : memref<10000x128xf32, #tpu.memory_space<hbm>>) target(%arg8 : memref<128x128xf32, #tpu.memory_space<vmem>>) offsets(%dma_start3A_203 : memref<128xi32, #tpu.memory_space<vmem>>) semaphore(%arg11 : memref<!tpu.dma_semaphore, #tpu.memory_space<semaphore_mem>>)
      %dma_wait3A_207 = arith.constant 5 : i32
      %dma_wait3A_208 = arith.constant 0 : i32
      %dma_wait3A_209 = tpu.memref_slice %arg6[%dma_wait3A_207, %dma_wait3A_208] : memref<8x128xi32, #tpu.memory_space<vmem>> -> memref<1x128xi32, #tpu.memory_space<vmem>>
      %dma_wait3A_210 = tpu.memref_squeeze %dma_wait3A_209 : memref<1x128xi32, #tpu.memory_space<vmem>> -> memref<128xi32, #tpu.memory_space<vmem>>
      %dma_wait3A_211 = arith.constant 0 : i32
      %dma_wait3A_212 = arith.constant 0 : i32
      %dma_wait3A_213 = tpu.memref_slice %arg2[%dma_wait3A_211, %dma_wait3A_212] : memref<10000x128xf32, #tpu.memory_space<hbm>> -> memref<10000x128xf32, #tpu.memory_space<hbm>>
      tpu.wait_indirect_dma semaphore(%arg12 : memref<!tpu.dma_semaphore, #tpu.memory_space<semaphore_mem>>) src(%dma_wait3A_213 : memref<10000x128xf32, #tpu.memory_space<hbm>>) dst(%arg9 : memref<128x128xf32, #tpu.memory_space<vmem>>)
      %dma_start3A_214 = arith.constant 5 : i32
      %dma_start3A_215 = arith.constant 0 : i32
      %dma_start3A_216 = tpu.memref_slice %arg7[%dma_start3A_214, %dma_start3A_215] : memref<8x128xi32, #tpu.memory_space<vmem>> -> memref<1x128xi32, #tpu.memory_space<vmem>>
      %dma_start3A_217 = tpu.memref_squeeze %dma_start3A_216 : memref<1x128xi32, #tpu.memory_space<vmem>> -> memref<128xi32, #tpu.memory_space<vmem>>
      %dma_start3A_218 = arith.constant 0 : i32
      %dma_start3A_219 = arith.constant 0 : i32
      %dma_start3A_220 = tpu.memref_slice %arg10[%dma_start3A_218, %dma_start3A_219] : memref<10240x128xf32, #tpu.memory_space<vmem_shared>> -> memref<10240x128xf32, #tpu.memory_space<vmem_shared>>
      tpu.enqueue_indirect_dma source(%arg9 : memref<128x128xf32, #tpu.memory_space<vmem>>) target(%dma_start3A_220 : memref<10240x128xf32, #tpu.memory_space<vmem_shared>>) offsets(%dma_start3A_217 : memref<128xi32, #tpu.memory_space<vmem>>) semaphore(%arg14 : memref<!tpu.dma_semaphore, #tpu.memory_space<semaphore_mem>>) {add = true}
      %dma_wait3A_221 = arith.constant 5 : i32
      %dma_wait3A_222 = arith.constant 0 : i32
      %dma_wait3A_223 = tpu.memref_slice %arg7[%dma_wait3A_221, %dma_wait3A_222] : memref<8x128xi32, #tpu.memory_space<vmem>> -> memref<1x128xi32, #tpu.memory_space<vmem>>
      %dma_wait3A_224 = tpu.memref_squeeze %dma_wait3A_223 : memref<1x128xi32, #tpu.memory_space<vmem>> -> memref<128xi32, #tpu.memory_space<vmem>>
      %dma_wait3A_225 = arith.constant 0 : i32
      %dma_wait3A_226 = arith.constant 0 : i32
      %dma_wait3A_227 = tpu.memref_slice %arg10[%dma_wait3A_225, %dma_wait3A_226] : memref<10240x128xf32, #tpu.memory_space<vmem_shared>> -> memref<10240x128xf32, #tpu.memory_space<vmem_shared>>
      tpu.wait_indirect_dma semaphore(%arg14 : memref<!tpu.dma_semaphore, #tpu.memory_space<semaphore_mem>>) src(%arg9 : memref<128x128xf32, #tpu.memory_space<vmem>>) dst(%dma_wait3A_227 : memref<10240x128xf32, #tpu.memory_space<vmem_shared>>)
      %dma_start3A_228 = arith.constant 7 : i32
      %dma_start3A_229 = arith.constant 0 : i32
      %dma_start3A_230 = tpu.memref_slice %arg6[%dma_start3A_228, %dma_start3A_229] : memref<8x128xi32, #tpu.memory_space<vmem>> -> memref<1x128xi32, #tpu.memory_space<vmem>>
      %dma_start3A_231 = tpu.memref_squeeze %dma_start3A_230 : memref<1x128xi32, #tpu.memory_space<vmem>> -> memref<128xi32, #tpu.memory_space<vmem>>
      %dma_start3A_232 = arith.constant 0 : i32
      %dma_start3A_233 = arith.constant 0 : i32
      %dma_start3A_234 = tpu.memref_slice %arg2[%dma_start3A_232, %dma_start3A_233] : memref<10000x128xf32, #tpu.memory_space<hbm>> -> memref<10000x128xf32, #tpu.memory_space<hbm>>
      tpu.enqueue_indirect_dma source(%dma_start3A_234 : memref<10000x128xf32, #tpu.memory_space<hbm>>) target(%arg9 : memref<128x128xf32, #tpu.memory_space<vmem>>) offsets(%dma_start3A_231 : memref<128xi32, #tpu.memory_space<vmem>>) semaphore(%arg12 : memref<!tpu.dma_semaphore, #tpu.memory_space<semaphore_mem>>)
      %dma_wait3A_235 = arith.constant 6 : i32
      %dma_wait3A_236 = arith.constant 0 : i32
      %dma_wait3A_237 = tpu.memref_slice %arg6[%dma_wait3A_235, %dma_wait3A_236] : memref<8x128xi32, #tpu.memory_space<vmem>> -> memref<1x128xi32, #tpu.memory_space<vmem>>
      %dma_wait3A_238 = tpu.memref_squeeze %dma_wait3A_237 : memref<1x128xi32, #tpu.memory_space<vmem>> -> memref<128xi32, #tpu.memory_space<vmem>>
      %dma_wait3A_239 = arith.constant 0 : i32
      %dma_wait3A_240 = arith.constant 0 : i32
      %dma_wait3A_241 = tpu.memref_slice %arg2[%dma_wait3A_239, %dma_wait3A_240] : memref<10000x128xf32, #tpu.memory_space<hbm>> -> memref<10000x128xf32, #tpu.memory_space<hbm>>
      tpu.wait_indirect_dma semaphore(%arg11 : memref<!tpu.dma_semaphore, #tpu.memory_space<semaphore_mem>>) src(%dma_wait3A_241 : memref<10000x128xf32, #tpu.memory_space<hbm>>) dst(%arg8 : memref<128x128xf32, #tpu.memory_space<vmem>>)
      %dma_start3A_242 = arith.constant 6 : i32
      %dma_start3A_243 = arith.constant 0 : i32
      %dma_start3A_244 = tpu.memref_slice %arg7[%dma_start3A_242, %dma_start3A_243] : memref<8x128xi32, #tpu.memory_space<vmem>> -> memref<1x128xi32, #tpu.memory_space<vmem>>
      %dma_start3A_245 = tpu.memref_squeeze %dma_start3A_244 : memref<1x128xi32, #tpu.memory_space<vmem>> -> memref<128xi32, #tpu.memory_space<vmem>>
      %dma_start3A_246 = arith.constant 0 : i32
      %dma_start3A_247 = arith.constant 0 : i32
      %dma_start3A_248 = tpu.memref_slice %arg10[%dma_start3A_246, %dma_start3A_247] : memref<10240x128xf32, #tpu.memory_space<vmem_shared>> -> memref<10240x128xf32, #tpu.memory_space<vmem_shared>>
      tpu.enqueue_indirect_dma source(%arg8 : memref<128x128xf32, #tpu.memory_space<vmem>>) target(%dma_start3A_248 : memref<10240x128xf32, #tpu.memory_space<vmem_shared>>) offsets(%dma_start3A_245 : memref<128xi32, #tpu.memory_space<vmem>>) semaphore(%arg13 : memref<!tpu.dma_semaphore, #tpu.memory_space<semaphore_mem>>) {add = true}
      %dma_wait3A_249 = arith.constant 7 : i32
      %dma_wait3A_250 = arith.constant 0 : i32
      %dma_wait3A_251 = tpu.memref_slice %arg6[%dma_wait3A_249, %dma_wait3A_250] : memref<8x128xi32, #tpu.memory_space<vmem>> -> memref<1x128xi32, #tpu.memory_space<vmem>>
      %dma_wait3A_252 = tpu.memref_squeeze %dma_wait3A_251 : memref<1x128xi32, #tpu.memory_space<vmem>> -> memref<128xi32, #tpu.memory_space<vmem>>
      %dma_wait3A_253 = arith.constant 0 : i32
      %dma_wait3A_254 = arith.constant 0 : i32
      %dma_wait3A_255 = tpu.memref_slice %arg2[%dma_wait3A_253, %dma_wait3A_254] : memref<10000x128xf32, #tpu.memory_space<hbm>> -> memref<10000x128xf32, #tpu.memory_space<hbm>>
      tpu.wait_indirect_dma semaphore(%arg12 : memref<!tpu.dma_semaphore, #tpu.memory_space<semaphore_mem>>) src(%dma_wait3A_255 : memref<10000x128xf32, #tpu.memory_space<hbm>>) dst(%arg9 : memref<128x128xf32, #tpu.memory_space<vmem>>)
      %dma_start3A_256 = arith.constant 7 : i32
      %dma_start3A_257 = arith.constant 0 : i32
      %dma_start3A_258 = tpu.memref_slice %arg7[%dma_start3A_256, %dma_start3A_257] : memref<8x128xi32, #tpu.memory_space<vmem>> -> memref<1x128xi32, #tpu.memory_space<vmem>>
      %dma_start3A_259 = tpu.memref_squeeze %dma_start3A_258 : memref<1x128xi32, #tpu.memory_space<vmem>> -> memref<128xi32, #tpu.memory_space<vmem>>
      %dma_start3A_260 = arith.constant 0 : i32
      %dma_start3A_261 = arith.constant 0 : i32
      %dma_start3A_262 = tpu.memref_slice %arg10[%dma_start3A_260, %dma_start3A_261] : memref<10240x128xf32, #tpu.memory_space<vmem_shared>> -> memref<10240x128xf32, #tpu.memory_space<vmem_shared>>
      tpu.enqueue_indirect_dma source(%arg9 : memref<128x128xf32, #tpu.memory_space<vmem>>) target(%dma_start3A_262 : memref<10240x128xf32, #tpu.memory_space<vmem_shared>>) offsets(%dma_start3A_259 : memref<128xi32, #tpu.memory_space<vmem>>) semaphore(%arg14 : memref<!tpu.dma_semaphore, #tpu.memory_space<semaphore_mem>>) {add = true}
      %dma_wait3A_263 = arith.constant 6 : i32
      %dma_wait3A_264 = arith.constant 0 : i32
      %dma_wait3A_265 = tpu.memref_slice %arg7[%dma_wait3A_263, %dma_wait3A_264] : memref<8x128xi32, #tpu.memory_space<vmem>> -> memref<1x128xi32, #tpu.memory_space<vmem>>
      %dma_wait3A_266 = tpu.memref_squeeze %dma_wait3A_265 : memref<1x128xi32, #tpu.memory_space<vmem>> -> memref<128xi32, #tpu.memory_space<vmem>>
      %dma_wait3A_267 = arith.constant 0 : i32
      %dma_wait3A_268 = arith.constant 0 : i32
      %dma_wait3A_269 = tpu.memref_slice %arg10[%dma_wait3A_267, %dma_wait3A_268] : memref<10240x128xf32, #tpu.memory_space<vmem_shared>> -> memref<10240x128xf32, #tpu.memory_space<vmem_shared>>
      tpu.wait_indirect_dma semaphore(%arg13 : memref<!tpu.dma_semaphore, #tpu.memory_space<semaphore_mem>>) src(%arg8 : memref<128x128xf32, #tpu.memory_space<vmem>>) dst(%dma_wait3A_269 : memref<10240x128xf32, #tpu.memory_space<vmem_shared>>)
      %dma_wait3A_270 = arith.constant 7 : i32
      %dma_wait3A_271 = arith.constant 0 : i32
      %dma_wait3A_272 = tpu.memref_slice %arg7[%dma_wait3A_270, %dma_wait3A_271] : memref<8x128xi32, #tpu.memory_space<vmem>> -> memref<1x128xi32, #tpu.memory_space<vmem>>
      %dma_wait3A_273 = tpu.memref_squeeze %dma_wait3A_272 : memref<1x128xi32, #tpu.memory_space<vmem>> -> memref<128xi32, #tpu.memory_space<vmem>>
      %dma_wait3A_274 = arith.constant 0 : i32
      %dma_wait3A_275 = arith.constant 0 : i32
      %dma_wait3A_276 = tpu.memref_slice %arg10[%dma_wait3A_274, %dma_wait3A_275] : memref<10240x128xf32, #tpu.memory_space<vmem_shared>> -> memref<10240x128xf32, #tpu.memory_space<vmem_shared>>
      tpu.wait_indirect_dma semaphore(%arg14 : memref<!tpu.dma_semaphore, #tpu.memory_space<semaphore_mem>>) src(%arg9 : memref<128x128xf32, #tpu.memory_space<vmem>>) dst(%dma_wait3A_276 : memref<10240x128xf32, #tpu.memory_space<vmem_shared>>)
    }
    %while3A_46 = arith.constant 1 : i32
    scf.for %while3A_52 = %while3A_44 to %while3A_40 step %while3A_46  : i32 {
      %add3A_53 = arith.addi %add3A_37, %while3A_52 : i32
      "tpu.region"() ({
        %run_scoped3A = tpu.sem_alloc : memref<!tpu.dma_semaphore, #tpu.memory_space<semaphore_mem>>
        %dma_start3A_277 = arith.constant 0 : i32
        %dma_start3A_278 = arith.constant 0 : i32
        %dma_start3A_279 = tpu.memref_slice %arg3[%add3A_53, %dma_start3A_277, %dma_start3A_278] : memref<320x8x128xi32, #tpu.memory_space<hbm>> -> memref<1x8x128xi32, #tpu.memory_space<hbm>>
        %dma_start3A_280 = tpu.memref_squeeze %dma_start3A_279 : memref<1x8x128xi32, #tpu.memory_space<hbm>> -> memref<8x128xi32, #tpu.memory_space<hbm>>
        %dma_start3A_281 = arith.constant 0 : i32
        %dma_start3A_282 = arith.constant 0 : i32
        %dma_start3A_283 = tpu.memref_slice %arg3[%add3A_53, %dma_start3A_281, %dma_start3A_282] : memref<320x8x128xi32, #tpu.memory_space<hbm>> -> memref<1x8x128xi32, #tpu.memory_space<hbm>>
        %dma_start3A_284 = tpu.memref_squeeze %dma_start3A_283 : memref<1x8x128xi32, #tpu.memory_space<hbm>> -> memref<8x128xi32, #tpu.memory_space<hbm>>
        tpu.enqueue_dma source(%dma_start3A_284 : memref<8x128xi32, #tpu.memory_space<hbm>>) target(%arg6 : memref<8x128xi32, #tpu.memory_space<vmem>>) target_semaphore(%run_scoped3A : memref<!tpu.dma_semaphore, #tpu.memory_space<semaphore_mem>>)
        %dma_wait3A_285 = arith.constant 0 : i32
        %dma_wait3A_286 = arith.constant 0 : i32
        %dma_wait3A_287 = tpu.memref_slice %arg3[%add3A_53, %dma_wait3A_285, %dma_wait3A_286] : memref<320x8x128xi32, #tpu.memory_space<hbm>> -> memref<1x8x128xi32, #tpu.memory_space<hbm>>
        %dma_wait3A_288 = tpu.memref_squeeze %dma_wait3A_287 : memref<1x8x128xi32, #tpu.memory_space<hbm>> -> memref<8x128xi32, #tpu.memory_space<hbm>>
        %dma_wait3A_289 = arith.constant 0 : i32
        %dma_wait3A_290 = arith.constant 0 : i32
        %dma_wait3A_291 = tpu.memref_slice %arg3[%add3A_53, %dma_wait3A_289, %dma_wait3A_290] : memref<320x8x128xi32, #tpu.memory_space<hbm>> -> memref<1x8x128xi32, #tpu.memory_space<hbm>>
        %dma_wait3A_292 = tpu.memref_squeeze %dma_wait3A_291 : memref<1x8x128xi32, #tpu.memory_space<hbm>> -> memref<8x128xi32, #tpu.memory_space<hbm>>
        tpu.wait_dma2 semaphore(%run_scoped3A : memref<!tpu.dma_semaphore, #tpu.memory_space<semaphore_mem>>) src(%dma_wait3A_292 : memref<8x128xi32, #tpu.memory_space<hbm>>) dst(%arg6 : memref<8x128xi32, #tpu.memory_space<vmem>>)
        tpu.yield
      }) : () -> ()
      %add3A_54 = arith.addi %add3A_37, %while3A_52 : i32
      "tpu.region"() ({
        %run_scoped3A = tpu.sem_alloc : memref<!tpu.dma_semaphore, #tpu.memory_space<semaphore_mem>>
        %dma_start3A_277 = arith.constant 0 : i32
        %dma_start3A_278 = arith.constant 0 : i32
        %dma_start3A_279 = tpu.memref_slice %arg4[%add3A_54, %dma_start3A_277, %dma_start3A_278] : memref<320x8x128xi32, #tpu.memory_space<hbm>> -> memref<1x8x128xi32, #tpu.memory_space<hbm>>
        %dma_start3A_280 = tpu.memref_squeeze %dma_start3A_279 : memref<1x8x128xi32, #tpu.memory_space<hbm>> -> memref<8x128xi32, #tpu.memory_space<hbm>>
        %dma_start3A_281 = arith.constant 0 : i32
        %dma_start3A_282 = arith.constant 0 : i32
        %dma_start3A_283 = tpu.memref_slice %arg4[%add3A_54, %dma_start3A_281, %dma_start3A_282] : memref<320x8x128xi32, #tpu.memory_space<hbm>> -> memref<1x8x128xi32, #tpu.memory_space<hbm>>
        %dma_start3A_284 = tpu.memref_squeeze %dma_start3A_283 : memref<1x8x128xi32, #tpu.memory_space<hbm>> -> memref<8x128xi32, #tpu.memory_space<hbm>>
        tpu.enqueue_dma source(%dma_start3A_284 : memref<8x128xi32, #tpu.memory_space<hbm>>) target(%arg7 : memref<8x128xi32, #tpu.memory_space<vmem>>) target_semaphore(%run_scoped3A : memref<!tpu.dma_semaphore, #tpu.memory_space<semaphore_mem>>)
        %dma_wait3A_285 = arith.constant 0 : i32
        %dma_wait3A_286 = arith.constant 0 : i32
        %dma_wait3A_287 = tpu.memref_slice %arg4[%add3A_54, %dma_wait3A_285, %dma_wait3A_286] : memref<320x8x128xi32, #tpu.memory_space<hbm>> -> memref<1x8x128xi32, #tpu.memory_space<hbm>>
        %dma_wait3A_288 = tpu.memref_squeeze %dma_wait3A_287 : memref<1x8x128xi32, #tpu.memory_space<hbm>> -> memref<8x128xi32, #tpu.memory_space<hbm>>
        %dma_wait3A_289 = arith.constant 0 : i32
        %dma_wait3A_290 = arith.constant 0 : i32
        %dma_wait3A_291 = tpu.memref_slice %arg4[%add3A_54, %dma_wait3A_289, %dma_wait3A_290] : memref<320x8x128xi32, #tpu.memory_space<hbm>> -> memref<1x8x128xi32, #tpu.memory_space<hbm>>
        %dma_wait3A_292 = tpu.memref_squeeze %dma_wait3A_291 : memref<1x8x128xi32, #tpu.memory_space<hbm>> -> memref<8x128xi32, #tpu.memory_space<hbm>>
        tpu.wait_dma2 semaphore(%run_scoped3A : memref<!tpu.dma_semaphore, #tpu.memory_space<semaphore_mem>>) src(%dma_wait3A_292 : memref<8x128xi32, #tpu.memory_space<hbm>>) dst(%arg7 : memref<8x128xi32, #tpu.memory_space<vmem>>)
        tpu.yield
      }) : () -> ()
      %dma_start3A = arith.constant 0 : i32
      %dma_start3A_55 = arith.constant 0 : i32
      %dma_start3A_56 = tpu.memref_slice %arg6[%dma_start3A, %dma_start3A_55] : memref<8x128xi32, #tpu.memory_space<vmem>> -> memref<1x128xi32, #tpu.memory_space<vmem>>
      %dma_start3A_57 = tpu.memref_squeeze %dma_start3A_56 : memref<1x128xi32, #tpu.memory_space<vmem>> -> memref<128xi32, #tpu.memory_space<vmem>>
      %dma_start3A_58 = arith.constant 0 : i32
      %dma_start3A_59 = arith.constant 0 : i32
      %dma_start3A_60 = tpu.memref_slice %arg2[%dma_start3A_58, %dma_start3A_59] : memref<10000x128xf32, #tpu.memory_space<hbm>> -> memref<10000x128xf32, #tpu.memory_space<hbm>>
      tpu.enqueue_indirect_dma source(%dma_start3A_60 : memref<10000x128xf32, #tpu.memory_space<hbm>>) target(%arg8 : memref<128x128xf32, #tpu.memory_space<vmem>>) offsets(%dma_start3A_57 : memref<128xi32, #tpu.memory_space<vmem>>) semaphore(%arg11 : memref<!tpu.dma_semaphore, #tpu.memory_space<semaphore_mem>>)
      %dma_start3A_61 = arith.constant 1 : i32
      %dma_start3A_62 = arith.constant 0 : i32
      %dma_start3A_63 = tpu.memref_slice %arg6[%dma_start3A_61, %dma_start3A_62] : memref<8x128xi32, #tpu.memory_space<vmem>> -> memref<1x128xi32, #tpu.memory_space<vmem>>
      %dma_start3A_64 = tpu.memref_squeeze %dma_start3A_63 : memref<1x128xi32, #tpu.memory_space<vmem>> -> memref<128xi32, #tpu.memory_space<vmem>>
      %dma_start3A_65 = arith.constant 0 : i32
      %dma_start3A_66 = arith.constant 0 : i32
      %dma_start3A_67 = tpu.memref_slice %arg2[%dma_start3A_65, %dma_start3A_66] : memref<10000x128xf32, #tpu.memory_space<hbm>> -> memref<10000x128xf32, #tpu.memory_space<hbm>>
      tpu.enqueue_indirect_dma source(%dma_start3A_67 : memref<10000x128xf32, #tpu.memory_space<hbm>>) target(%arg9 : memref<128x128xf32, #tpu.memory_space<vmem>>) offsets(%dma_start3A_64 : memref<128xi32, #tpu.memory_space<vmem>>) semaphore(%arg12 : memref<!tpu.dma_semaphore, #tpu.memory_space<semaphore_mem>>)
      %dma_wait3A = arith.constant 0 : i32
      %dma_wait3A_68 = arith.constant 0 : i32
      %dma_wait3A_69 = tpu.memref_slice %arg6[%dma_wait3A, %dma_wait3A_68] : memref<8x128xi32, #tpu.memory_space<vmem>> -> memref<1x128xi32, #tpu.memory_space<vmem>>
      %dma_wait3A_70 = tpu.memref_squeeze %dma_wait3A_69 : memref<1x128xi32, #tpu.memory_space<vmem>> -> memref<128xi32, #tpu.memory_space<vmem>>
      %dma_wait3A_71 = arith.constant 0 : i32
      %dma_wait3A_72 = arith.constant 0 : i32
      %dma_wait3A_73 = tpu.memref_slice %arg2[%dma_wait3A_71, %dma_wait3A_72] : memref<10000x128xf32, #tpu.memory_space<hbm>> -> memref<10000x128xf32, #tpu.memory_space<hbm>>
      tpu.wait_indirect_dma semaphore(%arg11 : memref<!tpu.dma_semaphore, #tpu.memory_space<semaphore_mem>>) src(%dma_wait3A_73 : memref<10000x128xf32, #tpu.memory_space<hbm>>) dst(%arg8 : memref<128x128xf32, #tpu.memory_space<vmem>>)
      %dma_start3A_74 = arith.constant 0 : i32
      %dma_start3A_75 = arith.constant 0 : i32
      %dma_start3A_76 = tpu.memref_slice %arg7[%dma_start3A_74, %dma_start3A_75] : memref<8x128xi32, #tpu.memory_space<vmem>> -> memref<1x128xi32, #tpu.memory_space<vmem>>
      %dma_start3A_77 = tpu.memref_squeeze %dma_start3A_76 : memref<1x128xi32, #tpu.memory_space<vmem>> -> memref<128xi32, #tpu.memory_space<vmem>>
      %dma_start3A_78 = arith.constant 0 : i32
      %dma_start3A_79 = arith.constant 0 : i32
      %dma_start3A_80 = tpu.memref_slice %arg10[%dma_start3A_78, %dma_start3A_79] : memref<10240x128xf32, #tpu.memory_space<vmem_shared>> -> memref<10240x128xf32, #tpu.memory_space<vmem_shared>>
      tpu.enqueue_indirect_dma source(%arg8 : memref<128x128xf32, #tpu.memory_space<vmem>>) target(%dma_start3A_80 : memref<10240x128xf32, #tpu.memory_space<vmem_shared>>) offsets(%dma_start3A_77 : memref<128xi32, #tpu.memory_space<vmem>>) semaphore(%arg13 : memref<!tpu.dma_semaphore, #tpu.memory_space<semaphore_mem>>) {add = true}
      %dma_wait3A_81 = arith.constant 0 : i32
      %dma_wait3A_82 = arith.constant 0 : i32
      %dma_wait3A_83 = tpu.memref_slice %arg7[%dma_wait3A_81, %dma_wait3A_82] : memref<8x128xi32, #tpu.memory_space<vmem>> -> memref<1x128xi32, #tpu.memory_space<vmem>>
      %dma_wait3A_84 = tpu.memref_squeeze %dma_wait3A_83 : memref<1x128xi32, #tpu.memory_space<vmem>> -> memref<128xi32, #tpu.memory_space<vmem>>
      %dma_wait3A_85 = arith.constant 0 : i32
      %dma_wait3A_86 = arith.constant 0 : i32
      %dma_wait3A_87 = tpu.memref_slice %arg10[%dma_wait3A_85, %dma_wait3A_86] : memref<10240x128xf32, #tpu.memory_space<vmem_shared>> -> memref<10240x128xf32, #tpu.memory_space<vmem_shared>>
      tpu.wait_indirect_dma semaphore(%arg13 : memref<!tpu.dma_semaphore, #tpu.memory_space<semaphore_mem>>) src(%arg8 : memref<128x128xf32, #tpu.memory_space<vmem>>) dst(%dma_wait3A_87 : memref<10240x128xf32, #tpu.memory_space<vmem_shared>>)
      %dma_start3A_88 = arith.constant 2 : i32
      %dma_start3A_89 = arith.constant 0 : i32
      %dma_start3A_90 = tpu.memref_slice %arg6[%dma_start3A_88, %dma_start3A_89] : memref<8x128xi32, #tpu.memory_space<vmem>> -> memref<1x128xi32, #tpu.memory_space<vmem>>
      %dma_start3A_91 = tpu.memref_squeeze %dma_start3A_90 : memref<1x128xi32, #tpu.memory_space<vmem>> -> memref<128xi32, #tpu.memory_space<vmem>>
      %dma_start3A_92 = arith.constant 0 : i32
      %dma_start3A_93 = arith.constant 0 : i32
      %dma_start3A_94 = tpu.memref_slice %arg2[%dma_start3A_92, %dma_start3A_93] : memref<10000x128xf32, #tpu.memory_space<hbm>> -> memref<10000x128xf32, #tpu.memory_space<hbm>>
      tpu.enqueue_indirect_dma source(%dma_start3A_94 : memref<10000x128xf32, #tpu.memory_space<hbm>>) target(%arg8 : memref<128x128xf32, #tpu.memory_space<vmem>>) offsets(%dma_start3A_91 : memref<128xi32, #tpu.memory_space<vmem>>) semaphore(%arg11 : memref<!tpu.dma_semaphore, #tpu.memory_space<semaphore_mem>>)
      %dma_wait3A_95 = arith.constant 1 : i32
      %dma_wait3A_96 = arith.constant 0 : i32
      %dma_wait3A_97 = tpu.memref_slice %arg6[%dma_wait3A_95, %dma_wait3A_96] : memref<8x128xi32, #tpu.memory_space<vmem>> -> memref<1x128xi32, #tpu.memory_space<vmem>>
      %dma_wait3A_98 = tpu.memref_squeeze %dma_wait3A_97 : memref<1x128xi32, #tpu.memory_space<vmem>> -> memref<128xi32, #tpu.memory_space<vmem>>
      %dma_wait3A_99 = arith.constant 0 : i32
      %dma_wait3A_100 = arith.constant 0 : i32
      %dma_wait3A_101 = tpu.memref_slice %arg2[%dma_wait3A_99, %dma_wait3A_100] : memref<10000x128xf32, #tpu.memory_space<hbm>> -> memref<10000x128xf32, #tpu.memory_space<hbm>>
      tpu.wait_indirect_dma semaphore(%arg12 : memref<!tpu.dma_semaphore, #tpu.memory_space<semaphore_mem>>) src(%dma_wait3A_101 : memref<10000x128xf32, #tpu.memory_space<hbm>>) dst(%arg9 : memref<128x128xf32, #tpu.memory_space<vmem>>)
      %dma_start3A_102 = arith.constant 1 : i32
      %dma_start3A_103 = arith.constant 0 : i32
      %dma_start3A_104 = tpu.memref_slice %arg7[%dma_start3A_102, %dma_start3A_103] : memref<8x128xi32, #tpu.memory_space<vmem>> -> memref<1x128xi32, #tpu.memory_space<vmem>>
      %dma_start3A_105 = tpu.memref_squeeze %dma_start3A_104 : memref<1x128xi32, #tpu.memory_space<vmem>> -> memref<128xi32, #tpu.memory_space<vmem>>
      %dma_start3A_106 = arith.constant 0 : i32
      %dma_start3A_107 = arith.constant 0 : i32
      %dma_start3A_108 = tpu.memref_slice %arg10[%dma_start3A_106, %dma_start3A_107] : memref<10240x128xf32, #tpu.memory_space<vmem_shared>> -> memref<10240x128xf32, #tpu.memory_space<vmem_shared>>
      tpu.enqueue_indirect_dma source(%arg9 : memref<128x128xf32, #tpu.memory_space<vmem>>) target(%dma_start3A_108 : memref<10240x128xf32, #tpu.memory_space<vmem_shared>>) offsets(%dma_start3A_105 : memref<128xi32, #tpu.memory_space<vmem>>) semaphore(%arg14 : memref<!tpu.dma_semaphore, #tpu.memory_space<semaphore_mem>>) {add = true}
      %dma_wait3A_109 = arith.constant 1 : i32
      %dma_wait3A_110 = arith.constant 0 : i32
      %dma_wait3A_111 = tpu.memref_slice %arg7[%dma_wait3A_109, %dma_wait3A_110] : memref<8x128xi32, #tpu.memory_space<vmem>> -> memref<1x128xi32, #tpu.memory_space<vmem>>
      %dma_wait3A_112 = tpu.memref_squeeze %dma_wait3A_111 : memref<1x128xi32, #tpu.memory_space<vmem>> -> memref<128xi32, #tpu.memory_space<vmem>>
      %dma_wait3A_113 = arith.constant 0 : i32
      %dma_wait3A_114 = arith.constant 0 : i32
      %dma_wait3A_115 = tpu.memref_slice %arg10[%dma_wait3A_113, %dma_wait3A_114] : memref<10240x128xf32, #tpu.memory_space<vmem_shared>> -> memref<10240x128xf32, #tpu.memory_space<vmem_shared>>
      tpu.wait_indirect_dma semaphore(%arg14 : memref<!tpu.dma_semaphore, #tpu.memory_space<semaphore_mem>>) src(%arg9 : memref<128x128xf32, #tpu.memory_space<vmem>>) dst(%dma_wait3A_115 : memref<10240x128xf32, #tpu.memory_space<vmem_shared>>)
      %dma_start3A_116 = arith.constant 3 : i32
      %dma_start3A_117 = arith.constant 0 : i32
      %dma_start3A_118 = tpu.memref_slice %arg6[%dma_start3A_116, %dma_start3A_117] : memref<8x128xi32, #tpu.memory_space<vmem>> -> memref<1x128xi32, #tpu.memory_space<vmem>>
      %dma_start3A_119 = tpu.memref_squeeze %dma_start3A_118 : memref<1x128xi32, #tpu.memory_space<vmem>> -> memref<128xi32, #tpu.memory_space<vmem>>
      %dma_start3A_120 = arith.constant 0 : i32
      %dma_start3A_121 = arith.constant 0 : i32
      %dma_start3A_122 = tpu.memref_slice %arg2[%dma_start3A_120, %dma_start3A_121] : memref<10000x128xf32, #tpu.memory_space<hbm>> -> memref<10000x128xf32, #tpu.memory_space<hbm>>
      tpu.enqueue_indirect_dma source(%dma_start3A_122 : memref<10000x128xf32, #tpu.memory_space<hbm>>) target(%arg9 : memref<128x128xf32, #tpu.memory_space<vmem>>) offsets(%dma_start3A_119 : memref<128xi32, #tpu.memory_space<vmem>>) semaphore(%arg12 : memref<!tpu.dma_semaphore, #tpu.memory_space<semaphore_mem>>)
      %dma_wait3A_123 = arith.constant 2 : i32
      %dma_wait3A_124 = arith.constant 0 : i32
      %dma_wait3A_125 = tpu.memref_slice %arg6[%dma_wait3A_123, %dma_wait3A_124] : memref<8x128xi32, #tpu.memory_space<vmem>> -> memref<1x128xi32, #tpu.memory_space<vmem>>
      %dma_wait3A_126 = tpu.memref_squeeze %dma_wait3A_125 : memref<1x128xi32, #tpu.memory_space<vmem>> -> memref<128xi32, #tpu.memory_space<vmem>>
      %dma_wait3A_127 = arith.constant 0 : i32
      %dma_wait3A_128 = arith.constant 0 : i32
      %dma_wait3A_129 = tpu.memref_slice %arg2[%dma_wait3A_127, %dma_wait3A_128] : memref<10000x128xf32, #tpu.memory_space<hbm>> -> memref<10000x128xf32, #tpu.memory_space<hbm>>
      tpu.wait_indirect_dma semaphore(%arg11 : memref<!tpu.dma_semaphore, #tpu.memory_space<semaphore_mem>>) src(%dma_wait3A_129 : memref<10000x128xf32, #tpu.memory_space<hbm>>) dst(%arg8 : memref<128x128xf32, #tpu.memory_space<vmem>>)
      %dma_start3A_130 = arith.constant 2 : i32
      %dma_start3A_131 = arith.constant 0 : i32
      %dma_start3A_132 = tpu.memref_slice %arg7[%dma_start3A_130, %dma_start3A_131] : memref<8x128xi32, #tpu.memory_space<vmem>> -> memref<1x128xi32, #tpu.memory_space<vmem>>
      %dma_start3A_133 = tpu.memref_squeeze %dma_start3A_132 : memref<1x128xi32, #tpu.memory_space<vmem>> -> memref<128xi32, #tpu.memory_space<vmem>>
      %dma_start3A_134 = arith.constant 0 : i32
      %dma_start3A_135 = arith.constant 0 : i32
      %dma_start3A_136 = tpu.memref_slice %arg10[%dma_start3A_134, %dma_start3A_135] : memref<10240x128xf32, #tpu.memory_space<vmem_shared>> -> memref<10240x128xf32, #tpu.memory_space<vmem_shared>>
      tpu.enqueue_indirect_dma source(%arg8 : memref<128x128xf32, #tpu.memory_space<vmem>>) target(%dma_start3A_136 : memref<10240x128xf32, #tpu.memory_space<vmem_shared>>) offsets(%dma_start3A_133 : memref<128xi32, #tpu.memory_space<vmem>>) semaphore(%arg13 : memref<!tpu.dma_semaphore, #tpu.memory_space<semaphore_mem>>) {add = true}
      %dma_wait3A_137 = arith.constant 2 : i32
      %dma_wait3A_138 = arith.constant 0 : i32
      %dma_wait3A_139 = tpu.memref_slice %arg7[%dma_wait3A_137, %dma_wait3A_138] : memref<8x128xi32, #tpu.memory_space<vmem>> -> memref<1x128xi32, #tpu.memory_space<vmem>>
      %dma_wait3A_140 = tpu.memref_squeeze %dma_wait3A_139 : memref<1x128xi32, #tpu.memory_space<vmem>> -> memref<128xi32, #tpu.memory_space<vmem>>
      %dma_wait3A_141 = arith.constant 0 : i32
      %dma_wait3A_142 = arith.constant 0 : i32
      %dma_wait3A_143 = tpu.memref_slice %arg10[%dma_wait3A_141, %dma_wait3A_142] : memref<10240x128xf32, #tpu.memory_space<vmem_shared>> -> memref<10240x128xf32, #tpu.memory_space<vmem_shared>>
      tpu.wait_indirect_dma semaphore(%arg13 : memref<!tpu.dma_semaphore, #tpu.memory_space<semaphore_mem>>) src(%arg8 : memref<128x128xf32, #tpu.memory_space<vmem>>) dst(%dma_wait3A_143 : memref<10240x128xf32, #tpu.memory_space<vmem_shared>>)
      %dma_start3A_144 = arith.constant 4 : i32
      %dma_start3A_145 = arith.constant 0 : i32
      %dma_start3A_146 = tpu.memref_slice %arg6[%dma_start3A_144, %dma_start3A_145] : memref<8x128xi32, #tpu.memory_space<vmem>> -> memref<1x128xi32, #tpu.memory_space<vmem>>
      %dma_start3A_147 = tpu.memref_squeeze %dma_start3A_146 : memref<1x128xi32, #tpu.memory_space<vmem>> -> memref<128xi32, #tpu.memory_space<vmem>>
      %dma_start3A_148 = arith.constant 0 : i32
      %dma_start3A_149 = arith.constant 0 : i32
      %dma_start3A_150 = tpu.memref_slice %arg2[%dma_start3A_148, %dma_start3A_149] : memref<10000x128xf32, #tpu.memory_space<hbm>> -> memref<10000x128xf32, #tpu.memory_space<hbm>>
      tpu.enqueue_indirect_dma source(%dma_start3A_150 : memref<10000x128xf32, #tpu.memory_space<hbm>>) target(%arg8 : memref<128x128xf32, #tpu.memory_space<vmem>>) offsets(%dma_start3A_147 : memref<128xi32, #tpu.memory_space<vmem>>) semaphore(%arg11 : memref<!tpu.dma_semaphore, #tpu.memory_space<semaphore_mem>>)
      %dma_wait3A_151 = arith.constant 3 : i32
      %dma_wait3A_152 = arith.constant 0 : i32
      %dma_wait3A_153 = tpu.memref_slice %arg6[%dma_wait3A_151, %dma_wait3A_152] : memref<8x128xi32, #tpu.memory_space<vmem>> -> memref<1x128xi32, #tpu.memory_space<vmem>>
      %dma_wait3A_154 = tpu.memref_squeeze %dma_wait3A_153 : memref<1x128xi32, #tpu.memory_space<vmem>> -> memref<128xi32, #tpu.memory_space<vmem>>
      %dma_wait3A_155 = arith.constant 0 : i32
      %dma_wait3A_156 = arith.constant 0 : i32
      %dma_wait3A_157 = tpu.memref_slice %arg2[%dma_wait3A_155, %dma_wait3A_156] : memref<10000x128xf32, #tpu.memory_space<hbm>> -> memref<10000x128xf32, #tpu.memory_space<hbm>>
      tpu.wait_indirect_dma semaphore(%arg12 : memref<!tpu.dma_semaphore, #tpu.memory_space<semaphore_mem>>) src(%dma_wait3A_157 : memref<10000x128xf32, #tpu.memory_space<hbm>>) dst(%arg9 : memref<128x128xf32, #tpu.memory_space<vmem>>)
      %dma_start3A_158 = arith.constant 3 : i32
      %dma_start3A_159 = arith.constant 0 : i32
      %dma_start3A_160 = tpu.memref_slice %arg7[%dma_start3A_158, %dma_start3A_159] : memref<8x128xi32, #tpu.memory_space<vmem>> -> memref<1x128xi32, #tpu.memory_space<vmem>>
      %dma_start3A_161 = tpu.memref_squeeze %dma_start3A_160 : memref<1x128xi32, #tpu.memory_space<vmem>> -> memref<128xi32, #tpu.memory_space<vmem>>
      %dma_start3A_162 = arith.constant 0 : i32
      %dma_start3A_163 = arith.constant 0 : i32
      %dma_start3A_164 = tpu.memref_slice %arg10[%dma_start3A_162, %dma_start3A_163] : memref<10240x128xf32, #tpu.memory_space<vmem_shared>> -> memref<10240x128xf32, #tpu.memory_space<vmem_shared>>
      tpu.enqueue_indirect_dma source(%arg9 : memref<128x128xf32, #tpu.memory_space<vmem>>) target(%dma_start3A_164 : memref<10240x128xf32, #tpu.memory_space<vmem_shared>>) offsets(%dma_start3A_161 : memref<128xi32, #tpu.memory_space<vmem>>) semaphore(%arg14 : memref<!tpu.dma_semaphore, #tpu.memory_space<semaphore_mem>>) {add = true}
      %dma_wait3A_165 = arith.constant 3 : i32
      %dma_wait3A_166 = arith.constant 0 : i32
      %dma_wait3A_167 = tpu.memref_slice %arg7[%dma_wait3A_165, %dma_wait3A_166] : memref<8x128xi32, #tpu.memory_space<vmem>> -> memref<1x128xi32, #tpu.memory_space<vmem>>
      %dma_wait3A_168 = tpu.memref_squeeze %dma_wait3A_167 : memref<1x128xi32, #tpu.memory_space<vmem>> -> memref<128xi32, #tpu.memory_space<vmem>>
      %dma_wait3A_169 = arith.constant 0 : i32
      %dma_wait3A_170 = arith.constant 0 : i32
      %dma_wait3A_171 = tpu.memref_slice %arg10[%dma_wait3A_169, %dma_wait3A_170] : memref<10240x128xf32, #tpu.memory_space<vmem_shared>> -> memref<10240x128xf32, #tpu.memory_space<vmem_shared>>
      tpu.wait_indirect_dma semaphore(%arg14 : memref<!tpu.dma_semaphore, #tpu.memory_space<semaphore_mem>>) src(%arg9 : memref<128x128xf32, #tpu.memory_space<vmem>>) dst(%dma_wait3A_171 : memref<10240x128xf32, #tpu.memory_space<vmem_shared>>)
      %dma_start3A_172 = arith.constant 5 : i32
      %dma_start3A_173 = arith.constant 0 : i32
      %dma_start3A_174 = tpu.memref_slice %arg6[%dma_start3A_172, %dma_start3A_173] : memref<8x128xi32, #tpu.memory_space<vmem>> -> memref<1x128xi32, #tpu.memory_space<vmem>>
      %dma_start3A_175 = tpu.memref_squeeze %dma_start3A_174 : memref<1x128xi32, #tpu.memory_space<vmem>> -> memref<128xi32, #tpu.memory_space<vmem>>
      %dma_start3A_176 = arith.constant 0 : i32
      %dma_start3A_177 = arith.constant 0 : i32
      %dma_start3A_178 = tpu.memref_slice %arg2[%dma_start3A_176, %dma_start3A_177] : memref<10000x128xf32, #tpu.memory_space<hbm>> -> memref<10000x128xf32, #tpu.memory_space<hbm>>
      tpu.enqueue_indirect_dma source(%dma_start3A_178 : memref<10000x128xf32, #tpu.memory_space<hbm>>) target(%arg9 : memref<128x128xf32, #tpu.memory_space<vmem>>) offsets(%dma_start3A_175 : memref<128xi32, #tpu.memory_space<vmem>>) semaphore(%arg12 : memref<!tpu.dma_semaphore, #tpu.memory_space<semaphore_mem>>)
      %dma_wait3A_179 = arith.constant 4 : i32
      %dma_wait3A_180 = arith.constant 0 : i32
      %dma_wait3A_181 = tpu.memref_slice %arg6[%dma_wait3A_179, %dma_wait3A_180] : memref<8x128xi32, #tpu.memory_space<vmem>> -> memref<1x128xi32, #tpu.memory_space<vmem>>
      %dma_wait3A_182 = tpu.memref_squeeze %dma_wait3A_181 : memref<1x128xi32, #tpu.memory_space<vmem>> -> memref<128xi32, #tpu.memory_space<vmem>>
      %dma_wait3A_183 = arith.constant 0 : i32
      %dma_wait3A_184 = arith.constant 0 : i32
      %dma_wait3A_185 = tpu.memref_slice %arg2[%dma_wait3A_183, %dma_wait3A_184] : memref<10000x128xf32, #tpu.memory_space<hbm>> -> memref<10000x128xf32, #tpu.memory_space<hbm>>
      tpu.wait_indirect_dma semaphore(%arg11 : memref<!tpu.dma_semaphore, #tpu.memory_space<semaphore_mem>>) src(%dma_wait3A_185 : memref<10000x128xf32, #tpu.memory_space<hbm>>) dst(%arg8 : memref<128x128xf32, #tpu.memory_space<vmem>>)
      %dma_start3A_186 = arith.constant 4 : i32
      %dma_start3A_187 = arith.constant 0 : i32
      %dma_start3A_188 = tpu.memref_slice %arg7[%dma_start3A_186, %dma_start3A_187] : memref<8x128xi32, #tpu.memory_space<vmem>> -> memref<1x128xi32, #tpu.memory_space<vmem>>
      %dma_start3A_189 = tpu.memref_squeeze %dma_start3A_188 : memref<1x128xi32, #tpu.memory_space<vmem>> -> memref<128xi32, #tpu.memory_space<vmem>>
      %dma_start3A_190 = arith.constant 0 : i32
      %dma_start3A_191 = arith.constant 0 : i32
      %dma_start3A_192 = tpu.memref_slice %arg10[%dma_start3A_190, %dma_start3A_191] : memref<10240x128xf32, #tpu.memory_space<vmem_shared>> -> memref<10240x128xf32, #tpu.memory_space<vmem_shared>>
      tpu.enqueue_indirect_dma source(%arg8 : memref<128x128xf32, #tpu.memory_space<vmem>>) target(%dma_start3A_192 : memref<10240x128xf32, #tpu.memory_space<vmem_shared>>) offsets(%dma_start3A_189 : memref<128xi32, #tpu.memory_space<vmem>>) semaphore(%arg13 : memref<!tpu.dma_semaphore, #tpu.memory_space<semaphore_mem>>) {add = true}
      %dma_wait3A_193 = arith.constant 4 : i32
      %dma_wait3A_194 = arith.constant 0 : i32
      %dma_wait3A_195 = tpu.memref_slice %arg7[%dma_wait3A_193, %dma_wait3A_194] : memref<8x128xi32, #tpu.memory_space<vmem>> -> memref<1x128xi32, #tpu.memory_space<vmem>>
      %dma_wait3A_196 = tpu.memref_squeeze %dma_wait3A_195 : memref<1x128xi32, #tpu.memory_space<vmem>> -> memref<128xi32, #tpu.memory_space<vmem>>
      %dma_wait3A_197 = arith.constant 0 : i32
      %dma_wait3A_198 = arith.constant 0 : i32
      %dma_wait3A_199 = tpu.memref_slice %arg10[%dma_wait3A_197, %dma_wait3A_198] : memref<10240x128xf32, #tpu.memory_space<vmem_shared>> -> memref<10240x128xf32, #tpu.memory_space<vmem_shared>>
      tpu.wait_indirect_dma semaphore(%arg13 : memref<!tpu.dma_semaphore, #tpu.memory_space<semaphore_mem>>) src(%arg8 : memref<128x128xf32, #tpu.memory_space<vmem>>) dst(%dma_wait3A_199 : memref<10240x128xf32, #tpu.memory_space<vmem_shared>>)
      %dma_start3A_200 = arith.constant 6 : i32
      %dma_start3A_201 = arith.constant 0 : i32
      %dma_start3A_202 = tpu.memref_slice %arg6[%dma_start3A_200, %dma_start3A_201] : memref<8x128xi32, #tpu.memory_space<vmem>> -> memref<1x128xi32, #tpu.memory_space<vmem>>
      %dma_start3A_203 = tpu.memref_squeeze %dma_start3A_202 : memref<1x128xi32, #tpu.memory_space<vmem>> -> memref<128xi32, #tpu.memory_space<vmem>>
      %dma_start3A_204 = arith.constant 0 : i32
      %dma_start3A_205 = arith.constant 0 : i32
      %dma_start3A_206 = tpu.memref_slice %arg2[%dma_start3A_204, %dma_start3A_205] : memref<10000x128xf32, #tpu.memory_space<hbm>> -> memref<10000x128xf32, #tpu.memory_space<hbm>>
      tpu.enqueue_indirect_dma source(%dma_start3A_206 : memref<10000x128xf32, #tpu.memory_space<hbm>>) target(%arg8 : memref<128x128xf32, #tpu.memory_space<vmem>>) offsets(%dma_start3A_203 : memref<128xi32, #tpu.memory_space<vmem>>) semaphore(%arg11 : memref<!tpu.dma_semaphore, #tpu.memory_space<semaphore_mem>>)
      %dma_wait3A_207 = arith.constant 5 : i32
      %dma_wait3A_208 = arith.constant 0 : i32
      %dma_wait3A_209 = tpu.memref_slice %arg6[%dma_wait3A_207, %dma_wait3A_208] : memref<8x128xi32, #tpu.memory_space<vmem>> -> memref<1x128xi32, #tpu.memory_space<vmem>>
      %dma_wait3A_210 = tpu.memref_squeeze %dma_wait3A_209 : memref<1x128xi32, #tpu.memory_space<vmem>> -> memref<128xi32, #tpu.memory_space<vmem>>
      %dma_wait3A_211 = arith.constant 0 : i32
      %dma_wait3A_212 = arith.constant 0 : i32
      %dma_wait3A_213 = tpu.memref_slice %arg2[%dma_wait3A_211, %dma_wait3A_212] : memref<10000x128xf32, #tpu.memory_space<hbm>> -> memref<10000x128xf32, #tpu.memory_space<hbm>>
      tpu.wait_indirect_dma semaphore(%arg12 : memref<!tpu.dma_semaphore, #tpu.memory_space<semaphore_mem>>) src(%dma_wait3A_213 : memref<10000x128xf32, #tpu.memory_space<hbm>>) dst(%arg9 : memref<128x128xf32, #tpu.memory_space<vmem>>)
      %dma_start3A_214 = arith.constant 5 : i32
      %dma_start3A_215 = arith.constant 0 : i32
      %dma_start3A_216 = tpu.memref_slice %arg7[%dma_start3A_214, %dma_start3A_215] : memref<8x128xi32, #tpu.memory_space<vmem>> -> memref<1x128xi32, #tpu.memory_space<vmem>>
      %dma_start3A_217 = tpu.memref_squeeze %dma_start3A_216 : memref<1x128xi32, #tpu.memory_space<vmem>> -> memref<128xi32, #tpu.memory_space<vmem>>
      %dma_start3A_218 = arith.constant 0 : i32
      %dma_start3A_219 = arith.constant 0 : i32
      %dma_start3A_220 = tpu.memref_slice %arg10[%dma_start3A_218, %dma_start3A_219] : memref<10240x128xf32, #tpu.memory_space<vmem_shared>> -> memref<10240x128xf32, #tpu.memory_space<vmem_shared>>
      tpu.enqueue_indirect_dma source(%arg9 : memref<128x128xf32, #tpu.memory_space<vmem>>) target(%dma_start3A_220 : memref<10240x128xf32, #tpu.memory_space<vmem_shared>>) offsets(%dma_start3A_217 : memref<128xi32, #tpu.memory_space<vmem>>) semaphore(%arg14 : memref<!tpu.dma_semaphore, #tpu.memory_space<semaphore_mem>>) {add = true}
      %dma_wait3A_221 = arith.constant 5 : i32
      %dma_wait3A_222 = arith.constant 0 : i32
      %dma_wait3A_223 = tpu.memref_slice %arg7[%dma_wait3A_221, %dma_wait3A_222] : memref<8x128xi32, #tpu.memory_space<vmem>> -> memref<1x128xi32, #tpu.memory_space<vmem>>
      %dma_wait3A_224 = tpu.memref_squeeze %dma_wait3A_223 : memref<1x128xi32, #tpu.memory_space<vmem>> -> memref<128xi32, #tpu.memory_space<vmem>>
      %dma_wait3A_225 = arith.constant 0 : i32
      %dma_wait3A_226 = arith.constant 0 : i32
      %dma_wait3A_227 = tpu.memref_slice %arg10[%dma_wait3A_225, %dma_wait3A_226] : memref<10240x128xf32, #tpu.memory_space<vmem_shared>> -> memref<10240x128xf32, #tpu.memory_space<vmem_shared>>
      tpu.wait_indirect_dma semaphore(%arg14 : memref<!tpu.dma_semaphore, #tpu.memory_space<semaphore_mem>>) src(%arg9 : memref<128x128xf32, #tpu.memory_space<vmem>>) dst(%dma_wait3A_227 : memref<10240x128xf32, #tpu.memory_space<vmem_shared>>)
      %dma_start3A_228 = arith.constant 7 : i32
      %dma_start3A_229 = arith.constant 0 : i32
      %dma_start3A_230 = tpu.memref_slice %arg6[%dma_start3A_228, %dma_start3A_229] : memref<8x128xi32, #tpu.memory_space<vmem>> -> memref<1x128xi32, #tpu.memory_space<vmem>>
      %dma_start3A_231 = tpu.memref_squeeze %dma_start3A_230 : memref<1x128xi32, #tpu.memory_space<vmem>> -> memref<128xi32, #tpu.memory_space<vmem>>
      %dma_start3A_232 = arith.constant 0 : i32
      %dma_start3A_233 = arith.constant 0 : i32
      %dma_start3A_234 = tpu.memref_slice %arg2[%dma_start3A_232, %dma_start3A_233] : memref<10000x128xf32, #tpu.memory_space<hbm>> -> memref<10000x128xf32, #tpu.memory_space<hbm>>
      tpu.enqueue_indirect_dma source(%dma_start3A_234 : memref<10000x128xf32, #tpu.memory_space<hbm>>) target(%arg9 : memref<128x128xf32, #tpu.memory_space<vmem>>) offsets(%dma_start3A_231 : memref<128xi32, #tpu.memory_space<vmem>>) semaphore(%arg12 : memref<!tpu.dma_semaphore, #tpu.memory_space<semaphore_mem>>)
      %dma_wait3A_235 = arith.constant 6 : i32
      %dma_wait3A_236 = arith.constant 0 : i32
      %dma_wait3A_237 = tpu.memref_slice %arg6[%dma_wait3A_235, %dma_wait3A_236] : memref<8x128xi32, #tpu.memory_space<vmem>> -> memref<1x128xi32, #tpu.memory_space<vmem>>
      %dma_wait3A_238 = tpu.memref_squeeze %dma_wait3A_237 : memref<1x128xi32, #tpu.memory_space<vmem>> -> memref<128xi32, #tpu.memory_space<vmem>>
      %dma_wait3A_239 = arith.constant 0 : i32
      %dma_wait3A_240 = arith.constant 0 : i32
      %dma_wait3A_241 = tpu.memref_slice %arg2[%dma_wait3A_239, %dma_wait3A_240] : memref<10000x128xf32, #tpu.memory_space<hbm>> -> memref<10000x128xf32, #tpu.memory_space<hbm>>
      tpu.wait_indirect_dma semaphore(%arg11 : memref<!tpu.dma_semaphore, #tpu.memory_space<semaphore_mem>>) src(%dma_wait3A_241 : memref<10000x128xf32, #tpu.memory_space<hbm>>) dst(%arg8 : memref<128x128xf32, #tpu.memory_space<vmem>>)
      %dma_start3A_242 = arith.constant 6 : i32
      %dma_start3A_243 = arith.constant 0 : i32
      %dma_start3A_244 = tpu.memref_slice %arg7[%dma_start3A_242, %dma_start3A_243] : memref<8x128xi32, #tpu.memory_space<vmem>> -> memref<1x128xi32, #tpu.memory_space<vmem>>
      %dma_start3A_245 = tpu.memref_squeeze %dma_start3A_244 : memref<1x128xi32, #tpu.memory_space<vmem>> -> memref<128xi32, #tpu.memory_space<vmem>>
      %dma_start3A_246 = arith.constant 0 : i32
      %dma_start3A_247 = arith.constant 0 : i32
      %dma_start3A_248 = tpu.memref_slice %arg10[%dma_start3A_246, %dma_start3A_247] : memref<10240x128xf32, #tpu.memory_space<vmem_shared>> -> memref<10240x128xf32, #tpu.memory_space<vmem_shared>>
      tpu.enqueue_indirect_dma source(%arg8 : memref<128x128xf32, #tpu.memory_space<vmem>>) target(%dma_start3A_248 : memref<10240x128xf32, #tpu.memory_space<vmem_shared>>) offsets(%dma_start3A_245 : memref<128xi32, #tpu.memory_space<vmem>>) semaphore(%arg13 : memref<!tpu.dma_semaphore, #tpu.memory_space<semaphore_mem>>) {add = true}
      %dma_wait3A_249 = arith.constant 7 : i32
      %dma_wait3A_250 = arith.constant 0 : i32
      %dma_wait3A_251 = tpu.memref_slice %arg6[%dma_wait3A_249, %dma_wait3A_250] : memref<8x128xi32, #tpu.memory_space<vmem>> -> memref<1x128xi32, #tpu.memory_space<vmem>>
      %dma_wait3A_252 = tpu.memref_squeeze %dma_wait3A_251 : memref<1x128xi32, #tpu.memory_space<vmem>> -> memref<128xi32, #tpu.memory_space<vmem>>
      %dma_wait3A_253 = arith.constant 0 : i32
      %dma_wait3A_254 = arith.constant 0 : i32
      %dma_wait3A_255 = tpu.memref_slice %arg2[%dma_wait3A_253, %dma_wait3A_254] : memref<10000x128xf32, #tpu.memory_space<hbm>> -> memref<10000x128xf32, #tpu.memory_space<hbm>>
      tpu.wait_indirect_dma semaphore(%arg12 : memref<!tpu.dma_semaphore, #tpu.memory_space<semaphore_mem>>) src(%dma_wait3A_255 : memref<10000x128xf32, #tpu.memory_space<hbm>>) dst(%arg9 : memref<128x128xf32, #tpu.memory_space<vmem>>)
      %dma_start3A_256 = arith.constant 7 : i32
      %dma_start3A_257 = arith.constant 0 : i32
      %dma_start3A_258 = tpu.memref_slice %arg7[%dma_start3A_256, %dma_start3A_257] : memref<8x128xi32, #tpu.memory_space<vmem>> -> memref<1x128xi32, #tpu.memory_space<vmem>>
      %dma_start3A_259 = tpu.memref_squeeze %dma_start3A_258 : memref<1x128xi32, #tpu.memory_space<vmem>> -> memref<128xi32, #tpu.memory_space<vmem>>
      %dma_start3A_260 = arith.constant 0 : i32
      %dma_start3A_261 = arith.constant 0 : i32
      %dma_start3A_262 = tpu.memref_slice %arg10[%dma_start3A_260, %dma_start3A_261] : memref<10240x128xf32, #tpu.memory_space<vmem_shared>> -> memref<10240x128xf32, #tpu.memory_space<vmem_shared>>
      tpu.enqueue_indirect_dma source(%arg9 : memref<128x128xf32, #tpu.memory_space<vmem>>) target(%dma_start3A_262 : memref<10240x128xf32, #tpu.memory_space<vmem_shared>>) offsets(%dma_start3A_259 : memref<128xi32, #tpu.memory_space<vmem>>) semaphore(%arg14 : memref<!tpu.dma_semaphore, #tpu.memory_space<semaphore_mem>>) {add = true}
      %dma_wait3A_263 = arith.constant 6 : i32
      %dma_wait3A_264 = arith.constant 0 : i32
      %dma_wait3A_265 = tpu.memref_slice %arg7[%dma_wait3A_263, %dma_wait3A_264] : memref<8x128xi32, #tpu.memory_space<vmem>> -> memref<1x128xi32, #tpu.memory_space<vmem>>
      %dma_wait3A_266 = tpu.memref_squeeze %dma_wait3A_265 : memref<1x128xi32, #tpu.memory_space<vmem>> -> memref<128xi32, #tpu.memory_space<vmem>>
      %dma_wait3A_267 = arith.constant 0 : i32
      %dma_wait3A_268 = arith.constant 0 : i32
      %dma_wait3A_269 = tpu.memref_slice %arg10[%dma_wait3A_267, %dma_wait3A_268] : memref<10240x128xf32, #tpu.memory_space<vmem_shared>> -> memref<10240x128xf32, #tpu.memory_space<vmem_shared>>
      tpu.wait_indirect_dma semaphore(%arg13 : memref<!tpu.dma_semaphore, #tpu.memory_space<semaphore_mem>>) src(%arg8 : memref<128x128xf32, #tpu.memory_space<vmem>>) dst(%dma_wait3A_269 : memref<10240x128xf32, #tpu.memory_space<vmem_shared>>)
      %dma_wait3A_270 = arith.constant 7 : i32
      %dma_wait3A_271 = arith.constant 0 : i32
      %dma_wait3A_272 = tpu.memref_slice %arg7[%dma_wait3A_270, %dma_wait3A_271] : memref<8x128xi32, #tpu.memory_space<vmem>> -> memref<1x128xi32, #tpu.memory_space<vmem>>
      %dma_wait3A_273 = tpu.memref_squeeze %dma_wait3A_272 : memref<1x128xi32, #tpu.memory_space<vmem>> -> memref<128xi32, #tpu.memory_space<vmem>>
      %dma_wait3A_274 = arith.constant 0 : i32
      %dma_wait3A_275 = arith.constant 0 : i32
      %dma_wait3A_276 = tpu.memref_slice %arg10[%dma_wait3A_274, %dma_wait3A_275] : memref<10240x128xf32, #tpu.memory_space<vmem_shared>> -> memref<10240x128xf32, #tpu.memory_space<vmem_shared>>
      tpu.wait_indirect_dma semaphore(%arg14 : memref<!tpu.dma_semaphore, #tpu.memory_space<semaphore_mem>>) src(%arg9 : memref<128x128xf32, #tpu.memory_space<vmem>>) dst(%dma_wait3A_276 : memref<10240x128xf32, #tpu.memory_space<vmem_shared>>)
    }
    %barrier3A_47 = arith.constant 0 : index
    tpu.barrier barrier_id(%barrier3A_47)
    %mul3A_48 = arith.constant 640 : i32
    %mul3A_49 = arith.muli %arg1, %mul3A_48 : i32
    %mul3A_50 = arith.constant 640 : i32
    %mul3A_51 = arith.muli %arg1, %mul3A_50 : i32
    "tpu.region"() ({
      %run_scoped3A = tpu.sem_alloc : memref<!tpu.dma_semaphore, #tpu.memory_space<semaphore_mem>>
      %dma_start3A = arith.constant 0 : i32
      %dma_start3A_52 = tpu.memref_slice %arg5[%arg0, %mul3A_51, %dma_start3A] : memref<2x10240x128xf32, #tpu.memory_space<hbm>> -> memref<1x640x128xf32, #tpu.memory_space<hbm>>
      %dma_start3A_53 = tpu.memref_squeeze %dma_start3A_52 : memref<1x640x128xf32, #tpu.memory_space<hbm>> -> memref<640x128xf32, #tpu.memory_space<hbm>>
      %dma_start3A_54 = arith.constant 0 : i32
      %dma_start3A_55 = tpu.memref_slice %arg10[%mul3A_49, %dma_start3A_54] : memref<10240x128xf32, #tpu.memory_space<vmem_shared>> -> memref<640x128xf32, #tpu.memory_space<vmem_shared>>
      tpu.enqueue_dma source(%dma_start3A_55 : memref<640x128xf32, #tpu.memory_space<vmem_shared>>) target(%dma_start3A_53 : memref<640x128xf32, #tpu.memory_space<hbm>>) target_semaphore(%run_scoped3A : memref<!tpu.dma_semaphore, #tpu.memory_space<semaphore_mem>>)
      %dma_wait3A = arith.constant 0 : i32
      %dma_wait3A_56 = tpu.memref_slice %arg5[%arg0, %mul3A_51, %dma_wait3A] : memref<2x10240x128xf32, #tpu.memory_space<hbm>> -> memref<1x640x128xf32, #tpu.memory_space<hbm>>
      %dma_wait3A_57 = tpu.memref_squeeze %dma_wait3A_56 : memref<1x640x128xf32, #tpu.memory_space<hbm>> -> memref<640x128xf32, #tpu.memory_space<hbm>>
      %dma_wait3A_58 = arith.constant 0 : i32
      %dma_wait3A_59 = tpu.memref_slice %arg10[%mul3A_49, %dma_wait3A_58] : memref<10240x128xf32, #tpu.memory_space<vmem_shared>> -> memref<640x128xf32, #tpu.memory_space<vmem_shared>>
      tpu.wait_dma2 semaphore(%run_scoped3A : memref<!tpu.dma_semaphore, #tpu.memory_space<semaphore_mem>>) src(%dma_wait3A_59 : memref<640x128xf32, #tpu.memory_space<vmem_shared>>) dst(%dma_wait3A_57 : memref<640x128xf32, #tpu.memory_space<hbm>>)
      tpu.yield
    }) : () -> ()
    return
  }
}

#map = affine_map<(d0, d1) -> (0, 0, 0)>
module attributes {stable_mosaic.version = 14 : i64} {
  func.func @_count_body(%arg0: i32, %arg1: i32, %arg2: memref<32x80x128xi32, #tpu.memory_space<hbm>>, %arg3: memref<32x80x128xf32, #tpu.memory_space<hbm>>, %arg4: memref<80x128xi32, #tpu.memory_space<vmem>>, %arg5: memref<640x128xf32, #tpu.memory_space<vmem>>) attributes {dimension_semantics = [#tpu.dimension_semantics<core_parallel>, #tpu.dimension_semantics<subcore_parallel>], iteration_bounds = array<i64: 2, 16>, scalar_prefetch = 0 : i64, scratch_operands = 2 : i64, tpu.core_type = #tpu.core_type<sc_vector_subcore>, window_params = [{transform_indices = #map}, {transform_indices = #map}]} {
    %mul3A = arith.constant 2 : i32
    %mul3A_0 = arith.muli %arg1, %mul3A : i32
    %add3A = arith.addi %mul3A_0, %arg0 : i32
    "tpu.region"() ({
      %run_scoped3A = tpu.sem_alloc : memref<!tpu.dma_semaphore, #tpu.memory_space<semaphore_mem>>
      %dma_start3A = arith.constant 0 : i32
      %dma_start3A_27 = arith.constant 0 : i32
      %dma_start3A_28 = tpu.memref_slice %arg2[%add3A, %dma_start3A, %dma_start3A_27] : memref<32x80x128xi32, #tpu.memory_space<hbm>> -> memref<1x80x128xi32, #tpu.memory_space<hbm>>
      %dma_start3A_29 = tpu.memref_squeeze %dma_start3A_28 : memref<1x80x128xi32, #tpu.memory_space<hbm>> -> memref<80x128xi32, #tpu.memory_space<hbm>>
      %dma_start3A_30 = arith.constant 0 : i32
      %dma_start3A_31 = arith.constant 0 : i32
      %dma_start3A_32 = tpu.memref_slice %arg2[%add3A, %dma_start3A_30, %dma_start3A_31] : memref<32x80x128xi32, #tpu.memory_space<hbm>> -> memref<1x80x128xi32, #tpu.memory_space<hbm>>
      %dma_start3A_33 = tpu.memref_squeeze %dma_start3A_32 : memref<1x80x128xi32, #tpu.memory_space<hbm>> -> memref<80x128xi32, #tpu.memory_space<hbm>>
      tpu.enqueue_dma source(%dma_start3A_33 : memref<80x128xi32, #tpu.memory_space<hbm>>) target(%arg4 : memref<80x128xi32, #tpu.memory_space<vmem>>) target_semaphore(%run_scoped3A : memref<!tpu.dma_semaphore, #tpu.memory_space<semaphore_mem>>)
      %dma_wait3A = arith.constant 0 : i32
      %dma_wait3A_34 = arith.constant 0 : i32
      %dma_wait3A_35 = tpu.memref_slice %arg2[%add3A, %dma_wait3A, %dma_wait3A_34] : memref<32x80x128xi32, #tpu.memory_space<hbm>> -> memref<1x80x128xi32, #tpu.memory_space<hbm>>
      %dma_wait3A_36 = tpu.memref_squeeze %dma_wait3A_35 : memref<1x80x128xi32, #tpu.memory_space<hbm>> -> memref<80x128xi32, #tpu.memory_space<hbm>>
      %dma_wait3A_37 = arith.constant 0 : i32
      %dma_wait3A_38 = arith.constant 0 : i32
      %dma_wait3A_39 = tpu.memref_slice %arg2[%add3A, %dma_wait3A_37, %dma_wait3A_38] : memref<32x80x128xi32, #tpu.memory_space<hbm>> -> memref<1x80x128xi32, #tpu.memory_space<hbm>>
      %dma_wait3A_40 = tpu.memref_squeeze %dma_wait3A_39 : memref<1x80x128xi32, #tpu.memory_space<hbm>> -> memref<80x128xi32, #tpu.memory_space<hbm>>
      tpu.wait_dma2 semaphore(%run_scoped3A : memref<!tpu.dma_semaphore, #tpu.memory_space<semaphore_mem>>) src(%dma_wait3A_40 : memref<80x128xi32, #tpu.memory_space<hbm>>) dst(%arg4 : memref<80x128xi32, #tpu.memory_space<vmem>>)
      tpu.yield
    }) : () -> ()
    %broadcast_in_dim3A = arith.constant 0.000000e+00 : f32
    %broadcast_in_dim3A_1 = vector.broadcast %broadcast_in_dim3A : f32 to vector<16xf32>
    %scan3A = arith.constant 0 : i32
    %scan3A_2 = arith.constant 0 : i32
    %scan3A_3 = arith.constant 640 : i32
    %scan3A_4 = arith.addi %scan3A_2, %scan3A_3 : i32
    %scan3A_5 = arith.constant 1 : i32
    scf.for %scan3A_27 = %scan3A_2 to %scan3A_4 step %scan3A_5  : i32 {
      %swap3A = arith.index_cast %scan3A_27 : i32 to index
      %swap3A_28 = arith.constant 0 : index
      %swap3A_29 = tpu.vector_load %arg5[%swap3A, %swap3A_28] {strides = array<i32>} : memref<640x128xf32, #tpu.memory_space<vmem>>, vector<16xf32>,
      tpu.vector_store %arg5[%swap3A, %swap3A_28], %broadcast_in_dim3A_1 {strides = array<i32>} : memref<640x128xf32, #tpu.memory_space<vmem>>, vector<16xf32>,
      %swap3A_30 = arith.index_cast %scan3A_27 : i32 to index
      %swap3A_31 = arith.constant 16 : index
      %swap3A_32 = tpu.vector_load %arg5[%swap3A_30, %swap3A_31] {strides = array<i32>} : memref<640x128xf32, #tpu.memory_space<vmem>>, vector<16xf32>,
      tpu.vector_store %arg5[%swap3A_30, %swap3A_31], %broadcast_in_dim3A_1 {strides = array<i32>} : memref<640x128xf32, #tpu.memory_space<vmem>>, vector<16xf32>,
      %swap3A_33 = arith.index_cast %scan3A_27 : i32 to index
      %swap3A_34 = arith.constant 32 : index
      %swap3A_35 = tpu.vector_load %arg5[%swap3A_33, %swap3A_34] {strides = array<i32>} : memref<640x128xf32, #tpu.memory_space<vmem>>, vector<16xf32>,
      tpu.vector_store %arg5[%swap3A_33, %swap3A_34], %broadcast_in_dim3A_1 {strides = array<i32>} : memref<640x128xf32, #tpu.memory_space<vmem>>, vector<16xf32>,
      %swap3A_36 = arith.index_cast %scan3A_27 : i32 to index
      %swap3A_37 = arith.constant 48 : index
      %swap3A_38 = tpu.vector_load %arg5[%swap3A_36, %swap3A_37] {strides = array<i32>} : memref<640x128xf32, #tpu.memory_space<vmem>>, vector<16xf32>,
      tpu.vector_store %arg5[%swap3A_36, %swap3A_37], %broadcast_in_dim3A_1 {strides = array<i32>} : memref<640x128xf32, #tpu.memory_space<vmem>>, vector<16xf32>,
      %swap3A_39 = arith.index_cast %scan3A_27 : i32 to index
      %swap3A_40 = arith.constant 64 : index
      %swap3A_41 = tpu.vector_load %arg5[%swap3A_39, %swap3A_40] {strides = array<i32>} : memref<640x128xf32, #tpu.memory_space<vmem>>, vector<16xf32>,
      tpu.vector_store %arg5[%swap3A_39, %swap3A_40], %broadcast_in_dim3A_1 {strides = array<i32>} : memref<640x128xf32, #tpu.memory_space<vmem>>, vector<16xf32>,
      %swap3A_42 = arith.index_cast %scan3A_27 : i32 to index
      %swap3A_43 = arith.constant 80 : index
      %swap3A_44 = tpu.vector_load %arg5[%swap3A_42, %swap3A_43] {strides = array<i32>} : memref<640x128xf32, #tpu.memory_space<vmem>>, vector<16xf32>,
      tpu.vector_store %arg5[%swap3A_42, %swap3A_43], %broadcast_in_dim3A_1 {strides = array<i32>} : memref<640x128xf32, #tpu.memory_space<vmem>>, vector<16xf32>,
      %swap3A_45 = arith.index_cast %scan3A_27 : i32 to index
      %swap3A_46 = arith.constant 96 : index
      %swap3A_47 = tpu.vector_load %arg5[%swap3A_45, %swap3A_46] {strides = array<i32>} : memref<640x128xf32, #tpu.memory_space<vmem>>, vector<16xf32>,
      tpu.vector_store %arg5[%swap3A_45, %swap3A_46], %broadcast_in_dim3A_1 {strides = array<i32>} : memref<640x128xf32, #tpu.memory_space<vmem>>, vector<16xf32>,
      %swap3A_48 = arith.index_cast %scan3A_27 : i32 to index
      %swap3A_49 = arith.constant 112 : index
      %swap3A_50 = tpu.vector_load %arg5[%swap3A_48, %swap3A_49] {strides = array<i32>} : memref<640x128xf32, #tpu.memory_space<vmem>>, vector<16xf32>,
      tpu.vector_store %arg5[%swap3A_48, %swap3A_49], %broadcast_in_dim3A_1 {strides = array<i32>} : memref<640x128xf32, #tpu.memory_space<vmem>>, vector<16xf32>,
    }
    %scan3A_6 = arith.constant 640 : i32
    %iota3A = tpu.iota {dimensions = array<i32: 0>} : vector<16xi32>
    %and3A = arith.constant 7 : i32
    %and3A_7 = vector.broadcast %and3A : i32 to vector<16xi32>
    %and3A_8 = arith.andi %iota3A, %and3A_7 : vector<16xi32>
    %lt3A = arith.constant 8 : i32
    %lt3A_9 = vector.broadcast %lt3A : i32 to vector<16xi32>
    %lt3A_10 = arith.cmpi slt, %iota3A, %lt3A_9 : vector<16xi32>
    %ge3A = arith.constant 8 : i32
    %ge3A_11 = vector.broadcast %ge3A : i32 to vector<16xi32>
    %ge3A_12 = arith.cmpi sge, %iota3A, %ge3A_11 : vector<16xi32>
    %broadcast_in_dim3A_13 = arith.constant 1.000000e+00 : f32
    %broadcast_in_dim3A_14 = vector.broadcast %broadcast_in_dim3A_13 : f32 to vector<16xf32>
    %scan3A_15 = arith.constant 0 : i32
    %scan3A_16 = arith.constant 0 : i32
    %scan3A_17 = arith.constant 80 : i32
    %scan3A_18 = arith.addi %scan3A_16, %scan3A_17 : i32
    %scan3A_19 = arith.constant 1 : i32
    scf.for %scan3A_27 = %scan3A_16 to %scan3A_18 step %scan3A_19  : i32 {
      %get3A = arith.index_cast %scan3A_27 : i32 to index
      %get3A_28 = arith.constant 0 : index
      %get3A_29 = tpu.vector_load %arg4[%get3A, %get3A_28] {strides = array<i32>} : memref<80x128xi32, #tpu.memory_space<vmem>>, vector<16xi32>,
      %mul3A_30 = arith.constant 80 : i32
      %mul3A_31 = vector.broadcast %mul3A_30 : i32 to vector<16xi32>
      %mul3A_32 = arith.muli %and3A_8, %mul3A_31 : vector<16xi32>
      %shift_right_logical3A = arith.constant 7 : i32
      %shift_right_logical3A_33 = vector.broadcast %shift_right_logical3A : i32 to vector<16xi32>
      %shift_right_logical3A_34 = arith.shrui %get3A_29, %shift_right_logical3A_33 : vector<16xi32>
      %add3A_35 = arith.addi %mul3A_32, %shift_right_logical3A_34 : vector<16xi32>
      %and3A_36 = arith.constant 127 : i32
      %and3A_37 = vector.broadcast %and3A_36 : i32 to vector<16xi32>
      %and3A_38 = arith.andi %get3A_29, %and3A_37 : vector<16xi32>
      tpu.vector_store_idx %arg5[%add3A_35, %and3A_38], %broadcast_in_dim3A_14 masked %lt3A_10 {add = true} : memref<640x128xf32, #tpu.memory_space<vmem>>[vector<16xi32>, vector<16xi32>], vector<16xf32>, vector<16xi1>
      tpu.vector_store_idx %arg5[%add3A_35, %and3A_38], %broadcast_in_dim3A_14 masked %ge3A_12 {add = true} : memref<640x128xf32, #tpu.memory_space<vmem>>[vector<16xi32>, vector<16xi32>], vector<16xf32>, vector<16xi1>
      %get3A_39 = arith.index_cast %scan3A_27 : i32 to index
      %get3A_40 = arith.constant 16 : index
      %get3A_41 = tpu.vector_load %arg4[%get3A_39, %get3A_40] {strides = array<i32>} : memref<80x128xi32, #tpu.memory_space<vmem>>, vector<16xi32>,
      %mul3A_42 = arith.constant 80 : i32
      %mul3A_43 = vector.broadcast %mul3A_42 : i32 to vector<16xi32>
      %mul3A_44 = arith.muli %and3A_8, %mul3A_43 : vector<16xi32>
      %shift_right_logical3A_45 = arith.constant 7 : i32
      %shift_right_logical3A_46 = vector.broadcast %shift_right_logical3A_45 : i32 to vector<16xi32>
      %shift_right_logical3A_47 = arith.shrui %get3A_41, %shift_right_logical3A_46 : vector<16xi32>
      %add3A_48 = arith.addi %mul3A_44, %shift_right_logical3A_47 : vector<16xi32>
      %and3A_49 = arith.constant 127 : i32
      %and3A_50 = vector.broadcast %and3A_49 : i32 to vector<16xi32>
      %and3A_51 = arith.andi %get3A_41, %and3A_50 : vector<16xi32>
      tpu.vector_store_idx %arg5[%add3A_48, %and3A_51], %broadcast_in_dim3A_14 masked %lt3A_10 {add = true} : memref<640x128xf32, #tpu.memory_space<vmem>>[vector<16xi32>, vector<16xi32>], vector<16xf32>, vector<16xi1>
      tpu.vector_store_idx %arg5[%add3A_48, %and3A_51], %broadcast_in_dim3A_14 masked %ge3A_12 {add = true} : memref<640x128xf32, #tpu.memory_space<vmem>>[vector<16xi32>, vector<16xi32>], vector<16xf32>, vector<16xi1>
      %get3A_52 = arith.index_cast %scan3A_27 : i32 to index
      %get3A_53 = arith.constant 32 : index
      %get3A_54 = tpu.vector_load %arg4[%get3A_52, %get3A_53] {strides = array<i32>} : memref<80x128xi32, #tpu.memory_space<vmem>>, vector<16xi32>,
      %mul3A_55 = arith.constant 80 : i32
      %mul3A_56 = vector.broadcast %mul3A_55 : i32 to vector<16xi32>
      %mul3A_57 = arith.muli %and3A_8, %mul3A_56 : vector<16xi32>
      %shift_right_logical3A_58 = arith.constant 7 : i32
      %shift_right_logical3A_59 = vector.broadcast %shift_right_logical3A_58 : i32 to vector<16xi32>
      %shift_right_logical3A_60 = arith.shrui %get3A_54, %shift_right_logical3A_59 : vector<16xi32>
      %add3A_61 = arith.addi %mul3A_57, %shift_right_logical3A_60 : vector<16xi32>
      %and3A_62 = arith.constant 127 : i32
      %and3A_63 = vector.broadcast %and3A_62 : i32 to vector<16xi32>
      %and3A_64 = arith.andi %get3A_54, %and3A_63 : vector<16xi32>
      tpu.vector_store_idx %arg5[%add3A_61, %and3A_64], %broadcast_in_dim3A_14 masked %lt3A_10 {add = true} : memref<640x128xf32, #tpu.memory_space<vmem>>[vector<16xi32>, vector<16xi32>], vector<16xf32>, vector<16xi1>
      tpu.vector_store_idx %arg5[%add3A_61, %and3A_64], %broadcast_in_dim3A_14 masked %ge3A_12 {add = true} : memref<640x128xf32, #tpu.memory_space<vmem>>[vector<16xi32>, vector<16xi32>], vector<16xf32>, vector<16xi1>
      %get3A_65 = arith.index_cast %scan3A_27 : i32 to index
      %get3A_66 = arith.constant 48 : index
      %get3A_67 = tpu.vector_load %arg4[%get3A_65, %get3A_66] {strides = array<i32>} : memref<80x128xi32, #tpu.memory_space<vmem>>, vector<16xi32>,
      %mul3A_68 = arith.constant 80 : i32
      %mul3A_69 = vector.broadcast %mul3A_68 : i32 to vector<16xi32>
      %mul3A_70 = arith.muli %and3A_8, %mul3A_69 : vector<16xi32>
      %shift_right_logical3A_71 = arith.constant 7 : i32
      %shift_right_logical3A_72 = vector.broadcast %shift_right_logical3A_71 : i32 to vector<16xi32>
      %shift_right_logical3A_73 = arith.shrui %get3A_67, %shift_right_logical3A_72 : vector<16xi32>
      %add3A_74 = arith.addi %mul3A_70, %shift_right_logical3A_73 : vector<16xi32>
      %and3A_75 = arith.constant 127 : i32
      %and3A_76 = vector.broadcast %and3A_75 : i32 to vector<16xi32>
      %and3A_77 = arith.andi %get3A_67, %and3A_76 : vector<16xi32>
      tpu.vector_store_idx %arg5[%add3A_74, %and3A_77], %broadcast_in_dim3A_14 masked %lt3A_10 {add = true} : memref<640x128xf32, #tpu.memory_space<vmem>>[vector<16xi32>, vector<16xi32>], vector<16xf32>, vector<16xi1>
      tpu.vector_store_idx %arg5[%add3A_74, %and3A_77], %broadcast_in_dim3A_14 masked %ge3A_12 {add = true} : memref<640x128xf32, #tpu.memory_space<vmem>>[vector<16xi32>, vector<16xi32>], vector<16xf32>, vector<16xi1>
      %get3A_78 = arith.index_cast %scan3A_27 : i32 to index
      %get3A_79 = arith.constant 64 : index
      %get3A_80 = tpu.vector_load %arg4[%get3A_78, %get3A_79] {strides = array<i32>} : memref<80x128xi32, #tpu.memory_space<vmem>>, vector<16xi32>,
      %mul3A_81 = arith.constant 80 : i32
      %mul3A_82 = vector.broadcast %mul3A_81 : i32 to vector<16xi32>
      %mul3A_83 = arith.muli %and3A_8, %mul3A_82 : vector<16xi32>
      %shift_right_logical3A_84 = arith.constant 7 : i32
      %shift_right_logical3A_85 = vector.broadcast %shift_right_logical3A_84 : i32 to vector<16xi32>
      %shift_right_logical3A_86 = arith.shrui %get3A_80, %shift_right_logical3A_85 : vector<16xi32>
      %add3A_87 = arith.addi %mul3A_83, %shift_right_logical3A_86 : vector<16xi32>
      %and3A_88 = arith.constant 127 : i32
      %and3A_89 = vector.broadcast %and3A_88 : i32 to vector<16xi32>
      %and3A_90 = arith.andi %get3A_80, %and3A_89 : vector<16xi32>
      tpu.vector_store_idx %arg5[%add3A_87, %and3A_90], %broadcast_in_dim3A_14 masked %lt3A_10 {add = true} : memref<640x128xf32, #tpu.memory_space<vmem>>[vector<16xi32>, vector<16xi32>], vector<16xf32>, vector<16xi1>
      tpu.vector_store_idx %arg5[%add3A_87, %and3A_90], %broadcast_in_dim3A_14 masked %ge3A_12 {add = true} : memref<640x128xf32, #tpu.memory_space<vmem>>[vector<16xi32>, vector<16xi32>], vector<16xf32>, vector<16xi1>
      %get3A_91 = arith.index_cast %scan3A_27 : i32 to index
      %get3A_92 = arith.constant 80 : index
      %get3A_93 = tpu.vector_load %arg4[%get3A_91, %get3A_92] {strides = array<i32>} : memref<80x128xi32, #tpu.memory_space<vmem>>, vector<16xi32>,
      %mul3A_94 = arith.constant 80 : i32
      %mul3A_95 = vector.broadcast %mul3A_94 : i32 to vector<16xi32>
      %mul3A_96 = arith.muli %and3A_8, %mul3A_95 : vector<16xi32>
      %shift_right_logical3A_97 = arith.constant 7 : i32
      %shift_right_logical3A_98 = vector.broadcast %shift_right_logical3A_97 : i32 to vector<16xi32>
      %shift_right_logical3A_99 = arith.shrui %get3A_93, %shift_right_logical3A_98 : vector<16xi32>
      %add3A_100 = arith.addi %mul3A_96, %shift_right_logical3A_99 : vector<16xi32>
      %and3A_101 = arith.constant 127 : i32
      %and3A_102 = vector.broadcast %and3A_101 : i32 to vector<16xi32>
      %and3A_103 = arith.andi %get3A_93, %and3A_102 : vector<16xi32>
      tpu.vector_store_idx %arg5[%add3A_100, %and3A_103], %broadcast_in_dim3A_14 masked %lt3A_10 {add = true} : memref<640x128xf32, #tpu.memory_space<vmem>>[vector<16xi32>, vector<16xi32>], vector<16xf32>, vector<16xi1>
      tpu.vector_store_idx %arg5[%add3A_100, %and3A_103], %broadcast_in_dim3A_14 masked %ge3A_12 {add = true} : memref<640x128xf32, #tpu.memory_space<vmem>>[vector<16xi32>, vector<16xi32>], vector<16xf32>, vector<16xi1>
      %get3A_104 = arith.index_cast %scan3A_27 : i32 to index
      %get3A_105 = arith.constant 96 : index
      %get3A_106 = tpu.vector_load %arg4[%get3A_104, %get3A_105] {strides = array<i32>} : memref<80x128xi32, #tpu.memory_space<vmem>>, vector<16xi32>,
      %mul3A_107 = arith.constant 80 : i32
      %mul3A_108 = vector.broadcast %mul3A_107 : i32 to vector<16xi32>
      %mul3A_109 = arith.muli %and3A_8, %mul3A_108 : vector<16xi32>
      %shift_right_logical3A_110 = arith.constant 7 : i32
      %shift_right_logical3A_111 = vector.broadcast %shift_right_logical3A_110 : i32 to vector<16xi32>
      %shift_right_logical3A_112 = arith.shrui %get3A_106, %shift_right_logical3A_111 : vector<16xi32>
      %add3A_113 = arith.addi %mul3A_109, %shift_right_logical3A_112 : vector<16xi32>
      %and3A_114 = arith.constant 127 : i32
      %and3A_115 = vector.broadcast %and3A_114 : i32 to vector<16xi32>
      %and3A_116 = arith.andi %get3A_106, %and3A_115 : vector<16xi32>
      tpu.vector_store_idx %arg5[%add3A_113, %and3A_116], %broadcast_in_dim3A_14 masked %lt3A_10 {add = true} : memref<640x128xf32, #tpu.memory_space<vmem>>[vector<16xi32>, vector<16xi32>], vector<16xf32>, vector<16xi1>
      tpu.vector_store_idx %arg5[%add3A_113, %and3A_116], %broadcast_in_dim3A_14 masked %ge3A_12 {add = true} : memref<640x128xf32, #tpu.memory_space<vmem>>[vector<16xi32>, vector<16xi32>], vector<16xf32>, vector<16xi1>
      %get3A_117 = arith.index_cast %scan3A_27 : i32 to index
      %get3A_118 = arith.constant 112 : index
      %get3A_119 = tpu.vector_load %arg4[%get3A_117, %get3A_118] {strides = array<i32>} : memref<80x128xi32, #tpu.memory_space<vmem>>, vector<16xi32>,
      %mul3A_120 = arith.constant 80 : i32
      %mul3A_121 = vector.broadcast %mul3A_120 : i32 to vector<16xi32>
      %mul3A_122 = arith.muli %and3A_8, %mul3A_121 : vector<16xi32>
      %shift_right_logical3A_123 = arith.constant 7 : i32
      %shift_right_logical3A_124 = vector.broadcast %shift_right_logical3A_123 : i32 to vector<16xi32>
      %shift_right_logical3A_125 = arith.shrui %get3A_119, %shift_right_logical3A_124 : vector<16xi32>
      %add3A_126 = arith.addi %mul3A_122, %shift_right_logical3A_125 : vector<16xi32>
      %and3A_127 = arith.constant 127 : i32
      %and3A_128 = vector.broadcast %and3A_127 : i32 to vector<16xi32>
      %and3A_129 = arith.andi %get3A_119, %and3A_128 : vector<16xi32>
      tpu.vector_store_idx %arg5[%add3A_126, %and3A_129], %broadcast_in_dim3A_14 masked %lt3A_10 {add = true} : memref<640x128xf32, #tpu.memory_space<vmem>>[vector<16xi32>, vector<16xi32>], vector<16xf32>, vector<16xi1>
      tpu.vector_store_idx %arg5[%add3A_126, %and3A_129], %broadcast_in_dim3A_14 masked %ge3A_12 {add = true} : memref<640x128xf32, #tpu.memory_space<vmem>>[vector<16xi32>, vector<16xi32>], vector<16xf32>, vector<16xi1>
    }
    %scan3A_20 = arith.constant 80 : i32
    %scan3A_21 = arith.constant 0 : i32
    %scan3A_22 = arith.constant 0 : i32
    %scan3A_23 = arith.constant 80 : i32
    %scan3A_24 = arith.addi %scan3A_22, %scan3A_23 : i32
    %scan3A_25 = arith.constant 1 : i32
    scf.for %scan3A_27 = %scan3A_22 to %scan3A_24 step %scan3A_25  : i32 {
      %get3A = arith.index_cast %scan3A_27 : i32 to index
      %get3A_28 = arith.constant 0 : index
      %get3A_29 = tpu.vector_load %arg5[%get3A, %get3A_28] {strides = array<i32>} : memref<640x128xf32, #tpu.memory_space<vmem>>, vector<16xf32>,
      %add3A_30 = arith.constant 80 : i32
      %add3A_31 = arith.addi %add3A_30, %scan3A_27 : i32
      %get3A_32 = arith.index_cast %add3A_31 : i32 to index
      %get3A_33 = arith.constant 0 : index
      %get3A_34 = tpu.vector_load %arg5[%get3A_32, %get3A_33] {strides = array<i32>} : memref<640x128xf32, #tpu.memory_space<vmem>>, vector<16xf32>,
      %add3A_35 = arith.addf %get3A_29, %get3A_34 : vector<16xf32>
      %add3A_36 = arith.constant 160 : i32
      %add3A_37 = arith.addi %add3A_36, %scan3A_27 : i32
      %get3A_38 = arith.index_cast %add3A_37 : i32 to index
      %get3A_39 = arith.constant 0 : index
      %get3A_40 = tpu.vector_load %arg5[%get3A_38, %get3A_39] {strides = array<i32>} : memref<640x128xf32, #tpu.memory_space<vmem>>, vector<16xf32>,
      %add3A_41 = arith.addf %add3A_35, %get3A_40 : vector<16xf32>
      %add3A_42 = arith.constant 240 : i32
      %add3A_43 = arith.addi %add3A_42, %scan3A_27 : i32
      %get3A_44 = arith.index_cast %add3A_43 : i32 to index
      %get3A_45 = arith.constant 0 : index
      %get3A_46 = tpu.vector_load %arg5[%get3A_44, %get3A_45] {strides = array<i32>} : memref<640x128xf32, #tpu.memory_space<vmem>>, vector<16xf32>,
      %add3A_47 = arith.addf %add3A_41, %get3A_46 : vector<16xf32>
      %add3A_48 = arith.constant 320 : i32
      %add3A_49 = arith.addi %add3A_48, %scan3A_27 : i32
      %get3A_50 = arith.index_cast %add3A_49 : i32 to index
      %get3A_51 = arith.constant 0 : index
      %get3A_52 = tpu.vector_load %arg5[%get3A_50, %get3A_51] {strides = array<i32>} : memref<640x128xf32, #tpu.memory_space<vmem>>, vector<16xf32>,
      %add3A_53 = arith.addf %add3A_47, %get3A_52 : vector<16xf32>
      %add3A_54 = arith.constant 400 : i32
      %add3A_55 = arith.addi %add3A_54, %scan3A_27 : i32
      %get3A_56 = arith.index_cast %add3A_55 : i32 to index
      %get3A_57 = arith.constant 0 : index
      %get3A_58 = tpu.vector_load %arg5[%get3A_56, %get3A_57] {strides = array<i32>} : memref<640x128xf32, #tpu.memory_space<vmem>>, vector<16xf32>,
      %add3A_59 = arith.addf %add3A_53, %get3A_58 : vector<16xf32>
      %add3A_60 = arith.constant 480 : i32
      %add3A_61 = arith.addi %add3A_60, %scan3A_27 : i32
      %get3A_62 = arith.index_cast %add3A_61 : i32 to index
      %get3A_63 = arith.constant 0 : index
      %get3A_64 = tpu.vector_load %arg5[%get3A_62, %get3A_63] {strides = array<i32>} : memref<640x128xf32, #tpu.memory_space<vmem>>, vector<16xf32>,
      %add3A_65 = arith.addf %add3A_59, %get3A_64 : vector<16xf32>
      %add3A_66 = arith.constant 560 : i32
      %add3A_67 = arith.addi %add3A_66, %scan3A_27 : i32
      %get3A_68 = arith.index_cast %add3A_67 : i32 to index
      %get3A_69 = arith.constant 0 : index
      %get3A_70 = tpu.vector_load %arg5[%get3A_68, %get3A_69] {strides = array<i32>} : memref<640x128xf32, #tpu.memory_space<vmem>>, vector<16xf32>,
      %add3A_71 = arith.addf %add3A_65, %get3A_70 : vector<16xf32>
      %swap3A = arith.index_cast %scan3A_27 : i32 to index
      %swap3A_72 = arith.constant 0 : index
      %swap3A_73 = tpu.vector_load %arg5[%swap3A, %swap3A_72] {strides = array<i32>} : memref<640x128xf32, #tpu.memory_space<vmem>>, vector<16xf32>,
      tpu.vector_store %arg5[%swap3A, %swap3A_72], %add3A_71 {strides = array<i32>} : memref<640x128xf32, #tpu.memory_space<vmem>>, vector<16xf32>,
      %get3A_74 = arith.index_cast %scan3A_27 : i32 to index
      %get3A_75 = arith.constant 16 : index
      %get3A_76 = tpu.vector_load %arg5[%get3A_74, %get3A_75] {strides = array<i32>} : memref<640x128xf32, #tpu.memory_space<vmem>>, vector<16xf32>,
      %add3A_77 = arith.constant 80 : i32
      %add3A_78 = arith.addi %add3A_77, %scan3A_27 : i32
      %get3A_79 = arith.index_cast %add3A_78 : i32 to index
      %get3A_80 = arith.constant 16 : index
      %get3A_81 = tpu.vector_load %arg5[%get3A_79, %get3A_80] {strides = array<i32>} : memref<640x128xf32, #tpu.memory_space<vmem>>, vector<16xf32>,
      %add3A_82 = arith.addf %get3A_76, %get3A_81 : vector<16xf32>
      %add3A_83 = arith.constant 160 : i32
      %add3A_84 = arith.addi %add3A_83, %scan3A_27 : i32
      %get3A_85 = arith.index_cast %add3A_84 : i32 to index
      %get3A_86 = arith.constant 16 : index
      %get3A_87 = tpu.vector_load %arg5[%get3A_85, %get3A_86] {strides = array<i32>} : memref<640x128xf32, #tpu.memory_space<vmem>>, vector<16xf32>,
      %add3A_88 = arith.addf %add3A_82, %get3A_87 : vector<16xf32>
      %add3A_89 = arith.constant 240 : i32
      %add3A_90 = arith.addi %add3A_89, %scan3A_27 : i32
      %get3A_91 = arith.index_cast %add3A_90 : i32 to index
      %get3A_92 = arith.constant 16 : index
      %get3A_93 = tpu.vector_load %arg5[%get3A_91, %get3A_92] {strides = array<i32>} : memref<640x128xf32, #tpu.memory_space<vmem>>, vector<16xf32>,
      %add3A_94 = arith.addf %add3A_88, %get3A_93 : vector<16xf32>
      %add3A_95 = arith.constant 320 : i32
      %add3A_96 = arith.addi %add3A_95, %scan3A_27 : i32
      %get3A_97 = arith.index_cast %add3A_96 : i32 to index
      %get3A_98 = arith.constant 16 : index
      %get3A_99 = tpu.vector_load %arg5[%get3A_97, %get3A_98] {strides = array<i32>} : memref<640x128xf32, #tpu.memory_space<vmem>>, vector<16xf32>,
      %add3A_100 = arith.addf %add3A_94, %get3A_99 : vector<16xf32>
      %add3A_101 = arith.constant 400 : i32
      %add3A_102 = arith.addi %add3A_101, %scan3A_27 : i32
      %get3A_103 = arith.index_cast %add3A_102 : i32 to index
      %get3A_104 = arith.constant 16 : index
      %get3A_105 = tpu.vector_load %arg5[%get3A_103, %get3A_104] {strides = array<i32>} : memref<640x128xf32, #tpu.memory_space<vmem>>, vector<16xf32>,
      %add3A_106 = arith.addf %add3A_100, %get3A_105 : vector<16xf32>
      %add3A_107 = arith.constant 480 : i32
      %add3A_108 = arith.addi %add3A_107, %scan3A_27 : i32
      %get3A_109 = arith.index_cast %add3A_108 : i32 to index
      %get3A_110 = arith.constant 16 : index
      %get3A_111 = tpu.vector_load %arg5[%get3A_109, %get3A_110] {strides = array<i32>} : memref<640x128xf32, #tpu.memory_space<vmem>>, vector<16xf32>,
      %add3A_112 = arith.addf %add3A_106, %get3A_111 : vector<16xf32>
      %add3A_113 = arith.constant 560 : i32
      %add3A_114 = arith.addi %add3A_113, %scan3A_27 : i32
      %get3A_115 = arith.index_cast %add3A_114 : i32 to index
      %get3A_116 = arith.constant 16 : index
      %get3A_117 = tpu.vector_load %arg5[%get3A_115, %get3A_116] {strides = array<i32>} : memref<640x128xf32, #tpu.memory_space<vmem>>, vector<16xf32>,
      %add3A_118 = arith.addf %add3A_112, %get3A_117 : vector<16xf32>
      %swap3A_119 = arith.index_cast %scan3A_27 : i32 to index
      %swap3A_120 = arith.constant 16 : index
      %swap3A_121 = tpu.vector_load %arg5[%swap3A_119, %swap3A_120] {strides = array<i32>} : memref<640x128xf32, #tpu.memory_space<vmem>>, vector<16xf32>,
      tpu.vector_store %arg5[%swap3A_119, %swap3A_120], %add3A_118 {strides = array<i32>} : memref<640x128xf32, #tpu.memory_space<vmem>>, vector<16xf32>,
      %get3A_122 = arith.index_cast %scan3A_27 : i32 to index
      %get3A_123 = arith.constant 32 : index
      %get3A_124 = tpu.vector_load %arg5[%get3A_122, %get3A_123] {strides = array<i32>} : memref<640x128xf32, #tpu.memory_space<vmem>>, vector<16xf32>,
      %add3A_125 = arith.constant 80 : i32
      %add3A_126 = arith.addi %add3A_125, %scan3A_27 : i32
      %get3A_127 = arith.index_cast %add3A_126 : i32 to index
      %get3A_128 = arith.constant 32 : index
      %get3A_129 = tpu.vector_load %arg5[%get3A_127, %get3A_128] {strides = array<i32>} : memref<640x128xf32, #tpu.memory_space<vmem>>, vector<16xf32>,
      %add3A_130 = arith.addf %get3A_124, %get3A_129 : vector<16xf32>
      %add3A_131 = arith.constant 160 : i32
      %add3A_132 = arith.addi %add3A_131, %scan3A_27 : i32
      %get3A_133 = arith.index_cast %add3A_132 : i32 to index
      %get3A_134 = arith.constant 32 : index
      %get3A_135 = tpu.vector_load %arg5[%get3A_133, %get3A_134] {strides = array<i32>} : memref<640x128xf32, #tpu.memory_space<vmem>>, vector<16xf32>,
      %add3A_136 = arith.addf %add3A_130, %get3A_135 : vector<16xf32>
      %add3A_137 = arith.constant 240 : i32
      %add3A_138 = arith.addi %add3A_137, %scan3A_27 : i32
      %get3A_139 = arith.index_cast %add3A_138 : i32 to index
      %get3A_140 = arith.constant 32 : index
      %get3A_141 = tpu.vector_load %arg5[%get3A_139, %get3A_140] {strides = array<i32>} : memref<640x128xf32, #tpu.memory_space<vmem>>, vector<16xf32>,
      %add3A_142 = arith.addf %add3A_136, %get3A_141 : vector<16xf32>
      %add3A_143 = arith.constant 320 : i32
      %add3A_144 = arith.addi %add3A_143, %scan3A_27 : i32
      %get3A_145 = arith.index_cast %add3A_144 : i32 to index
      %get3A_146 = arith.constant 32 : index
      %get3A_147 = tpu.vector_load %arg5[%get3A_145, %get3A_146] {strides = array<i32>} : memref<640x128xf32, #tpu.memory_space<vmem>>, vector<16xf32>,
      %add3A_148 = arith.addf %add3A_142, %get3A_147 : vector<16xf32>
      %add3A_149 = arith.constant 400 : i32
      %add3A_150 = arith.addi %add3A_149, %scan3A_27 : i32
      %get3A_151 = arith.index_cast %add3A_150 : i32 to index
      %get3A_152 = arith.constant 32 : index
      %get3A_153 = tpu.vector_load %arg5[%get3A_151, %get3A_152] {strides = array<i32>} : memref<640x128xf32, #tpu.memory_space<vmem>>, vector<16xf32>,
      %add3A_154 = arith.addf %add3A_148, %get3A_153 : vector<16xf32>
      %add3A_155 = arith.constant 480 : i32
      %add3A_156 = arith.addi %add3A_155, %scan3A_27 : i32
      %get3A_157 = arith.index_cast %add3A_156 : i32 to index
      %get3A_158 = arith.constant 32 : index
      %get3A_159 = tpu.vector_load %arg5[%get3A_157, %get3A_158] {strides = array<i32>} : memref<640x128xf32, #tpu.memory_space<vmem>>, vector<16xf32>,
      %add3A_160 = arith.addf %add3A_154, %get3A_159 : vector<16xf32>
      %add3A_161 = arith.constant 560 : i32
      %add3A_162 = arith.addi %add3A_161, %scan3A_27 : i32
      %get3A_163 = arith.index_cast %add3A_162 : i32 to index
      %get3A_164 = arith.constant 32 : index
      %get3A_165 = tpu.vector_load %arg5[%get3A_163, %get3A_164] {strides = array<i32>} : memref<640x128xf32, #tpu.memory_space<vmem>>, vector<16xf32>,
      %add3A_166 = arith.addf %add3A_160, %get3A_165 : vector<16xf32>
      %swap3A_167 = arith.index_cast %scan3A_27 : i32 to index
      %swap3A_168 = arith.constant 32 : index
      %swap3A_169 = tpu.vector_load %arg5[%swap3A_167, %swap3A_168] {strides = array<i32>} : memref<640x128xf32, #tpu.memory_space<vmem>>, vector<16xf32>,
      tpu.vector_store %arg5[%swap3A_167, %swap3A_168], %add3A_166 {strides = array<i32>} : memref<640x128xf32, #tpu.memory_space<vmem>>, vector<16xf32>,
      %get3A_170 = arith.index_cast %scan3A_27 : i32 to index
      %get3A_171 = arith.constant 48 : index
      %get3A_172 = tpu.vector_load %arg5[%get3A_170, %get3A_171] {strides = array<i32>} : memref<640x128xf32, #tpu.memory_space<vmem>>, vector<16xf32>,
      %add3A_173 = arith.constant 80 : i32
      %add3A_174 = arith.addi %add3A_173, %scan3A_27 : i32
      %get3A_175 = arith.index_cast %add3A_174 : i32 to index
      %get3A_176 = arith.constant 48 : index
      %get3A_177 = tpu.vector_load %arg5[%get3A_175, %get3A_176] {strides = array<i32>} : memref<640x128xf32, #tpu.memory_space<vmem>>, vector<16xf32>,
      %add3A_178 = arith.addf %get3A_172, %get3A_177 : vector<16xf32>
      %add3A_179 = arith.constant 160 : i32
      %add3A_180 = arith.addi %add3A_179, %scan3A_27 : i32
      %get3A_181 = arith.index_cast %add3A_180 : i32 to index
      %get3A_182 = arith.constant 48 : index
      %get3A_183 = tpu.vector_load %arg5[%get3A_181, %get3A_182] {strides = array<i32>} : memref<640x128xf32, #tpu.memory_space<vmem>>, vector<16xf32>,
      %add3A_184 = arith.addf %add3A_178, %get3A_183 : vector<16xf32>
      %add3A_185 = arith.constant 240 : i32
      %add3A_186 = arith.addi %add3A_185, %scan3A_27 : i32
      %get3A_187 = arith.index_cast %add3A_186 : i32 to index
      %get3A_188 = arith.constant 48 : index
      %get3A_189 = tpu.vector_load %arg5[%get3A_187, %get3A_188] {strides = array<i32>} : memref<640x128xf32, #tpu.memory_space<vmem>>, vector<16xf32>,
      %add3A_190 = arith.addf %add3A_184, %get3A_189 : vector<16xf32>
      %add3A_191 = arith.constant 320 : i32
      %add3A_192 = arith.addi %add3A_191, %scan3A_27 : i32
      %get3A_193 = arith.index_cast %add3A_192 : i32 to index
      %get3A_194 = arith.constant 48 : index
      %get3A_195 = tpu.vector_load %arg5[%get3A_193, %get3A_194] {strides = array<i32>} : memref<640x128xf32, #tpu.memory_space<vmem>>, vector<16xf32>,
      %add3A_196 = arith.addf %add3A_190, %get3A_195 : vector<16xf32>
      %add3A_197 = arith.constant 400 : i32
      %add3A_198 = arith.addi %add3A_197, %scan3A_27 : i32
      %get3A_199 = arith.index_cast %add3A_198 : i32 to index
      %get3A_200 = arith.constant 48 : index
      %get3A_201 = tpu.vector_load %arg5[%get3A_199, %get3A_200] {strides = array<i32>} : memref<640x128xf32, #tpu.memory_space<vmem>>, vector<16xf32>,
      %add3A_202 = arith.addf %add3A_196, %get3A_201 : vector<16xf32>
      %add3A_203 = arith.constant 480 : i32
      %add3A_204 = arith.addi %add3A_203, %scan3A_27 : i32
      %get3A_205 = arith.index_cast %add3A_204 : i32 to index
      %get3A_206 = arith.constant 48 : index
      %get3A_207 = tpu.vector_load %arg5[%get3A_205, %get3A_206] {strides = array<i32>} : memref<640x128xf32, #tpu.memory_space<vmem>>, vector<16xf32>,
      %add3A_208 = arith.addf %add3A_202, %get3A_207 : vector<16xf32>
      %add3A_209 = arith.constant 560 : i32
      %add3A_210 = arith.addi %add3A_209, %scan3A_27 : i32
      %get3A_211 = arith.index_cast %add3A_210 : i32 to index
      %get3A_212 = arith.constant 48 : index
      %get3A_213 = tpu.vector_load %arg5[%get3A_211, %get3A_212] {strides = array<i32>} : memref<640x128xf32, #tpu.memory_space<vmem>>, vector<16xf32>,
      %add3A_214 = arith.addf %add3A_208, %get3A_213 : vector<16xf32>
      %swap3A_215 = arith.index_cast %scan3A_27 : i32 to index
      %swap3A_216 = arith.constant 48 : index
      %swap3A_217 = tpu.vector_load %arg5[%swap3A_215, %swap3A_216] {strides = array<i32>} : memref<640x128xf32, #tpu.memory_space<vmem>>, vector<16xf32>,
      tpu.vector_store %arg5[%swap3A_215, %swap3A_216], %add3A_214 {strides = array<i32>} : memref<640x128xf32, #tpu.memory_space<vmem>>, vector<16xf32>,
      %get3A_218 = arith.index_cast %scan3A_27 : i32 to index
      %get3A_219 = arith.constant 64 : index
      %get3A_220 = tpu.vector_load %arg5[%get3A_218, %get3A_219] {strides = array<i32>} : memref<640x128xf32, #tpu.memory_space<vmem>>, vector<16xf32>,
      %add3A_221 = arith.constant 80 : i32
      %add3A_222 = arith.addi %add3A_221, %scan3A_27 : i32
      %get3A_223 = arith.index_cast %add3A_222 : i32 to index
      %get3A_224 = arith.constant 64 : index
      %get3A_225 = tpu.vector_load %arg5[%get3A_223, %get3A_224] {strides = array<i32>} : memref<640x128xf32, #tpu.memory_space<vmem>>, vector<16xf32>,
      %add3A_226 = arith.addf %get3A_220, %get3A_225 : vector<16xf32>
      %add3A_227 = arith.constant 160 : i32
      %add3A_228 = arith.addi %add3A_227, %scan3A_27 : i32
      %get3A_229 = arith.index_cast %add3A_228 : i32 to index
      %get3A_230 = arith.constant 64 : index
      %get3A_231 = tpu.vector_load %arg5[%get3A_229, %get3A_230] {strides = array<i32>} : memref<640x128xf32, #tpu.memory_space<vmem>>, vector<16xf32>,
      %add3A_232 = arith.addf %add3A_226, %get3A_231 : vector<16xf32>
      %add3A_233 = arith.constant 240 : i32
      %add3A_234 = arith.addi %add3A_233, %scan3A_27 : i32
      %get3A_235 = arith.index_cast %add3A_234 : i32 to index
      %get3A_236 = arith.constant 64 : index
      %get3A_237 = tpu.vector_load %arg5[%get3A_235, %get3A_236] {strides = array<i32>} : memref<640x128xf32, #tpu.memory_space<vmem>>, vector<16xf32>,
      %add3A_238 = arith.addf %add3A_232, %get3A_237 : vector<16xf32>
      %add3A_239 = arith.constant 320 : i32
      %add3A_240 = arith.addi %add3A_239, %scan3A_27 : i32
      %get3A_241 = arith.index_cast %add3A_240 : i32 to index
      %get3A_242 = arith.constant 64 : index
      %get3A_243 = tpu.vector_load %arg5[%get3A_241, %get3A_242] {strides = array<i32>} : memref<640x128xf32, #tpu.memory_space<vmem>>, vector<16xf32>,
      %add3A_244 = arith.addf %add3A_238, %get3A_243 : vector<16xf32>
      %add3A_245 = arith.constant 400 : i32
      %add3A_246 = arith.addi %add3A_245, %scan3A_27 : i32
      %get3A_247 = arith.index_cast %add3A_246 : i32 to index
      %get3A_248 = arith.constant 64 : index
      %get3A_249 = tpu.vector_load %arg5[%get3A_247, %get3A_248] {strides = array<i32>} : memref<640x128xf32, #tpu.memory_space<vmem>>, vector<16xf32>,
      %add3A_250 = arith.addf %add3A_244, %get3A_249 : vector<16xf32>
      %add3A_251 = arith.constant 480 : i32
      %add3A_252 = arith.addi %add3A_251, %scan3A_27 : i32
      %get3A_253 = arith.index_cast %add3A_252 : i32 to index
      %get3A_254 = arith.constant 64 : index
      %get3A_255 = tpu.vector_load %arg5[%get3A_253, %get3A_254] {strides = array<i32>} : memref<640x128xf32, #tpu.memory_space<vmem>>, vector<16xf32>,
      %add3A_256 = arith.addf %add3A_250, %get3A_255 : vector<16xf32>
      %add3A_257 = arith.constant 560 : i32
      %add3A_258 = arith.addi %add3A_257, %scan3A_27 : i32
      %get3A_259 = arith.index_cast %add3A_258 : i32 to index
      %get3A_260 = arith.constant 64 : index
      %get3A_261 = tpu.vector_load %arg5[%get3A_259, %get3A_260] {strides = array<i32>} : memref<640x128xf32, #tpu.memory_space<vmem>>, vector<16xf32>,
      %add3A_262 = arith.addf %add3A_256, %get3A_261 : vector<16xf32>
      %swap3A_263 = arith.index_cast %scan3A_27 : i32 to index
      %swap3A_264 = arith.constant 64 : index
      %swap3A_265 = tpu.vector_load %arg5[%swap3A_263, %swap3A_264] {strides = array<i32>} : memref<640x128xf32, #tpu.memory_space<vmem>>, vector<16xf32>,
      tpu.vector_store %arg5[%swap3A_263, %swap3A_264], %add3A_262 {strides = array<i32>} : memref<640x128xf32, #tpu.memory_space<vmem>>, vector<16xf32>,
      %get3A_266 = arith.index_cast %scan3A_27 : i32 to index
      %get3A_267 = arith.constant 80 : index
      %get3A_268 = tpu.vector_load %arg5[%get3A_266, %get3A_267] {strides = array<i32>} : memref<640x128xf32, #tpu.memory_space<vmem>>, vector<16xf32>,
      %add3A_269 = arith.constant 80 : i32
      %add3A_270 = arith.addi %add3A_269, %scan3A_27 : i32
      %get3A_271 = arith.index_cast %add3A_270 : i32 to index
      %get3A_272 = arith.constant 80 : index
      %get3A_273 = tpu.vector_load %arg5[%get3A_271, %get3A_272] {strides = array<i32>} : memref<640x128xf32, #tpu.memory_space<vmem>>, vector<16xf32>,
      %add3A_274 = arith.addf %get3A_268, %get3A_273 : vector<16xf32>
      %add3A_275 = arith.constant 160 : i32
      %add3A_276 = arith.addi %add3A_275, %scan3A_27 : i32
      %get3A_277 = arith.index_cast %add3A_276 : i32 to index
      %get3A_278 = arith.constant 80 : index
      %get3A_279 = tpu.vector_load %arg5[%get3A_277, %get3A_278] {strides = array<i32>} : memref<640x128xf32, #tpu.memory_space<vmem>>, vector<16xf32>,
      %add3A_280 = arith.addf %add3A_274, %get3A_279 : vector<16xf32>
      %add3A_281 = arith.constant 240 : i32
      %add3A_282 = arith.addi %add3A_281, %scan3A_27 : i32
      %get3A_283 = arith.index_cast %add3A_282 : i32 to index
      %get3A_284 = arith.constant 80 : index
      %get3A_285 = tpu.vector_load %arg5[%get3A_283, %get3A_284] {strides = array<i32>} : memref<640x128xf32, #tpu.memory_space<vmem>>, vector<16xf32>,
      %add3A_286 = arith.addf %add3A_280, %get3A_285 : vector<16xf32>
      %add3A_287 = arith.constant 320 : i32
      %add3A_288 = arith.addi %add3A_287, %scan3A_27 : i32
      %get3A_289 = arith.index_cast %add3A_288 : i32 to index
      %get3A_290 = arith.constant 80 : index
      %get3A_291 = tpu.vector_load %arg5[%get3A_289, %get3A_290] {strides = array<i32>} : memref<640x128xf32, #tpu.memory_space<vmem>>, vector<16xf32>,
      %add3A_292 = arith.addf %add3A_286, %get3A_291 : vector<16xf32>
      %add3A_293 = arith.constant 400 : i32
      %add3A_294 = arith.addi %add3A_293, %scan3A_27 : i32
      %get3A_295 = arith.index_cast %add3A_294 : i32 to index
      %get3A_296 = arith.constant 80 : index
      %get3A_297 = tpu.vector_load %arg5[%get3A_295, %get3A_296] {strides = array<i32>} : memref<640x128xf32, #tpu.memory_space<vmem>>, vector<16xf32>,
      %add3A_298 = arith.addf %add3A_292, %get3A_297 : vector<16xf32>
      %add3A_299 = arith.constant 480 : i32
      %add3A_300 = arith.addi %add3A_299, %scan3A_27 : i32
      %get3A_301 = arith.index_cast %add3A_300 : i32 to index
      %get3A_302 = arith.constant 80 : index
      %get3A_303 = tpu.vector_load %arg5[%get3A_301, %get3A_302] {strides = array<i32>} : memref<640x128xf32, #tpu.memory_space<vmem>>, vector<16xf32>,
      %add3A_304 = arith.addf %add3A_298, %get3A_303 : vector<16xf32>
      %add3A_305 = arith.constant 560 : i32
      %add3A_306 = arith.addi %add3A_305, %scan3A_27 : i32
      %get3A_307 = arith.index_cast %add3A_306 : i32 to index
      %get3A_308 = arith.constant 80 : index
      %get3A_309 = tpu.vector_load %arg5[%get3A_307, %get3A_308] {strides = array<i32>} : memref<640x128xf32, #tpu.memory_space<vmem>>, vector<16xf32>,
      %add3A_310 = arith.addf %add3A_304, %get3A_309 : vector<16xf32>
      %swap3A_311 = arith.index_cast %scan3A_27 : i32 to index
      %swap3A_312 = arith.constant 80 : index
      %swap3A_313 = tpu.vector_load %arg5[%swap3A_311, %swap3A_312] {strides = array<i32>} : memref<640x128xf32, #tpu.memory_space<vmem>>, vector<16xf32>,
      tpu.vector_store %arg5[%swap3A_311, %swap3A_312], %add3A_310 {strides = array<i32>} : memref<640x128xf32, #tpu.memory_space<vmem>>, vector<16xf32>,
      %get3A_314 = arith.index_cast %scan3A_27 : i32 to index
      %get3A_315 = arith.constant 96 : index
      %get3A_316 = tpu.vector_load %arg5[%get3A_314, %get3A_315] {strides = array<i32>} : memref<640x128xf32, #tpu.memory_space<vmem>>, vector<16xf32>,
      %add3A_317 = arith.constant 80 : i32
      %add3A_318 = arith.addi %add3A_317, %scan3A_27 : i32
      %get3A_319 = arith.index_cast %add3A_318 : i32 to index
      %get3A_320 = arith.constant 96 : index
      %get3A_321 = tpu.vector_load %arg5[%get3A_319, %get3A_320] {strides = array<i32>} : memref<640x128xf32, #tpu.memory_space<vmem>>, vector<16xf32>,
      %add3A_322 = arith.addf %get3A_316, %get3A_321 : vector<16xf32>
      %add3A_323 = arith.constant 160 : i32
      %add3A_324 = arith.addi %add3A_323, %scan3A_27 : i32
      %get3A_325 = arith.index_cast %add3A_324 : i32 to index
      %get3A_326 = arith.constant 96 : index
      %get3A_327 = tpu.vector_load %arg5[%get3A_325, %get3A_326] {strides = array<i32>} : memref<640x128xf32, #tpu.memory_space<vmem>>, vector<16xf32>,
      %add3A_328 = arith.addf %add3A_322, %get3A_327 : vector<16xf32>
      %add3A_329 = arith.constant 240 : i32
      %add3A_330 = arith.addi %add3A_329, %scan3A_27 : i32
      %get3A_331 = arith.index_cast %add3A_330 : i32 to index
      %get3A_332 = arith.constant 96 : index
      %get3A_333 = tpu.vector_load %arg5[%get3A_331, %get3A_332] {strides = array<i32>} : memref<640x128xf32, #tpu.memory_space<vmem>>, vector<16xf32>,
      %add3A_334 = arith.addf %add3A_328, %get3A_333 : vector<16xf32>
      %add3A_335 = arith.constant 320 : i32
      %add3A_336 = arith.addi %add3A_335, %scan3A_27 : i32
      %get3A_337 = arith.index_cast %add3A_336 : i32 to index
      %get3A_338 = arith.constant 96 : index
      %get3A_339 = tpu.vector_load %arg5[%get3A_337, %get3A_338] {strides = array<i32>} : memref<640x128xf32, #tpu.memory_space<vmem>>, vector<16xf32>,
      %add3A_340 = arith.addf %add3A_334, %get3A_339 : vector<16xf32>
      %add3A_341 = arith.constant 400 : i32
      %add3A_342 = arith.addi %add3A_341, %scan3A_27 : i32
      %get3A_343 = arith.index_cast %add3A_342 : i32 to index
      %get3A_344 = arith.constant 96 : index
      %get3A_345 = tpu.vector_load %arg5[%get3A_343, %get3A_344] {strides = array<i32>} : memref<640x128xf32, #tpu.memory_space<vmem>>, vector<16xf32>,
      %add3A_346 = arith.addf %add3A_340, %get3A_345 : vector<16xf32>
      %add3A_347 = arith.constant 480 : i32
      %add3A_348 = arith.addi %add3A_347, %scan3A_27 : i32
      %get3A_349 = arith.index_cast %add3A_348 : i32 to index
      %get3A_350 = arith.constant 96 : index
      %get3A_351 = tpu.vector_load %arg5[%get3A_349, %get3A_350] {strides = array<i32>} : memref<640x128xf32, #tpu.memory_space<vmem>>, vector<16xf32>,
      %add3A_352 = arith.addf %add3A_346, %get3A_351 : vector<16xf32>
      %add3A_353 = arith.constant 560 : i32
      %add3A_354 = arith.addi %add3A_353, %scan3A_27 : i32
      %get3A_355 = arith.index_cast %add3A_354 : i32 to index
      %get3A_356 = arith.constant 96 : index
      %get3A_357 = tpu.vector_load %arg5[%get3A_355, %get3A_356] {strides = array<i32>} : memref<640x128xf32, #tpu.memory_space<vmem>>, vector<16xf32>,
      %add3A_358 = arith.addf %add3A_352, %get3A_357 : vector<16xf32>
      %swap3A_359 = arith.index_cast %scan3A_27 : i32 to index
      %swap3A_360 = arith.constant 96 : index
      %swap3A_361 = tpu.vector_load %arg5[%swap3A_359, %swap3A_360] {strides = array<i32>} : memref<640x128xf32, #tpu.memory_space<vmem>>, vector<16xf32>,
      tpu.vector_store %arg5[%swap3A_359, %swap3A_360], %add3A_358 {strides = array<i32>} : memref<640x128xf32, #tpu.memory_space<vmem>>, vector<16xf32>,
      %get3A_362 = arith.index_cast %scan3A_27 : i32 to index
      %get3A_363 = arith.constant 112 : index
      %get3A_364 = tpu.vector_load %arg5[%get3A_362, %get3A_363] {strides = array<i32>} : memref<640x128xf32, #tpu.memory_space<vmem>>, vector<16xf32>,
      %add3A_365 = arith.constant 80 : i32
      %add3A_366 = arith.addi %add3A_365, %scan3A_27 : i32
      %get3A_367 = arith.index_cast %add3A_366 : i32 to index
      %get3A_368 = arith.constant 112 : index
      %get3A_369 = tpu.vector_load %arg5[%get3A_367, %get3A_368] {strides = array<i32>} : memref<640x128xf32, #tpu.memory_space<vmem>>, vector<16xf32>,
      %add3A_370 = arith.addf %get3A_364, %get3A_369 : vector<16xf32>
      %add3A_371 = arith.constant 160 : i32
      %add3A_372 = arith.addi %add3A_371, %scan3A_27 : i32
      %get3A_373 = arith.index_cast %add3A_372 : i32 to index
      %get3A_374 = arith.constant 112 : index
      %get3A_375 = tpu.vector_load %arg5[%get3A_373, %get3A_374] {strides = array<i32>} : memref<640x128xf32, #tpu.memory_space<vmem>>, vector<16xf32>,
      %add3A_376 = arith.addf %add3A_370, %get3A_375 : vector<16xf32>
      %add3A_377 = arith.constant 240 : i32
      %add3A_378 = arith.addi %add3A_377, %scan3A_27 : i32
      %get3A_379 = arith.index_cast %add3A_378 : i32 to index
      %get3A_380 = arith.constant 112 : index
      %get3A_381 = tpu.vector_load %arg5[%get3A_379, %get3A_380] {strides = array<i32>} : memref<640x128xf32, #tpu.memory_space<vmem>>, vector<16xf32>,
      %add3A_382 = arith.addf %add3A_376, %get3A_381 : vector<16xf32>
      %add3A_383 = arith.constant 320 : i32
      %add3A_384 = arith.addi %add3A_383, %scan3A_27 : i32
      %get3A_385 = arith.index_cast %add3A_384 : i32 to index
      %get3A_386 = arith.constant 112 : index
      %get3A_387 = tpu.vector_load %arg5[%get3A_385, %get3A_386] {strides = array<i32>} : memref<640x128xf32, #tpu.memory_space<vmem>>, vector<16xf32>,
      %add3A_388 = arith.addf %add3A_382, %get3A_387 : vector<16xf32>
      %add3A_389 = arith.constant 400 : i32
      %add3A_390 = arith.addi %add3A_389, %scan3A_27 : i32
      %get3A_391 = arith.index_cast %add3A_390 : i32 to index
      %get3A_392 = arith.constant 112 : index
      %get3A_393 = tpu.vector_load %arg5[%get3A_391, %get3A_392] {strides = array<i32>} : memref<640x128xf32, #tpu.memory_space<vmem>>, vector<16xf32>,
      %add3A_394 = arith.addf %add3A_388, %get3A_393 : vector<16xf32>
      %add3A_395 = arith.constant 480 : i32
      %add3A_396 = arith.addi %add3A_395, %scan3A_27 : i32
      %get3A_397 = arith.index_cast %add3A_396 : i32 to index
      %get3A_398 = arith.constant 112 : index
      %get3A_399 = tpu.vector_load %arg5[%get3A_397, %get3A_398] {strides = array<i32>} : memref<640x128xf32, #tpu.memory_space<vmem>>, vector<16xf32>,
      %add3A_400 = arith.addf %add3A_394, %get3A_399 : vector<16xf32>
      %add3A_401 = arith.constant 560 : i32
      %add3A_402 = arith.addi %add3A_401, %scan3A_27 : i32
      %get3A_403 = arith.index_cast %add3A_402 : i32 to index
      %get3A_404 = arith.constant 112 : index
      %get3A_405 = tpu.vector_load %arg5[%get3A_403, %get3A_404] {strides = array<i32>} : memref<640x128xf32, #tpu.memory_space<vmem>>, vector<16xf32>,
      %add3A_406 = arith.addf %add3A_400, %get3A_405 : vector<16xf32>
      %swap3A_407 = arith.index_cast %scan3A_27 : i32 to index
      %swap3A_408 = arith.constant 112 : index
      %swap3A_409 = tpu.vector_load %arg5[%swap3A_407, %swap3A_408] {strides = array<i32>} : memref<640x128xf32, #tpu.memory_space<vmem>>, vector<16xf32>,
      tpu.vector_store %arg5[%swap3A_407, %swap3A_408], %add3A_406 {strides = array<i32>} : memref<640x128xf32, #tpu.memory_space<vmem>>, vector<16xf32>,
    }
    %scan3A_26 = arith.constant 80 : i32
    "tpu.region"() ({
      %run_scoped3A = tpu.sem_alloc : memref<!tpu.dma_semaphore, #tpu.memory_space<semaphore_mem>>
      %dma_start3A = arith.constant 0 : i32
      %dma_start3A_27 = arith.constant 0 : i32
      %dma_start3A_28 = tpu.memref_slice %arg5[%dma_start3A, %dma_start3A_27] : memref<640x128xf32, #tpu.memory_space<vmem>> -> memref<80x128xf32, #tpu.memory_space<vmem>>
      %dma_start3A_29 = arith.constant 0 : i32
      %dma_start3A_30 = arith.constant 0 : i32
      %dma_start3A_31 = tpu.memref_slice %arg3[%add3A, %dma_start3A_29, %dma_start3A_30] : memref<32x80x128xf32, #tpu.memory_space<hbm>> -> memref<1x80x128xf32, #tpu.memory_space<hbm>>
      %dma_start3A_32 = tpu.memref_squeeze %dma_start3A_31 : memref<1x80x128xf32, #tpu.memory_space<hbm>> -> memref<80x128xf32, #tpu.memory_space<hbm>>
      %dma_start3A_33 = arith.constant 0 : i32
      %dma_start3A_34 = arith.constant 0 : i32
      %dma_start3A_35 = tpu.memref_slice %arg3[%add3A, %dma_start3A_33, %dma_start3A_34] : memref<32x80x128xf32, #tpu.memory_space<hbm>> -> memref<1x80x128xf32, #tpu.memory_space<hbm>>
      %dma_start3A_36 = tpu.memref_squeeze %dma_start3A_35 : memref<1x80x128xf32, #tpu.memory_space<hbm>> -> memref<80x128xf32, #tpu.memory_space<hbm>>
      %dma_start3A_37 = arith.constant 0 : i32
      %dma_start3A_38 = arith.constant 0 : i32
      %dma_start3A_39 = tpu.memref_slice %arg5[%dma_start3A_37, %dma_start3A_38] : memref<640x128xf32, #tpu.memory_space<vmem>> -> memref<80x128xf32, #tpu.memory_space<vmem>>
      tpu.enqueue_dma source(%dma_start3A_39 : memref<80x128xf32, #tpu.memory_space<vmem>>) target(%dma_start3A_36 : memref<80x128xf32, #tpu.memory_space<hbm>>) target_semaphore(%run_scoped3A : memref<!tpu.dma_semaphore, #tpu.memory_space<semaphore_mem>>)
      %dma_wait3A = arith.constant 0 : i32
      %dma_wait3A_40 = arith.constant 0 : i32
      %dma_wait3A_41 = tpu.memref_slice %arg5[%dma_wait3A, %dma_wait3A_40] : memref<640x128xf32, #tpu.memory_space<vmem>> -> memref<80x128xf32, #tpu.memory_space<vmem>>
      %dma_wait3A_42 = arith.constant 0 : i32
      %dma_wait3A_43 = arith.constant 0 : i32
      %dma_wait3A_44 = tpu.memref_slice %arg3[%add3A, %dma_wait3A_42, %dma_wait3A_43] : memref<32x80x128xf32, #tpu.memory_space<hbm>> -> memref<1x80x128xf32, #tpu.memory_space<hbm>>
      %dma_wait3A_45 = tpu.memref_squeeze %dma_wait3A_44 : memref<1x80x128xf32, #tpu.memory_space<hbm>> -> memref<80x128xf32, #tpu.memory_space<hbm>>
      %dma_wait3A_46 = arith.constant 0 : i32
      %dma_wait3A_47 = arith.constant 0 : i32
      %dma_wait3A_48 = tpu.memref_slice %arg3[%add3A, %dma_wait3A_46, %dma_wait3A_47] : memref<32x80x128xf32, #tpu.memory_space<hbm>> -> memref<1x80x128xf32, #tpu.memory_space<hbm>>
      %dma_wait3A_49 = tpu.memref_squeeze %dma_wait3A_48 : memref<1x80x128xf32, #tpu.memory_space<hbm>> -> memref<80x128xf32, #tpu.memory_space<hbm>>
      %dma_wait3A_50 = arith.constant 0 : i32
      %dma_wait3A_51 = arith.constant 0 : i32
      %dma_wait3A_52 = tpu.memref_slice %arg5[%dma_wait3A_50, %dma_wait3A_51] : memref<640x128xf32, #tpu.memory_space<vmem>> -> memref<80x128xf32, #tpu.memory_space<vmem>>
      tpu.wait_dma2 semaphore(%run_scoped3A : memref<!tpu.dma_semaphore, #tpu.memory_space<semaphore_mem>>) src(%dma_wait3A_52 : memref<80x128xf32, #tpu.memory_space<vmem>>) dst(%dma_wait3A_49 : memref<80x128xf32, #tpu.memory_space<hbm>>)
      tpu.yield
    }) : () -> ()
    return
  }
}

#map = affine_map<(d0, d1) -> (0, 0)>
#map1 = affine_map<(d0, d1) -> (0, 0, 0)>
module attributes {stable_mosaic.version = 14 : i64} {
  func.func @_segsum_body(%arg0: i32, %arg1: i32, %arg2: memref<10000x128xf32, #tpu.memory_space<hbm>>, %arg3: memref<320x8x128xi32, #tpu.memory_space<hbm>>, %arg4: memref<320x8x128xi32, #tpu.memory_space<hbm>>, %arg5: memref<2x10240x128xf32, #tpu.memory_space<hbm>>, %arg6: memref<8x128xi32, #tpu.memory_space<vmem>>, %arg7: memref<8x128xi32, #tpu.memory_space<vmem>>, %arg8: memref<128x128xf32, #tpu.memory_space<vmem>>, %arg9: memref<128x128xf32, #tpu.memory_space<vmem>>, %arg10: memref<10240x128xf32, #tpu.memory_space<vmem_shared>>, %arg11: memref<!tpu.dma_semaphore, #tpu.memory_space<semaphore_mem>>, %arg12: memref<!tpu.dma_semaphore, #tpu.memory_space<semaphore_mem>>, %arg13: memref<!tpu.dma_semaphore, #tpu.memory_space<semaphore_mem>>, %arg14: memref<!tpu.dma_semaphore, #tpu.memory_space<semaphore_mem>>) attributes {dimension_semantics = [#tpu.dimension_semantics<core_parallel>, #tpu.dimension_semantics<subcore_parallel>], iteration_bounds = array<i64: 2, 16>, scalar_prefetch = 0 : i64, scratch_operands = 9 : i64, tpu.core_type = #tpu.core_type<sc_vector_subcore>, window_params = [{transform_indices = #map}, {transform_indices = #map1}, {transform_indices = #map1}, {transform_indices = #map1}]} {
    %broadcast_in_dim3A = arith.constant 0.000000e+00 : f32
    %broadcast_in_dim3A_0 = vector.broadcast %broadcast_in_dim3A : f32 to vector<16xf32>
    %scan3A = arith.constant 0 : i32
    %scan3A_1 = arith.constant 0 : i32
    %scan3A_2 = arith.constant 128 : i32
    %scan3A_3 = arith.addi %scan3A_1, %scan3A_2 : i32
    %scan3A_4 = arith.constant 1 : i32
    scf.for %scan3A_52 = %scan3A_1 to %scan3A_3 step %scan3A_4  : i32 {
      %swap3A = arith.index_cast %scan3A_52 : i32 to index
      %swap3A_53 = arith.constant 0 : index
      %swap3A_54 = tpu.vector_load %arg8[%swap3A, %swap3A_53] {strides = array<i32>} : memref<128x128xf32, #tpu.memory_space<vmem>>, vector<1x16xf32>,
      %swap3A_55 = vector.shape_cast %swap3A_54 : vector<1x16xf32> to vector<16xf32>
      %swap3A_56 = vector.shape_cast %broadcast_in_dim3A_0 : vector<16xf32> to vector<1x16xf32>
      tpu.vector_store %arg8[%swap3A, %swap3A_53], %swap3A_56 {strides = array<i32>} : memref<128x128xf32, #tpu.memory_space<vmem>>, vector<1x16xf32>,
      %swap3A_57 = arith.index_cast %scan3A_52 : i32 to index
      %swap3A_58 = arith.constant 16 : index
      %swap3A_59 = tpu.vector_load %arg8[%swap3A_57, %swap3A_58] {strides = array<i32>} : memref<128x128xf32, #tpu.memory_space<vmem>>, vector<1x16xf32>,
      %swap3A_60 = vector.shape_cast %swap3A_59 : vector<1x16xf32> to vector<16xf32>
      %swap3A_61 = vector.shape_cast %broadcast_in_dim3A_0 : vector<16xf32> to vector<1x16xf32>
      tpu.vector_store %arg8[%swap3A_57, %swap3A_58], %swap3A_61 {strides = array<i32>} : memref<128x128xf32, #tpu.memory_space<vmem>>, vector<1x16xf32>,
      %swap3A_62 = arith.index_cast %scan3A_52 : i32 to index
      %swap3A_63 = arith.constant 32 : index
      %swap3A_64 = tpu.vector_load %arg8[%swap3A_62, %swap3A_63] {strides = array<i32>} : memref<128x128xf32, #tpu.memory_space<vmem>>, vector<1x16xf32>,
      %swap3A_65 = vector.shape_cast %swap3A_64 : vector<1x16xf32> to vector<16xf32>
      %swap3A_66 = vector.shape_cast %broadcast_in_dim3A_0 : vector<16xf32> to vector<1x16xf32>
      tpu.vector_store %arg8[%swap3A_62, %swap3A_63], %swap3A_66 {strides = array<i32>} : memref<128x128xf32, #tpu.memory_space<vmem>>, vector<1x16xf32>,
      %swap3A_67 = arith.index_cast %scan3A_52 : i32 to index
      %swap3A_68 = arith.constant 48 : index
      %swap3A_69 = tpu.vector_load %arg8[%swap3A_67, %swap3A_68] {strides = array<i32>} : memref<128x128xf32, #tpu.memory_space<vmem>>, vector<1x16xf32>,
      %swap3A_70 = vector.shape_cast %swap3A_69 : vector<1x16xf32> to vector<16xf32>
      %swap3A_71 = vector.shape_cast %broadcast_in_dim3A_0 : vector<16xf32> to vector<1x16xf32>
      tpu.vector_store %arg8[%swap3A_67, %swap3A_68], %swap3A_71 {strides = array<i32>} : memref<128x128xf32, #tpu.memory_space<vmem>>, vector<1x16xf32>,
      %swap3A_72 = arith.index_cast %scan3A_52 : i32 to index
      %swap3A_73 = arith.constant 64 : index
      %swap3A_74 = tpu.vector_load %arg8[%swap3A_72, %swap3A_73] {strides = array<i32>} : memref<128x128xf32, #tpu.memory_space<vmem>>, vector<1x16xf32>,
      %swap3A_75 = vector.shape_cast %swap3A_74 : vector<1x16xf32> to vector<16xf32>
      %swap3A_76 = vector.shape_cast %broadcast_in_dim3A_0 : vector<16xf32> to vector<1x16xf32>
      tpu.vector_store %arg8[%swap3A_72, %swap3A_73], %swap3A_76 {strides = array<i32>} : memref<128x128xf32, #tpu.memory_space<vmem>>, vector<1x16xf32>,
      %swap3A_77 = arith.index_cast %scan3A_52 : i32 to index
      %swap3A_78 = arith.constant 80 : index
      %swap3A_79 = tpu.vector_load %arg8[%swap3A_77, %swap3A_78] {strides = array<i32>} : memref<128x128xf32, #tpu.memory_space<vmem>>, vector<1x16xf32>,
      %swap3A_80 = vector.shape_cast %swap3A_79 : vector<1x16xf32> to vector<16xf32>
      %swap3A_81 = vector.shape_cast %broadcast_in_dim3A_0 : vector<16xf32> to vector<1x16xf32>
      tpu.vector_store %arg8[%swap3A_77, %swap3A_78], %swap3A_81 {strides = array<i32>} : memref<128x128xf32, #tpu.memory_space<vmem>>, vector<1x16xf32>,
      %swap3A_82 = arith.index_cast %scan3A_52 : i32 to index
      %swap3A_83 = arith.constant 96 : index
      %swap3A_84 = tpu.vector_load %arg8[%swap3A_82, %swap3A_83] {strides = array<i32>} : memref<128x128xf32, #tpu.memory_space<vmem>>, vector<1x16xf32>,
      %swap3A_85 = vector.shape_cast %swap3A_84 : vector<1x16xf32> to vector<16xf32>
      %swap3A_86 = vector.shape_cast %broadcast_in_dim3A_0 : vector<16xf32> to vector<1x16xf32>
      tpu.vector_store %arg8[%swap3A_82, %swap3A_83], %swap3A_86 {strides = array<i32>} : memref<128x128xf32, #tpu.memory_space<vmem>>, vector<1x16xf32>,
      %swap3A_87 = arith.index_cast %scan3A_52 : i32 to index
      %swap3A_88 = arith.constant 112 : index
      %swap3A_89 = tpu.vector_load %arg8[%swap3A_87, %swap3A_88] {strides = array<i32>} : memref<128x128xf32, #tpu.memory_space<vmem>>, vector<1x16xf32>,
      %swap3A_90 = vector.shape_cast %swap3A_89 : vector<1x16xf32> to vector<16xf32>
      %swap3A_91 = vector.shape_cast %broadcast_in_dim3A_0 : vector<16xf32> to vector<1x16xf32>
      tpu.vector_store %arg8[%swap3A_87, %swap3A_88], %swap3A_91 {strides = array<i32>} : memref<128x128xf32, #tpu.memory_space<vmem>>, vector<1x16xf32>,
    }
    %scan3A_5 = arith.constant 128 : i32
    %mul3A = arith.constant 640 : i32
    %mul3A_6 = arith.muli %arg1, %mul3A : i32
    %add3A = arith.constant 0 : i32
    %add3A_7 = arith.addi %mul3A_6, %add3A : i32
    "tpu.region"() ({
      %run_scoped3A = tpu.sem_alloc : memref<!tpu.dma_semaphore, #tpu.memory_space<semaphore_mem>>
      %dma_start3A = arith.constant 0 : i32
      %dma_start3A_52 = tpu.memref_slice %arg10[%add3A_7, %dma_start3A] : memref<10240x128xf32, #tpu.memory_space<vmem_shared>> -> memref<128x128xf32, #tpu.memory_space<vmem_shared>>
      %dma_start3A_53 = arith.constant 0 : i32
      %dma_start3A_54 = tpu.memref_slice %arg10[%add3A_7, %dma_start3A_53] : memref<10240x128xf32, #tpu.memory_space<vmem_shared>> -> memref<128x128xf32, #tpu.memory_space<vmem_shared>>
      tpu.enqueue_dma source(%arg8 : memref<128x128xf32, #tpu.memory_space<vmem>>) target(%dma_start3A_54 : memref<128x128xf32, #tpu.memory_space<vmem_shared>>) target_semaphore(%run_scoped3A : memref<!tpu.dma_semaphore, #tpu.memory_space<semaphore_mem>>)
      %dma_wait3A = arith.constant 0 : i32
      %dma_wait3A_55 = tpu.memref_slice %arg10[%add3A_7, %dma_wait3A] : memref<10240x128xf32, #tpu.memory_space<vmem_shared>> -> memref<128x128xf32, #tpu.memory_space<vmem_shared>>
      %dma_wait3A_56 = arith.constant 0 : i32
      %dma_wait3A_57 = tpu.memref_slice %arg10[%add3A_7, %dma_wait3A_56] : memref<10240x128xf32, #tpu.memory_space<vmem_shared>> -> memref<128x128xf32, #tpu.memory_space<vmem_shared>>
      tpu.wait_dma2 semaphore(%run_scoped3A : memref<!tpu.dma_semaphore, #tpu.memory_space<semaphore_mem>>) src(%arg8 : memref<128x128xf32, #tpu.memory_space<vmem>>) dst(%dma_wait3A_57 : memref<128x128xf32, #tpu.memory_space<vmem_shared>>)
      tpu.yield
    }) : () -> ()
    %mul3A_8 = arith.constant 640 : i32
    %mul3A_9 = arith.muli %arg1, %mul3A_8 : i32
    %add3A_10 = arith.constant 128 : i32
    %add3A_11 = arith.addi %mul3A_9, %add3A_10 : i32
    "tpu.region"() ({
      %run_scoped3A = tpu.sem_alloc : memref<!tpu.dma_semaphore, #tpu.memory_space<semaphore_mem>>
      %dma_start3A = arith.constant 0 : i32
      %dma_start3A_52 = tpu.memref_slice %arg10[%add3A_11, %dma_start3A] : memref<10240x128xf32, #tpu.memory_space<vmem_shared>> -> memref<128x128xf32, #tpu.memory_space<vmem_shared>>
      %dma_start3A_53 = arith.constant 0 : i32
      %dma_start3A_54 = tpu.memref_slice %arg10[%add3A_11, %dma_start3A_53] : memref<10240x128xf32, #tpu.memory_space<vmem_shared>> -> memref<128x128xf32, #tpu.memory_space<vmem_shared>>
      tpu.enqueue_dma source(%arg8 : memref<128x128xf32, #tpu.memory_space<vmem>>) target(%dma_start3A_54 : memref<128x128xf32, #tpu.memory_space<vmem_shared>>) target_semaphore(%run_scoped3A : memref<!tpu.dma_semaphore, #tpu.memory_space<semaphore_mem>>)
      %dma_wait3A = arith.constant 0 : i32
      %dma_wait3A_55 = tpu.memref_slice %arg10[%add3A_11, %dma_wait3A] : memref<10240x128xf32, #tpu.memory_space<vmem_shared>> -> memref<128x128xf32, #tpu.memory_space<vmem_shared>>
      %dma_wait3A_56 = arith.constant 0 : i32
      %dma_wait3A_57 = tpu.memref_slice %arg10[%add3A_11, %dma_wait3A_56] : memref<10240x128xf32, #tpu.memory_space<vmem_shared>> -> memref<128x128xf32, #tpu.memory_space<vmem_shared>>
      tpu.wait_dma2 semaphore(%run_scoped3A : memref<!tpu.dma_semaphore, #tpu.memory_space<semaphore_mem>>) src(%arg8 : memref<128x128xf32, #tpu.memory_space<vmem>>) dst(%dma_wait3A_57 : memref<128x128xf32, #tpu.memory_space<vmem_shared>>)
      tpu.yield
    }) : () -> ()
    %mul3A_12 = arith.constant 640 : i32
    %mul3A_13 = arith.muli %arg1, %mul3A_12 : i32
    %add3A_14 = arith.constant 256 : i32
    %add3A_15 = arith.addi %mul3A_13, %add3A_14 : i32
    "tpu.region"() ({
      %run_scoped3A = tpu.sem_alloc : memref<!tpu.dma_semaphore, #tpu.memory_space<semaphore_mem>>
      %dma_start3A = arith.constant 0 : i32
      %dma_start3A_52 = tpu.memref_slice %arg10[%add3A_15, %dma_start3A] : memref<10240x128xf32, #tpu.memory_space<vmem_shared>> -> memref<128x128xf32, #tpu.memory_space<vmem_shared>>
      %dma_start3A_53 = arith.constant 0 : i32
      %dma_start3A_54 = tpu.memref_slice %arg10[%add3A_15, %dma_start3A_53] : memref<10240x128xf32, #tpu.memory_space<vmem_shared>> -> memref<128x128xf32, #tpu.memory_space<vmem_shared>>
      tpu.enqueue_dma source(%arg8 : memref<128x128xf32, #tpu.memory_space<vmem>>) target(%dma_start3A_54 : memref<128x128xf32, #tpu.memory_space<vmem_shared>>) target_semaphore(%run_scoped3A : memref<!tpu.dma_semaphore, #tpu.memory_space<semaphore_mem>>)
      %dma_wait3A = arith.constant 0 : i32
      %dma_wait3A_55 = tpu.memref_slice %arg10[%add3A_15, %dma_wait3A] : memref<10240x128xf32, #tpu.memory_space<vmem_shared>> -> memref<128x128xf32, #tpu.memory_space<vmem_shared>>
      %dma_wait3A_56 = arith.constant 0 : i32
      %dma_wait3A_57 = tpu.memref_slice %arg10[%add3A_15, %dma_wait3A_56] : memref<10240x128xf32, #tpu.memory_space<vmem_shared>> -> memref<128x128xf32, #tpu.memory_space<vmem_shared>>
      tpu.wait_dma2 semaphore(%run_scoped3A : memref<!tpu.dma_semaphore, #tpu.memory_space<semaphore_mem>>) src(%arg8 : memref<128x128xf32, #tpu.memory_space<vmem>>) dst(%dma_wait3A_57 : memref<128x128xf32, #tpu.memory_space<vmem_shared>>)
      tpu.yield
    }) : () -> ()
    %mul3A_16 = arith.constant 640 : i32
    %mul3A_17 = arith.muli %arg1, %mul3A_16 : i32
    %add3A_18 = arith.constant 384 : i32
    %add3A_19 = arith.addi %mul3A_17, %add3A_18 : i32
    "tpu.region"() ({
      %run_scoped3A = tpu.sem_alloc : memref<!tpu.dma_semaphore, #tpu.memory_space<semaphore_mem>>
      %dma_start3A = arith.constant 0 : i32
      %dma_start3A_52 = tpu.memref_slice %arg10[%add3A_19, %dma_start3A] : memref<10240x128xf32, #tpu.memory_space<vmem_shared>> -> memref<128x128xf32, #tpu.memory_space<vmem_shared>>
      %dma_start3A_53 = arith.constant 0 : i32
      %dma_start3A_54 = tpu.memref_slice %arg10[%add3A_19, %dma_start3A_53] : memref<10240x128xf32, #tpu.memory_space<vmem_shared>> -> memref<128x128xf32, #tpu.memory_space<vmem_shared>>
      tpu.enqueue_dma source(%arg8 : memref<128x128xf32, #tpu.memory_space<vmem>>) target(%dma_start3A_54 : memref<128x128xf32, #tpu.memory_space<vmem_shared>>) target_semaphore(%run_scoped3A : memref<!tpu.dma_semaphore, #tpu.memory_space<semaphore_mem>>)
      %dma_wait3A = arith.constant 0 : i32
      %dma_wait3A_55 = tpu.memref_slice %arg10[%add3A_19, %dma_wait3A] : memref<10240x128xf32, #tpu.memory_space<vmem_shared>> -> memref<128x128xf32, #tpu.memory_space<vmem_shared>>
      %dma_wait3A_56 = arith.constant 0 : i32
      %dma_wait3A_57 = tpu.memref_slice %arg10[%add3A_19, %dma_wait3A_56] : memref<10240x128xf32, #tpu.memory_space<vmem_shared>> -> memref<128x128xf32, #tpu.memory_space<vmem_shared>>
      tpu.wait_dma2 semaphore(%run_scoped3A : memref<!tpu.dma_semaphore, #tpu.memory_space<semaphore_mem>>) src(%arg8 : memref<128x128xf32, #tpu.memory_space<vmem>>) dst(%dma_wait3A_57 : memref<128x128xf32, #tpu.memory_space<vmem_shared>>)
      tpu.yield
    }) : () -> ()
    %mul3A_20 = arith.constant 640 : i32
    %mul3A_21 = arith.muli %arg1, %mul3A_20 : i32
    %add3A_22 = arith.constant 512 : i32
    %add3A_23 = arith.addi %mul3A_21, %add3A_22 : i32
    "tpu.region"() ({
      %run_scoped3A = tpu.sem_alloc : memref<!tpu.dma_semaphore, #tpu.memory_space<semaphore_mem>>
      %dma_start3A = arith.constant 0 : i32
      %dma_start3A_52 = tpu.memref_slice %arg10[%add3A_23, %dma_start3A] : memref<10240x128xf32, #tpu.memory_space<vmem_shared>> -> memref<128x128xf32, #tpu.memory_space<vmem_shared>>
      %dma_start3A_53 = arith.constant 0 : i32
      %dma_start3A_54 = tpu.memref_slice %arg10[%add3A_23, %dma_start3A_53] : memref<10240x128xf32, #tpu.memory_space<vmem_shared>> -> memref<128x128xf32, #tpu.memory_space<vmem_shared>>
      tpu.enqueue_dma source(%arg8 : memref<128x128xf32, #tpu.memory_space<vmem>>) target(%dma_start3A_54 : memref<128x128xf32, #tpu.memory_space<vmem_shared>>) target_semaphore(%run_scoped3A : memref<!tpu.dma_semaphore, #tpu.memory_space<semaphore_mem>>)
      %dma_wait3A = arith.constant 0 : i32
      %dma_wait3A_55 = tpu.memref_slice %arg10[%add3A_23, %dma_wait3A] : memref<10240x128xf32, #tpu.memory_space<vmem_shared>> -> memref<128x128xf32, #tpu.memory_space<vmem_shared>>
      %dma_wait3A_56 = arith.constant 0 : i32
      %dma_wait3A_57 = tpu.memref_slice %arg10[%add3A_23, %dma_wait3A_56] : memref<10240x128xf32, #tpu.memory_space<vmem_shared>> -> memref<128x128xf32, #tpu.memory_space<vmem_shared>>
      tpu.wait_dma2 semaphore(%run_scoped3A : memref<!tpu.dma_semaphore, #tpu.memory_space<semaphore_mem>>) src(%arg8 : memref<128x128xf32, #tpu.memory_space<vmem>>) dst(%dma_wait3A_57 : memref<128x128xf32, #tpu.memory_space<vmem_shared>>)
      tpu.yield
    }) : () -> ()
    %barrier3A = arith.constant 0 : index
    tpu.barrier barrier_id(%barrier3A)
    %mul3A_24 = arith.constant -16 : i32
    %mul3A_25 = arith.muli %arg0, %mul3A_24 : i32
    %add3A_26 = arith.constant 18 : i32
    %add3A_27 = arith.addi %add3A_26, %mul3A_25 : i32
    %sub3A = arith.constant 1 : i32
    %sub3A_28 = arith.subi %sub3A, %arg0 : i32
    %mul3A_29 = arith.constant 18 : i32
    %mul3A_30 = arith.muli %arg1, %mul3A_29 : i32
    %mul3A_31 = arith.muli %sub3A_28, %mul3A_30 : i32
    %mul3A_32 = arith.constant 2 : i32
    %mul3A_33 = arith.muli %arg1, %mul3A_32 : i32
    %add3A_34 = arith.constant 288 : i32
    %add3A_35 = arith.addi %add3A_34, %mul3A_33 : i32
    %mul3A_36 = arith.muli %arg0, %add3A_35 : i32
    %add3A_37 = arith.addi %mul3A_31, %mul3A_36 : i32
    %while3A = arith.constant 0 : i32
    %while3A_38 = arith.constant 0 : i32
    %while3A_39 = arith.subi %add3A_27, %while3A_38 : i32
    %while3A_40 = arith.addi %while3A_38, %while3A_39 : i32
    %while3A_41 = arith.constant 1 : i32
    %while3A_42 = arith.divsi %while3A_39, %while3A_41 : i32
    %while3A_43 = arith.muli %while3A_42, %while3A_41 : i32
    %while3A_44 = arith.addi %while3A_38, %while3A_43 : i32
    %while3A_45 = arith.constant 1 : i32
    scf.for %while3A_52 = %while3A_38 to %while3A_44 step %while3A_45  : i32 {
      %add3A_53 = arith.addi %add3A_37, %while3A_52 : i32
      "tpu.region"() ({
        %run_scoped3A = tpu.sem_alloc : memref<!tpu.dma_semaphore, #tpu.memory_space<semaphore_mem>>
        %dma_start3A_277 = arith.constant 0 : i32
        %dma_start3A_278 = arith.constant 0 : i32
        %dma_start3A_279 = tpu.memref_slice %arg3[%add3A_53, %dma_start3A_277, %dma_start3A_278] : memref<320x8x128xi32, #tpu.memory_space<hbm>> -> memref<1x8x128xi32, #tpu.memory_space<hbm>>
        %dma_start3A_280 = tpu.memref_squeeze %dma_start3A_279 : memref<1x8x128xi32, #tpu.memory_space<hbm>> -> memref<8x128xi32, #tpu.memory_space<hbm>>
        %dma_start3A_281 = arith.constant 0 : i32
        %dma_start3A_282 = arith.constant 0 : i32
        %dma_start3A_283 = tpu.memref_slice %arg3[%add3A_53, %dma_start3A_281, %dma_start3A_282] : memref<320x8x128xi32, #tpu.memory_space<hbm>> -> memref<1x8x128xi32, #tpu.memory_space<hbm>>
        %dma_start3A_284 = tpu.memref_squeeze %dma_start3A_283 : memref<1x8x128xi32, #tpu.memory_space<hbm>> -> memref<8x128xi32, #tpu.memory_space<hbm>>
        tpu.enqueue_dma source(%dma_start3A_284 : memref<8x128xi32, #tpu.memory_space<hbm>>) target(%arg6 : memref<8x128xi32, #tpu.memory_space<vmem>>) target_semaphore(%run_scoped3A : memref<!tpu.dma_semaphore, #tpu.memory_space<semaphore_mem>>)
        %dma_wait3A_285 = arith.constant 0 : i32
        %dma_wait3A_286 = arith.constant 0 : i32
        %dma_wait3A_287 = tpu.memref_slice %arg3[%add3A_53, %dma_wait3A_285, %dma_wait3A_286] : memref<320x8x128xi32, #tpu.memory_space<hbm>> -> memref<1x8x128xi32, #tpu.memory_space<hbm>>
        %dma_wait3A_288 = tpu.memref_squeeze %dma_wait3A_287 : memref<1x8x128xi32, #tpu.memory_space<hbm>> -> memref<8x128xi32, #tpu.memory_space<hbm>>
        %dma_wait3A_289 = arith.constant 0 : i32
        %dma_wait3A_290 = arith.constant 0 : i32
        %dma_wait3A_291 = tpu.memref_slice %arg3[%add3A_53, %dma_wait3A_289, %dma_wait3A_290] : memref<320x8x128xi32, #tpu.memory_space<hbm>> -> memref<1x8x128xi32, #tpu.memory_space<hbm>>
        %dma_wait3A_292 = tpu.memref_squeeze %dma_wait3A_291 : memref<1x8x128xi32, #tpu.memory_space<hbm>> -> memref<8x128xi32, #tpu.memory_space<hbm>>
        tpu.wait_dma2 semaphore(%run_scoped3A : memref<!tpu.dma_semaphore, #tpu.memory_space<semaphore_mem>>) src(%dma_wait3A_292 : memref<8x128xi32, #tpu.memory_space<hbm>>) dst(%arg6 : memref<8x128xi32, #tpu.memory_space<vmem>>)
        tpu.yield
      }) : () -> ()
      %add3A_54 = arith.addi %add3A_37, %while3A_52 : i32
      "tpu.region"() ({
        %run_scoped3A = tpu.sem_alloc : memref<!tpu.dma_semaphore, #tpu.memory_space<semaphore_mem>>
        %dma_start3A_277 = arith.constant 0 : i32
        %dma_start3A_278 = arith.constant 0 : i32
        %dma_start3A_279 = tpu.memref_slice %arg4[%add3A_54, %dma_start3A_277, %dma_start3A_278] : memref<320x8x128xi32, #tpu.memory_space<hbm>> -> memref<1x8x128xi32, #tpu.memory_space<hbm>>
        %dma_start3A_280 = tpu.memref_squeeze %dma_start3A_279 : memref<1x8x128xi32, #tpu.memory_space<hbm>> -> memref<8x128xi32, #tpu.memory_space<hbm>>
        %dma_start3A_281 = arith.constant 0 : i32
        %dma_start3A_282 = arith.constant 0 : i32
        %dma_start3A_283 = tpu.memref_slice %arg4[%add3A_54, %dma_start3A_281, %dma_start3A_282] : memref<320x8x128xi32, #tpu.memory_space<hbm>> -> memref<1x8x128xi32, #tpu.memory_space<hbm>>
        %dma_start3A_284 = tpu.memref_squeeze %dma_start3A_283 : memref<1x8x128xi32, #tpu.memory_space<hbm>> -> memref<8x128xi32, #tpu.memory_space<hbm>>
        tpu.enqueue_dma source(%dma_start3A_284 : memref<8x128xi32, #tpu.memory_space<hbm>>) target(%arg7 : memref<8x128xi32, #tpu.memory_space<vmem>>) target_semaphore(%run_scoped3A : memref<!tpu.dma_semaphore, #tpu.memory_space<semaphore_mem>>)
        %dma_wait3A_285 = arith.constant 0 : i32
        %dma_wait3A_286 = arith.constant 0 : i32
        %dma_wait3A_287 = tpu.memref_slice %arg4[%add3A_54, %dma_wait3A_285, %dma_wait3A_286] : memref<320x8x128xi32, #tpu.memory_space<hbm>> -> memref<1x8x128xi32, #tpu.memory_space<hbm>>
        %dma_wait3A_288 = tpu.memref_squeeze %dma_wait3A_287 : memref<1x8x128xi32, #tpu.memory_space<hbm>> -> memref<8x128xi32, #tpu.memory_space<hbm>>
        %dma_wait3A_289 = arith.constant 0 : i32
        %dma_wait3A_290 = arith.constant 0 : i32
        %dma_wait3A_291 = tpu.memref_slice %arg4[%add3A_54, %dma_wait3A_289, %dma_wait3A_290] : memref<320x8x128xi32, #tpu.memory_space<hbm>> -> memref<1x8x128xi32, #tpu.memory_space<hbm>>
        %dma_wait3A_292 = tpu.memref_squeeze %dma_wait3A_291 : memref<1x8x128xi32, #tpu.memory_space<hbm>> -> memref<8x128xi32, #tpu.memory_space<hbm>>
        tpu.wait_dma2 semaphore(%run_scoped3A : memref<!tpu.dma_semaphore, #tpu.memory_space<semaphore_mem>>) src(%dma_wait3A_292 : memref<8x128xi32, #tpu.memory_space<hbm>>) dst(%arg7 : memref<8x128xi32, #tpu.memory_space<vmem>>)
        tpu.yield
      }) : () -> ()
      %dma_start3A = arith.constant 0 : i32
      %dma_start3A_55 = arith.constant 0 : i32
      %dma_start3A_56 = tpu.memref_slice %arg6[%dma_start3A, %dma_start3A_55] : memref<8x128xi32, #tpu.memory_space<vmem>> -> memref<1x128xi32, #tpu.memory_space<vmem>>
      %dma_start3A_57 = tpu.memref_squeeze %dma_start3A_56 : memref<1x128xi32, #tpu.memory_space<vmem>> -> memref<128xi32, #tpu.memory_space<vmem>>
      %dma_start3A_58 = arith.constant 0 : i32
      %dma_start3A_59 = arith.constant 0 : i32
      %dma_start3A_60 = tpu.memref_slice %arg2[%dma_start3A_58, %dma_start3A_59] : memref<10000x128xf32, #tpu.memory_space<hbm>> -> memref<10000x128xf32, #tpu.memory_space<hbm>>
      tpu.enqueue_indirect_dma source(%dma_start3A_60 : memref<10000x128xf32, #tpu.memory_space<hbm>>) target(%arg8 : memref<128x128xf32, #tpu.memory_space<vmem>>) offsets(%dma_start3A_57 : memref<128xi32, #tpu.memory_space<vmem>>) semaphore(%arg11 : memref<!tpu.dma_semaphore, #tpu.memory_space<semaphore_mem>>)
      %dma_start3A_61 = arith.constant 1 : i32
      %dma_start3A_62 = arith.constant 0 : i32
      %dma_start3A_63 = tpu.memref_slice %arg6[%dma_start3A_61, %dma_start3A_62] : memref<8x128xi32, #tpu.memory_space<vmem>> -> memref<1x128xi32, #tpu.memory_space<vmem>>
      %dma_start3A_64 = tpu.memref_squeeze %dma_start3A_63 : memref<1x128xi32, #tpu.memory_space<vmem>> -> memref<128xi32, #tpu.memory_space<vmem>>
      %dma_start3A_65 = arith.constant 0 : i32
      %dma_start3A_66 = arith.constant 0 : i32
      %dma_start3A_67 = tpu.memref_slice %arg2[%dma_start3A_65, %dma_start3A_66] : memref<10000x128xf32, #tpu.memory_space<hbm>> -> memref<10000x128xf32, #tpu.memory_space<hbm>>
      tpu.enqueue_indirect_dma source(%dma_start3A_67 : memref<10000x128xf32, #tpu.memory_space<hbm>>) target(%arg9 : memref<128x128xf32, #tpu.memory_space<vmem>>) offsets(%dma_start3A_64 : memref<128xi32, #tpu.memory_space<vmem>>) semaphore(%arg12 : memref<!tpu.dma_semaphore, #tpu.memory_space<semaphore_mem>>)
      %dma_wait3A = arith.constant 0 : i32
      %dma_wait3A_68 = arith.constant 0 : i32
      %dma_wait3A_69 = tpu.memref_slice %arg6[%dma_wait3A, %dma_wait3A_68] : memref<8x128xi32, #tpu.memory_space<vmem>> -> memref<1x128xi32, #tpu.memory_space<vmem>>
      %dma_wait3A_70 = tpu.memref_squeeze %dma_wait3A_69 : memref<1x128xi32, #tpu.memory_space<vmem>> -> memref<128xi32, #tpu.memory_space<vmem>>
      %dma_wait3A_71 = arith.constant 0 : i32
      %dma_wait3A_72 = arith.constant 0 : i32
      %dma_wait3A_73 = tpu.memref_slice %arg2[%dma_wait3A_71, %dma_wait3A_72] : memref<10000x128xf32, #tpu.memory_space<hbm>> -> memref<10000x128xf32, #tpu.memory_space<hbm>>
      tpu.wait_indirect_dma semaphore(%arg11 : memref<!tpu.dma_semaphore, #tpu.memory_space<semaphore_mem>>) src(%dma_wait3A_73 : memref<10000x128xf32, #tpu.memory_space<hbm>>) dst(%arg8 : memref<128x128xf32, #tpu.memory_space<vmem>>)
      %dma_start3A_74 = arith.constant 0 : i32
      %dma_start3A_75 = arith.constant 0 : i32
      %dma_start3A_76 = tpu.memref_slice %arg7[%dma_start3A_74, %dma_start3A_75] : memref<8x128xi32, #tpu.memory_space<vmem>> -> memref<1x128xi32, #tpu.memory_space<vmem>>
      %dma_start3A_77 = tpu.memref_squeeze %dma_start3A_76 : memref<1x128xi32, #tpu.memory_space<vmem>> -> memref<128xi32, #tpu.memory_space<vmem>>
      %dma_start3A_78 = arith.constant 0 : i32
      %dma_start3A_79 = arith.constant 0 : i32
      %dma_start3A_80 = tpu.memref_slice %arg10[%dma_start3A_78, %dma_start3A_79] : memref<10240x128xf32, #tpu.memory_space<vmem_shared>> -> memref<10240x128xf32, #tpu.memory_space<vmem_shared>>
      tpu.enqueue_indirect_dma source(%arg8 : memref<128x128xf32, #tpu.memory_space<vmem>>) target(%dma_start3A_80 : memref<10240x128xf32, #tpu.memory_space<vmem_shared>>) offsets(%dma_start3A_77 : memref<128xi32, #tpu.memory_space<vmem>>) semaphore(%arg13 : memref<!tpu.dma_semaphore, #tpu.memory_space<semaphore_mem>>) {add = true}
      %dma_wait3A_81 = arith.constant 0 : i32
      %dma_wait3A_82 = arith.constant 0 : i32
      %dma_wait3A_83 = tpu.memref_slice %arg7[%dma_wait3A_81, %dma_wait3A_82] : memref<8x128xi32, #tpu.memory_space<vmem>> -> memref<1x128xi32, #tpu.memory_space<vmem>>
      %dma_wait3A_84 = tpu.memref_squeeze %dma_wait3A_83 : memref<1x128xi32, #tpu.memory_space<vmem>> -> memref<128xi32, #tpu.memory_space<vmem>>
      %dma_wait3A_85 = arith.constant 0 : i32
      %dma_wait3A_86 = arith.constant 0 : i32
      %dma_wait3A_87 = tpu.memref_slice %arg10[%dma_wait3A_85, %dma_wait3A_86] : memref<10240x128xf32, #tpu.memory_space<vmem_shared>> -> memref<10240x128xf32, #tpu.memory_space<vmem_shared>>
      tpu.wait_indirect_dma semaphore(%arg13 : memref<!tpu.dma_semaphore, #tpu.memory_space<semaphore_mem>>) src(%arg8 : memref<128x128xf32, #tpu.memory_space<vmem>>) dst(%dma_wait3A_87 : memref<10240x128xf32, #tpu.memory_space<vmem_shared>>)
      %dma_start3A_88 = arith.constant 2 : i32
      %dma_start3A_89 = arith.constant 0 : i32
      %dma_start3A_90 = tpu.memref_slice %arg6[%dma_start3A_88, %dma_start3A_89] : memref<8x128xi32, #tpu.memory_space<vmem>> -> memref<1x128xi32, #tpu.memory_space<vmem>>
      %dma_start3A_91 = tpu.memref_squeeze %dma_start3A_90 : memref<1x128xi32, #tpu.memory_space<vmem>> -> memref<128xi32, #tpu.memory_space<vmem>>
      %dma_start3A_92 = arith.constant 0 : i32
      %dma_start3A_93 = arith.constant 0 : i32
      %dma_start3A_94 = tpu.memref_slice %arg2[%dma_start3A_92, %dma_start3A_93] : memref<10000x128xf32, #tpu.memory_space<hbm>> -> memref<10000x128xf32, #tpu.memory_space<hbm>>
      tpu.enqueue_indirect_dma source(%dma_start3A_94 : memref<10000x128xf32, #tpu.memory_space<hbm>>) target(%arg8 : memref<128x128xf32, #tpu.memory_space<vmem>>) offsets(%dma_start3A_91 : memref<128xi32, #tpu.memory_space<vmem>>) semaphore(%arg11 : memref<!tpu.dma_semaphore, #tpu.memory_space<semaphore_mem>>)
      %dma_wait3A_95 = arith.constant 1 : i32
      %dma_wait3A_96 = arith.constant 0 : i32
      %dma_wait3A_97 = tpu.memref_slice %arg6[%dma_wait3A_95, %dma_wait3A_96] : memref<8x128xi32, #tpu.memory_space<vmem>> -> memref<1x128xi32, #tpu.memory_space<vmem>>
      %dma_wait3A_98 = tpu.memref_squeeze %dma_wait3A_97 : memref<1x128xi32, #tpu.memory_space<vmem>> -> memref<128xi32, #tpu.memory_space<vmem>>
      %dma_wait3A_99 = arith.constant 0 : i32
      %dma_wait3A_100 = arith.constant 0 : i32
      %dma_wait3A_101 = tpu.memref_slice %arg2[%dma_wait3A_99, %dma_wait3A_100] : memref<10000x128xf32, #tpu.memory_space<hbm>> -> memref<10000x128xf32, #tpu.memory_space<hbm>>
      tpu.wait_indirect_dma semaphore(%arg12 : memref<!tpu.dma_semaphore, #tpu.memory_space<semaphore_mem>>) src(%dma_wait3A_101 : memref<10000x128xf32, #tpu.memory_space<hbm>>) dst(%arg9 : memref<128x128xf32, #tpu.memory_space<vmem>>)
      %dma_start3A_102 = arith.constant 1 : i32
      %dma_start3A_103 = arith.constant 0 : i32
      %dma_start3A_104 = tpu.memref_slice %arg7[%dma_start3A_102, %dma_start3A_103] : memref<8x128xi32, #tpu.memory_space<vmem>> -> memref<1x128xi32, #tpu.memory_space<vmem>>
      %dma_start3A_105 = tpu.memref_squeeze %dma_start3A_104 : memref<1x128xi32, #tpu.memory_space<vmem>> -> memref<128xi32, #tpu.memory_space<vmem>>
      %dma_start3A_106 = arith.constant 0 : i32
      %dma_start3A_107 = arith.constant 0 : i32
      %dma_start3A_108 = tpu.memref_slice %arg10[%dma_start3A_106, %dma_start3A_107] : memref<10240x128xf32, #tpu.memory_space<vmem_shared>> -> memref<10240x128xf32, #tpu.memory_space<vmem_shared>>
      tpu.enqueue_indirect_dma source(%arg9 : memref<128x128xf32, #tpu.memory_space<vmem>>) target(%dma_start3A_108 : memref<10240x128xf32, #tpu.memory_space<vmem_shared>>) offsets(%dma_start3A_105 : memref<128xi32, #tpu.memory_space<vmem>>) semaphore(%arg14 : memref<!tpu.dma_semaphore, #tpu.memory_space<semaphore_mem>>) {add = true}
      %dma_wait3A_109 = arith.constant 1 : i32
      %dma_wait3A_110 = arith.constant 0 : i32
      %dma_wait3A_111 = tpu.memref_slice %arg7[%dma_wait3A_109, %dma_wait3A_110] : memref<8x128xi32, #tpu.memory_space<vmem>> -> memref<1x128xi32, #tpu.memory_space<vmem>>
      %dma_wait3A_112 = tpu.memref_squeeze %dma_wait3A_111 : memref<1x128xi32, #tpu.memory_space<vmem>> -> memref<128xi32, #tpu.memory_space<vmem>>
      %dma_wait3A_113 = arith.constant 0 : i32
      %dma_wait3A_114 = arith.constant 0 : i32
      %dma_wait3A_115 = tpu.memref_slice %arg10[%dma_wait3A_113, %dma_wait3A_114] : memref<10240x128xf32, #tpu.memory_space<vmem_shared>> -> memref<10240x128xf32, #tpu.memory_space<vmem_shared>>
      tpu.wait_indirect_dma semaphore(%arg14 : memref<!tpu.dma_semaphore, #tpu.memory_space<semaphore_mem>>) src(%arg9 : memref<128x128xf32, #tpu.memory_space<vmem>>) dst(%dma_wait3A_115 : memref<10240x128xf32, #tpu.memory_space<vmem_shared>>)
      %dma_start3A_116 = arith.constant 3 : i32
      %dma_start3A_117 = arith.constant 0 : i32
      %dma_start3A_118 = tpu.memref_slice %arg6[%dma_start3A_116, %dma_start3A_117] : memref<8x128xi32, #tpu.memory_space<vmem>> -> memref<1x128xi32, #tpu.memory_space<vmem>>
      %dma_start3A_119 = tpu.memref_squeeze %dma_start3A_118 : memref<1x128xi32, #tpu.memory_space<vmem>> -> memref<128xi32, #tpu.memory_space<vmem>>
      %dma_start3A_120 = arith.constant 0 : i32
      %dma_start3A_121 = arith.constant 0 : i32
      %dma_start3A_122 = tpu.memref_slice %arg2[%dma_start3A_120, %dma_start3A_121] : memref<10000x128xf32, #tpu.memory_space<hbm>> -> memref<10000x128xf32, #tpu.memory_space<hbm>>
      tpu.enqueue_indirect_dma source(%dma_start3A_122 : memref<10000x128xf32, #tpu.memory_space<hbm>>) target(%arg9 : memref<128x128xf32, #tpu.memory_space<vmem>>) offsets(%dma_start3A_119 : memref<128xi32, #tpu.memory_space<vmem>>) semaphore(%arg12 : memref<!tpu.dma_semaphore, #tpu.memory_space<semaphore_mem>>)
      %dma_wait3A_123 = arith.constant 2 : i32
      %dma_wait3A_124 = arith.constant 0 : i32
      %dma_wait3A_125 = tpu.memref_slice %arg6[%dma_wait3A_123, %dma_wait3A_124] : memref<8x128xi32, #tpu.memory_space<vmem>> -> memref<1x128xi32, #tpu.memory_space<vmem>>
      %dma_wait3A_126 = tpu.memref_squeeze %dma_wait3A_125 : memref<1x128xi32, #tpu.memory_space<vmem>> -> memref<128xi32, #tpu.memory_space<vmem>>
      %dma_wait3A_127 = arith.constant 0 : i32
      %dma_wait3A_128 = arith.constant 0 : i32
      %dma_wait3A_129 = tpu.memref_slice %arg2[%dma_wait3A_127, %dma_wait3A_128] : memref<10000x128xf32, #tpu.memory_space<hbm>> -> memref<10000x128xf32, #tpu.memory_space<hbm>>
      tpu.wait_indirect_dma semaphore(%arg11 : memref<!tpu.dma_semaphore, #tpu.memory_space<semaphore_mem>>) src(%dma_wait3A_129 : memref<10000x128xf32, #tpu.memory_space<hbm>>) dst(%arg8 : memref<128x128xf32, #tpu.memory_space<vmem>>)
      %dma_start3A_130 = arith.constant 2 : i32
      %dma_start3A_131 = arith.constant 0 : i32
      %dma_start3A_132 = tpu.memref_slice %arg7[%dma_start3A_130, %dma_start3A_131] : memref<8x128xi32, #tpu.memory_space<vmem>> -> memref<1x128xi32, #tpu.memory_space<vmem>>
      %dma_start3A_133 = tpu.memref_squeeze %dma_start3A_132 : memref<1x128xi32, #tpu.memory_space<vmem>> -> memref<128xi32, #tpu.memory_space<vmem>>
      %dma_start3A_134 = arith.constant 0 : i32
      %dma_start3A_135 = arith.constant 0 : i32
      %dma_start3A_136 = tpu.memref_slice %arg10[%dma_start3A_134, %dma_start3A_135] : memref<10240x128xf32, #tpu.memory_space<vmem_shared>> -> memref<10240x128xf32, #tpu.memory_space<vmem_shared>>
      tpu.enqueue_indirect_dma source(%arg8 : memref<128x128xf32, #tpu.memory_space<vmem>>) target(%dma_start3A_136 : memref<10240x128xf32, #tpu.memory_space<vmem_shared>>) offsets(%dma_start3A_133 : memref<128xi32, #tpu.memory_space<vmem>>) semaphore(%arg13 : memref<!tpu.dma_semaphore, #tpu.memory_space<semaphore_mem>>) {add = true}
      %dma_wait3A_137 = arith.constant 2 : i32
      %dma_wait3A_138 = arith.constant 0 : i32
      %dma_wait3A_139 = tpu.memref_slice %arg7[%dma_wait3A_137, %dma_wait3A_138] : memref<8x128xi32, #tpu.memory_space<vmem>> -> memref<1x128xi32, #tpu.memory_space<vmem>>
      %dma_wait3A_140 = tpu.memref_squeeze %dma_wait3A_139 : memref<1x128xi32, #tpu.memory_space<vmem>> -> memref<128xi32, #tpu.memory_space<vmem>>
      %dma_wait3A_141 = arith.constant 0 : i32
      %dma_wait3A_142 = arith.constant 0 : i32
      %dma_wait3A_143 = tpu.memref_slice %arg10[%dma_wait3A_141, %dma_wait3A_142] : memref<10240x128xf32, #tpu.memory_space<vmem_shared>> -> memref<10240x128xf32, #tpu.memory_space<vmem_shared>>
      tpu.wait_indirect_dma semaphore(%arg13 : memref<!tpu.dma_semaphore, #tpu.memory_space<semaphore_mem>>) src(%arg8 : memref<128x128xf32, #tpu.memory_space<vmem>>) dst(%dma_wait3A_143 : memref<10240x128xf32, #tpu.memory_space<vmem_shared>>)
      %dma_start3A_144 = arith.constant 4 : i32
      %dma_start3A_145 = arith.constant 0 : i32
      %dma_start3A_146 = tpu.memref_slice %arg6[%dma_start3A_144, %dma_start3A_145] : memref<8x128xi32, #tpu.memory_space<vmem>> -> memref<1x128xi32, #tpu.memory_space<vmem>>
      %dma_start3A_147 = tpu.memref_squeeze %dma_start3A_146 : memref<1x128xi32, #tpu.memory_space<vmem>> -> memref<128xi32, #tpu.memory_space<vmem>>
      %dma_start3A_148 = arith.constant 0 : i32
      %dma_start3A_149 = arith.constant 0 : i32
      %dma_start3A_150 = tpu.memref_slice %arg2[%dma_start3A_148, %dma_start3A_149] : memref<10000x128xf32, #tpu.memory_space<hbm>> -> memref<10000x128xf32, #tpu.memory_space<hbm>>
      tpu.enqueue_indirect_dma source(%dma_start3A_150 : memref<10000x128xf32, #tpu.memory_space<hbm>>) target(%arg8 : memref<128x128xf32, #tpu.memory_space<vmem>>) offsets(%dma_start3A_147 : memref<128xi32, #tpu.memory_space<vmem>>) semaphore(%arg11 : memref<!tpu.dma_semaphore, #tpu.memory_space<semaphore_mem>>)
      %dma_wait3A_151 = arith.constant 3 : i32
      %dma_wait3A_152 = arith.constant 0 : i32
      %dma_wait3A_153 = tpu.memref_slice %arg6[%dma_wait3A_151, %dma_wait3A_152] : memref<8x128xi32, #tpu.memory_space<vmem>> -> memref<1x128xi32, #tpu.memory_space<vmem>>
      %dma_wait3A_154 = tpu.memref_squeeze %dma_wait3A_153 : memref<1x128xi32, #tpu.memory_space<vmem>> -> memref<128xi32, #tpu.memory_space<vmem>>
      %dma_wait3A_155 = arith.constant 0 : i32
      %dma_wait3A_156 = arith.constant 0 : i32
      %dma_wait3A_157 = tpu.memref_slice %arg2[%dma_wait3A_155, %dma_wait3A_156] : memref<10000x128xf32, #tpu.memory_space<hbm>> -> memref<10000x128xf32, #tpu.memory_space<hbm>>
      tpu.wait_indirect_dma semaphore(%arg12 : memref<!tpu.dma_semaphore, #tpu.memory_space<semaphore_mem>>) src(%dma_wait3A_157 : memref<10000x128xf32, #tpu.memory_space<hbm>>) dst(%arg9 : memref<128x128xf32, #tpu.memory_space<vmem>>)
      %dma_start3A_158 = arith.constant 3 : i32
      %dma_start3A_159 = arith.constant 0 : i32
      %dma_start3A_160 = tpu.memref_slice %arg7[%dma_start3A_158, %dma_start3A_159] : memref<8x128xi32, #tpu.memory_space<vmem>> -> memref<1x128xi32, #tpu.memory_space<vmem>>
      %dma_start3A_161 = tpu.memref_squeeze %dma_start3A_160 : memref<1x128xi32, #tpu.memory_space<vmem>> -> memref<128xi32, #tpu.memory_space<vmem>>
      %dma_start3A_162 = arith.constant 0 : i32
      %dma_start3A_163 = arith.constant 0 : i32
      %dma_start3A_164 = tpu.memref_slice %arg10[%dma_start3A_162, %dma_start3A_163] : memref<10240x128xf32, #tpu.memory_space<vmem_shared>> -> memref<10240x128xf32, #tpu.memory_space<vmem_shared>>
      tpu.enqueue_indirect_dma source(%arg9 : memref<128x128xf32, #tpu.memory_space<vmem>>) target(%dma_start3A_164 : memref<10240x128xf32, #tpu.memory_space<vmem_shared>>) offsets(%dma_start3A_161 : memref<128xi32, #tpu.memory_space<vmem>>) semaphore(%arg14 : memref<!tpu.dma_semaphore, #tpu.memory_space<semaphore_mem>>) {add = true}
      %dma_wait3A_165 = arith.constant 3 : i32
      %dma_wait3A_166 = arith.constant 0 : i32
      %dma_wait3A_167 = tpu.memref_slice %arg7[%dma_wait3A_165, %dma_wait3A_166] : memref<8x128xi32, #tpu.memory_space<vmem>> -> memref<1x128xi32, #tpu.memory_space<vmem>>
      %dma_wait3A_168 = tpu.memref_squeeze %dma_wait3A_167 : memref<1x128xi32, #tpu.memory_space<vmem>> -> memref<128xi32, #tpu.memory_space<vmem>>
      %dma_wait3A_169 = arith.constant 0 : i32
      %dma_wait3A_170 = arith.constant 0 : i32
      %dma_wait3A_171 = tpu.memref_slice %arg10[%dma_wait3A_169, %dma_wait3A_170] : memref<10240x128xf32, #tpu.memory_space<vmem_shared>> -> memref<10240x128xf32, #tpu.memory_space<vmem_shared>>
      tpu.wait_indirect_dma semaphore(%arg14 : memref<!tpu.dma_semaphore, #tpu.memory_space<semaphore_mem>>) src(%arg9 : memref<128x128xf32, #tpu.memory_space<vmem>>) dst(%dma_wait3A_171 : memref<10240x128xf32, #tpu.memory_space<vmem_shared>>)
      %dma_start3A_172 = arith.constant 5 : i32
      %dma_start3A_173 = arith.constant 0 : i32
      %dma_start3A_174 = tpu.memref_slice %arg6[%dma_start3A_172, %dma_start3A_173] : memref<8x128xi32, #tpu.memory_space<vmem>> -> memref<1x128xi32, #tpu.memory_space<vmem>>
      %dma_start3A_175 = tpu.memref_squeeze %dma_start3A_174 : memref<1x128xi32, #tpu.memory_space<vmem>> -> memref<128xi32, #tpu.memory_space<vmem>>
      %dma_start3A_176 = arith.constant 0 : i32
      %dma_start3A_177 = arith.constant 0 : i32
      %dma_start3A_178 = tpu.memref_slice %arg2[%dma_start3A_176, %dma_start3A_177] : memref<10000x128xf32, #tpu.memory_space<hbm>> -> memref<10000x128xf32, #tpu.memory_space<hbm>>
      tpu.enqueue_indirect_dma source(%dma_start3A_178 : memref<10000x128xf32, #tpu.memory_space<hbm>>) target(%arg9 : memref<128x128xf32, #tpu.memory_space<vmem>>) offsets(%dma_start3A_175 : memref<128xi32, #tpu.memory_space<vmem>>) semaphore(%arg12 : memref<!tpu.dma_semaphore, #tpu.memory_space<semaphore_mem>>)
      %dma_wait3A_179 = arith.constant 4 : i32
      %dma_wait3A_180 = arith.constant 0 : i32
      %dma_wait3A_181 = tpu.memref_slice %arg6[%dma_wait3A_179, %dma_wait3A_180] : memref<8x128xi32, #tpu.memory_space<vmem>> -> memref<1x128xi32, #tpu.memory_space<vmem>>
      %dma_wait3A_182 = tpu.memref_squeeze %dma_wait3A_181 : memref<1x128xi32, #tpu.memory_space<vmem>> -> memref<128xi32, #tpu.memory_space<vmem>>
      %dma_wait3A_183 = arith.constant 0 : i32
      %dma_wait3A_184 = arith.constant 0 : i32
      %dma_wait3A_185 = tpu.memref_slice %arg2[%dma_wait3A_183, %dma_wait3A_184] : memref<10000x128xf32, #tpu.memory_space<hbm>> -> memref<10000x128xf32, #tpu.memory_space<hbm>>
      tpu.wait_indirect_dma semaphore(%arg11 : memref<!tpu.dma_semaphore, #tpu.memory_space<semaphore_mem>>) src(%dma_wait3A_185 : memref<10000x128xf32, #tpu.memory_space<hbm>>) dst(%arg8 : memref<128x128xf32, #tpu.memory_space<vmem>>)
      %dma_start3A_186 = arith.constant 4 : i32
      %dma_start3A_187 = arith.constant 0 : i32
      %dma_start3A_188 = tpu.memref_slice %arg7[%dma_start3A_186, %dma_start3A_187] : memref<8x128xi32, #tpu.memory_space<vmem>> -> memref<1x128xi32, #tpu.memory_space<vmem>>
      %dma_start3A_189 = tpu.memref_squeeze %dma_start3A_188 : memref<1x128xi32, #tpu.memory_space<vmem>> -> memref<128xi32, #tpu.memory_space<vmem>>
      %dma_start3A_190 = arith.constant 0 : i32
      %dma_start3A_191 = arith.constant 0 : i32
      %dma_start3A_192 = tpu.memref_slice %arg10[%dma_start3A_190, %dma_start3A_191] : memref<10240x128xf32, #tpu.memory_space<vmem_shared>> -> memref<10240x128xf32, #tpu.memory_space<vmem_shared>>
      tpu.enqueue_indirect_dma source(%arg8 : memref<128x128xf32, #tpu.memory_space<vmem>>) target(%dma_start3A_192 : memref<10240x128xf32, #tpu.memory_space<vmem_shared>>) offsets(%dma_start3A_189 : memref<128xi32, #tpu.memory_space<vmem>>) semaphore(%arg13 : memref<!tpu.dma_semaphore, #tpu.memory_space<semaphore_mem>>) {add = true}
      %dma_wait3A_193 = arith.constant 4 : i32
      %dma_wait3A_194 = arith.constant 0 : i32
      %dma_wait3A_195 = tpu.memref_slice %arg7[%dma_wait3A_193, %dma_wait3A_194] : memref<8x128xi32, #tpu.memory_space<vmem>> -> memref<1x128xi32, #tpu.memory_space<vmem>>
      %dma_wait3A_196 = tpu.memref_squeeze %dma_wait3A_195 : memref<1x128xi32, #tpu.memory_space<vmem>> -> memref<128xi32, #tpu.memory_space<vmem>>
      %dma_wait3A_197 = arith.constant 0 : i32
      %dma_wait3A_198 = arith.constant 0 : i32
      %dma_wait3A_199 = tpu.memref_slice %arg10[%dma_wait3A_197, %dma_wait3A_198] : memref<10240x128xf32, #tpu.memory_space<vmem_shared>> -> memref<10240x128xf32, #tpu.memory_space<vmem_shared>>
      tpu.wait_indirect_dma semaphore(%arg13 : memref<!tpu.dma_semaphore, #tpu.memory_space<semaphore_mem>>) src(%arg8 : memref<128x128xf32, #tpu.memory_space<vmem>>) dst(%dma_wait3A_199 : memref<10240x128xf32, #tpu.memory_space<vmem_shared>>)
      %dma_start3A_200 = arith.constant 6 : i32
      %dma_start3A_201 = arith.constant 0 : i32
      %dma_start3A_202 = tpu.memref_slice %arg6[%dma_start3A_200, %dma_start3A_201] : memref<8x128xi32, #tpu.memory_space<vmem>> -> memref<1x128xi32, #tpu.memory_space<vmem>>
      %dma_start3A_203 = tpu.memref_squeeze %dma_start3A_202 : memref<1x128xi32, #tpu.memory_space<vmem>> -> memref<128xi32, #tpu.memory_space<vmem>>
      %dma_start3A_204 = arith.constant 0 : i32
      %dma_start3A_205 = arith.constant 0 : i32
      %dma_start3A_206 = tpu.memref_slice %arg2[%dma_start3A_204, %dma_start3A_205] : memref<10000x128xf32, #tpu.memory_space<hbm>> -> memref<10000x128xf32, #tpu.memory_space<hbm>>
      tpu.enqueue_indirect_dma source(%dma_start3A_206 : memref<10000x128xf32, #tpu.memory_space<hbm>>) target(%arg8 : memref<128x128xf32, #tpu.memory_space<vmem>>) offsets(%dma_start3A_203 : memref<128xi32, #tpu.memory_space<vmem>>) semaphore(%arg11 : memref<!tpu.dma_semaphore, #tpu.memory_space<semaphore_mem>>)
      %dma_wait3A_207 = arith.constant 5 : i32
      %dma_wait3A_208 = arith.constant 0 : i32
      %dma_wait3A_209 = tpu.memref_slice %arg6[%dma_wait3A_207, %dma_wait3A_208] : memref<8x128xi32, #tpu.memory_space<vmem>> -> memref<1x128xi32, #tpu.memory_space<vmem>>
      %dma_wait3A_210 = tpu.memref_squeeze %dma_wait3A_209 : memref<1x128xi32, #tpu.memory_space<vmem>> -> memref<128xi32, #tpu.memory_space<vmem>>
      %dma_wait3A_211 = arith.constant 0 : i32
      %dma_wait3A_212 = arith.constant 0 : i32
      %dma_wait3A_213 = tpu.memref_slice %arg2[%dma_wait3A_211, %dma_wait3A_212] : memref<10000x128xf32, #tpu.memory_space<hbm>> -> memref<10000x128xf32, #tpu.memory_space<hbm>>
      tpu.wait_indirect_dma semaphore(%arg12 : memref<!tpu.dma_semaphore, #tpu.memory_space<semaphore_mem>>) src(%dma_wait3A_213 : memref<10000x128xf32, #tpu.memory_space<hbm>>) dst(%arg9 : memref<128x128xf32, #tpu.memory_space<vmem>>)
      %dma_start3A_214 = arith.constant 5 : i32
      %dma_start3A_215 = arith.constant 0 : i32
      %dma_start3A_216 = tpu.memref_slice %arg7[%dma_start3A_214, %dma_start3A_215] : memref<8x128xi32, #tpu.memory_space<vmem>> -> memref<1x128xi32, #tpu.memory_space<vmem>>
      %dma_start3A_217 = tpu.memref_squeeze %dma_start3A_216 : memref<1x128xi32, #tpu.memory_space<vmem>> -> memref<128xi32, #tpu.memory_space<vmem>>
      %dma_start3A_218 = arith.constant 0 : i32
      %dma_start3A_219 = arith.constant 0 : i32
      %dma_start3A_220 = tpu.memref_slice %arg10[%dma_start3A_218, %dma_start3A_219] : memref<10240x128xf32, #tpu.memory_space<vmem_shared>> -> memref<10240x128xf32, #tpu.memory_space<vmem_shared>>
      tpu.enqueue_indirect_dma source(%arg9 : memref<128x128xf32, #tpu.memory_space<vmem>>) target(%dma_start3A_220 : memref<10240x128xf32, #tpu.memory_space<vmem_shared>>) offsets(%dma_start3A_217 : memref<128xi32, #tpu.memory_space<vmem>>) semaphore(%arg14 : memref<!tpu.dma_semaphore, #tpu.memory_space<semaphore_mem>>) {add = true}
      %dma_wait3A_221 = arith.constant 5 : i32
      %dma_wait3A_222 = arith.constant 0 : i32
      %dma_wait3A_223 = tpu.memref_slice %arg7[%dma_wait3A_221, %dma_wait3A_222] : memref<8x128xi32, #tpu.memory_space<vmem>> -> memref<1x128xi32, #tpu.memory_space<vmem>>
      %dma_wait3A_224 = tpu.memref_squeeze %dma_wait3A_223 : memref<1x128xi32, #tpu.memory_space<vmem>> -> memref<128xi32, #tpu.memory_space<vmem>>
      %dma_wait3A_225 = arith.constant 0 : i32
      %dma_wait3A_226 = arith.constant 0 : i32
      %dma_wait3A_227 = tpu.memref_slice %arg10[%dma_wait3A_225, %dma_wait3A_226] : memref<10240x128xf32, #tpu.memory_space<vmem_shared>> -> memref<10240x128xf32, #tpu.memory_space<vmem_shared>>
      tpu.wait_indirect_dma semaphore(%arg14 : memref<!tpu.dma_semaphore, #tpu.memory_space<semaphore_mem>>) src(%arg9 : memref<128x128xf32, #tpu.memory_space<vmem>>) dst(%dma_wait3A_227 : memref<10240x128xf32, #tpu.memory_space<vmem_shared>>)
      %dma_start3A_228 = arith.constant 7 : i32
      %dma_start3A_229 = arith.constant 0 : i32
      %dma_start3A_230 = tpu.memref_slice %arg6[%dma_start3A_228, %dma_start3A_229] : memref<8x128xi32, #tpu.memory_space<vmem>> -> memref<1x128xi32, #tpu.memory_space<vmem>>
      %dma_start3A_231 = tpu.memref_squeeze %dma_start3A_230 : memref<1x128xi32, #tpu.memory_space<vmem>> -> memref<128xi32, #tpu.memory_space<vmem>>
      %dma_start3A_232 = arith.constant 0 : i32
      %dma_start3A_233 = arith.constant 0 : i32
      %dma_start3A_234 = tpu.memref_slice %arg2[%dma_start3A_232, %dma_start3A_233] : memref<10000x128xf32, #tpu.memory_space<hbm>> -> memref<10000x128xf32, #tpu.memory_space<hbm>>
      tpu.enqueue_indirect_dma source(%dma_start3A_234 : memref<10000x128xf32, #tpu.memory_space<hbm>>) target(%arg9 : memref<128x128xf32, #tpu.memory_space<vmem>>) offsets(%dma_start3A_231 : memref<128xi32, #tpu.memory_space<vmem>>) semaphore(%arg12 : memref<!tpu.dma_semaphore, #tpu.memory_space<semaphore_mem>>)
      %dma_wait3A_235 = arith.constant 6 : i32
      %dma_wait3A_236 = arith.constant 0 : i32
      %dma_wait3A_237 = tpu.memref_slice %arg6[%dma_wait3A_235, %dma_wait3A_236] : memref<8x128xi32, #tpu.memory_space<vmem>> -> memref<1x128xi32, #tpu.memory_space<vmem>>
      %dma_wait3A_238 = tpu.memref_squeeze %dma_wait3A_237 : memref<1x128xi32, #tpu.memory_space<vmem>> -> memref<128xi32, #tpu.memory_space<vmem>>
      %dma_wait3A_239 = arith.constant 0 : i32
      %dma_wait3A_240 = arith.constant 0 : i32
      %dma_wait3A_241 = tpu.memref_slice %arg2[%dma_wait3A_239, %dma_wait3A_240] : memref<10000x128xf32, #tpu.memory_space<hbm>> -> memref<10000x128xf32, #tpu.memory_space<hbm>>
      tpu.wait_indirect_dma semaphore(%arg11 : memref<!tpu.dma_semaphore, #tpu.memory_space<semaphore_mem>>) src(%dma_wait3A_241 : memref<10000x128xf32, #tpu.memory_space<hbm>>) dst(%arg8 : memref<128x128xf32, #tpu.memory_space<vmem>>)
      %dma_start3A_242 = arith.constant 6 : i32
      %dma_start3A_243 = arith.constant 0 : i32
      %dma_start3A_244 = tpu.memref_slice %arg7[%dma_start3A_242, %dma_start3A_243] : memref<8x128xi32, #tpu.memory_space<vmem>> -> memref<1x128xi32, #tpu.memory_space<vmem>>
      %dma_start3A_245 = tpu.memref_squeeze %dma_start3A_244 : memref<1x128xi32, #tpu.memory_space<vmem>> -> memref<128xi32, #tpu.memory_space<vmem>>
      %dma_start3A_246 = arith.constant 0 : i32
      %dma_start3A_247 = arith.constant 0 : i32
      %dma_start3A_248 = tpu.memref_slice %arg10[%dma_start3A_246, %dma_start3A_247] : memref<10240x128xf32, #tpu.memory_space<vmem_shared>> -> memref<10240x128xf32, #tpu.memory_space<vmem_shared>>
      tpu.enqueue_indirect_dma source(%arg8 : memref<128x128xf32, #tpu.memory_space<vmem>>) target(%dma_start3A_248 : memref<10240x128xf32, #tpu.memory_space<vmem_shared>>) offsets(%dma_start3A_245 : memref<128xi32, #tpu.memory_space<vmem>>) semaphore(%arg13 : memref<!tpu.dma_semaphore, #tpu.memory_space<semaphore_mem>>) {add = true}
      %dma_wait3A_249 = arith.constant 7 : i32
      %dma_wait3A_250 = arith.constant 0 : i32
      %dma_wait3A_251 = tpu.memref_slice %arg6[%dma_wait3A_249, %dma_wait3A_250] : memref<8x128xi32, #tpu.memory_space<vmem>> -> memref<1x128xi32, #tpu.memory_space<vmem>>
      %dma_wait3A_252 = tpu.memref_squeeze %dma_wait3A_251 : memref<1x128xi32, #tpu.memory_space<vmem>> -> memref<128xi32, #tpu.memory_space<vmem>>
      %dma_wait3A_253 = arith.constant 0 : i32
      %dma_wait3A_254 = arith.constant 0 : i32
      %dma_wait3A_255 = tpu.memref_slice %arg2[%dma_wait3A_253, %dma_wait3A_254] : memref<10000x128xf32, #tpu.memory_space<hbm>> -> memref<10000x128xf32, #tpu.memory_space<hbm>>
      tpu.wait_indirect_dma semaphore(%arg12 : memref<!tpu.dma_semaphore, #tpu.memory_space<semaphore_mem>>) src(%dma_wait3A_255 : memref<10000x128xf32, #tpu.memory_space<hbm>>) dst(%arg9 : memref<128x128xf32, #tpu.memory_space<vmem>>)
      %dma_start3A_256 = arith.constant 7 : i32
      %dma_start3A_257 = arith.constant 0 : i32
      %dma_start3A_258 = tpu.memref_slice %arg7[%dma_start3A_256, %dma_start3A_257] : memref<8x128xi32, #tpu.memory_space<vmem>> -> memref<1x128xi32, #tpu.memory_space<vmem>>
      %dma_start3A_259 = tpu.memref_squeeze %dma_start3A_258 : memref<1x128xi32, #tpu.memory_space<vmem>> -> memref<128xi32, #tpu.memory_space<vmem>>
      %dma_start3A_260 = arith.constant 0 : i32
      %dma_start3A_261 = arith.constant 0 : i32
      %dma_start3A_262 = tpu.memref_slice %arg10[%dma_start3A_260, %dma_start3A_261] : memref<10240x128xf32, #tpu.memory_space<vmem_shared>> -> memref<10240x128xf32, #tpu.memory_space<vmem_shared>>
      tpu.enqueue_indirect_dma source(%arg9 : memref<128x128xf32, #tpu.memory_space<vmem>>) target(%dma_start3A_262 : memref<10240x128xf32, #tpu.memory_space<vmem_shared>>) offsets(%dma_start3A_259 : memref<128xi32, #tpu.memory_space<vmem>>) semaphore(%arg14 : memref<!tpu.dma_semaphore, #tpu.memory_space<semaphore_mem>>) {add = true}
      %dma_wait3A_263 = arith.constant 6 : i32
      %dma_wait3A_264 = arith.constant 0 : i32
      %dma_wait3A_265 = tpu.memref_slice %arg7[%dma_wait3A_263, %dma_wait3A_264] : memref<8x128xi32, #tpu.memory_space<vmem>> -> memref<1x128xi32, #tpu.memory_space<vmem>>
      %dma_wait3A_266 = tpu.memref_squeeze %dma_wait3A_265 : memref<1x128xi32, #tpu.memory_space<vmem>> -> memref<128xi32, #tpu.memory_space<vmem>>
      %dma_wait3A_267 = arith.constant 0 : i32
      %dma_wait3A_268 = arith.constant 0 : i32
      %dma_wait3A_269 = tpu.memref_slice %arg10[%dma_wait3A_267, %dma_wait3A_268] : memref<10240x128xf32, #tpu.memory_space<vmem_shared>> -> memref<10240x128xf32, #tpu.memory_space<vmem_shared>>
      tpu.wait_indirect_dma semaphore(%arg13 : memref<!tpu.dma_semaphore, #tpu.memory_space<semaphore_mem>>) src(%arg8 : memref<128x128xf32, #tpu.memory_space<vmem>>) dst(%dma_wait3A_269 : memref<10240x128xf32, #tpu.memory_space<vmem_shared>>)
      %dma_wait3A_270 = arith.constant 7 : i32
      %dma_wait3A_271 = arith.constant 0 : i32
      %dma_wait3A_272 = tpu.memref_slice %arg7[%dma_wait3A_270, %dma_wait3A_271] : memref<8x128xi32, #tpu.memory_space<vmem>> -> memref<1x128xi32, #tpu.memory_space<vmem>>
      %dma_wait3A_273 = tpu.memref_squeeze %dma_wait3A_272 : memref<1x128xi32, #tpu.memory_space<vmem>> -> memref<128xi32, #tpu.memory_space<vmem>>
      %dma_wait3A_274 = arith.constant 0 : i32
      %dma_wait3A_275 = arith.constant 0 : i32
      %dma_wait3A_276 = tpu.memref_slice %arg10[%dma_wait3A_274, %dma_wait3A_275] : memref<10240x128xf32, #tpu.memory_space<vmem_shared>> -> memref<10240x128xf32, #tpu.memory_space<vmem_shared>>
      tpu.wait_indirect_dma semaphore(%arg14 : memref<!tpu.dma_semaphore, #tpu.memory_space<semaphore_mem>>) src(%arg9 : memref<128x128xf32, #tpu.memory_space<vmem>>) dst(%dma_wait3A_276 : memref<10240x128xf32, #tpu.memory_space<vmem_shared>>)
    }
    %while3A_46 = arith.constant 1 : i32
    scf.for %while3A_52 = %while3A_44 to %while3A_40 step %while3A_46  : i32 {
      %add3A_53 = arith.addi %add3A_37, %while3A_52 : i32
      "tpu.region"() ({
        %run_scoped3A = tpu.sem_alloc : memref<!tpu.dma_semaphore, #tpu.memory_space<semaphore_mem>>
        %dma_start3A_277 = arith.constant 0 : i32
        %dma_start3A_278 = arith.constant 0 : i32
        %dma_start3A_279 = tpu.memref_slice %arg3[%add3A_53, %dma_start3A_277, %dma_start3A_278] : memref<320x8x128xi32, #tpu.memory_space<hbm>> -> memref<1x8x128xi32, #tpu.memory_space<hbm>>
        %dma_start3A_280 = tpu.memref_squeeze %dma_start3A_279 : memref<1x8x128xi32, #tpu.memory_space<hbm>> -> memref<8x128xi32, #tpu.memory_space<hbm>>
        %dma_start3A_281 = arith.constant 0 : i32
        %dma_start3A_282 = arith.constant 0 : i32
        %dma_start3A_283 = tpu.memref_slice %arg3[%add3A_53, %dma_start3A_281, %dma_start3A_282] : memref<320x8x128xi32, #tpu.memory_space<hbm>> -> memref<1x8x128xi32, #tpu.memory_space<hbm>>
        %dma_start3A_284 = tpu.memref_squeeze %dma_start3A_283 : memref<1x8x128xi32, #tpu.memory_space<hbm>> -> memref<8x128xi32, #tpu.memory_space<hbm>>
        tpu.enqueue_dma source(%dma_start3A_284 : memref<8x128xi32, #tpu.memory_space<hbm>>) target(%arg6 : memref<8x128xi32, #tpu.memory_space<vmem>>) target_semaphore(%run_scoped3A : memref<!tpu.dma_semaphore, #tpu.memory_space<semaphore_mem>>)
        %dma_wait3A_285 = arith.constant 0 : i32
        %dma_wait3A_286 = arith.constant 0 : i32
        %dma_wait3A_287 = tpu.memref_slice %arg3[%add3A_53, %dma_wait3A_285, %dma_wait3A_286] : memref<320x8x128xi32, #tpu.memory_space<hbm>> -> memref<1x8x128xi32, #tpu.memory_space<hbm>>
        %dma_wait3A_288 = tpu.memref_squeeze %dma_wait3A_287 : memref<1x8x128xi32, #tpu.memory_space<hbm>> -> memref<8x128xi32, #tpu.memory_space<hbm>>
        %dma_wait3A_289 = arith.constant 0 : i32
        %dma_wait3A_290 = arith.constant 0 : i32
        %dma_wait3A_291 = tpu.memref_slice %arg3[%add3A_53, %dma_wait3A_289, %dma_wait3A_290] : memref<320x8x128xi32, #tpu.memory_space<hbm>> -> memref<1x8x128xi32, #tpu.memory_space<hbm>>
        %dma_wait3A_292 = tpu.memref_squeeze %dma_wait3A_291 : memref<1x8x128xi32, #tpu.memory_space<hbm>> -> memref<8x128xi32, #tpu.memory_space<hbm>>
        tpu.wait_dma2 semaphore(%run_scoped3A : memref<!tpu.dma_semaphore, #tpu.memory_space<semaphore_mem>>) src(%dma_wait3A_292 : memref<8x128xi32, #tpu.memory_space<hbm>>) dst(%arg6 : memref<8x128xi32, #tpu.memory_space<vmem>>)
        tpu.yield
      }) : () -> ()
      %add3A_54 = arith.addi %add3A_37, %while3A_52 : i32
      "tpu.region"() ({
        %run_scoped3A = tpu.sem_alloc : memref<!tpu.dma_semaphore, #tpu.memory_space<semaphore_mem>>
        %dma_start3A_277 = arith.constant 0 : i32
        %dma_start3A_278 = arith.constant 0 : i32
        %dma_start3A_279 = tpu.memref_slice %arg4[%add3A_54, %dma_start3A_277, %dma_start3A_278] : memref<320x8x128xi32, #tpu.memory_space<hbm>> -> memref<1x8x128xi32, #tpu.memory_space<hbm>>
        %dma_start3A_280 = tpu.memref_squeeze %dma_start3A_279 : memref<1x8x128xi32, #tpu.memory_space<hbm>> -> memref<8x128xi32, #tpu.memory_space<hbm>>
        %dma_start3A_281 = arith.constant 0 : i32
        %dma_start3A_282 = arith.constant 0 : i32
        %dma_start3A_283 = tpu.memref_slice %arg4[%add3A_54, %dma_start3A_281, %dma_start3A_282] : memref<320x8x128xi32, #tpu.memory_space<hbm>> -> memref<1x8x128xi32, #tpu.memory_space<hbm>>
        %dma_start3A_284 = tpu.memref_squeeze %dma_start3A_283 : memref<1x8x128xi32, #tpu.memory_space<hbm>> -> memref<8x128xi32, #tpu.memory_space<hbm>>
        tpu.enqueue_dma source(%dma_start3A_284 : memref<8x128xi32, #tpu.memory_space<hbm>>) target(%arg7 : memref<8x128xi32, #tpu.memory_space<vmem>>) target_semaphore(%run_scoped3A : memref<!tpu.dma_semaphore, #tpu.memory_space<semaphore_mem>>)
        %dma_wait3A_285 = arith.constant 0 : i32
        %dma_wait3A_286 = arith.constant 0 : i32
        %dma_wait3A_287 = tpu.memref_slice %arg4[%add3A_54, %dma_wait3A_285, %dma_wait3A_286] : memref<320x8x128xi32, #tpu.memory_space<hbm>> -> memref<1x8x128xi32, #tpu.memory_space<hbm>>
        %dma_wait3A_288 = tpu.memref_squeeze %dma_wait3A_287 : memref<1x8x128xi32, #tpu.memory_space<hbm>> -> memref<8x128xi32, #tpu.memory_space<hbm>>
        %dma_wait3A_289 = arith.constant 0 : i32
        %dma_wait3A_290 = arith.constant 0 : i32
        %dma_wait3A_291 = tpu.memref_slice %arg4[%add3A_54, %dma_wait3A_289, %dma_wait3A_290] : memref<320x8x128xi32, #tpu.memory_space<hbm>> -> memref<1x8x128xi32, #tpu.memory_space<hbm>>
        %dma_wait3A_292 = tpu.memref_squeeze %dma_wait3A_291 : memref<1x8x128xi32, #tpu.memory_space<hbm>> -> memref<8x128xi32, #tpu.memory_space<hbm>>
        tpu.wait_dma2 semaphore(%run_scoped3A : memref<!tpu.dma_semaphore, #tpu.memory_space<semaphore_mem>>) src(%dma_wait3A_292 : memref<8x128xi32, #tpu.memory_space<hbm>>) dst(%arg7 : memref<8x128xi32, #tpu.memory_space<vmem>>)
        tpu.yield
      }) : () -> ()
      %dma_start3A = arith.constant 0 : i32
      %dma_start3A_55 = arith.constant 0 : i32
      %dma_start3A_56 = tpu.memref_slice %arg6[%dma_start3A, %dma_start3A_55] : memref<8x128xi32, #tpu.memory_space<vmem>> -> memref<1x128xi32, #tpu.memory_space<vmem>>
      %dma_start3A_57 = tpu.memref_squeeze %dma_start3A_56 : memref<1x128xi32, #tpu.memory_space<vmem>> -> memref<128xi32, #tpu.memory_space<vmem>>
      %dma_start3A_58 = arith.constant 0 : i32
      %dma_start3A_59 = arith.constant 0 : i32
      %dma_start3A_60 = tpu.memref_slice %arg2[%dma_start3A_58, %dma_start3A_59] : memref<10000x128xf32, #tpu.memory_space<hbm>> -> memref<10000x128xf32, #tpu.memory_space<hbm>>
      tpu.enqueue_indirect_dma source(%dma_start3A_60 : memref<10000x128xf32, #tpu.memory_space<hbm>>) target(%arg8 : memref<128x128xf32, #tpu.memory_space<vmem>>) offsets(%dma_start3A_57 : memref<128xi32, #tpu.memory_space<vmem>>) semaphore(%arg11 : memref<!tpu.dma_semaphore, #tpu.memory_space<semaphore_mem>>)
      %dma_start3A_61 = arith.constant 1 : i32
      %dma_start3A_62 = arith.constant 0 : i32
      %dma_start3A_63 = tpu.memref_slice %arg6[%dma_start3A_61, %dma_start3A_62] : memref<8x128xi32, #tpu.memory_space<vmem>> -> memref<1x128xi32, #tpu.memory_space<vmem>>
      %dma_start3A_64 = tpu.memref_squeeze %dma_start3A_63 : memref<1x128xi32, #tpu.memory_space<vmem>> -> memref<128xi32, #tpu.memory_space<vmem>>
      %dma_start3A_65 = arith.constant 0 : i32
      %dma_start3A_66 = arith.constant 0 : i32
      %dma_start3A_67 = tpu.memref_slice %arg2[%dma_start3A_65, %dma_start3A_66] : memref<10000x128xf32, #tpu.memory_space<hbm>> -> memref<10000x128xf32, #tpu.memory_space<hbm>>
      tpu.enqueue_indirect_dma source(%dma_start3A_67 : memref<10000x128xf32, #tpu.memory_space<hbm>>) target(%arg9 : memref<128x128xf32, #tpu.memory_space<vmem>>) offsets(%dma_start3A_64 : memref<128xi32, #tpu.memory_space<vmem>>) semaphore(%arg12 : memref<!tpu.dma_semaphore, #tpu.memory_space<semaphore_mem>>)
      %dma_wait3A = arith.constant 0 : i32
      %dma_wait3A_68 = arith.constant 0 : i32
      %dma_wait3A_69 = tpu.memref_slice %arg6[%dma_wait3A, %dma_wait3A_68] : memref<8x128xi32, #tpu.memory_space<vmem>> -> memref<1x128xi32, #tpu.memory_space<vmem>>
      %dma_wait3A_70 = tpu.memref_squeeze %dma_wait3A_69 : memref<1x128xi32, #tpu.memory_space<vmem>> -> memref<128xi32, #tpu.memory_space<vmem>>
      %dma_wait3A_71 = arith.constant 0 : i32
      %dma_wait3A_72 = arith.constant 0 : i32
      %dma_wait3A_73 = tpu.memref_slice %arg2[%dma_wait3A_71, %dma_wait3A_72] : memref<10000x128xf32, #tpu.memory_space<hbm>> -> memref<10000x128xf32, #tpu.memory_space<hbm>>
      tpu.wait_indirect_dma semaphore(%arg11 : memref<!tpu.dma_semaphore, #tpu.memory_space<semaphore_mem>>) src(%dma_wait3A_73 : memref<10000x128xf32, #tpu.memory_space<hbm>>) dst(%arg8 : memref<128x128xf32, #tpu.memory_space<vmem>>)
      %dma_start3A_74 = arith.constant 0 : i32
      %dma_start3A_75 = arith.constant 0 : i32
      %dma_start3A_76 = tpu.memref_slice %arg7[%dma_start3A_74, %dma_start3A_75] : memref<8x128xi32, #tpu.memory_space<vmem>> -> memref<1x128xi32, #tpu.memory_space<vmem>>
      %dma_start3A_77 = tpu.memref_squeeze %dma_start3A_76 : memref<1x128xi32, #tpu.memory_space<vmem>> -> memref<128xi32, #tpu.memory_space<vmem>>
      %dma_start3A_78 = arith.constant 0 : i32
      %dma_start3A_79 = arith.constant 0 : i32
      %dma_start3A_80 = tpu.memref_slice %arg10[%dma_start3A_78, %dma_start3A_79] : memref<10240x128xf32, #tpu.memory_space<vmem_shared>> -> memref<10240x128xf32, #tpu.memory_space<vmem_shared>>
      tpu.enqueue_indirect_dma source(%arg8 : memref<128x128xf32, #tpu.memory_space<vmem>>) target(%dma_start3A_80 : memref<10240x128xf32, #tpu.memory_space<vmem_shared>>) offsets(%dma_start3A_77 : memref<128xi32, #tpu.memory_space<vmem>>) semaphore(%arg13 : memref<!tpu.dma_semaphore, #tpu.memory_space<semaphore_mem>>) {add = true}
      %dma_wait3A_81 = arith.constant 0 : i32
      %dma_wait3A_82 = arith.constant 0 : i32
      %dma_wait3A_83 = tpu.memref_slice %arg7[%dma_wait3A_81, %dma_wait3A_82] : memref<8x128xi32, #tpu.memory_space<vmem>> -> memref<1x128xi32, #tpu.memory_space<vmem>>
      %dma_wait3A_84 = tpu.memref_squeeze %dma_wait3A_83 : memref<1x128xi32, #tpu.memory_space<vmem>> -> memref<128xi32, #tpu.memory_space<vmem>>
      %dma_wait3A_85 = arith.constant 0 : i32
      %dma_wait3A_86 = arith.constant 0 : i32
      %dma_wait3A_87 = tpu.memref_slice %arg10[%dma_wait3A_85, %dma_wait3A_86] : memref<10240x128xf32, #tpu.memory_space<vmem_shared>> -> memref<10240x128xf32, #tpu.memory_space<vmem_shared>>
      tpu.wait_indirect_dma semaphore(%arg13 : memref<!tpu.dma_semaphore, #tpu.memory_space<semaphore_mem>>) src(%arg8 : memref<128x128xf32, #tpu.memory_space<vmem>>) dst(%dma_wait3A_87 : memref<10240x128xf32, #tpu.memory_space<vmem_shared>>)
      %dma_start3A_88 = arith.constant 2 : i32
      %dma_start3A_89 = arith.constant 0 : i32
      %dma_start3A_90 = tpu.memref_slice %arg6[%dma_start3A_88, %dma_start3A_89] : memref<8x128xi32, #tpu.memory_space<vmem>> -> memref<1x128xi32, #tpu.memory_space<vmem>>
      %dma_start3A_91 = tpu.memref_squeeze %dma_start3A_90 : memref<1x128xi32, #tpu.memory_space<vmem>> -> memref<128xi32, #tpu.memory_space<vmem>>
      %dma_start3A_92 = arith.constant 0 : i32
      %dma_start3A_93 = arith.constant 0 : i32
      %dma_start3A_94 = tpu.memref_slice %arg2[%dma_start3A_92, %dma_start3A_93] : memref<10000x128xf32, #tpu.memory_space<hbm>> -> memref<10000x128xf32, #tpu.memory_space<hbm>>
      tpu.enqueue_indirect_dma source(%dma_start3A_94 : memref<10000x128xf32, #tpu.memory_space<hbm>>) target(%arg8 : memref<128x128xf32, #tpu.memory_space<vmem>>) offsets(%dma_start3A_91 : memref<128xi32, #tpu.memory_space<vmem>>) semaphore(%arg11 : memref<!tpu.dma_semaphore, #tpu.memory_space<semaphore_mem>>)
      %dma_wait3A_95 = arith.constant 1 : i32
      %dma_wait3A_96 = arith.constant 0 : i32
      %dma_wait3A_97 = tpu.memref_slice %arg6[%dma_wait3A_95, %dma_wait3A_96] : memref<8x128xi32, #tpu.memory_space<vmem>> -> memref<1x128xi32, #tpu.memory_space<vmem>>
      %dma_wait3A_98 = tpu.memref_squeeze %dma_wait3A_97 : memref<1x128xi32, #tpu.memory_space<vmem>> -> memref<128xi32, #tpu.memory_space<vmem>>
      %dma_wait3A_99 = arith.constant 0 : i32
      %dma_wait3A_100 = arith.constant 0 : i32
      %dma_wait3A_101 = tpu.memref_slice %arg2[%dma_wait3A_99, %dma_wait3A_100] : memref<10000x128xf32, #tpu.memory_space<hbm>> -> memref<10000x128xf32, #tpu.memory_space<hbm>>
      tpu.wait_indirect_dma semaphore(%arg12 : memref<!tpu.dma_semaphore, #tpu.memory_space<semaphore_mem>>) src(%dma_wait3A_101 : memref<10000x128xf32, #tpu.memory_space<hbm>>) dst(%arg9 : memref<128x128xf32, #tpu.memory_space<vmem>>)
      %dma_start3A_102 = arith.constant 1 : i32
      %dma_start3A_103 = arith.constant 0 : i32
      %dma_start3A_104 = tpu.memref_slice %arg7[%dma_start3A_102, %dma_start3A_103] : memref<8x128xi32, #tpu.memory_space<vmem>> -> memref<1x128xi32, #tpu.memory_space<vmem>>
      %dma_start3A_105 = tpu.memref_squeeze %dma_start3A_104 : memref<1x128xi32, #tpu.memory_space<vmem>> -> memref<128xi32, #tpu.memory_space<vmem>>
      %dma_start3A_106 = arith.constant 0 : i32
      %dma_start3A_107 = arith.constant 0 : i32
      %dma_start3A_108 = tpu.memref_slice %arg10[%dma_start3A_106, %dma_start3A_107] : memref<10240x128xf32, #tpu.memory_space<vmem_shared>> -> memref<10240x128xf32, #tpu.memory_space<vmem_shared>>
      tpu.enqueue_indirect_dma source(%arg9 : memref<128x128xf32, #tpu.memory_space<vmem>>) target(%dma_start3A_108 : memref<10240x128xf32, #tpu.memory_space<vmem_shared>>) offsets(%dma_start3A_105 : memref<128xi32, #tpu.memory_space<vmem>>) semaphore(%arg14 : memref<!tpu.dma_semaphore, #tpu.memory_space<semaphore_mem>>) {add = true}
      %dma_wait3A_109 = arith.constant 1 : i32
      %dma_wait3A_110 = arith.constant 0 : i32
      %dma_wait3A_111 = tpu.memref_slice %arg7[%dma_wait3A_109, %dma_wait3A_110] : memref<8x128xi32, #tpu.memory_space<vmem>> -> memref<1x128xi32, #tpu.memory_space<vmem>>
      %dma_wait3A_112 = tpu.memref_squeeze %dma_wait3A_111 : memref<1x128xi32, #tpu.memory_space<vmem>> -> memref<128xi32, #tpu.memory_space<vmem>>
      %dma_wait3A_113 = arith.constant 0 : i32
      %dma_wait3A_114 = arith.constant 0 : i32
      %dma_wait3A_115 = tpu.memref_slice %arg10[%dma_wait3A_113, %dma_wait3A_114] : memref<10240x128xf32, #tpu.memory_space<vmem_shared>> -> memref<10240x128xf32, #tpu.memory_space<vmem_shared>>
      tpu.wait_indirect_dma semaphore(%arg14 : memref<!tpu.dma_semaphore, #tpu.memory_space<semaphore_mem>>) src(%arg9 : memref<128x128xf32, #tpu.memory_space<vmem>>) dst(%dma_wait3A_115 : memref<10240x128xf32, #tpu.memory_space<vmem_shared>>)
      %dma_start3A_116 = arith.constant 3 : i32
      %dma_start3A_117 = arith.constant 0 : i32
      %dma_start3A_118 = tpu.memref_slice %arg6[%dma_start3A_116, %dma_start3A_117] : memref<8x128xi32, #tpu.memory_space<vmem>> -> memref<1x128xi32, #tpu.memory_space<vmem>>
      %dma_start3A_119 = tpu.memref_squeeze %dma_start3A_118 : memref<1x128xi32, #tpu.memory_space<vmem>> -> memref<128xi32, #tpu.memory_space<vmem>>
      %dma_start3A_120 = arith.constant 0 : i32
      %dma_start3A_121 = arith.constant 0 : i32
      %dma_start3A_122 = tpu.memref_slice %arg2[%dma_start3A_120, %dma_start3A_121] : memref<10000x128xf32, #tpu.memory_space<hbm>> -> memref<10000x128xf32, #tpu.memory_space<hbm>>
      tpu.enqueue_indirect_dma source(%dma_start3A_122 : memref<10000x128xf32, #tpu.memory_space<hbm>>) target(%arg9 : memref<128x128xf32, #tpu.memory_space<vmem>>) offsets(%dma_start3A_119 : memref<128xi32, #tpu.memory_space<vmem>>) semaphore(%arg12 : memref<!tpu.dma_semaphore, #tpu.memory_space<semaphore_mem>>)
      %dma_wait3A_123 = arith.constant 2 : i32
      %dma_wait3A_124 = arith.constant 0 : i32
      %dma_wait3A_125 = tpu.memref_slice %arg6[%dma_wait3A_123, %dma_wait3A_124] : memref<8x128xi32, #tpu.memory_space<vmem>> -> memref<1x128xi32, #tpu.memory_space<vmem>>
      %dma_wait3A_126 = tpu.memref_squeeze %dma_wait3A_125 : memref<1x128xi32, #tpu.memory_space<vmem>> -> memref<128xi32, #tpu.memory_space<vmem>>
      %dma_wait3A_127 = arith.constant 0 : i32
      %dma_wait3A_128 = arith.constant 0 : i32
      %dma_wait3A_129 = tpu.memref_slice %arg2[%dma_wait3A_127, %dma_wait3A_128] : memref<10000x128xf32, #tpu.memory_space<hbm>> -> memref<10000x128xf32, #tpu.memory_space<hbm>>
      tpu.wait_indirect_dma semaphore(%arg11 : memref<!tpu.dma_semaphore, #tpu.memory_space<semaphore_mem>>) src(%dma_wait3A_129 : memref<10000x128xf32, #tpu.memory_space<hbm>>) dst(%arg8 : memref<128x128xf32, #tpu.memory_space<vmem>>)
      %dma_start3A_130 = arith.constant 2 : i32
      %dma_start3A_131 = arith.constant 0 : i32
      %dma_start3A_132 = tpu.memref_slice %arg7[%dma_start3A_130, %dma_start3A_131] : memref<8x128xi32, #tpu.memory_space<vmem>> -> memref<1x128xi32, #tpu.memory_space<vmem>>
      %dma_start3A_133 = tpu.memref_squeeze %dma_start3A_132 : memref<1x128xi32, #tpu.memory_space<vmem>> -> memref<128xi32, #tpu.memory_space<vmem>>
      %dma_start3A_134 = arith.constant 0 : i32
      %dma_start3A_135 = arith.constant 0 : i32
      %dma_start3A_136 = tpu.memref_slice %arg10[%dma_start3A_134, %dma_start3A_135] : memref<10240x128xf32, #tpu.memory_space<vmem_shared>> -> memref<10240x128xf32, #tpu.memory_space<vmem_shared>>
      tpu.enqueue_indirect_dma source(%arg8 : memref<128x128xf32, #tpu.memory_space<vmem>>) target(%dma_start3A_136 : memref<10240x128xf32, #tpu.memory_space<vmem_shared>>) offsets(%dma_start3A_133 : memref<128xi32, #tpu.memory_space<vmem>>) semaphore(%arg13 : memref<!tpu.dma_semaphore, #tpu.memory_space<semaphore_mem>>) {add = true}
      %dma_wait3A_137 = arith.constant 2 : i32
      %dma_wait3A_138 = arith.constant 0 : i32
      %dma_wait3A_139 = tpu.memref_slice %arg7[%dma_wait3A_137, %dma_wait3A_138] : memref<8x128xi32, #tpu.memory_space<vmem>> -> memref<1x128xi32, #tpu.memory_space<vmem>>
      %dma_wait3A_140 = tpu.memref_squeeze %dma_wait3A_139 : memref<1x128xi32, #tpu.memory_space<vmem>> -> memref<128xi32, #tpu.memory_space<vmem>>
      %dma_wait3A_141 = arith.constant 0 : i32
      %dma_wait3A_142 = arith.constant 0 : i32
      %dma_wait3A_143 = tpu.memref_slice %arg10[%dma_wait3A_141, %dma_wait3A_142] : memref<10240x128xf32, #tpu.memory_space<vmem_shared>> -> memref<10240x128xf32, #tpu.memory_space<vmem_shared>>
      tpu.wait_indirect_dma semaphore(%arg13 : memref<!tpu.dma_semaphore, #tpu.memory_space<semaphore_mem>>) src(%arg8 : memref<128x128xf32, #tpu.memory_space<vmem>>) dst(%dma_wait3A_143 : memref<10240x128xf32, #tpu.memory_space<vmem_shared>>)
      %dma_start3A_144 = arith.constant 4 : i32
      %dma_start3A_145 = arith.constant 0 : i32
      %dma_start3A_146 = tpu.memref_slice %arg6[%dma_start3A_144, %dma_start3A_145] : memref<8x128xi32, #tpu.memory_space<vmem>> -> memref<1x128xi32, #tpu.memory_space<vmem>>
      %dma_start3A_147 = tpu.memref_squeeze %dma_start3A_146 : memref<1x128xi32, #tpu.memory_space<vmem>> -> memref<128xi32, #tpu.memory_space<vmem>>
      %dma_start3A_148 = arith.constant 0 : i32
      %dma_start3A_149 = arith.constant 0 : i32
      %dma_start3A_150 = tpu.memref_slice %arg2[%dma_start3A_148, %dma_start3A_149] : memref<10000x128xf32, #tpu.memory_space<hbm>> -> memref<10000x128xf32, #tpu.memory_space<hbm>>
      tpu.enqueue_indirect_dma source(%dma_start3A_150 : memref<10000x128xf32, #tpu.memory_space<hbm>>) target(%arg8 : memref<128x128xf32, #tpu.memory_space<vmem>>) offsets(%dma_start3A_147 : memref<128xi32, #tpu.memory_space<vmem>>) semaphore(%arg11 : memref<!tpu.dma_semaphore, #tpu.memory_space<semaphore_mem>>)
      %dma_wait3A_151 = arith.constant 3 : i32
      %dma_wait3A_152 = arith.constant 0 : i32
      %dma_wait3A_153 = tpu.memref_slice %arg6[%dma_wait3A_151, %dma_wait3A_152] : memref<8x128xi32, #tpu.memory_space<vmem>> -> memref<1x128xi32, #tpu.memory_space<vmem>>
      %dma_wait3A_154 = tpu.memref_squeeze %dma_wait3A_153 : memref<1x128xi32, #tpu.memory_space<vmem>> -> memref<128xi32, #tpu.memory_space<vmem>>
      %dma_wait3A_155 = arith.constant 0 : i32
      %dma_wait3A_156 = arith.constant 0 : i32
      %dma_wait3A_157 = tpu.memref_slice %arg2[%dma_wait3A_155, %dma_wait3A_156] : memref<10000x128xf32, #tpu.memory_space<hbm>> -> memref<10000x128xf32, #tpu.memory_space<hbm>>
      tpu.wait_indirect_dma semaphore(%arg12 : memref<!tpu.dma_semaphore, #tpu.memory_space<semaphore_mem>>) src(%dma_wait3A_157 : memref<10000x128xf32, #tpu.memory_space<hbm>>) dst(%arg9 : memref<128x128xf32, #tpu.memory_space<vmem>>)
      %dma_start3A_158 = arith.constant 3 : i32
      %dma_start3A_159 = arith.constant 0 : i32
      %dma_start3A_160 = tpu.memref_slice %arg7[%dma_start3A_158, %dma_start3A_159] : memref<8x128xi32, #tpu.memory_space<vmem>> -> memref<1x128xi32, #tpu.memory_space<vmem>>
      %dma_start3A_161 = tpu.memref_squeeze %dma_start3A_160 : memref<1x128xi32, #tpu.memory_space<vmem>> -> memref<128xi32, #tpu.memory_space<vmem>>
      %dma_start3A_162 = arith.constant 0 : i32
      %dma_start3A_163 = arith.constant 0 : i32
      %dma_start3A_164 = tpu.memref_slice %arg10[%dma_start3A_162, %dma_start3A_163] : memref<10240x128xf32, #tpu.memory_space<vmem_shared>> -> memref<10240x128xf32, #tpu.memory_space<vmem_shared>>
      tpu.enqueue_indirect_dma source(%arg9 : memref<128x128xf32, #tpu.memory_space<vmem>>) target(%dma_start3A_164 : memref<10240x128xf32, #tpu.memory_space<vmem_shared>>) offsets(%dma_start3A_161 : memref<128xi32, #tpu.memory_space<vmem>>) semaphore(%arg14 : memref<!tpu.dma_semaphore, #tpu.memory_space<semaphore_mem>>) {add = true}
      %dma_wait3A_165 = arith.constant 3 : i32
      %dma_wait3A_166 = arith.constant 0 : i32
      %dma_wait3A_167 = tpu.memref_slice %arg7[%dma_wait3A_165, %dma_wait3A_166] : memref<8x128xi32, #tpu.memory_space<vmem>> -> memref<1x128xi32, #tpu.memory_space<vmem>>
      %dma_wait3A_168 = tpu.memref_squeeze %dma_wait3A_167 : memref<1x128xi32, #tpu.memory_space<vmem>> -> memref<128xi32, #tpu.memory_space<vmem>>
      %dma_wait3A_169 = arith.constant 0 : i32
      %dma_wait3A_170 = arith.constant 0 : i32
      %dma_wait3A_171 = tpu.memref_slice %arg10[%dma_wait3A_169, %dma_wait3A_170] : memref<10240x128xf32, #tpu.memory_space<vmem_shared>> -> memref<10240x128xf32, #tpu.memory_space<vmem_shared>>
      tpu.wait_indirect_dma semaphore(%arg14 : memref<!tpu.dma_semaphore, #tpu.memory_space<semaphore_mem>>) src(%arg9 : memref<128x128xf32, #tpu.memory_space<vmem>>) dst(%dma_wait3A_171 : memref<10240x128xf32, #tpu.memory_space<vmem_shared>>)
      %dma_start3A_172 = arith.constant 5 : i32
      %dma_start3A_173 = arith.constant 0 : i32
      %dma_start3A_174 = tpu.memref_slice %arg6[%dma_start3A_172, %dma_start3A_173] : memref<8x128xi32, #tpu.memory_space<vmem>> -> memref<1x128xi32, #tpu.memory_space<vmem>>
      %dma_start3A_175 = tpu.memref_squeeze %dma_start3A_174 : memref<1x128xi32, #tpu.memory_space<vmem>> -> memref<128xi32, #tpu.memory_space<vmem>>
      %dma_start3A_176 = arith.constant 0 : i32
      %dma_start3A_177 = arith.constant 0 : i32
      %dma_start3A_178 = tpu.memref_slice %arg2[%dma_start3A_176, %dma_start3A_177] : memref<10000x128xf32, #tpu.memory_space<hbm>> -> memref<10000x128xf32, #tpu.memory_space<hbm>>
      tpu.enqueue_indirect_dma source(%dma_start3A_178 : memref<10000x128xf32, #tpu.memory_space<hbm>>) target(%arg9 : memref<128x128xf32, #tpu.memory_space<vmem>>) offsets(%dma_start3A_175 : memref<128xi32, #tpu.memory_space<vmem>>) semaphore(%arg12 : memref<!tpu.dma_semaphore, #tpu.memory_space<semaphore_mem>>)
      %dma_wait3A_179 = arith.constant 4 : i32
      %dma_wait3A_180 = arith.constant 0 : i32
      %dma_wait3A_181 = tpu.memref_slice %arg6[%dma_wait3A_179, %dma_wait3A_180] : memref<8x128xi32, #tpu.memory_space<vmem>> -> memref<1x128xi32, #tpu.memory_space<vmem>>
      %dma_wait3A_182 = tpu.memref_squeeze %dma_wait3A_181 : memref<1x128xi32, #tpu.memory_space<vmem>> -> memref<128xi32, #tpu.memory_space<vmem>>
      %dma_wait3A_183 = arith.constant 0 : i32
      %dma_wait3A_184 = arith.constant 0 : i32
      %dma_wait3A_185 = tpu.memref_slice %arg2[%dma_wait3A_183, %dma_wait3A_184] : memref<10000x128xf32, #tpu.memory_space<hbm>> -> memref<10000x128xf32, #tpu.memory_space<hbm>>
      tpu.wait_indirect_dma semaphore(%arg11 : memref<!tpu.dma_semaphore, #tpu.memory_space<semaphore_mem>>) src(%dma_wait3A_185 : memref<10000x128xf32, #tpu.memory_space<hbm>>) dst(%arg8 : memref<128x128xf32, #tpu.memory_space<vmem>>)
      %dma_start3A_186 = arith.constant 4 : i32
      %dma_start3A_187 = arith.constant 0 : i32
      %dma_start3A_188 = tpu.memref_slice %arg7[%dma_start3A_186, %dma_start3A_187] : memref<8x128xi32, #tpu.memory_space<vmem>> -> memref<1x128xi32, #tpu.memory_space<vmem>>
      %dma_start3A_189 = tpu.memref_squeeze %dma_start3A_188 : memref<1x128xi32, #tpu.memory_space<vmem>> -> memref<128xi32, #tpu.memory_space<vmem>>
      %dma_start3A_190 = arith.constant 0 : i32
      %dma_start3A_191 = arith.constant 0 : i32
      %dma_start3A_192 = tpu.memref_slice %arg10[%dma_start3A_190, %dma_start3A_191] : memref<10240x128xf32, #tpu.memory_space<vmem_shared>> -> memref<10240x128xf32, #tpu.memory_space<vmem_shared>>
      tpu.enqueue_indirect_dma source(%arg8 : memref<128x128xf32, #tpu.memory_space<vmem>>) target(%dma_start3A_192 : memref<10240x128xf32, #tpu.memory_space<vmem_shared>>) offsets(%dma_start3A_189 : memref<128xi32, #tpu.memory_space<vmem>>) semaphore(%arg13 : memref<!tpu.dma_semaphore, #tpu.memory_space<semaphore_mem>>) {add = true}
      %dma_wait3A_193 = arith.constant 4 : i32
      %dma_wait3A_194 = arith.constant 0 : i32
      %dma_wait3A_195 = tpu.memref_slice %arg7[%dma_wait3A_193, %dma_wait3A_194] : memref<8x128xi32, #tpu.memory_space<vmem>> -> memref<1x128xi32, #tpu.memory_space<vmem>>
      %dma_wait3A_196 = tpu.memref_squeeze %dma_wait3A_195 : memref<1x128xi32, #tpu.memory_space<vmem>> -> memref<128xi32, #tpu.memory_space<vmem>>
      %dma_wait3A_197 = arith.constant 0 : i32
      %dma_wait3A_198 = arith.constant 0 : i32
      %dma_wait3A_199 = tpu.memref_slice %arg10[%dma_wait3A_197, %dma_wait3A_198] : memref<10240x128xf32, #tpu.memory_space<vmem_shared>> -> memref<10240x128xf32, #tpu.memory_space<vmem_shared>>
      tpu.wait_indirect_dma semaphore(%arg13 : memref<!tpu.dma_semaphore, #tpu.memory_space<semaphore_mem>>) src(%arg8 : memref<128x128xf32, #tpu.memory_space<vmem>>) dst(%dma_wait3A_199 : memref<10240x128xf32, #tpu.memory_space<vmem_shared>>)
      %dma_start3A_200 = arith.constant 6 : i32
      %dma_start3A_201 = arith.constant 0 : i32
      %dma_start3A_202 = tpu.memref_slice %arg6[%dma_start3A_200, %dma_start3A_201] : memref<8x128xi32, #tpu.memory_space<vmem>> -> memref<1x128xi32, #tpu.memory_space<vmem>>
      %dma_start3A_203 = tpu.memref_squeeze %dma_start3A_202 : memref<1x128xi32, #tpu.memory_space<vmem>> -> memref<128xi32, #tpu.memory_space<vmem>>
      %dma_start3A_204 = arith.constant 0 : i32
      %dma_start3A_205 = arith.constant 0 : i32
      %dma_start3A_206 = tpu.memref_slice %arg2[%dma_start3A_204, %dma_start3A_205] : memref<10000x128xf32, #tpu.memory_space<hbm>> -> memref<10000x128xf32, #tpu.memory_space<hbm>>
      tpu.enqueue_indirect_dma source(%dma_start3A_206 : memref<10000x128xf32, #tpu.memory_space<hbm>>) target(%arg8 : memref<128x128xf32, #tpu.memory_space<vmem>>) offsets(%dma_start3A_203 : memref<128xi32, #tpu.memory_space<vmem>>) semaphore(%arg11 : memref<!tpu.dma_semaphore, #tpu.memory_space<semaphore_mem>>)
      %dma_wait3A_207 = arith.constant 5 : i32
      %dma_wait3A_208 = arith.constant 0 : i32
      %dma_wait3A_209 = tpu.memref_slice %arg6[%dma_wait3A_207, %dma_wait3A_208] : memref<8x128xi32, #tpu.memory_space<vmem>> -> memref<1x128xi32, #tpu.memory_space<vmem>>
      %dma_wait3A_210 = tpu.memref_squeeze %dma_wait3A_209 : memref<1x128xi32, #tpu.memory_space<vmem>> -> memref<128xi32, #tpu.memory_space<vmem>>
      %dma_wait3A_211 = arith.constant 0 : i32
      %dma_wait3A_212 = arith.constant 0 : i32
      %dma_wait3A_213 = tpu.memref_slice %arg2[%dma_wait3A_211, %dma_wait3A_212] : memref<10000x128xf32, #tpu.memory_space<hbm>> -> memref<10000x128xf32, #tpu.memory_space<hbm>>
      tpu.wait_indirect_dma semaphore(%arg12 : memref<!tpu.dma_semaphore, #tpu.memory_space<semaphore_mem>>) src(%dma_wait3A_213 : memref<10000x128xf32, #tpu.memory_space<hbm>>) dst(%arg9 : memref<128x128xf32, #tpu.memory_space<vmem>>)
      %dma_start3A_214 = arith.constant 5 : i32
      %dma_start3A_215 = arith.constant 0 : i32
      %dma_start3A_216 = tpu.memref_slice %arg7[%dma_start3A_214, %dma_start3A_215] : memref<8x128xi32, #tpu.memory_space<vmem>> -> memref<1x128xi32, #tpu.memory_space<vmem>>
      %dma_start3A_217 = tpu.memref_squeeze %dma_start3A_216 : memref<1x128xi32, #tpu.memory_space<vmem>> -> memref<128xi32, #tpu.memory_space<vmem>>
      %dma_start3A_218 = arith.constant 0 : i32
      %dma_start3A_219 = arith.constant 0 : i32
      %dma_start3A_220 = tpu.memref_slice %arg10[%dma_start3A_218, %dma_start3A_219] : memref<10240x128xf32, #tpu.memory_space<vmem_shared>> -> memref<10240x128xf32, #tpu.memory_space<vmem_shared>>
      tpu.enqueue_indirect_dma source(%arg9 : memref<128x128xf32, #tpu.memory_space<vmem>>) target(%dma_start3A_220 : memref<10240x128xf32, #tpu.memory_space<vmem_shared>>) offsets(%dma_start3A_217 : memref<128xi32, #tpu.memory_space<vmem>>) semaphore(%arg14 : memref<!tpu.dma_semaphore, #tpu.memory_space<semaphore_mem>>) {add = true}
      %dma_wait3A_221 = arith.constant 5 : i32
      %dma_wait3A_222 = arith.constant 0 : i32
      %dma_wait3A_223 = tpu.memref_slice %arg7[%dma_wait3A_221, %dma_wait3A_222] : memref<8x128xi32, #tpu.memory_space<vmem>> -> memref<1x128xi32, #tpu.memory_space<vmem>>
      %dma_wait3A_224 = tpu.memref_squeeze %dma_wait3A_223 : memref<1x128xi32, #tpu.memory_space<vmem>> -> memref<128xi32, #tpu.memory_space<vmem>>
      %dma_wait3A_225 = arith.constant 0 : i32
      %dma_wait3A_226 = arith.constant 0 : i32
      %dma_wait3A_227 = tpu.memref_slice %arg10[%dma_wait3A_225, %dma_wait3A_226] : memref<10240x128xf32, #tpu.memory_space<vmem_shared>> -> memref<10240x128xf32, #tpu.memory_space<vmem_shared>>
      tpu.wait_indirect_dma semaphore(%arg14 : memref<!tpu.dma_semaphore, #tpu.memory_space<semaphore_mem>>) src(%arg9 : memref<128x128xf32, #tpu.memory_space<vmem>>) dst(%dma_wait3A_227 : memref<10240x128xf32, #tpu.memory_space<vmem_shared>>)
      %dma_start3A_228 = arith.constant 7 : i32
      %dma_start3A_229 = arith.constant 0 : i32
      %dma_start3A_230 = tpu.memref_slice %arg6[%dma_start3A_228, %dma_start3A_229] : memref<8x128xi32, #tpu.memory_space<vmem>> -> memref<1x128xi32, #tpu.memory_space<vmem>>
      %dma_start3A_231 = tpu.memref_squeeze %dma_start3A_230 : memref<1x128xi32, #tpu.memory_space<vmem>> -> memref<128xi32, #tpu.memory_space<vmem>>
      %dma_start3A_232 = arith.constant 0 : i32
      %dma_start3A_233 = arith.constant 0 : i32
      %dma_start3A_234 = tpu.memref_slice %arg2[%dma_start3A_232, %dma_start3A_233] : memref<10000x128xf32, #tpu.memory_space<hbm>> -> memref<10000x128xf32, #tpu.memory_space<hbm>>
      tpu.enqueue_indirect_dma source(%dma_start3A_234 : memref<10000x128xf32, #tpu.memory_space<hbm>>) target(%arg9 : memref<128x128xf32, #tpu.memory_space<vmem>>) offsets(%dma_start3A_231 : memref<128xi32, #tpu.memory_space<vmem>>) semaphore(%arg12 : memref<!tpu.dma_semaphore, #tpu.memory_space<semaphore_mem>>)
      %dma_wait3A_235 = arith.constant 6 : i32
      %dma_wait3A_236 = arith.constant 0 : i32
      %dma_wait3A_237 = tpu.memref_slice %arg6[%dma_wait3A_235, %dma_wait3A_236] : memref<8x128xi32, #tpu.memory_space<vmem>> -> memref<1x128xi32, #tpu.memory_space<vmem>>
      %dma_wait3A_238 = tpu.memref_squeeze %dma_wait3A_237 : memref<1x128xi32, #tpu.memory_space<vmem>> -> memref<128xi32, #tpu.memory_space<vmem>>
      %dma_wait3A_239 = arith.constant 0 : i32
      %dma_wait3A_240 = arith.constant 0 : i32
      %dma_wait3A_241 = tpu.memref_slice %arg2[%dma_wait3A_239, %dma_wait3A_240] : memref<10000x128xf32, #tpu.memory_space<hbm>> -> memref<10000x128xf32, #tpu.memory_space<hbm>>
      tpu.wait_indirect_dma semaphore(%arg11 : memref<!tpu.dma_semaphore, #tpu.memory_space<semaphore_mem>>) src(%dma_wait3A_241 : memref<10000x128xf32, #tpu.memory_space<hbm>>) dst(%arg8 : memref<128x128xf32, #tpu.memory_space<vmem>>)
      %dma_start3A_242 = arith.constant 6 : i32
      %dma_start3A_243 = arith.constant 0 : i32
      %dma_start3A_244 = tpu.memref_slice %arg7[%dma_start3A_242, %dma_start3A_243] : memref<8x128xi32, #tpu.memory_space<vmem>> -> memref<1x128xi32, #tpu.memory_space<vmem>>
      %dma_start3A_245 = tpu.memref_squeeze %dma_start3A_244 : memref<1x128xi32, #tpu.memory_space<vmem>> -> memref<128xi32, #tpu.memory_space<vmem>>
      %dma_start3A_246 = arith.constant 0 : i32
      %dma_start3A_247 = arith.constant 0 : i32
      %dma_start3A_248 = tpu.memref_slice %arg10[%dma_start3A_246, %dma_start3A_247] : memref<10240x128xf32, #tpu.memory_space<vmem_shared>> -> memref<10240x128xf32, #tpu.memory_space<vmem_shared>>
      tpu.enqueue_indirect_dma source(%arg8 : memref<128x128xf32, #tpu.memory_space<vmem>>) target(%dma_start3A_248 : memref<10240x128xf32, #tpu.memory_space<vmem_shared>>) offsets(%dma_start3A_245 : memref<128xi32, #tpu.memory_space<vmem>>) semaphore(%arg13 : memref<!tpu.dma_semaphore, #tpu.memory_space<semaphore_mem>>) {add = true}
      %dma_wait3A_249 = arith.constant 7 : i32
      %dma_wait3A_250 = arith.constant 0 : i32
      %dma_wait3A_251 = tpu.memref_slice %arg6[%dma_wait3A_249, %dma_wait3A_250] : memref<8x128xi32, #tpu.memory_space<vmem>> -> memref<1x128xi32, #tpu.memory_space<vmem>>
      %dma_wait3A_252 = tpu.memref_squeeze %dma_wait3A_251 : memref<1x128xi32, #tpu.memory_space<vmem>> -> memref<128xi32, #tpu.memory_space<vmem>>
      %dma_wait3A_253 = arith.constant 0 : i32
      %dma_wait3A_254 = arith.constant 0 : i32
      %dma_wait3A_255 = tpu.memref_slice %arg2[%dma_wait3A_253, %dma_wait3A_254] : memref<10000x128xf32, #tpu.memory_space<hbm>> -> memref<10000x128xf32, #tpu.memory_space<hbm>>
      tpu.wait_indirect_dma semaphore(%arg12 : memref<!tpu.dma_semaphore, #tpu.memory_space<semaphore_mem>>) src(%dma_wait3A_255 : memref<10000x128xf32, #tpu.memory_space<hbm>>) dst(%arg9 : memref<128x128xf32, #tpu.memory_space<vmem>>)
      %dma_start3A_256 = arith.constant 7 : i32
      %dma_start3A_257 = arith.constant 0 : i32
      %dma_start3A_258 = tpu.memref_slice %arg7[%dma_start3A_256, %dma_start3A_257] : memref<8x128xi32, #tpu.memory_space<vmem>> -> memref<1x128xi32, #tpu.memory_space<vmem>>
      %dma_start3A_259 = tpu.memref_squeeze %dma_start3A_258 : memref<1x128xi32, #tpu.memory_space<vmem>> -> memref<128xi32, #tpu.memory_space<vmem>>
      %dma_start3A_260 = arith.constant 0 : i32
      %dma_start3A_261 = arith.constant 0 : i32
      %dma_start3A_262 = tpu.memref_slice %arg10[%dma_start3A_260, %dma_start3A_261] : memref<10240x128xf32, #tpu.memory_space<vmem_shared>> -> memref<10240x128xf32, #tpu.memory_space<vmem_shared>>
      tpu.enqueue_indirect_dma source(%arg9 : memref<128x128xf32, #tpu.memory_space<vmem>>) target(%dma_start3A_262 : memref<10240x128xf32, #tpu.memory_space<vmem_shared>>) offsets(%dma_start3A_259 : memref<128xi32, #tpu.memory_space<vmem>>) semaphore(%arg14 : memref<!tpu.dma_semaphore, #tpu.memory_space<semaphore_mem>>) {add = true}
      %dma_wait3A_263 = arith.constant 6 : i32
      %dma_wait3A_264 = arith.constant 0 : i32
      %dma_wait3A_265 = tpu.memref_slice %arg7[%dma_wait3A_263, %dma_wait3A_264] : memref<8x128xi32, #tpu.memory_space<vmem>> -> memref<1x128xi32, #tpu.memory_space<vmem>>
      %dma_wait3A_266 = tpu.memref_squeeze %dma_wait3A_265 : memref<1x128xi32, #tpu.memory_space<vmem>> -> memref<128xi32, #tpu.memory_space<vmem>>
      %dma_wait3A_267 = arith.constant 0 : i32
      %dma_wait3A_268 = arith.constant 0 : i32
      %dma_wait3A_269 = tpu.memref_slice %arg10[%dma_wait3A_267, %dma_wait3A_268] : memref<10240x128xf32, #tpu.memory_space<vmem_shared>> -> memref<10240x128xf32, #tpu.memory_space<vmem_shared>>
      tpu.wait_indirect_dma semaphore(%arg13 : memref<!tpu.dma_semaphore, #tpu.memory_space<semaphore_mem>>) src(%arg8 : memref<128x128xf32, #tpu.memory_space<vmem>>) dst(%dma_wait3A_269 : memref<10240x128xf32, #tpu.memory_space<vmem_shared>>)
      %dma_wait3A_270 = arith.constant 7 : i32
      %dma_wait3A_271 = arith.constant 0 : i32
      %dma_wait3A_272 = tpu.memref_slice %arg7[%dma_wait3A_270, %dma_wait3A_271] : memref<8x128xi32, #tpu.memory_space<vmem>> -> memref<1x128xi32, #tpu.memory_space<vmem>>
      %dma_wait3A_273 = tpu.memref_squeeze %dma_wait3A_272 : memref<1x128xi32, #tpu.memory_space<vmem>> -> memref<128xi32, #tpu.memory_space<vmem>>
      %dma_wait3A_274 = arith.constant 0 : i32
      %dma_wait3A_275 = arith.constant 0 : i32
      %dma_wait3A_276 = tpu.memref_slice %arg10[%dma_wait3A_274, %dma_wait3A_275] : memref<10240x128xf32, #tpu.memory_space<vmem_shared>> -> memref<10240x128xf32, #tpu.memory_space<vmem_shared>>
      tpu.wait_indirect_dma semaphore(%arg14 : memref<!tpu.dma_semaphore, #tpu.memory_space<semaphore_mem>>) src(%arg9 : memref<128x128xf32, #tpu.memory_space<vmem>>) dst(%dma_wait3A_276 : memref<10240x128xf32, #tpu.memory_space<vmem_shared>>)
    }
    %barrier3A_47 = arith.constant 0 : index
    tpu.barrier barrier_id(%barrier3A_47)
    %mul3A_48 = arith.constant 640 : i32
    %mul3A_49 = arith.muli %arg1, %mul3A_48 : i32
    %mul3A_50 = arith.constant 640 : i32
    %mul3A_51 = arith.muli %arg1, %mul3A_50 : i32
    "tpu.region"() ({
      %run_scoped3A = tpu.sem_alloc : memref<!tpu.dma_semaphore, #tpu.memory_space<semaphore_mem>>
      %dma_start3A = arith.constant 0 : i32
      %dma_start3A_52 = tpu.memref_slice %arg5[%arg0, %mul3A_51, %dma_start3A] : memref<2x10240x128xf32, #tpu.memory_space<hbm>> -> memref<1x640x128xf32, #tpu.memory_space<hbm>>
      %dma_start3A_53 = tpu.memref_squeeze %dma_start3A_52 : memref<1x640x128xf32, #tpu.memory_space<hbm>> -> memref<640x128xf32, #tpu.memory_space<hbm>>
      %dma_start3A_54 = arith.constant 0 : i32
      %dma_start3A_55 = tpu.memref_slice %arg10[%mul3A_49, %dma_start3A_54] : memref<10240x128xf32, #tpu.memory_space<vmem_shared>> -> memref<640x128xf32, #tpu.memory_space<vmem_shared>>
      tpu.enqueue_dma source(%dma_start3A_55 : memref<640x128xf32, #tpu.memory_space<vmem_shared>>) target(%dma_start3A_53 : memref<640x128xf32, #tpu.memory_space<hbm>>) target_semaphore(%run_scoped3A : memref<!tpu.dma_semaphore, #tpu.memory_space<semaphore_mem>>)
      %dma_wait3A = arith.constant 0 : i32
      %dma_wait3A_56 = tpu.memref_slice %arg5[%arg0, %mul3A_51, %dma_wait3A] : memref<2x10240x128xf32, #tpu.memory_space<hbm>> -> memref<1x640x128xf32, #tpu.memory_space<hbm>>
      %dma_wait3A_57 = tpu.memref_squeeze %dma_wait3A_56 : memref<1x640x128xf32, #tpu.memory_space<hbm>> -> memref<640x128xf32, #tpu.memory_space<hbm>>
      %dma_wait3A_58 = arith.constant 0 : i32
      %dma_wait3A_59 = tpu.memref_slice %arg10[%mul3A_49, %dma_wait3A_58] : memref<10240x128xf32, #tpu.memory_space<vmem_shared>> -> memref<640x128xf32, #tpu.memory_space<vmem_shared>>
      tpu.wait_dma2 semaphore(%run_scoped3A : memref<!tpu.dma_semaphore, #tpu.memory_space<semaphore_mem>>) src(%dma_wait3A_59 : memref<640x128xf32, #tpu.memory_space<vmem_shared>>) dst(%dma_wait3A_57 : memref<640x128xf32, #tpu.memory_space<hbm>>)
      tpu.yield
    }) : () -> ()
    return
  }
}

module attributes {stable_mosaic.version = 14 : i64} {
  func.func @_dense_body_prelu(%arg0: memref<2x10240x128xf32, #tpu.memory_space<vmem>>, %arg1: memref<10000x1xf32, #tpu.memory_space<vmem>>, %arg2: memref<10000x128xf32, #tpu.memory_space<vmem>>, %arg3: memref<128x128xf32, #tpu.memory_space<vmem>>, %arg4: memref<1x128xf32, #tpu.memory_space<vmem>>, %arg5: memref<128x128xf32, #tpu.memory_space<vmem>>, %arg6: memref<1x1xf32, #tpu.memory_space<vmem>>, %arg7: memref<10000x128xf32, #tpu.memory_space<vmem>>) attributes {dimension_semantics = [], scalar_prefetch = 0 : i64, scratch_operands = 0 : i64, tpu.core_type = #tpu.core_type<tc>} {
    %get3A = arith.constant 0 : index
    %get3A_0 = arith.constant 0 : index
    %get3A_1 = arith.constant 0 : index
    %get3A_2 = vector.load %arg0[%get3A, %get3A_0, %get3A_1] : memref<2x10240x128xf32, #tpu.memory_space<vmem>>, vector<1x10000x128xf32>
    %get3A_3 = vector.shape_cast %get3A_2 : vector<1x10000x128xf32> to vector<10000x128xf32>
    %get3A_4 = arith.constant 1 : index
    %get3A_5 = arith.constant 0 : index
    %get3A_6 = arith.constant 0 : index
    %get3A_7 = vector.load %arg0[%get3A_4, %get3A_5, %get3A_6] : memref<2x10240x128xf32, #tpu.memory_space<vmem>>, vector<1x10000x128xf32>
    %get3A_8 = vector.shape_cast %get3A_7 : vector<1x10000x128xf32> to vector<10000x128xf32>
    %add3A = arith.addf %get3A_3, %get3A_8 : vector<10000x128xf32>
    %get3A_9 = arith.constant 0 : index
    %get3A_10 = arith.constant 0 : index
    %get3A_11 = vector.load %arg1[%get3A_9, %get3A_10] : memref<10000x1xf32, #tpu.memory_space<vmem>>, vector<10000x1xf32>
    %div3A = vector.broadcast %get3A_11 : vector<10000x1xf32> to vector<10000x128xf32>
    %div3A_12 = arith.divf %add3A, %div3A : vector<10000x128xf32>
    %get3A_13 = arith.constant 0 : index
    %get3A_14 = arith.constant 0 : index
    %get3A_15 = vector.load %arg3[%get3A_13, %get3A_14] : memref<128x128xf32, #tpu.memory_space<vmem>>, vector<128x128xf32>
    %dot_general3A = arith.constant dense<0.000000e+00> : vector<10000x128xf32>
    %dot_general3A_16 = tpu.matmul %div3A_12, %get3A_15, %dot_general3A {dimension_numbers = #tpu.dot_dimension_numbers<[1], [1], [0], [0], [0, 0, 1, 0], [], []>, transpose_lhs_hint = false} : vector<10000x128xf32>, vector<128x128xf32>, vector<10000x128xf32> -> vector<10000x128xf32>
    %get3A_17 = arith.constant 0 : index
    %get3A_18 = arith.constant 0 : index
    %get3A_19 = vector.load %arg4[%get3A_17, %get3A_18] : memref<1x128xf32, #tpu.memory_space<vmem>>, vector<1x128xf32>
    %add3A_20 = vector.broadcast %get3A_19 : vector<1x128xf32> to vector<10000x128xf32>
    %add3A_21 = arith.addf %dot_general3A_16, %add3A_20 : vector<10000x128xf32>
    %get3A_22 = arith.constant 0 : index
    %get3A_23 = arith.constant 0 : index
    %get3A_24 = vector.load %arg2[%get3A_22, %get3A_23] : memref<10000x128xf32, #tpu.memory_space<vmem>>, vector<10000x128xf32>
    %get3A_25 = arith.constant 0 : index
    %get3A_26 = arith.constant 0 : index
    %get3A_27 = vector.load %arg5[%get3A_25, %get3A_26] : memref<128x128xf32, #tpu.memory_space<vmem>>, vector<128x128xf32>
    %dot_general3A_28 = arith.constant dense<0.000000e+00> : vector<10000x128xf32>
    %dot_general3A_29 = tpu.matmul %get3A_24, %get3A_27, %dot_general3A_28 {dimension_numbers = #tpu.dot_dimension_numbers<[1], [1], [0], [0], [0, 0, 1, 0], [], []>, transpose_lhs_hint = false} : vector<10000x128xf32>, vector<128x128xf32>, vector<10000x128xf32> -> vector<10000x128xf32>
    %add3A_30 = arith.addf %add3A_21, %dot_general3A_29 : vector<10000x128xf32>
    %get3A_31 = arith.constant 0 : index
    %get3A_32 = arith.constant 0 : index
    %get3A_33 = vector.load %arg6[%get3A_31, %get3A_32] : memref<1x1xf32, #tpu.memory_space<vmem>>, vector<1x1xf32>
    %max3A = arith.constant 0.000000e+00 : f32
    %max3A_34 = vector.broadcast %max3A : f32 to vector<10000x128xf32>
    %max3A_35 = arith.maximumf %add3A_30, %max3A_34 : vector<10000x128xf32>
    %min3A = arith.constant 0.000000e+00 : f32
    %min3A_36 = vector.broadcast %min3A : f32 to vector<10000x128xf32>
    %min3A_37 = arith.minimumf %add3A_30, %min3A_36 : vector<10000x128xf32>
    %mul3A = vector.broadcast %get3A_33 : vector<1x1xf32> to vector<10000x128xf32>
    %mul3A_38 = arith.mulf %mul3A, %min3A_37 : vector<10000x128xf32>
    %add3A_39 = arith.addf %max3A_35, %mul3A_38 : vector<10000x128xf32>
    %swap3A = arith.constant 0 : index
    %swap3A_40 = arith.constant 0 : index
    %swap3A_41 = vector.load %arg7[%swap3A, %swap3A_40] : memref<10000x128xf32, #tpu.memory_space<vmem>>, vector<10000x128xf32>
    tpu.vector_store %arg7[%swap3A, %swap3A_40], %add3A_39 {strides = array<i32>} : memref<10000x128xf32, #tpu.memory_space<vmem>>, vector<10000x128xf32>,
    return
  }
}

module attributes {stable_mosaic.version = 14 : i64} {
  func.func @_cntsum_body(%arg0: memref<32x80x128xf32, #tpu.memory_space<vmem>>, %arg1: memref<80x128xf32, #tpu.memory_space<vmem>>) attributes {dimension_semantics = [], scalar_prefetch = 0 : i64, scratch_operands = 0 : i64, tpu.core_type = #tpu.core_type<tc>} {
    %get3A = arith.constant 0 : index
    %get3A_0 = arith.constant 0 : index
    %get3A_1 = arith.constant 0 : index
    %get3A_2 = vector.load %arg0[%get3A, %get3A_0, %get3A_1] : memref<32x80x128xf32, #tpu.memory_space<vmem>>, vector<32x80x128xf32>
    %reduce_sum3A = arith.constant dense<0.000000e+00> : vector<80x128xf32>
    %reduce_sum3A_3 = vector.multi_reduction <add>, %get3A_2, %reduce_sum3A [0] : vector<32x80x128xf32> to vector<80x128xf32>
    %max3A = arith.constant 1.000000e+00 : f32
    %max3A_4 = vector.broadcast %max3A : f32 to vector<80x128xf32>
    %max3A_5 = arith.maximumf %reduce_sum3A_3, %max3A_4 : vector<80x128xf32>
    %swap3A = arith.constant 0 : index
    %swap3A_6 = arith.constant 0 : index
    %swap3A_7 = vector.load %arg1[%swap3A, %swap3A_6] : memref<80x128xf32, #tpu.memory_space<vmem>>, vector<80x128xf32>
    tpu.vector_store %arg1[%swap3A, %swap3A_6], %max3A_5 {strides = array<i32>} : memref<80x128xf32, #tpu.memory_space<vmem>>, vector<80x128xf32>,
    return
  }
}

module attributes {stable_mosaic.version = 14 : i64} {
  func.func @_dense_body(%arg0: memref<2x10240x128xf32, #tpu.memory_space<vmem>>, %arg1: memref<10000x1xf32, #tpu.memory_space<vmem>>, %arg2: memref<10000x128xf32, #tpu.memory_space<vmem>>, %arg3: memref<128x128xf32, #tpu.memory_space<vmem>>, %arg4: memref<1x128xf32, #tpu.memory_space<vmem>>, %arg5: memref<128x128xf32, #tpu.memory_space<vmem>>, %arg6: memref<10000x128xf32, #tpu.memory_space<vmem>>) attributes {dimension_semantics = [], scalar_prefetch = 0 : i64, scratch_operands = 0 : i64, tpu.core_type = #tpu.core_type<tc>} {
    %get3A = arith.constant 0 : index
    %get3A_0 = arith.constant 0 : index
    %get3A_1 = arith.constant 0 : index
    %get3A_2 = vector.load %arg0[%get3A, %get3A_0, %get3A_1] : memref<2x10240x128xf32, #tpu.memory_space<vmem>>, vector<1x10000x128xf32>
    %get3A_3 = vector.shape_cast %get3A_2 : vector<1x10000x128xf32> to vector<10000x128xf32>
    %get3A_4 = arith.constant 1 : index
    %get3A_5 = arith.constant 0 : index
    %get3A_6 = arith.constant 0 : index
    %get3A_7 = vector.load %arg0[%get3A_4, %get3A_5, %get3A_6] : memref<2x10240x128xf32, #tpu.memory_space<vmem>>, vector<1x10000x128xf32>
    %get3A_8 = vector.shape_cast %get3A_7 : vector<1x10000x128xf32> to vector<10000x128xf32>
    %add3A = arith.addf %get3A_3, %get3A_8 : vector<10000x128xf32>
    %get3A_9 = arith.constant 0 : index
    %get3A_10 = arith.constant 0 : index
    %get3A_11 = vector.load %arg1[%get3A_9, %get3A_10] : memref<10000x1xf32, #tpu.memory_space<vmem>>, vector<10000x1xf32>
    %div3A = vector.broadcast %get3A_11 : vector<10000x1xf32> to vector<10000x128xf32>
    %div3A_12 = arith.divf %add3A, %div3A : vector<10000x128xf32>
    %get3A_13 = arith.constant 0 : index
    %get3A_14 = arith.constant 0 : index
    %get3A_15 = vector.load %arg3[%get3A_13, %get3A_14] : memref<128x128xf32, #tpu.memory_space<vmem>>, vector<128x128xf32>
    %dot_general3A = arith.constant dense<0.000000e+00> : vector<10000x128xf32>
    %dot_general3A_16 = tpu.matmul %div3A_12, %get3A_15, %dot_general3A {dimension_numbers = #tpu.dot_dimension_numbers<[1], [1], [0], [0], [0, 0, 1, 0], [], []>, transpose_lhs_hint = false} : vector<10000x128xf32>, vector<128x128xf32>, vector<10000x128xf32> -> vector<10000x128xf32>
    %get3A_17 = arith.constant 0 : index
    %get3A_18 = arith.constant 0 : index
    %get3A_19 = vector.load %arg4[%get3A_17, %get3A_18] : memref<1x128xf32, #tpu.memory_space<vmem>>, vector<1x128xf32>
    %add3A_20 = vector.broadcast %get3A_19 : vector<1x128xf32> to vector<10000x128xf32>
    %add3A_21 = arith.addf %dot_general3A_16, %add3A_20 : vector<10000x128xf32>
    %get3A_22 = arith.constant 0 : index
    %get3A_23 = arith.constant 0 : index
    %get3A_24 = vector.load %arg2[%get3A_22, %get3A_23] : memref<10000x128xf32, #tpu.memory_space<vmem>>, vector<10000x128xf32>
    %get3A_25 = arith.constant 0 : index
    %get3A_26 = arith.constant 0 : index
    %get3A_27 = vector.load %arg5[%get3A_25, %get3A_26] : memref<128x128xf32, #tpu.memory_space<vmem>>, vector<128x128xf32>
    %dot_general3A_28 = arith.constant dense<0.000000e+00> : vector<10000x128xf32>
    %dot_general3A_29 = tpu.matmul %get3A_24, %get3A_27, %dot_general3A_28 {dimension_numbers = #tpu.dot_dimension_numbers<[1], [1], [0], [0], [0, 0, 1, 0], [], []>, transpose_lhs_hint = false} : vector<10000x128xf32>, vector<128x128xf32>, vector<10000x128xf32> -> vector<10000x128xf32>
    %add3A_30 = arith.addf %add3A_21, %dot_general3A_29 : vector<10000x128xf32>
    %swap3A = arith.constant 0 : index
    %swap3A_31 = arith.constant 0 : index
    %swap3A_32 = vector.load %arg6[%swap3A, %swap3A_31] : memref<10000x128xf32, #tpu.memory_space<vmem>>, vector<10000x128xf32>
    tpu.vector_store %arg6[%swap3A, %swap3A_31], %add3A_30 {strides = array<i32>} : memref<10000x128xf32, #tpu.memory_space<vmem>>, vector<10000x128xf32>,
    return
  }
}

</mosaic_0001>

<sc_bundles>
// kernel: kernel.11.cloned.1.call-start
scs
__scs_entry_jumppad:
0x0: {  	(pc) =	sbr.rel $0x88, $3  }
0x1: {  	(tag) =	ssettag $0x0;
	lr =	simm.s32 $0x1  }
0x2: {  	[smem:$0x3F98] =	sst lr;
	_ =	strace $0xD0000000  }
0x3: {  	_ = 	snop  }
0x4: {  	_ = 	snop  }
0x5: {  	_ = 	snop  }
0x6: {  	_ = 	snop  }
0x7: {  	_ = 	snop  }
__scs_overlays_trampoline_lowered:
0x8: {  	[smem:$0x3FA7] =	sst s0  }
0x9: {  	[smem:$0x3FA8] =	sst s1  }
0xa: {  	[smem:$0x3FA9] =	sst s2  }
0xb: {  	[smem:$0x3FAA] =	sst s3  }
0xc: {  	[smem:$0x3FAB] =	sst s4  }
0xd: {  	[smem:$0x3FAC] =	sst s5  }
0xe: {  	[smem:$0x3FAD] =	sst s6  }
0xf: {  	[smem:$0x3FAE] =	sst s7  }
0x10: {  	[smem:$0x3FAF] =	sst s8  }
0x11: {  	[smem:$0x3FB0] =	sst s9;
	s0 =	simm.s32 @!p0 $0x0  }
0x12: {  	s1 =	sld [smem:$0x3F96];
	s0 =	simm.s32 @p0 $0x1  }
0x13: {  	[smem:$0x3FB1] =	sst s0;
	s0 =	simm.s32 @!p1 $0x0  }
0x14: {  	s2 =	sld [smem:$0x3F95];
	s0 =	simm.s32 @p1 $0x1  }
0x15: {  	[smem:$0x3FB2] =	sst s0;
	s0 =	simm.s32 @!p2 $0x0  }
0x16: {  	s3 =	sld [smem:$0x3FDB];
	s0 =	simm.s32 @p2 $0x1  }
0x17: {  	s4 =	simm.s32 $0x1BF5;
	[smem:$0x3FB4] =	sst s0  }
0x18: {  	s0 =	sld [smem:$0x3F97];
	_ =	swait.ge [sflag:s4], $0x0  }
0x19: {  	s7 =	sld [smem:$0x3F98]  }
0x1a: {  	s8 =	sadd.s32 $0xFFFFE003, lr  }
0x1b: {  	s9 =	sadd.s32 $0xFFFFFEF7, lr;
	s5 =	simm.s32 $0xFFFFFFFF;
	p2 =	slt.u32 s8, $0xFFFFF086  }
0x1c: {  	p1 =	slt.u32 s9, $0xF7A;
	s5 =	simm.s32 @!p2 $0x0  }
0x1d: {  	s5 =	simm.s32 @p1 $0x1;
	p0 =	seq.s32 s7, s2  }
0x1e: {  	s7 =	smul.u32 @!p0 $0xF7A, s2;
	p2 =	seq.s32 @!p0 s5, $0x0  }
0x1f: {  	s9 =	smul.u32 $0xF7A, s1;
	s8 =	simm.s32 @!p0 $0x1BF5;
	p2 =	por !p2, p0  }
0x20: {  	[sflag:s8] =	ssyncset.s32 @!p0 $0xFFFFF086;
	s6 =	sadd.s32 @!p0 s3, s7;
	s7 =	simm.s32 @!p0 $0x108  }
0x21: {  	s3 =	sadd.s32 s3, s9;
	s6 =	sadd.s32 @!p0 $0x88, s6;
	s7 =	simm.s32 @p2 $0x1082  }
0x22: {  	[simem:s7], [sflag:s8] =	dma.local @!p0 [hbm:s6], $0xF7A  }
0x23: {  	s9 =	sor.u32 $0xD0000000, s2;
	s6 =	simm.s32 $0x108;
	_ =	swait.ge @!p0 [sflag:s8], $0x0  }
0x24: {  	s3 =	sadd.s32 $0x88, s3;
	s6 =	simm.s32 @!p1 $0x1082;
	[sflag:s4] =	ssyncset.s32 $0xFFFFF086  }
0x25: {  	[simem:s6], [sflag:s4] =	dma.local [hbm:s3], $0xF7A  }
0x26: {  	[smem:$0x3F98] =	sst s1;
	(tag) =	ssettag s2;
	_ =	strace s9  }
0x27: {  	s1 =	sld [smem:$0x3FA8]  }
0x28: {  	s2 =	sld [smem:$0x3FA9]  }
0x29: {  	s4 =	sld [smem:$0x3FAB]  }
0x2a: {  	p0 =	seq.s32 s5, $0x0;
	s5 =	sld [smem:$0x3FAC]  }
0x2b: {  	s6 =	sld [smem:$0x3FAD]  }
0x2c: {  	s7 =	sld [smem:$0x3FAE]  }
0x2d: {  	s3 =	simm.s32 $0x108;
	s8 =	sld [smem:$0x3FAF]  }
0x2e: {  	s3 =	simm.s32 @!p0 $0x1082;
	s9 =	sld [smem:$0x3FB0]  }
0x2f: {  	lr =	sadd.s32 s0, s3;
	s0 =	sld [smem:$0x3FA7]  }
0x30: {  	s3 =	sld [smem:$0x3FAA]  }
0x31: {  	[smem:$0x3FB3] =	sst s10  }
0x32: {  	s10 =	sld [smem:$0x3FB1];
	_ =	sdelay $0x3  }
0x33: {  	p0 =	seq.s32 s10, $0x1;
	s10 =	sld [smem:$0x3FB3];
	_ =	sdelay $0x3  }
0x34: {  	[smem:$0x3FB3] =	sst s10  }
0x35: {  	s10 =	sld [smem:$0x3FB2];
	_ =	sdelay $0x3  }
0x36: {  	p1 =	seq.s32 s10, $0x1;
	s10 =	sld [smem:$0x3FB3];
	_ =	sdelay $0x3  }
0x37: {  	[smem:$0x3FB3] =	sst s10  }
0x38: {  	s10 =	sld [smem:$0x3FB4]  }
0x39: {  	_ = 	snop;
	(pc) =	sbr.ind lr, $3  }
0x3a: {  	_ = 	snop  }
0x3b: {  	_ = 	snop  }
0x3c: {  	p2 =	seq.s32 s10, $0x1;
	s10 =	sld [smem:$0x3FB3]  }
0x3d: {  	_ =	shalt  }
0x3e: {  	_ =	shalt  }
0x3f: {  	_ =	shalt  }
0x40: {  	_ =	shalt  }
0x41: {  	_ =	shalt  }
0x42: {  	_ =	shalt  }
0x43: {  	_ =	shalt  }
0x44: {  	_ =	shalt  }
0x45: {  	_ =	shalt  }
0x46: {  	_ =	shalt  }
0x47: {  	_ =	shalt  }
0x48: {  	_ =	shalt  }
0x49: {  	_ =	shalt  }
0x4a: {  	_ =	shalt  }
0x4b: {  	_ =	shalt  }
0x4c: {  	_ =	shalt  }
0x4d: {  	_ =	shalt  }
0x4e: {  	_ =	shalt  }
0x4f: {  	_ =	shalt  }
0x50: {  	_ =	shalt  }
0x51: {  	_ =	shalt  }
0x52: {  	_ =	shalt  }
0x53: {  	_ =	shalt  }
0x54: {  	_ =	shalt  }
0x55: {  	_ =	shalt  }
0x56: {  	_ =	shalt  }
0x57: {  	_ =	shalt  }
0x58: {  	_ =	shalt  }
0x59: {  	_ =	shalt  }
0x5a: {  	_ =	shalt  }
0x5b: {  	_ =	shalt  }
0x5c: {  	_ =	shalt  }
0x5d: {  	_ =	shalt  }
0x5e: {  	_ =	shalt  }
0x5f: {  	_ =	shalt  }
0x60: {  	_ =	shalt  }
0x61: {  	_ =	shalt  }
0x62: {  	_ =	shalt  }
0x63: {  	_ =	shalt  }
0x64: {  	_ =	shalt  }
0x65: {  	_ =	shalt  }
0x66: {  	_ =	shalt  }
0x67: {  	_ =	shalt  }
0x68: {  	_ =	shalt  }
0x69: {  	_ =	shalt  }
0x6a: {  	_ =	shalt  }
0x6b: {  	_ =	shalt  }
0x6c: {  	_ =	shalt  }
0x6d: {  	_ =	shalt  }
0x6e: {  	_ =	shalt  }
0x6f: {  	_ =	shalt  }
0x70: {  	_ =	shalt  }
0x71: {  	_ =	shalt  }
0x72: {  	_ =	shalt  }
0x73: {  	_ =	shalt  }
0x74: {  	_ =	shalt  }
0x75: {  	_ =	shalt  }
0x76: {  	_ =	shalt  }
0x77: {  	_ =	shalt  }
0x78: {  	_ =	shalt  }
0x79: {  	_ =	shalt  }
0x7a: {  	_ =	shalt  }
0x7b: {  	_ =	shalt  }
0x7c: {  	_ =	shalt  }
0x7d: {  	_ =	shalt  }
0x7e: {  	_ =	shalt  }
0x7f: {  	_ =	shalt  }
0x80: {  	_ =	shalt  }
0x81: {  	_ =	shalt  }
0x82: {  	_ =	shalt  }
0x83: {  	_ =	shalt  }
0x84: {  	_ =	shalt  }
0x85: {  	_ =	shalt  }
0x86: {  	_ =	shalt  }
0x87: {  	_ =	shalt  }
.Lfunc_end0:
.L_simem_size_0:
called_computation.1_lowered:
.L_overlay_start_0:
0x88: {  	s2 =	sld [smem:$0x3FD9]  }
0x89: {  	s3 =	sld [smem:$0x3FFE];
	_ =	sdelay $0x1  }
0x8a: {  	s1 =	srdreg.scid  }
0x8b: {  	s0 =	sand.u32 $0x1, s1  }
0x8c: {  	s17 =	sshll.u32 s0, $0xA;
	s2 =	sadd.s32 s3, s2  }
0x8d: {  	s2 =	sadd.s32 s2, s17  }
0x8e: {  	[smem:$0x3FBF] =	sst s2  }
0x8f: {  	_ = 	snop  }
0x90: {  	s18 =	sld [smem:$0x3FC9];
	(tm) =	ssettm $0x1  }
0x91: {  	s19 =	sld [smem:$0x3FFB];
	_ =	sdelay $0x3  }
0x92: {  	_ =	strace s19  }
0x93: {  	s2 =	sld [smem:$0x3FFC];
	_ =	sdelay $0x3  }
0x94: {  	_ =	strace s2  }
0x95: {  	s2 =	sld [smem:$0x3FFD];
	_ =	sdelay $0x3  }
0x96: {  	_ =	strace s2  }
0x97: {  	_ =	strace $0x8FFFFFFF  }
0x98: {  	s20 =	sld [smem:$0x3FDB];
	_ =	sdelay $0x1  }
0x99: {  	s4 =	simm.s32 $_scs_section_size  }
0x9a: {  	s5 =	simm.s32 $_size__tile_overlayer_lowered;
	s6 =	simm.s32 $_tile_overlayer_lowered  }
0x9b: {  	s7 =	simm.s32 $0x1BFF;
	s21 =	sshll.u32 s6, $0x1;
	s4 =	sadd.s32 s4, s20  }
0x9c: {  	s22 =	simm.s32 $0x0;
	s5 =	sshll.u32 s5, $0x1;
	s6 =	sadd.s32 s21, s4  }
0x9d: {  	[timem:s22], [sflag:s7] =	dma.local [hbm:s6], s5  }
0x9e: {  	_ =	swait.ge [sflag:s7], s5  }
0x9f: {  	s5 =	ssub.s32 $0x0, s5;
	[sflag:s7] =	ssyncset.done $0x0  }
0xa0: {  	[sflag:s7] =	ssyncadd.s32 s5;
	_ =	sdelay $0x1  }
0xa1: {  	s23 =	simm.s32 $0x1B8B  }
0xa2: {  	_ =	swait.ge [sflag:s23], $0x1  }
0xa3: {  	[sflag:s23] =	ssyncset.done $0x0  }
0xa4: {  	[sflag:s23] =	ssyncadd.s32 $0xFFFFFFFF  }
0xa5: {  	s5 =	sld [smem:$0x0]  }
0xa6: {  	s6 =	sand.u32 $0xFFFFFFFE, s1  }
0xa7: {  	p0 =	sne.s32 s1, s6  }
0xa8: {  	s6 =	sshll.u32 @p0 s6, $0xE  }
0xa9: {  	s6 =	sadd.s32 @p0 $0x11B8D, s6;
	s7 =	sshll.u32 @p0 s5, $0x11  }
0xaa: {  	s6 =	sor.u32 @p0 s7, s6  }
0xab: {  	[sflag:s6] =	ssyncadd.remote.s32 @p0 $0x1;
	_ =	sdelay $0x1  }
0xac: {  	s6 =	simm.s32 @p0 $0x1B8D  }
0xad: {  	_ =	swait.eq @p0 [sflag:s6], $0x1  }
0xae: {  	[sflag:s6] =	ssyncadd.s32 @p0 $0xFFFFFFFF  }
0xaf: {  	s7 =	sshll.u32 @!p0 s1, $0xE  }
0xb0: {  	s7 =	sor.u32 @!p0 $0x4000, s7;
	s6 =	simm.s32 @!p0 $0x1B8D  }
0xb1: {  	s5 =	sshll.u32 @!p0 s5, $0x11;
	s7 =	sadd.s32 @!p0 $0x11B8D, s7;
	_ =	swait.eq @!p0 [sflag:s6], $0x1  }
0xb2: {  	s5 =	sor.u32 @!p0 s5, s7;
	[sflag:s6] =	ssyncadd.s32 @!p0 $0xFFFFFFFF  }
0xb3: {  	s25 =	simm.s32 $0x1B8E;
	s24 =	sld [smem:$0x3FFE];
	[sflag:s5] =	ssyncadd.remote.s32 @!p0 $0x1  }
0xb4: {  	s26 =	simm.s32 $execute0_lowered;
	[smem:$0x3FD2] =	sst s25  }
0xb5: {  	s6 =	sshll.u32 s26, $0x1;
	_ =	strace $0x80000049;
	[dreg:$0x1] =	wrdreg $0xFFFFFFFF  }
0xb6: {  	s28 =	simm.s32 $_size_execute0_lowered;
	s4 =	sadd.s32 s4, s6;
	[dreg:$0x0] =	wrdreg $0x0  }
0xb7: {  	s6 =	sshll.u32 s28, $0x1;
	[dreg:$0x2] =	wrdreg s4  }
0xb8: {  	[dreg:$0x3] =	wrdreg s6  }
0xb9: {  	[dreg:$0x4] =	wrdreg $0xC0  }
0xba: {  	_ =	task [dreg:s22], $0x5FFFF  }
0xbb: {  	[dreg:$0x1] =	wrdreg $0xFFFFFFFF  }
0xbc: {  	[dreg:$0x0] =	wrdreg $0x60  }
0xbd: {  	[dreg:$0x2] =	wrdreg s18  }
0xbe: {  	[dreg:$0x3] =	wrdreg s24  }
0xbf: {  	[dreg:$0x4] =	wrdreg $0x88000  }
0xc0: {  	[dreg:$0x5] =	wrdreg $0xA  }
0xc1: {  	_ =	task.clear_ibuf [dreg:s22], $0x6FFFF;
	_ =	strace $0x90000049  }
0xc2: {  	s29 =	simm.s32 $0xA;
	_ =	strace $0x8000004B  }
0xc3: {  	_ =	swait.ge [sflag:s29], $0x1  }
0xc4: {  	[sflag:s29] =	ssyncadd.s32 $0xFFFFFFFF  }
0xc5: {  	_ =	strace $0x9000004B  }
0xc6: {  	_ =	sfence  }
0xc7: {  	s30 =	sld [smem:$0x0];
	_ =	sdelay $0x2  }
0xc8: {  	s31 =	sshll.u32 s1, $0xD;
	s1 =	sshrl.u32 s1, $0x2  }
0xc9: {  	s4 =	sand.u32 $0x4000, s31;
	s1 =	sadd.s32 s1, s30  }
0xca: {  	s0 =	sor.u32 s4, s0;
	s1 =	sshll.u32 s1, $0x11  }
0xcb: {  	s0 =	sor.u32 s1, s0  }
0xcc: {  	s0 =	sadd.s32 $0x8F2B, s0  }
0xcd: {  	[sflag:s0] =	ssyncadd.remote.s32 $0x1  }
0xce: {  	_ =	sfence.sel $0xFFFF  }
0xcf: {  	[dreg:$0x0] =	wrdreg $0xFFFFFFFF;
	(pc) =	sbr.abs _section_cstart, $3  }
0xd0: {  	[dreg:$0x1] =	wrdreg $0xFFFFFFFF  }
0xd1: {  	_ =	task.clear_ibuf [dreg:s22], $0x2FFFF;
	_ =	strace $0x9FFFFFFF  }
0xd2: {  	(tm) =	ssettm $0x7FFFFFFF  }
0xd3: {  	_ =	shalt  }
tec
execute0_lowered:
.L_overlay_start_1:
0x0: {  	(tag) =	ssettag $0x1  }
0x1: {  	s1 =	rddreg [dreg:$0x0]  }
0x2: {  	s0 =	rddreg [dreg:$0x1]  }
0x3: {  	s2 =	rddreg [dreg:$0x2];
	s4 =	simm.s32 $0x0;
	s3 =	srdreg.scid  }
0x4: {  	s10 =	stileid.u32;
	s26 =	simm.s32 $0x100;
	s28 =	simm.s32 $0x580  }
0x5: {  	s29 =	simm.s32 $0x280;
	s30 =	simm.s32 $0x600;
	s31 =	simm.s32 $0x300  }
0x6: {  	[smem:$0x7FF] =	sst s4;
	s3 =	sand.u32 $0x1, s3;
	s7 =	smul.u32 $0x14000, s10  }
0x7: {  	s6 =	sadd.s32 $0x16000, s0;
	s14 =	sadd.s32 $0xC000, s0;
	s9 =	smul.u32 $0x50000, s10  }
0x8: {  	s19 =	sshll.u32 s10, $0x1;
	_ =	strace $0x8000004A;
	[dreg:$0x4] =	wrdreg s6  }
0x9: {  	s5 =	smul.u32 $0x140000, s3;
	s15 =	ssub.s32 $0x2, s3;
	[dreg:$0x5] =	wrdreg s14  }
0xa: {  	s18 =	sxor.u32 $0x1, s3;
	s14 =	simm.s32 $0x800;
	[dreg:$0x6] =	wrdreg s26  }
0xb: {  	s26 =	simm.s32 $0x200;
	s6 =	simm.s32 $0x700;
	s8 =	sshrl.u32 s15, $0x1  }
0xc: {  	s17 =	sshrl.u32 s9, $0x2;
	s5 =	sadd.s32 s7, s5;
	s16 =	ssub.s32 s15, s8  }
0xd: {  	s7 =	smul.u32 s18, s10;
	s8 =	sor.u32 $0x120, s19;
	s15 =	simm.s32 $0x5  }
0xe: {  	s18 =	simm.s32 $0x4800;
	s19 =	simm.s32 $0x1;
	s5 =	sshrl.u32 s5, $0x3  }
0xf: {  	s8 =	smul.u32 s3, s8;
	s3 =	sshll.u32 s3, $0x4;
	s25 =	smax.u32 s16, $0x1  }
0x10: {  	s16 =	simm.s32 $0x400;
	s0 =	sadd.s32 s5, s0;
	s5 =	sadd.s32 s17, s2  }
0x11: {  	s7 =	smul.u32 $0x900, s7;
	s3 =	sxor.u32 $0x12, s3;
	[dreg:$0xd] =	wrdreg s25  }
0x12: {  	s17 =	simm.s32 $0x80;
	s20 =	sadd.s32 $0x4000, s5;
	[dreg:$0xb] =	wrdreg s3  }
0x13: {  	s25 =	simm.s32 $0x500;
	s21 =	sadd.s32 $0x8000, s5;
	[dreg:$0x7] =	wrdreg s20  }
0x14: {  	s22 =	sadd.s32 $0xC000, s5;
	s23 =	sadd.s32 $0x10000, s5;
	[dreg:$0x8] =	wrdreg s21  }
0x15: {  	s24 =	sshll.u32 s8, $0x7;
	s0 =	sadd.s32 $0x20000, s0;
	[dreg:$0x9] =	wrdreg s22  }
0x16: {  	s3 =	simm.s32 $0x380;
	s8 =	simm.s32 $0x0;
	[dreg:$0xa] =	wrdreg s23  }
0x17: {  	[dreg:$0xc] =	wrdreg s0;
	s11 =	sadd.s32 s24, s7;
	s20 =	simm.s32 $0x3  }
0x18: {  	s21 =	simm.s32 $0x2;
	s22 =	simm.s32 $0x480;
	s23 =	simm.s32 $0x4  }
0x19: {  	v0 =	vimm.f32 $0.0e+00;
	s24 =	simm.s32 $0x180;
	s0 =	simm.s32 $0x680;
	s7 =	simm.s32 $0x780  }
.LBB2_1:
0x1a: {  	s9 =	simm.s32 $0x0;
	s13 =	simm.s32 $0x200  }
.LBB2_2:
0x1b: {  	p0 =	sne.s32 s13, $0xFE00;
	[tilespmem:s9+$0x870] =	vst v0  }
0x1c: {  	[tilespmem:s9+$0x800] =	vst v0  }
0x1d: {  	[tilespmem:s9+$0x810] =	vst v0  }
.Ltmp0:
0x1e: {  	[tilespmem:s9+$0x820] =	vst v0;
	(pc) =	sbr.rel @p0 .LBB2_2-.Ltmp0, $4  }
0x1f: {  	[tilespmem:s9+$0x830] =	vst v0  }
0x20: {  	[tilespmem:s9+$0x840] =	vst v0  }
0x21: {  	[tilespmem:s9+$0x850] =	vst v0  }
0x22: {  	[tilespmem:s9+$0x860] =	vst v0;
	s9 =	sshra.s32 s13, $0x2;
	s13 =	sadd.s32 $0x200, s13  }
0x23: {  	[tilespmem:s9+$0x870] =	vst v0  }
0x24: {  	[tilespmem:s9+$0x800] =	vst v0  }
0x25: {  	[tilespmem:s9+$0x810] =	vst v0  }
0x26: {  	[tilespmem:s9+$0x820] =	vst v0  }
0x27: {  	[tilespmem:s9+$0x830] =	vst v0  }
0x28: {  	[tilespmem:s9+$0x840] =	vst v0  }
0x29: {  	[tilespmem:s9+$0x850] =	vst v0  }
0x2a: {  	[tilespmem:s9+$0x860] =	vst v0  }
0x2b: {  	[spmem:s5] =	stream.linear.scatter [tilespmem:s14], [sflag:$0x5], $0x4000, $0x38;
	[tilespmem:$0x1C800] =	vst v63  }
0x2c: {  	_ =	swait.ge [sflag:s15], $0x4000  }
0x2d: {  	[sflag:s15] =	ssyncset.done $0x0  }
0x2e: {  	s10 =	rddreg [dreg:$0x7];
	[sflag:s15] =	ssyncadd.s32 $0xFFFFC000  }
0x2f: {  	[spmem:s10] =	stream.linear.scatter [tilespmem:s14], [sflag:$0x5], $0x4000, $0x38;
	[tilespmem:$0x1C800] =	vst v63  }
0x30: {  	_ =	swait.ge [sflag:s15], $0x4000  }
0x31: {  	[sflag:s15] =	ssyncset.done $0x0  }
0x32: {  	s12 =	rddreg [dreg:$0x8];
	[sflag:s15] =	ssyncadd.s32 $0xFFFFC000  }
0x33: {  	[spmem:s12] =	stream.linear.scatter [tilespmem:s14], [sflag:$0x5], $0x4000, $0x38;
	[tilespmem:$0x1C800] =	vst v63  }
0x34: {  	_ =	swait.ge [sflag:s15], $0x4000  }
0x35: {  	[sflag:s15] =	ssyncset.done $0x0  }
0x36: {  	s13 =	rddreg [dreg:$0x9];
	[sflag:s15] =	ssyncadd.s32 $0xFFFFC000  }
0x37: {  	[spmem:s13] =	stream.linear.scatter [tilespmem:s14], [sflag:$0x5], $0x4000, $0x38;
	[tilespmem:$0x1C800] =	vst v63  }
0x38: {  	_ =	swait.ge [sflag:s15], $0x4000  }
0x39: {  	[sflag:s15] =	ssyncset.done $0x0  }
0x3a: {  	s10 =	rddreg [dreg:$0xa];
	[sflag:s15] =	ssyncadd.s32 $0xFFFFC000  }
0x3b: {  	[spmem:s10] =	stream.linear.scatter [tilespmem:s14], [sflag:$0x5], $0x4000, $0x38;
	[tilespmem:$0x1C800] =	vst v63  }
0x3c: {  	_ =	swait.ge [sflag:s15], $0x4000  }
0x3d: {  	[sflag:s15] =	ssyncset.done $0x0  }
0x3e: {  	[sflag:s15] =	ssyncadd.s32 $0xFFFFC000  }
0x3f: {  	[bflag:$0x0] =	sbarrier.arrive $0xFFFF  }
0x40: {  	s13 =	sand.u32 $0x1FFFFF80, s11;
	s12 =	rddreg [dreg:$0x4]  }
0x41: {  	s9 =	sadd.s32 s12, s13  }
0x42: {  	[tilespmem:s4], [sflag:$0x5] =	stream.linear.gather [hbm4b:s9+s4], $0x400, $0x38;
	[tilespmem:$0x1C800] =	vst v63  }
0x43: {  	_ =	swait.ge [sflag:s15], $0x400  }
0x44: {  	s10 =	rddreg [dreg:$0x5];
	[sflag:s15] =	ssyncset.done $0x0  }
0x45: {  	[sflag:s15] =	ssyncadd.s32 $0xFFFFFC00;
	s9 =	sadd.s32 s10, s13  }
0x46: {  	[tilespmem:s16], [sflag:$0x5] =	stream.linear.gather [hbm4b:s9+s4], $0x400, $0x38;
	[tilespmem:$0x1C800] =	vst v63  }
0x47: {  	_ =	swait.ge [sflag:s15], $0x400  }
0x48: {  	[sflag:s15] =	ssyncset.done $0x0  }
0x49: {  	[sflag:s15] =	ssyncadd.s32 $0xFFFFFC00  }
0x4a: {  	[tilespmem:s14], [sflag:$0x1] =	stream.indirect.gather [hbm4b:s1+s17], $0x80, s4, s17, $0xb8;
	[tilespmem:$0x1C800] =	vst v63  }
0x4b: {  	_ = 	snop  }
0x4c: {  	[tilespmem:s18], [sflag:$0x2] =	stream.indirect.gather [hbm4b:s1+s17], $0x80, s17, s17, $0xb8;
	[tilespmem:$0x1C800] =	vst v63  }
0x4d: {  	_ =	swait.ge [sflag:s19], $0x4000  }
0x4e: {  	[sflag:s19] =	ssyncset.done $0x0  }
0x4f: {  	[sflag:s19] =	ssyncadd.s32 $0xFFFFC000  }
0x50: {  	[spmem:s2] =	stream.indirect.scatter.add.f32 [tilespmem:s14], [sflag:$0x3], $0x80, s16, s17, $0xb8;
	[tilespmem:$0x1C800] =	vst v63  }
0x51: {  	_ =	swait.ge [sflag:s20], $0x4000  }
0x52: {  	[sflag:s20] =	ssyncset.done $0x0  }
0x53: {  	s12 =	rddreg [dreg:$0x6];
	[sflag:s20] =	ssyncadd.s32 $0xFFFFC000  }
0x54: {  	[tilespmem:s14], [sflag:$0x1] =	stream.indirect.gather [hbm4b:s1+s17], $0x80, s12, s17, $0xb8;
	[tilespmem:$0x1C800] =	vst v63  }
0x55: {  	_ =	swait.ge [sflag:s21], $0x4000  }
0x56: {  	[sflag:s21] =	ssyncset.done $0x0  }
0x57: {  	[sflag:s21] =	ssyncadd.s32 $0xFFFFC000  }
0x58: {  	[spmem:s2] =	stream.indirect.scatter.add.f32 [tilespmem:s18], [sflag:$0x4], $0x80, s22, s17, $0xb8;
	[tilespmem:$0x1C800] =	vst v63  }
0x59: {  	_ =	swait.ge [sflag:s23], $0x4000  }
0x5a: {  	[sflag:s23] =	ssyncset.done $0x0  }
0x5b: {  	[sflag:s23] =	ssyncadd.s32 $0xFFFFC000  }
0x5c: {  	[tilespmem:s18], [sflag:$0x2] =	stream.indirect.gather [hbm4b:s1+s17], $0x80, s24, s17, $0xb8;
	[tilespmem:$0x1C800] =	vst v63  }
0x5d: {  	_ =	swait.ge [sflag:s19], $0x4000  }
0x5e: {  	[sflag:s19] =	ssyncset.done $0x0  }
0x5f: {  	[sflag:s19] =	ssyncadd.s32 $0xFFFFC000  }
0x60: {  	[spmem:s2] =	stream.indirect.scatter.add.f32 [tilespmem:s14], [sflag:$0x3], $0x80, s25, s17, $0xb8;
	[tilespmem:$0x1C800] =	vst v63  }
0x61: {  	_ =	swait.ge [sflag:s20], $0x4000  }
0x62: {  	[sflag:s20] =	ssyncset.done $0x0  }
0x63: {  	[sflag:s20] =	ssyncadd.s32 $0xFFFFC000  }
0x64: {  	[tilespmem:s14], [sflag:$0x1] =	stream.indirect.gather [hbm4b:s1+s17], $0x80, s26, s17, $0xb8;
	[tilespmem:$0x1C800] =	vst v63  }
0x65: {  	_ =	swait.ge [sflag:s21], $0x4000  }
0x66: {  	[sflag:s21] =	ssyncset.done $0x0  }
0x67: {  	[sflag:s21] =	ssyncadd.s32 $0xFFFFC000  }
0x68: {  	[spmem:s2] =	stream.indirect.scatter.add.f32 [tilespmem:s18], [sflag:$0x4], $0x80, s28, s17, $0xb8;
	[tilespmem:$0x1C800] =	vst v63  }
0x69: {  	_ =	swait.ge [sflag:s23], $0x4000  }
0x6a: {  	[sflag:s23] =	ssyncset.done $0x0  }
0x6b: {  	[sflag:s23] =	ssyncadd.s32 $0xFFFFC000  }
0x6c: {  	[tilespmem:s18], [sflag:$0x2] =	stream.indirect.gather [hbm4b:s1+s17], $0x80, s29, s17, $0xb8;
	[tilespmem:$0x1C800] =	vst v63  }
0x6d: {  	_ =	swait.ge [sflag:s19], $0x4000  }
0x6e: {  	[sflag:s19] =	ssyncset.done $0x0  }
0x6f: {  	[sflag:s19] =	ssyncadd.s32 $0xFFFFC000  }
0x70: {  	[spmem:s2] =	stream.indirect.scatter.add.f32 [tilespmem:s14], [sflag:$0x3], $0x80, s30, s17, $0xb8;
	[tilespmem:$0x1C800] =	vst v63  }
0x71: {  	_ =	swait.ge [sflag:s20], $0x4000  }
0x72: {  	[sflag:s20] =	ssyncset.done $0x0  }
0x73: {  	[sflag:s20] =	ssyncadd.s32 $0xFFFFC000  }
0x74: {  	[tilespmem:s14], [sflag:$0x1] =	stream.indirect.gather [hbm4b:s1+s17], $0x80, s31, s17, $0xb8;
	[tilespmem:$0x1C800] =	vst v63  }
0x75: {  	_ =	swait.ge [sflag:s21], $0x4000  }
0x76: {  	[sflag:s21] =	ssyncset.done $0x0  }
0x77: {  	[sflag:s21] =	ssyncadd.s32 $0xFFFFC000  }
0x78: {  	[spmem:s2] =	stream.indirect.scatter.add.f32 [tilespmem:s18], [sflag:$0x4], $0x80, s0, s17, $0xb8;
	[tilespmem:$0x1C800] =	vst v63  }
0x79: {  	_ =	swait.ge [sflag:s23], $0x4000  }
0x7a: {  	[sflag:s23] =	ssyncset.done $0x0  }
0x7b: {  	[sflag:s23] =	ssyncadd.s32 $0xFFFFC000  }
0x7c: {  	[tilespmem:s18], [sflag:$0x2] =	stream.indirect.gather [hbm4b:s1+s17], $0x80, s3, s17, $0xb8;
	[tilespmem:$0x1C800] =	vst v63  }
0x7d: {  	_ =	swait.ge [sflag:s19], $0x4000  }
0x7e: {  	[sflag:s19] =	ssyncset.done $0x0  }
0x7f: {  	[sflag:s19] =	ssyncadd.s32 $0xFFFFC000  }
0x80: {  	[spmem:s2] =	stream.indirect.scatter.add.f32 [tilespmem:s14], [sflag:$0x3], $0x80, s6, s17, $0xb8;
	[tilespmem:$0x1C800] =	vst v63  }
0x81: {  	_ =	swait.ge [sflag:s21], $0x4000  }
0x82: {  	[sflag:s21] =	ssyncset.done $0x0  }
0x83: {  	[sflag:s21] =	ssyncadd.s32 $0xFFFFC000  }
0x84: {  	[spmem:s2] =	stream.indirect.scatter.add.f32 [tilespmem:s18], [sflag:$0x4], $0x80, s7, s17, $0xb8;
	[tilespmem:$0x1C800] =	vst v63  }
0x85: {  	_ =	swait.ge [sflag:s20], $0x4000  }
0x86: {  	s13 =	rddreg [dreg:$0xb]  }
0x87: {  	p0 =	sne.s32 s13, $0x1  }
.Ltmp1:
0x88: {  	_ = 	snop;
	(pc) =	sbr.rel @!p0 .LBB2_5-.Ltmp1, $4  }
0x89: {  	[sflag:s20] =	ssyncset.done $0x0  }
0x8a: {  	[sflag:s20] =	ssyncadd.s32 $0xFFFFC000  }
0x8b: {  	_ =	swait.ge [sflag:s23], $0x4000  }
0x8c: {  	s9 =	sadd.s32 $0xFFFFFFFF, s13;
	s13 =	smov.u32 s11;
	[sflag:s23] =	ssyncset.done $0x0  }
.LBB2_4:
0x8d: {  	s13 =	sadd.s32 $0x80, s13  }
0x8e: {  	s12 =	rddreg [dreg:$0x4];
	s10 =	sand.u32 $0x1FFFFF80, s13  }
0x8f: {  	[sflag:s23] =	ssyncadd.s32 $0xFFFFC000;
	s12 =	sadd.s32 s12, s10  }
0x90: {  	[tilespmem:s4], [sflag:$0x5] =	stream.linear.gather [hbm4b:s12+s4], $0x400, $0x38;
	[tilespmem:$0x1C800] =	vst v63  }
0x91: {  	_ =	swait.ge [sflag:s15], $0x400  }
0x92: {  	s12 =	rddreg [dreg:$0x5];
	[sflag:s15] =	ssyncset.done $0x0  }
0x93: {  	[sflag:s15] =	ssyncadd.s32 $0xFFFFFC00;
	s10 =	sadd.s32 s12, s10  }
0x94: {  	[tilespmem:s16], [sflag:$0x5] =	stream.linear.gather [hbm4b:s10+s4], $0x400, $0x38;
	[tilespmem:$0x1C800] =	vst v63  }
0x95: {  	_ =	swait.ge [sflag:s15], $0x400  }
0x96: {  	[sflag:s15] =	ssyncset.done $0x0  }
0x97: {  	[sflag:s15] =	ssyncadd.s32 $0xFFFFFC00  }
0x98: {  	[tilespmem:s14], [sflag:$0x1] =	stream.indirect.gather [hbm4b:s1+s17], $0x80, s4, s17, $0xb8;
	[tilespmem:$0x1C800] =	vst v63  }
0x99: {  	_ = 	snop  }
0x9a: {  	[tilespmem:s18], [sflag:$0x2] =	stream.indirect.gather [hbm4b:s1+s17], $0x80, s17, s17, $0xb8;
	[tilespmem:$0x1C800] =	vst v63  }
0x9b: {  	_ =	swait.ge [sflag:s19], $0x4000  }
0x9c: {  	[sflag:s19] =	ssyncset.done $0x0  }
0x9d: {  	[sflag:s19] =	ssyncadd.s32 $0xFFFFC000  }
0x9e: {  	[spmem:s2] =	stream.indirect.scatter.add.f32 [tilespmem:s14], [sflag:$0x3], $0x80, s16, s17, $0xb8;
	[tilespmem:$0x1C800] =	vst v63  }
0x9f: {  	_ =	swait.ge [sflag:s20], $0x4000  }
0xa0: {  	[sflag:s20] =	ssyncset.done $0x0  }
0xa1: {  	s12 =	rddreg [dreg:$0x6];
	[sflag:s20] =	ssyncadd.s32 $0xFFFFC000  }
0xa2: {  	[tilespmem:s14], [sflag:$0x1] =	stream.indirect.gather [hbm4b:s1+s17], $0x80, s12, s17, $0xb8;
	[tilespmem:$0x1C800] =	vst v63  }
0xa3: {  	_ =	swait.ge [sflag:s21], $0x4000  }
0xa4: {  	[sflag:s21] =	ssyncset.done $0x0  }
0xa5: {  	[sflag:s21] =	ssyncadd.s32 $0xFFFFC000  }
0xa6: {  	[spmem:s2] =	stream.indirect.scatter.add.f32 [tilespmem:s18], [sflag:$0x4], $0x80, s22, s17, $0xb8;
	[tilespmem:$0x1C800] =	vst v63  }
0xa7: {  	_ =	swait.ge [sflag:s23], $0x4000  }
0xa8: {  	[sflag:s23] =	ssyncset.done $0x0  }
0xa9: {  	[sflag:s23] =	ssyncadd.s32 $0xFFFFC000  }
0xaa: {  	[tilespmem:s18], [sflag:$0x2] =	stream.indirect.gather [hbm4b:s1+s17], $0x80, s24, s17, $0xb8;
	[tilespmem:$0x1C800] =	vst v63  }
0xab: {  	_ =	swait.ge [sflag:s19], $0x4000  }
0xac: {  	[sflag:s19] =	ssyncset.done $0x0  }
0xad: {  	[sflag:s19] =	ssyncadd.s32 $0xFFFFC000  }
0xae: {  	[spmem:s2] =	stream.indirect.scatter.add.f32 [tilespmem:s14], [sflag:$0x3], $0x80, s25, s17, $0xb8;
	[tilespmem:$0x1C800] =	vst v63  }
0xaf: {  	_ =	swait.ge [sflag:s20], $0x4000  }
0xb0: {  	[sflag:s20] =	ssyncset.done $0x0  }
0xb1: {  	[sflag:s20] =	ssyncadd.s32 $0xFFFFC000  }
0xb2: {  	[tilespmem:s14], [sflag:$0x1] =	stream.indirect.gather [hbm4b:s1+s17], $0x80, s26, s17, $0xb8;
	[tilespmem:$0x1C800] =	vst v63  }
0xb3: {  	_ =	swait.ge [sflag:s21], $0x4000  }
0xb4: {  	[sflag:s21] =	ssyncset.done $0x0  }
0xb5: {  	[sflag:s21] =	ssyncadd.s32 $0xFFFFC000  }
0xb6: {  	[spmem:s2] =	stream.indirect.scatter.add.f32 [tilespmem:s18], [sflag:$0x4], $0x80, s28, s17, $0xb8;
	[tilespmem:$0x1C800] =	vst v63  }
0xb7: {  	_ =	swait.ge [sflag:s23], $0x4000  }
0xb8: {  	[sflag:s23] =	ssyncset.done $0x0  }
0xb9: {  	[sflag:s23] =	ssyncadd.s32 $0xFFFFC000  }
0xba: {  	[tilespmem:s18], [sflag:$0x2] =	stream.indirect.gather [hbm4b:s1+s17], $0x80, s29, s17, $0xb8;
	[tilespmem:$0x1C800] =	vst v63  }
0xbb: {  	_ =	swait.ge [sflag:s19], $0x4000  }
0xbc: {  	[sflag:s19] =	ssyncset.done $0x0  }
0xbd: {  	[sflag:s19] =	ssyncadd.s32 $0xFFFFC000  }
0xbe: {  	[spmem:s2] =	stream.indirect.scatter.add.f32 [tilespmem:s14], [sflag:$0x3], $0x80, s30, s17, $0xb8;
	[tilespmem:$0x1C800] =	vst v63  }
0xbf: {  	_ =	swait.ge [sflag:s20], $0x4000  }
0xc0: {  	[sflag:s20] =	ssyncset.done $0x0  }
0xc1: {  	[sflag:s20] =	ssyncadd.s32 $0xFFFFC000  }
0xc2: {  	[tilespmem:s14], [sflag:$0x1] =	stream.indirect.gather [hbm4b:s1+s17], $0x80, s31, s17, $0xb8;
	[tilespmem:$0x1C800] =	vst v63  }
0xc3: {  	_ =	swait.ge [sflag:s21], $0x4000  }
0xc4: {  	[sflag:s21] =	ssyncset.done $0x0  }
0xc5: {  	[sflag:s21] =	ssyncadd.s32 $0xFFFFC000  }
0xc6: {  	[spmem:s2] =	stream.indirect.scatter.add.f32 [tilespmem:s18], [sflag:$0x4], $0x80, s0, s17, $0xb8;
	[tilespmem:$0x1C800] =	vst v63  }
0xc7: {  	_ =	swait.ge [sflag:s23], $0x4000  }
0xc8: {  	[sflag:s23] =	ssyncset.done $0x0  }
0xc9: {  	[sflag:s23] =	ssyncadd.s32 $0xFFFFC000  }
0xca: {  	[tilespmem:s18], [sflag:$0x2] =	stream.indirect.gather [hbm4b:s1+s17], $0x80, s3, s17, $0xb8;
	[tilespmem:$0x1C800] =	vst v63  }
0xcb: {  	_ =	swait.ge [sflag:s19], $0x4000  }
0xcc: {  	[sflag:s19] =	ssyncset.done $0x0  }
0xcd: {  	[sflag:s19] =	ssyncadd.s32 $0xFFFFC000  }
0xce: {  	[spmem:s2] =	stream.indirect.scatter.add.f32 [tilespmem:s14], [sflag:$0x3], $0x80, s6, s17, $0xb8;
	[tilespmem:$0x1C800] =	vst v63  }
0xcf: {  	_ =	swait.ge [sflag:s21], $0x4000  }
0xd0: {  	[sflag:s21] =	ssyncset.done $0x0  }
0xd1: {  	p0 =	sne.s32 s9, $0x1;
	[sflag:s21] =	ssyncadd.s32 $0xFFFFC000  }
0xd2: {  	[spmem:s2] =	stream.indirect.scatter.add.f32 [tilespmem:s18], [sflag:$0x4], $0x80, s7, s17, $0xb8;
	[tilespmem:$0x1C800] =	vst v63  }
.Ltmp2:
0xd3: {  	_ =	swait.ge [sflag:s20], $0x4000;
	(pc) =	sbr.rel @p0 .LBB2_4-.Ltmp2, $4  }
0xd4: {  	[sflag:s20] =	ssyncset.done $0x0  }
0xd5: {  	[sflag:s20] =	ssyncadd.s32 $0xFFFFC000  }
0xd6: {  	_ =	swait.ge [sflag:s23], $0x4000  }
0xd7: {  	s9 =	sadd.s32 $0xFFFFFFFF, s9;
	[sflag:s23] =	ssyncset.done $0x0  }
.LBB2_5:
0xd8: {  	[sflag:s23] =	ssyncadd.s32 $0xFFFFC000;
	s9 =	stileid.u32  }
0xd9: {  	s9 =	sshll.u32 s9, $0x6;
	[bflag:$0x0] =	sbarrier.arrive $0xFFFF  }
0xda: {  	s10 =	sshrl.u32 s5, $0x3;
	s9 =	sor.u32 $0x1C05, s9;
	s12 =	rddreg [dreg:$0xc]  }
0xdb: {  	[hbm:s12], [sflag:s9] =	dma.local [spmem:s10], $0x2800  }
0xdc: {  	_ =	swait.ge [sflag:s15], $0x2800  }
0xdd: {  	s8 =	sadd.s32 $0x1, s8;
	s13 =	rddreg [dreg:$0xd]  }
0xde: {  	p0 =	sne.s32 s8, s13  }
.Ltmp3:
0xdf: {  	_ = 	snop;
	(pc) =	sbr.rel @p0 .LBB2_1-.Ltmp3, $3  }
0xe0: {  	_ =	sdelay $0x1  }
0xe1: {  	[sflag:s15] =	ssyncset.done $0x0  }
0xe2: {  	[sflag:s15] =	ssyncadd.s32 $0xFFFFD800  }
0xe3: {  	_ =	sfence.sel $0x180000  }
0xe4: {  	[bflag:$0x0] =	sbarrier.arrive $0xFFFF  }
0xe5: {  	_ =	strace $0x9000004A  }
0xe6: {  	s0 =	stileid.u32;
	[bflag:$0x2] =	sbarrier.arrive $0xFFFF  }
0xe7: {  	p0 =	sne.s32 s0, $0x0;
	s0 =	rddreg [dreg:$0x3]  }
0xe8: {  	s0 =	sadd.s32 @!p0 $0x100000, s0  }
0xe9: {  	[sflag:s0] =	ssyncadd.tile.s32 @!p0 $0x1;
	_ =	shalt  }
.Lfunc_end2:
_tile_overlayer_lowered:
.L_overlay_start_2:
0xea: {  	(tag) =	ssettag $0x2  }
0xeb: {  	s0 =	rddreg [dreg:$0x0];
	s2 =	stileid.u32  }
0xec: {  	s1 =	rddreg [dreg:$0x1];
	p0 =	sne.s32 s2, $0x0  }
0xed: {  	s3 =	rddreg [dreg:$0x2];
	[bflag:$0x3] =	sbarrier.arrive $0xFFFF;
	s2 =	simm.s32 @!p0 $0x1C05  }
0xee: {  	[timem:s3], [sflag:s2] =	dma.local @!p0 [hbm:s0], s1  }
0xef: {  	s0 =	simm.s32 @!p0 $0x5  }
0xf0: {  	_ =	swait.ge @!p0 [sflag:s0], s1  }
0xf1: {  	s1 =	ssub.s32 @!p0 $0x0, s1;
	[sflag:s0] =	ssyncset.done @!p0 $0x0  }
0xf2: {  	[sflag:s0] =	ssyncadd.s32 @!p0 s1  }
0xf3: {  	[bflag:$0x3] =	sbarrier.arrive $0xFFFF  }
0xf4: {  	_ =	shalt  }

// kernel: kernel.14.cloned.1.call-start
scs
__scs_entry_jumppad:
0x0: {  	(pc) =	sbr.rel $0x88, $3  }
0x1: {  	(tag) =	ssettag $0x0;
	lr =	simm.s32 $0x1  }
0x2: {  	[smem:$0x3F98] =	sst lr;
	_ =	strace $0xD0000000  }
0x3: {  	_ = 	snop  }
0x4: {  	_ = 	snop  }
0x5: {  	_ = 	snop  }
0x6: {  	_ = 	snop  }
0x7: {  	_ = 	snop  }
__scs_overlays_trampoline_lowered:
0x8: {  	[smem:$0x3FA7] =	sst s0  }
0x9: {  	[smem:$0x3FA8] =	sst s1  }
0xa: {  	[smem:$0x3FA9] =	sst s2  }
0xb: {  	[smem:$0x3FAA] =	sst s3  }
0xc: {  	[smem:$0x3FAB] =	sst s4  }
0xd: {  	[smem:$0x3FAC] =	sst s5  }
0xe: {  	[smem:$0x3FAD] =	sst s6  }
0xf: {  	[smem:$0x3FAE] =	sst s7  }
0x10: {  	[smem:$0x3FAF] =	sst s8  }
0x11: {  	[smem:$0x3FB0] =	sst s9;
	s0 =	simm.s32 @!p0 $0x0  }
0x12: {  	s1 =	sld [smem:$0x3F96];
	s0 =	simm.s32 @p0 $0x1  }
0x13: {  	[smem:$0x3FB1] =	sst s0;
	s0 =	simm.s32 @!p1 $0x0  }
0x14: {  	s2 =	sld [smem:$0x3F95];
	s0 =	simm.s32 @p1 $0x1  }
0x15: {  	[smem:$0x3FB2] =	sst s0;
	s0 =	simm.s32 @!p2 $0x0  }
0x16: {  	s3 =	sld [smem:$0x3FDB];
	s0 =	simm.s32 @p2 $0x1  }
0x17: {  	s4 =	simm.s32 $0x1BF5;
	[smem:$0x3FB4] =	sst s0  }
0x18: {  	s0 =	sld [smem:$0x3F97];
	_ =	swait.ge [sflag:s4], $0x0  }
0x19: {  	s7 =	sld [smem:$0x3F98]  }
0x1a: {  	s8 =	sadd.s32 $0xFFFFE003, lr  }
0x1b: {  	s9 =	sadd.s32 $0xFFFFFEF7, lr;
	s5 =	simm.s32 $0xFFFFFFFF;
	p2 =	slt.u32 s8, $0xFFFFF086  }
0x1c: {  	p1 =	slt.u32 s9, $0xF7A;
	s5 =	simm.s32 @!p2 $0x0  }
0x1d: {  	s5 =	simm.s32 @p1 $0x1;
	p0 =	seq.s32 s7, s2  }
0x1e: {  	s7 =	smul.u32 @!p0 $0xF7A, s2;
	p2 =	seq.s32 @!p0 s5, $0x0  }
0x1f: {  	s9 =	smul.u32 $0xF7A, s1;
	s8 =	simm.s32 @!p0 $0x1BF5;
	p2 =	por !p2, p0  }
0x20: {  	[sflag:s8] =	ssyncset.s32 @!p0 $0xFFFFF086;
	s6 =	sadd.s32 @!p0 s3, s7;
	s7 =	simm.s32 @!p0 $0x108  }
0x21: {  	s3 =	sadd.s32 s3, s9;
	s6 =	sadd.s32 @!p0 $0x88, s6;
	s7 =	simm.s32 @p2 $0x1082  }
0x22: {  	[simem:s7], [sflag:s8] =	dma.local @!p0 [hbm:s6], $0xF7A  }
0x23: {  	s9 =	sor.u32 $0xD0000000, s2;
	s6 =	simm.s32 $0x108;
	_ =	swait.ge @!p0 [sflag:s8], $0x0  }
0x24: {  	s3 =	sadd.s32 $0x88, s3;
	s6 =	simm.s32 @!p1 $0x1082;
	[sflag:s4] =	ssyncset.s32 $0xFFFFF086  }
0x25: {  	[simem:s6], [sflag:s4] =	dma.local [hbm:s3], $0xF7A  }
0x26: {  	[smem:$0x3F98] =	sst s1;
	(tag) =	ssettag s2;
	_ =	strace s9  }
0x27: {  	s1 =	sld [smem:$0x3FA8]  }
0x28: {  	s2 =	sld [smem:$0x3FA9]  }
0x29: {  	s4 =	sld [smem:$0x3FAB]  }
0x2a: {  	p0 =	seq.s32 s5, $0x0;
	s5 =	sld [smem:$0x3FAC]  }
0x2b: {  	s6 =	sld [smem:$0x3FAD]  }
0x2c: {  	s7 =	sld [smem:$0x3FAE]  }
0x2d: {  	s3 =	simm.s32 $0x108;
	s8 =	sld [smem:$0x3FAF]  }
0x2e: {  	s3 =	simm.s32 @!p0 $0x1082;
	s9 =	sld [smem:$0x3FB0]  }
0x2f: {  	lr =	sadd.s32 s0, s3;
	s0 =	sld [smem:$0x3FA7]  }
0x30: {  	s3 =	sld [smem:$0x3FAA]  }
0x31: {  	[smem:$0x3FB3] =	sst s10  }
0x32: {  	s10 =	sld [smem:$0x3FB1];
	_ =	sdelay $0x3  }
0x33: {  	p0 =	seq.s32 s10, $0x1;
	s10 =	sld [smem:$0x3FB3];
	_ =	sdelay $0x3  }
0x34: {  	[smem:$0x3FB3] =	sst s10  }
0x35: {  	s10 =	sld [smem:$0x3FB2];
	_ =	sdelay $0x3  }
0x36: {  	p1 =	seq.s32 s10, $0x1;
	s10 =	sld [smem:$0x3FB3];
	_ =	sdelay $0x3  }
0x37: {  	[smem:$0x3FB3] =	sst s10  }
0x38: {  	s10 =	sld [smem:$0x3FB4]  }
0x39: {  	_ = 	snop;
	(pc) =	sbr.ind lr, $3  }
0x3a: {  	_ = 	snop  }
0x3b: {  	_ = 	snop  }
0x3c: {  	p2 =	seq.s32 s10, $0x1;
	s10 =	sld [smem:$0x3FB3]  }
0x3d: {  	_ =	shalt  }
0x3e: {  	_ =	shalt  }
0x3f: {  	_ =	shalt  }
0x40: {  	_ =	shalt  }
0x41: {  	_ =	shalt  }
0x42: {  	_ =	shalt  }
0x43: {  	_ =	shalt  }
0x44: {  	_ =	shalt  }
0x45: {  	_ =	shalt  }
0x46: {  	_ =	shalt  }
0x47: {  	_ =	shalt  }
0x48: {  	_ =	shalt  }
0x49: {  	_ =	shalt  }
0x4a: {  	_ =	shalt  }
0x4b: {  	_ =	shalt  }
0x4c: {  	_ =	shalt  }
0x4d: {  	_ =	shalt  }
0x4e: {  	_ =	shalt  }
0x4f: {  	_ =	shalt  }
0x50: {  	_ =	shalt  }
0x51: {  	_ =	shalt  }
0x52: {  	_ =	shalt  }
0x53: {  	_ =	shalt  }
0x54: {  	_ =	shalt  }
0x55: {  	_ =	shalt  }
0x56: {  	_ =	shalt  }
0x57: {  	_ =	shalt  }
0x58: {  	_ =	shalt  }
0x59: {  	_ =	shalt  }
0x5a: {  	_ =	shalt  }
0x5b: {  	_ =	shalt  }
0x5c: {  	_ =	shalt  }
0x5d: {  	_ =	shalt  }
0x5e: {  	_ =	shalt  }
0x5f: {  	_ =	shalt  }
0x60: {  	_ =	shalt  }
0x61: {  	_ =	shalt  }
0x62: {  	_ =	shalt  }
0x63: {  	_ =	shalt  }
0x64: {  	_ =	shalt  }
0x65: {  	_ =	shalt  }
0x66: {  	_ =	shalt  }
0x67: {  	_ =	shalt  }
0x68: {  	_ =	shalt  }
0x69: {  	_ =	shalt  }
0x6a: {  	_ =	shalt  }
0x6b: {  	_ =	shalt  }
0x6c: {  	_ =	shalt  }
0x6d: {  	_ =	shalt  }
0x6e: {  	_ =	shalt  }
0x6f: {  	_ =	shalt  }
0x70: {  	_ =	shalt  }
0x71: {  	_ =	shalt  }
0x72: {  	_ =	shalt  }
0x73: {  	_ =	shalt  }
0x74: {  	_ =	shalt  }
0x75: {  	_ =	shalt  }
0x76: {  	_ =	shalt  }
0x77: {  	_ =	shalt  }
0x78: {  	_ =	shalt  }
0x79: {  	_ =	shalt  }
0x7a: {  	_ =	shalt  }
0x7b: {  	_ =	shalt  }
0x7c: {  	_ =	shalt  }
0x7d: {  	_ =	shalt  }
0x7e: {  	_ =	shalt  }
0x7f: {  	_ =	shalt  }
0x80: {  	_ =	shalt  }
0x81: {  	_ =	shalt  }
0x82: {  	_ =	shalt  }
0x83: {  	_ =	shalt  }
0x84: {  	_ =	shalt  }
0x85: {  	_ =	shalt  }
0x86: {  	_ =	shalt  }
0x87: {  	_ =	shalt  }
.Lfunc_end0:
.L_simem_size_0:
called_computation.2_lowered:
.L_overlay_start_0:
0x88: {  	s2 =	sld [smem:$0x3FD9]  }
0x89: {  	s3 =	sld [smem:$0x3FFE];
	_ =	sdelay $0x1  }
0x8a: {  	s1 =	srdreg.scid  }
0x8b: {  	s0 =	sand.u32 $0x1, s1  }
0x8c: {  	s17 =	sshll.u32 s0, $0xA;
	s2 =	sadd.s32 s3, s2  }
0x8d: {  	s2 =	sadd.s32 s2, s17  }
0x8e: {  	[smem:$0x3FBF] =	sst s2  }
0x8f: {  	_ = 	snop  }
0x90: {  	s2 =	sld [smem:$0x3FD0];
	(tm) =	ssettm $0x1  }
0x91: {  	s18 =	sld [smem:$0x3FFB];
	_ =	sdelay $0x3  }
0x92: {  	_ =	strace s18  }
0x93: {  	s3 =	sld [smem:$0x3FFC];
	_ =	sdelay $0x3  }
0x94: {  	_ =	strace s3  }
0x95: {  	s3 =	sld [smem:$0x3FFD];
	_ =	sdelay $0x3  }
0x96: {  	_ =	strace s3  }
0x97: {  	_ =	strace $0x8FFFFFFF  }
0x98: {  	s19 =	sld [smem:$0x3FDB];
	_ =	sdelay $0x1  }
0x99: {  	s4 =	simm.s32 $_scs_section_size  }
0x9a: {  	s5 =	simm.s32 $_size__tile_overlayer_lowered;
	s6 =	simm.s32 $_tile_overlayer_lowered  }
0x9b: {  	s22 =	simm.s32 $0x1BFF;
	s21 =	sshll.u32 s6, $0x1;
	s3 =	sadd.s32 s4, s19  }
0x9c: {  	s7 =	simm.s32 $0x0;
	s20 =	sshll.u32 s5, $0x1;
	s5 =	sadd.s32 s21, s3  }
0x9d: {  	[timem:s7], [sflag:s22] =	dma.local [hbm:s5], s20  }
0x9e: {  	_ =	swait.ge [sflag:s22], s20  }
0x9f: {  	s4 =	ssub.s32 $0x0, s20;
	[sflag:s22] =	ssyncset.done $0x0  }
0xa0: {  	[sflag:s22] =	ssyncadd.s32 s4;
	_ =	sdelay $0x1  }
0xa1: {  	s23 =	simm.s32 $0x1B8B  }
0xa2: {  	_ =	swait.ge [sflag:s23], $0x1  }
0xa3: {  	[sflag:s23] =	ssyncset.done $0x0  }
0xa4: {  	s25 =	simm.s32 $0x1B8E;
	s24 =	sld [smem:$0x3FFE];
	[sflag:s23] =	ssyncadd.s32 $0xFFFFFFFF  }
0xa5: {  	s26 =	simm.s32 $execute0_lowered;
	[smem:$0x3FD2] =	sst s25  }
0xa6: {  	s5 =	sshll.u32 s26, $0x1;
	_ =	strace $0x8000004C;
	[dreg:$0x1] =	wrdreg $0xFFFFFFFF  }
0xa7: {  	s28 =	simm.s32 $_size_execute0_lowered;
	s3 =	sadd.s32 s3, s5;
	[dreg:$0x0] =	wrdreg $0x0  }
0xa8: {  	s5 =	sshll.u32 s28, $0x1;
	[dreg:$0x2] =	wrdreg s3  }
0xa9: {  	[dreg:$0x3] =	wrdreg s5  }
0xaa: {  	[dreg:$0x4] =	wrdreg $0xC0  }
0xab: {  	_ =	task [dreg:s7], $0x5FFFF  }
0xac: {  	[dreg:$0x1] =	wrdreg $0xFFFFFFFF  }
0xad: {  	[dreg:$0x0] =	wrdreg $0x60  }
0xae: {  	[dreg:$0x2] =	wrdreg s2  }
0xaf: {  	[dreg:$0x3] =	wrdreg s24  }
0xb0: {  	[dreg:$0x4] =	wrdreg $0x88000  }
0xb1: {  	[dreg:$0x5] =	wrdreg $0x9  }
0xb2: {  	_ =	task.clear_ibuf [dreg:s7], $0x6FFFF;
	_ =	strace $0x9000004C  }
0xb3: {  	s29 =	simm.s32 $0x9;
	_ =	strace $0x8000004E  }
0xb4: {  	_ =	swait.ge [sflag:s29], $0x1  }
0xb5: {  	[sflag:s29] =	ssyncadd.s32 $0xFFFFFFFF  }
0xb6: {  	_ =	strace $0x9000004E  }
0xb7: {  	_ =	sfence  }
0xb8: {  	s30 =	sld [smem:$0x0];
	_ =	sdelay $0x2  }
0xb9: {  	s31 =	sshll.u32 s1, $0xD;
	s1 =	sshrl.u32 s1, $0x2  }
0xba: {  	s3 =	sand.u32 $0x4000, s31;
	s1 =	sadd.s32 s1, s30  }
0xbb: {  	s0 =	sor.u32 s3, s0;
	s1 =	sshll.u32 s1, $0x11  }
0xbc: {  	s0 =	sor.u32 s1, s0  }
0xbd: {  	s0 =	sadd.s32 $0x8F2B, s0  }
0xbe: {  	[sflag:s0] =	ssyncadd.remote.s32 $0x1  }
0xbf: {  	_ =	sfence.sel $0xFFFF  }
0xc0: {  	[dreg:$0x0] =	wrdreg $0xFFFFFFFF;
	(pc) =	sbr.abs _section_cstart, $3  }
0xc1: {  	[dreg:$0x1] =	wrdreg $0xFFFFFFFF  }
0xc2: {  	_ =	task.clear_ibuf [dreg:s7], $0x2FFFF;
	_ =	strace $0x9FFFFFFF  }
0xc3: {  	(tm) =	ssettm $0x7FFFFFFF  }
tec
execute0_lowered:
.L_overlay_start_1:
0x0: {  	(tag) =	ssettag $0x1  }
0x1: {  	s1 =	rddreg [dreg:$0x0]  }
0x2: {  	s0 =	rddreg [dreg:$0x1]  }
0x3: {  	s2 =	rddreg [dreg:$0x2];
	s4 =	simm.s32 $0x0;
	s3 =	srdreg.scid  }
0x4: {  	s10 =	stileid.u32;
	s26 =	simm.s32 $0x100;
	s28 =	simm.s32 $0x580  }
0x5: {  	s29 =	simm.s32 $0x280;
	s30 =	simm.s32 $0x600;
	s31 =	simm.s32 $0x300  }
0x6: {  	[smem:$0x7FF] =	sst s4;
	s3 =	sand.u32 $0x1, s3;
	s7 =	smul.u32 $0x14000, s10  }
0x7: {  	s6 =	sadd.s32 $0x16000, s0;
	s14 =	sadd.s32 $0xC000, s0;
	s9 =	smul.u32 $0x50000, s10  }
0x8: {  	s19 =	sshll.u32 s10, $0x1;
	_ =	strace $0x8000004D;
	[dreg:$0x4] =	wrdreg s6  }
0x9: {  	s5 =	smul.u32 $0x140000, s3;
	s15 =	ssub.s32 $0x2, s3;
	[dreg:$0x5] =	wrdreg s14  }
0xa: {  	s18 =	sxor.u32 $0x1, s3;
	s14 =	simm.s32 $0x800;
	[dreg:$0x6] =	wrdreg s26  }
0xb: {  	s26 =	simm.s32 $0x200;
	s6 =	simm.s32 $0x700;
	s8 =	sshrl.u32 s15, $0x1  }
0xc: {  	s17 =	sshrl.u32 s9, $0x2;
	s5 =	sadd.s32 s7, s5;
	s16 =	ssub.s32 s15, s8  }
0xd: {  	s7 =	smul.u32 s18, s10;
	s8 =	sor.u32 $0x120, s19;
	s15 =	simm.s32 $0x5  }
0xe: {  	s18 =	simm.s32 $0x4800;
	s19 =	simm.s32 $0x1;
	s5 =	sshrl.u32 s5, $0x3  }
0xf: {  	s8 =	smul.u32 s3, s8;
	s3 =	sshll.u32 s3, $0x4;
	s25 =	smax.u32 s16, $0x1  }
0x10: {  	s16 =	simm.s32 $0x400;
	s0 =	sadd.s32 s5, s0;
	s5 =	sadd.s32 s17, s2  }
0x11: {  	s7 =	smul.u32 $0x900, s7;
	s3 =	sxor.u32 $0x12, s3;
	[dreg:$0xd] =	wrdreg s25  }
0x12: {  	s17 =	simm.s32 $0x80;
	s20 =	sadd.s32 $0x4000, s5;
	[dreg:$0xb] =	wrdreg s3  }
0x13: {  	s25 =	simm.s32 $0x500;
	s21 =	sadd.s32 $0x8000, s5;
	[dreg:$0x7] =	wrdreg s20  }
0x14: {  	s22 =	sadd.s32 $0xC000, s5;
	s23 =	sadd.s32 $0x10000, s5;
	[dreg:$0x8] =	wrdreg s21  }
0x15: {  	s24 =	sshll.u32 s8, $0x7;
	s0 =	sadd.s32 $0x20000, s0;
	[dreg:$0x9] =	wrdreg s22  }
0x16: {  	s3 =	simm.s32 $0x380;
	s8 =	simm.s32 $0x0;
	[dreg:$0xa] =	wrdreg s23  }
0x17: {  	[dreg:$0xc] =	wrdreg s0;
	s11 =	sadd.s32 s24, s7;
	s20 =	simm.s32 $0x3  }
0x18: {  	s21 =	simm.s32 $0x2;
	s22 =	simm.s32 $0x480;
	s23 =	simm.s32 $0x4  }
0x19: {  	v0 =	vimm.f32 $0.0e+00;
	s24 =	simm.s32 $0x180;
	s0 =	simm.s32 $0x680;
	s7 =	simm.s32 $0x780  }
.LBB2_1:
0x1a: {  	s9 =	simm.s32 $0x0;
	s13 =	simm.s32 $0x200  }
.LBB2_2:
0x1b: {  	p0 =	sne.s32 s13, $0xFE00;
	[tilespmem:s9+$0x870] =	vst v0  }
0x1c: {  	[tilespmem:s9+$0x800] =	vst v0  }
0x1d: {  	[tilespmem:s9+$0x810] =	vst v0  }
.Ltmp0:
0x1e: {  	[tilespmem:s9+$0x820] =	vst v0;
	(pc) =	sbr.rel @p0 .LBB2_2-.Ltmp0, $4  }
0x1f: {  	[tilespmem:s9+$0x830] =	vst v0  }
0x20: {  	[tilespmem:s9+$0x840] =	vst v0  }
0x21: {  	[tilespmem:s9+$0x850] =	vst v0  }
0x22: {  	[tilespmem:s9+$0x860] =	vst v0;
	s9 =	sshra.s32 s13, $0x2;
	s13 =	sadd.s32 $0x200, s13  }
0x23: {  	[tilespmem:s9+$0x870] =	vst v0  }
0x24: {  	[tilespmem:s9+$0x800] =	vst v0  }
0x25: {  	[tilespmem:s9+$0x810] =	vst v0  }
0x26: {  	[tilespmem:s9+$0x820] =	vst v0  }
0x27: {  	[tilespmem:s9+$0x830] =	vst v0  }
0x28: {  	[tilespmem:s9+$0x840] =	vst v0  }
0x29: {  	[tilespmem:s9+$0x850] =	vst v0  }
0x2a: {  	[tilespmem:s9+$0x860] =	vst v0  }
0x2b: {  	[spmem:s5] =	stream.linear.scatter [tilespmem:s14], [sflag:$0x5], $0x4000, $0x38;
	[tilespmem:$0x1C800] =	vst v63  }
0x2c: {  	_ =	swait.ge [sflag:s15], $0x4000  }
0x2d: {  	[sflag:s15] =	ssyncset.done $0x0  }
0x2e: {  	s10 =	rddreg [dreg:$0x7];
	[sflag:s15] =	ssyncadd.s32 $0xFFFFC000  }
0x2f: {  	[spmem:s10] =	stream.linear.scatter [tilespmem:s14], [sflag:$0x5], $0x4000, $0x38;
	[tilespmem:$0x1C800] =	vst v63  }
0x30: {  	_ =	swait.ge [sflag:s15], $0x4000  }
0x31: {  	[sflag:s15] =	ssyncset.done $0x0  }
0x32: {  	s12 =	rddreg [dreg:$0x8];
	[sflag:s15] =	ssyncadd.s32 $0xFFFFC000  }
0x33: {  	[spmem:s12] =	stream.linear.scatter [tilespmem:s14], [sflag:$0x5], $0x4000, $0x38;
	[tilespmem:$0x1C800] =	vst v63  }
0x34: {  	_ =	swait.ge [sflag:s15], $0x4000  }
0x35: {  	[sflag:s15] =	ssyncset.done $0x0  }
0x36: {  	s13 =	rddreg [dreg:$0x9];
	[sflag:s15] =	ssyncadd.s32 $0xFFFFC000  }
0x37: {  	[spmem:s13] =	stream.linear.scatter [tilespmem:s14], [sflag:$0x5], $0x4000, $0x38;
	[tilespmem:$0x1C800] =	vst v63  }
0x38: {  	_ =	swait.ge [sflag:s15], $0x4000  }
0x39: {  	[sflag:s15] =	ssyncset.done $0x0  }
0x3a: {  	s10 =	rddreg [dreg:$0xa];
	[sflag:s15] =	ssyncadd.s32 $0xFFFFC000  }
0x3b: {  	[spmem:s10] =	stream.linear.scatter [tilespmem:s14], [sflag:$0x5], $0x4000, $0x38;
	[tilespmem:$0x1C800] =	vst v63  }
0x3c: {  	_ =	swait.ge [sflag:s15], $0x4000  }
0x3d: {  	[sflag:s15] =	ssyncset.done $0x0  }
0x3e: {  	[sflag:s15] =	ssyncadd.s32 $0xFFFFC000  }
0x3f: {  	[bflag:$0x0] =	sbarrier.arrive $0xFFFF  }
0x40: {  	s13 =	sand.u32 $0x1FFFFF80, s11;
	s12 =	rddreg [dreg:$0x4]  }
0x41: {  	s9 =	sadd.s32 s12, s13  }
0x42: {  	[tilespmem:s4], [sflag:$0x5] =	stream.linear.gather [hbm4b:s9+s4], $0x400, $0x38;
	[tilespmem:$0x1C800] =	vst v63  }
0x43: {  	_ =	swait.ge [sflag:s15], $0x400  }
0x44: {  	s10 =	rddreg [dreg:$0x5];
	[sflag:s15] =	ssyncset.done $0x0  }
0x45: {  	[sflag:s15] =	ssyncadd.s32 $0xFFFFFC00;
	s9 =	sadd.s32 s10, s13  }
0x46: {  	[tilespmem:s16], [sflag:$0x5] =	stream.linear.gather [hbm4b:s9+s4], $0x400, $0x38;
	[tilespmem:$0x1C800] =	vst v63  }
0x47: {  	_ =	swait.ge [sflag:s15], $0x400  }
0x48: {  	[sflag:s15] =	ssyncset.done $0x0  }
0x49: {  	[sflag:s15] =	ssyncadd.s32 $0xFFFFFC00  }
0x4a: {  	[tilespmem:s14], [sflag:$0x1] =	stream.indirect.gather [hbm4b:s1+s17], $0x80, s4, s17, $0xb8;
	[tilespmem:$0x1C800] =	vst v63  }
0x4b: {  	_ = 	snop  }
0x4c: {  	[tilespmem:s18], [sflag:$0x2] =	stream.indirect.gather [hbm4b:s1+s17], $0x80, s17, s17, $0xb8;
	[tilespmem:$0x1C800] =	vst v63  }
0x4d: {  	_ =	swait.ge [sflag:s19], $0x4000  }
0x4e: {  	[sflag:s19] =	ssyncset.done $0x0  }
0x4f: {  	[sflag:s19] =	ssyncadd.s32 $0xFFFFC000  }
0x50: {  	[spmem:s2] =	stream.indirect.scatter.add.f32 [tilespmem:s14], [sflag:$0x3], $0x80, s16, s17, $0xb8;
	[tilespmem:$0x1C800] =	vst v63  }
0x51: {  	_ =	swait.ge [sflag:s20], $0x4000  }
0x52: {  	[sflag:s20] =	ssyncset.done $0x0  }
0x53: {  	s12 =	rddreg [dreg:$0x6];
	[sflag:s20] =	ssyncadd.s32 $0xFFFFC000  }
0x54: {  	[tilespmem:s14], [sflag:$0x1] =	stream.indirect.gather [hbm4b:s1+s17], $0x80, s12, s17, $0xb8;
	[tilespmem:$0x1C800] =	vst v63  }
0x55: {  	_ =	swait.ge [sflag:s21], $0x4000  }
0x56: {  	[sflag:s21] =	ssyncset.done $0x0  }
0x57: {  	[sflag:s21] =	ssyncadd.s32 $0xFFFFC000  }
0x58: {  	[spmem:s2] =	stream.indirect.scatter.add.f32 [tilespmem:s18], [sflag:$0x4], $0x80, s22, s17, $0xb8;
	[tilespmem:$0x1C800] =	vst v63  }
0x59: {  	_ =	swait.ge [sflag:s23], $0x4000  }
0x5a: {  	[sflag:s23] =	ssyncset.done $0x0  }
0x5b: {  	[sflag:s23] =	ssyncadd.s32 $0xFFFFC000  }
0x5c: {  	[tilespmem:s18], [sflag:$0x2] =	stream.indirect.gather [hbm4b:s1+s17], $0x80, s24, s17, $0xb8;
	[tilespmem:$0x1C800] =	vst v63  }
0x5d: {  	_ =	swait.ge [sflag:s19], $0x4000  }
0x5e: {  	[sflag:s19] =	ssyncset.done $0x0  }
0x5f: {  	[sflag:s19] =	ssyncadd.s32 $0xFFFFC000  }
0x60: {  	[spmem:s2] =	stream.indirect.scatter.add.f32 [tilespmem:s14], [sflag:$0x3], $0x80, s25, s17, $0xb8;
	[tilespmem:$0x1C800] =	vst v63  }
0x61: {  	_ =	swait.ge [sflag:s20], $0x4000  }
0x62: {  	[sflag:s20] =	ssyncset.done $0x0  }
0x63: {  	[sflag:s20] =	ssyncadd.s32 $0xFFFFC000  }
0x64: {  	[tilespmem:s14], [sflag:$0x1] =	stream.indirect.gather [hbm4b:s1+s17], $0x80, s26, s17, $0xb8;
	[tilespmem:$0x1C800] =	vst v63  }
0x65: {  	_ =	swait.ge [sflag:s21], $0x4000  }
0x66: {  	[sflag:s21] =	ssyncset.done $0x0  }
0x67: {  	[sflag:s21] =	ssyncadd.s32 $0xFFFFC000  }
0x68: {  	[spmem:s2] =	stream.indirect.scatter.add.f32 [tilespmem:s18], [sflag:$0x4], $0x80, s28, s17, $0xb8;
	[tilespmem:$0x1C800] =	vst v63  }
0x69: {  	_ =	swait.ge [sflag:s23], $0x4000  }
0x6a: {  	[sflag:s23] =	ssyncset.done $0x0  }
0x6b: {  	[sflag:s23] =	ssyncadd.s32 $0xFFFFC000  }
0x6c: {  	[tilespmem:s18], [sflag:$0x2] =	stream.indirect.gather [hbm4b:s1+s17], $0x80, s29, s17, $0xb8;
	[tilespmem:$0x1C800] =	vst v63  }
0x6d: {  	_ =	swait.ge [sflag:s19], $0x4000  }
0x6e: {  	[sflag:s19] =	ssyncset.done $0x0  }
0x6f: {  	[sflag:s19] =	ssyncadd.s32 $0xFFFFC000  }
0x70: {  	[spmem:s2] =	stream.indirect.scatter.add.f32 [tilespmem:s14], [sflag:$0x3], $0x80, s30, s17, $0xb8;
	[tilespmem:$0x1C800] =	vst v63  }
0x71: {  	_ =	swait.ge [sflag:s20], $0x4000  }
0x72: {  	[sflag:s20] =	ssyncset.done $0x0  }
0x73: {  	[sflag:s20] =	ssyncadd.s32 $0xFFFFC000  }
0x74: {  	[tilespmem:s14], [sflag:$0x1] =	stream.indirect.gather [hbm4b:s1+s17], $0x80, s31, s17, $0xb8;
	[tilespmem:$0x1C800] =	vst v63  }
0x75: {  	_ =	swait.ge [sflag:s21], $0x4000  }
0x76: {  	[sflag:s21] =	ssyncset.done $0x0  }
0x77: {  	[sflag:s21] =	ssyncadd.s32 $0xFFFFC000  }
0x78: {  	[spmem:s2] =	stream.indirect.scatter.add.f32 [tilespmem:s18], [sflag:$0x4], $0x80, s0, s17, $0xb8;
	[tilespmem:$0x1C800] =	vst v63  }
0x79: {  	_ =	swait.ge [sflag:s23], $0x4000  }
0x7a: {  	[sflag:s23] =	ssyncset.done $0x0  }
0x7b: {  	[sflag:s23] =	ssyncadd.s32 $0xFFFFC000  }
0x7c: {  	[tilespmem:s18], [sflag:$0x2] =	stream.indirect.gather [hbm4b:s1+s17], $0x80, s3, s17, $0xb8;
	[tilespmem:$0x1C800] =	vst v63  }
0x7d: {  	_ =	swait.ge [sflag:s19], $0x4000  }
0x7e: {  	[sflag:s19] =	ssyncset.done $0x0  }
0x7f: {  	[sflag:s19] =	ssyncadd.s32 $0xFFFFC000  }
0x80: {  	[spmem:s2] =	stream.indirect.scatter.add.f32 [tilespmem:s14], [sflag:$0x3], $0x80, s6, s17, $0xb8;
	[tilespmem:$0x1C800] =	vst v63  }
0x81: {  	_ =	swait.ge [sflag:s21], $0x4000  }
0x82: {  	[sflag:s21] =	ssyncset.done $0x0  }
0x83: {  	[sflag:s21] =	ssyncadd.s32 $0xFFFFC000  }
0x84: {  	[spmem:s2] =	stream.indirect.scatter.add.f32 [tilespmem:s18], [sflag:$0x4], $0x80, s7, s17, $0xb8;
	[tilespmem:$0x1C800] =	vst v63  }
0x85: {  	_ =	swait.ge [sflag:s20], $0x4000  }
0x86: {  	s13 =	rddreg [dreg:$0xb]  }
0x87: {  	p0 =	sne.s32 s13, $0x1  }
.Ltmp1:
0x88: {  	_ = 	snop;
	(pc) =	sbr.rel @!p0 .LBB2_5-.Ltmp1, $4  }
0x89: {  	[sflag:s20] =	ssyncset.done $0x0  }
0x8a: {  	[sflag:s20] =	ssyncadd.s32 $0xFFFFC000  }
0x8b: {  	_ =	swait.ge [sflag:s23], $0x4000  }
0x8c: {  	s9 =	sadd.s32 $0xFFFFFFFF, s13;
	s13 =	smov.u32 s11;
	[sflag:s23] =	ssyncset.done $0x0  }
.LBB2_4:
0x8d: {  	s13 =	sadd.s32 $0x80, s13  }
0x8e: {  	s12 =	rddreg [dreg:$0x4];
	s10 =	sand.u32 $0x1FFFFF80, s13  }
0x8f: {  	[sflag:s23] =	ssyncadd.s32 $0xFFFFC000;
	s12 =	sadd.s32 s12, s10  }
0x90: {  	[tilespmem:s4], [sflag:$0x5] =	stream.linear.gather [hbm4b:s12+s4], $0x400, $0x38;
	[tilespmem:$0x1C800] =	vst v63  }
0x91: {  	_ =	swait.ge [sflag:s15], $0x400  }
0x92: {  	s12 =	rddreg [dreg:$0x5];
	[sflag:s15] =	ssyncset.done $0x0  }
0x93: {  	[sflag:s15] =	ssyncadd.s32 $0xFFFFFC00;
	s10 =	sadd.s32 s12, s10  }
0x94: {  	[tilespmem:s16], [sflag:$0x5] =	stream.linear.gather [hbm4b:s10+s4], $0x400, $0x38;
	[tilespmem:$0x1C800] =	vst v63  }
0x95: {  	_ =	swait.ge [sflag:s15], $0x400  }
0x96: {  	[sflag:s15] =	ssyncset.done $0x0  }
0x97: {  	[sflag:s15] =	ssyncadd.s32 $0xFFFFFC00  }
0x98: {  	[tilespmem:s14], [sflag:$0x1] =	stream.indirect.gather [hbm4b:s1+s17], $0x80, s4, s17, $0xb8;
	[tilespmem:$0x1C800] =	vst v63  }
0x99: {  	_ = 	snop  }
0x9a: {  	[tilespmem:s18], [sflag:$0x2] =	stream.indirect.gather [hbm4b:s1+s17], $0x80, s17, s17, $0xb8;
	[tilespmem:$0x1C800] =	vst v63  }
0x9b: {  	_ =	swait.ge [sflag:s19], $0x4000  }
0x9c: {  	[sflag:s19] =	ssyncset.done $0x0  }
0x9d: {  	[sflag:s19] =	ssyncadd.s32 $0xFFFFC000  }
0x9e: {  	[spmem:s2] =	stream.indirect.scatter.add.f32 [tilespmem:s14], [sflag:$0x3], $0x80, s16, s17, $0xb8;
	[tilespmem:$0x1C800] =	vst v63  }
0x9f: {  	_ =	swait.ge [sflag:s20], $0x4000  }
0xa0: {  	[sflag:s20] =	ssyncset.done $0x0  }
0xa1: {  	s12 =	rddreg [dreg:$0x6];
	[sflag:s20] =	ssyncadd.s32 $0xFFFFC000  }
0xa2: {  	[tilespmem:s14], [sflag:$0x1] =	stream.indirect.gather [hbm4b:s1+s17], $0x80, s12, s17, $0xb8;
	[tilespmem:$0x1C800] =	vst v63  }
0xa3: {  	_ =	swait.ge [sflag:s21], $0x4000  }
0xa4: {  	[sflag:s21] =	ssyncset.done $0x0  }
0xa5: {  	[sflag:s21] =	ssyncadd.s32 $0xFFFFC000  }
0xa6: {  	[spmem:s2] =	stream.indirect.scatter.add.f32 [tilespmem:s18], [sflag:$0x4], $0x80, s22, s17, $0xb8;
	[tilespmem:$0x1C800] =	vst v63  }
0xa7: {  	_ =	swait.ge [sflag:s23], $0x4000  }
0xa8: {  	[sflag:s23] =	ssyncset.done $0x0  }
0xa9: {  	[sflag:s23] =	ssyncadd.s32 $0xFFFFC000  }
0xaa: {  	[tilespmem:s18], [sflag:$0x2] =	stream.indirect.gather [hbm4b:s1+s17], $0x80, s24, s17, $0xb8;
	[tilespmem:$0x1C800] =	vst v63  }
0xab: {  	_ =	swait.ge [sflag:s19], $0x4000  }
0xac: {  	[sflag:s19] =	ssyncset.done $0x0  }
0xad: {  	[sflag:s19] =	ssyncadd.s32 $0xFFFFC000  }
0xae: {  	[spmem:s2] =	stream.indirect.scatter.add.f32 [tilespmem:s14], [sflag:$0x3], $0x80, s25, s17, $0xb8;
	[tilespmem:$0x1C800] =	vst v63  }
0xaf: {  	_ =	swait.ge [sflag:s20], $0x4000  }
0xb0: {  	[sflag:s20] =	ssyncset.done $0x0  }
0xb1: {  	[sflag:s20] =	ssyncadd.s32 $0xFFFFC000  }
0xb2: {  	[tilespmem:s14], [sflag:$0x1] =	stream.indirect.gather [hbm4b:s1+s17], $0x80, s26, s17, $0xb8;
	[tilespmem:$0x1C800] =	vst v63  }
0xb3: {  	_ =	swait.ge [sflag:s21], $0x4000  }
0xb4: {  	[sflag:s21] =	ssyncset.done $0x0  }
0xb5: {  	[sflag:s21] =	ssyncadd.s32 $0xFFFFC000  }
0xb6: {  	[spmem:s2] =	stream.indirect.scatter.add.f32 [tilespmem:s18], [sflag:$0x4], $0x80, s28, s17, $0xb8;
	[tilespmem:$0x1C800] =	vst v63  }
0xb7: {  	_ =	swait.ge [sflag:s23], $0x4000  }
0xb8: {  	[sflag:s23] =	ssyncset.done $0x0  }
0xb9: {  	[sflag:s23] =	ssyncadd.s32 $0xFFFFC000  }
0xba: {  	[tilespmem:s18], [sflag:$0x2] =	stream.indirect.gather [hbm4b:s1+s17], $0x80, s29, s17, $0xb8;
	[tilespmem:$0x1C800] =	vst v63  }
0xbb: {  	_ =	swait.ge [sflag:s19], $0x4000  }
0xbc: {  	[sflag:s19] =	ssyncset.done $0x0  }
0xbd: {  	[sflag:s19] =	ssyncadd.s32 $0xFFFFC000  }
0xbe: {  	[spmem:s2] =	stream.indirect.scatter.add.f32 [tilespmem:s14], [sflag:$0x3], $0x80, s30, s17, $0xb8;
	[tilespmem:$0x1C800] =	vst v63  }
0xbf: {  	_ =	swait.ge [sflag:s20], $0x4000  }
0xc0: {  	[sflag:s20] =	ssyncset.done $0x0  }
0xc1: {  	[sflag:s20] =	ssyncadd.s32 $0xFFFFC000  }
0xc2: {  	[tilespmem:s14], [sflag:$0x1] =	stream.indirect.gather [hbm4b:s1+s17], $0x80, s31, s17, $0xb8;
	[tilespmem:$0x1C800] =	vst v63  }
0xc3: {  	_ =	swait.ge [sflag:s21], $0x4000  }
0xc4: {  	[sflag:s21] =	ssyncset.done $0x0  }
0xc5: {  	[sflag:s21] =	ssyncadd.s32 $0xFFFFC000  }
0xc6: {  	[spmem:s2] =	stream.indirect.scatter.add.f32 [tilespmem:s18], [sflag:$0x4], $0x80, s0, s17, $0xb8;
	[tilespmem:$0x1C800] =	vst v63  }
0xc7: {  	_ =	swait.ge [sflag:s23], $0x4000  }
0xc8: {  	[sflag:s23] =	ssyncset.done $0x0  }
0xc9: {  	[sflag:s23] =	ssyncadd.s32 $0xFFFFC000  }
0xca: {  	[tilespmem:s18], [sflag:$0x2] =	stream.indirect.gather [hbm4b:s1+s17], $0x80, s3, s17, $0xb8;
	[tilespmem:$0x1C800] =	vst v63  }
0xcb: {  	_ =	swait.ge [sflag:s19], $0x4000  }
0xcc: {  	[sflag:s19] =	ssyncset.done $0x0  }
0xcd: {  	[sflag:s19] =	ssyncadd.s32 $0xFFFFC000  }
0xce: {  	[spmem:s2] =	stream.indirect.scatter.add.f32 [tilespmem:s14], [sflag:$0x3], $0x80, s6, s17, $0xb8;
	[tilespmem:$0x1C800] =	vst v63  }
0xcf: {  	_ =	swait.ge [sflag:s21], $0x4000  }
0xd0: {  	[sflag:s21] =	ssyncset.done $0x0  }
0xd1: {  	p0 =	sne.s32 s9, $0x1;
	[sflag:s21] =	ssyncadd.s32 $0xFFFFC000  }
0xd2: {  	[spmem:s2] =	stream.indirect.scatter.add.f32 [tilespmem:s18], [sflag:$0x4], $0x80, s7, s17, $0xb8;
	[tilespmem:$0x1C800] =	vst v63  }
.Ltmp2:
0xd3: {  	_ =	swait.ge [sflag:s20], $0x4000;
	(pc) =	sbr.rel @p0 .LBB2_4-.Ltmp2, $4  }
0xd4: {  	[sflag:s20] =	ssyncset.done $0x0  }
0xd5: {  	[sflag:s20] =	ssyncadd.s32 $0xFFFFC000  }
0xd6: {  	_ =	swait.ge [sflag:s23], $0x4000  }
0xd7: {  	s9 =	sadd.s32 $0xFFFFFFFF, s9;
	[sflag:s23] =	ssyncset.done $0x0  }
.LBB2_5:
0xd8: {  	[sflag:s23] =	ssyncadd.s32 $0xFFFFC000;
	s9 =	stileid.u32  }
0xd9: {  	s9 =	sshll.u32 s9, $0x6;
	[bflag:$0x0] =	sbarrier.arrive $0xFFFF  }
0xda: {  	s10 =	sshrl.u32 s5, $0x3;
	s9 =	sor.u32 $0x1C05, s9;
	s12 =	rddreg [dreg:$0xc]  }
0xdb: {  	[hbm:s12], [sflag:s9] =	dma.local [spmem:s10], $0x2800  }
0xdc: {  	_ =	swait.ge [sflag:s15], $0x2800  }
0xdd: {  	s8 =	sadd.s32 $0x1, s8;
	s13 =	rddreg [dreg:$0xd]  }
0xde: {  	p0 =	sne.s32 s8, s13  }
.Ltmp3:
0xdf: {  	_ = 	snop;
	(pc) =	sbr.rel @p0 .LBB2_1-.Ltmp3, $3  }
0xe0: {  	_ =	sdelay $0x1  }
0xe1: {  	[sflag:s15] =	ssyncset.done $0x0  }
0xe2: {  	[sflag:s15] =	ssyncadd.s32 $0xFFFFD800  }
0xe3: {  	_ =	sfence.sel $0x180000  }
0xe4: {  	[bflag:$0x0] =	sbarrier.arrive $0xFFFF  }
0xe5: {  	_ =	strace $0x9000004D  }
0xe6: {  	s0 =	stileid.u32;
	[bflag:$0x2] =	sbarrier.arrive $0xFFFF  }
0xe7: {  	p0 =	sne.s32 s0, $0x0;
	s0 =	rddreg [dreg:$0x3]  }
0xe8: {  	s0 =	sadd.s32 @!p0 $0x100000, s0  }
0xe9: {  	[sflag:s0] =	ssyncadd.tile.s32 @!p0 $0x1;
	_ =	shalt  }
.Lfunc_end2:
_tile_overlayer_lowered:
.L_overlay_start_2:
0xea: {  	(tag) =	ssettag $0x2  }
0xeb: {  	s0 =	rddreg [dreg:$0x0];
	s2 =	stileid.u32  }
0xec: {  	s1 =	rddreg [dreg:$0x1];
	p0 =	sne.s32 s2, $0x0  }
0xed: {  	s3 =	rddreg [dreg:$0x2];
	[bflag:$0x3] =	sbarrier.arrive $0xFFFF;
	s2 =	simm.s32 @!p0 $0x1C05  }
0xee: {  	[timem:s3], [sflag:s2] =	dma.local @!p0 [hbm:s0], s1  }
0xef: {  	s0 =	simm.s32 @!p0 $0x5  }
0xf0: {  	_ =	swait.ge @!p0 [sflag:s0], s1  }
0xf1: {  	s1 =	ssub.s32 @!p0 $0x0, s1;
	[sflag:s0] =	ssyncset.done @!p0 $0x0  }
0xf2: {  	[sflag:s0] =	ssyncadd.s32 @!p0 s1  }
0xf3: {  	[bflag:$0x3] =	sbarrier.arrive $0xFFFF  }
0xf4: {  	_ =	shalt  }

// kernel: kernel.8.cloned.1.call-start
scs
__scs_entry_jumppad:
0x0: {  	(pc) =	sbr.rel $0x88, $3  }
0x1: {  	(tag) =	ssettag $0x0;
	lr =	simm.s32 $0x1  }
0x2: {  	[smem:$0x3F98] =	sst lr;
	_ =	strace $0xD0000000  }
0x3: {  	_ = 	snop  }
0x4: {  	_ = 	snop  }
0x5: {  	_ = 	snop  }
0x6: {  	_ = 	snop  }
0x7: {  	_ = 	snop  }
__scs_overlays_trampoline_lowered:
0x8: {  	[smem:$0x3FA7] =	sst s0  }
0x9: {  	[smem:$0x3FA8] =	sst s1  }
0xa: {  	[smem:$0x3FA9] =	sst s2  }
0xb: {  	[smem:$0x3FAA] =	sst s3  }
0xc: {  	[smem:$0x3FAB] =	sst s4  }
0xd: {  	[smem:$0x3FAC] =	sst s5  }
0xe: {  	[smem:$0x3FAD] =	sst s6  }
0xf: {  	[smem:$0x3FAE] =	sst s7  }
0x10: {  	[smem:$0x3FAF] =	sst s8  }
0x11: {  	[smem:$0x3FB0] =	sst s9;
	s0 =	simm.s32 @!p0 $0x0  }
0x12: {  	s1 =	sld [smem:$0x3F96];
	s0 =	simm.s32 @p0 $0x1  }
0x13: {  	[smem:$0x3FB1] =	sst s0;
	s0 =	simm.s32 @!p1 $0x0  }
0x14: {  	s2 =	sld [smem:$0x3F95];
	s0 =	simm.s32 @p1 $0x1  }
0x15: {  	[smem:$0x3FB2] =	sst s0;
	s0 =	simm.s32 @!p2 $0x0  }
0x16: {  	s3 =	sld [smem:$0x3FDB];
	s0 =	simm.s32 @p2 $0x1  }
0x17: {  	s4 =	simm.s32 $0x1BF5;
	[smem:$0x3FB4] =	sst s0  }
0x18: {  	s0 =	sld [smem:$0x3F97];
	_ =	swait.ge [sflag:s4], $0x0  }
0x19: {  	s7 =	sld [smem:$0x3F98]  }
0x1a: {  	s8 =	sadd.s32 $0xFFFFE003, lr  }
0x1b: {  	s9 =	sadd.s32 $0xFFFFFEF7, lr;
	s5 =	simm.s32 $0xFFFFFFFF;
	p2 =	slt.u32 s8, $0xFFFFF086  }
0x1c: {  	p1 =	slt.u32 s9, $0xF7A;
	s5 =	simm.s32 @!p2 $0x0  }
0x1d: {  	s5 =	simm.s32 @p1 $0x1;
	p0 =	seq.s32 s7, s2  }
0x1e: {  	s7 =	smul.u32 @!p0 $0xF7A, s2;
	p2 =	seq.s32 @!p0 s5, $0x0  }
0x1f: {  	s9 =	smul.u32 $0xF7A, s1;
	s8 =	simm.s32 @!p0 $0x1BF5;
	p2 =	por !p2, p0  }
0x20: {  	[sflag:s8] =	ssyncset.s32 @!p0 $0xFFFFF086;
	s6 =	sadd.s32 @!p0 s3, s7;
	s7 =	simm.s32 @!p0 $0x108  }
0x21: {  	s3 =	sadd.s32 s3, s9;
	s6 =	sadd.s32 @!p0 $0x88, s6;
	s7 =	simm.s32 @p2 $0x1082  }
0x22: {  	[simem:s7], [sflag:s8] =	dma.local @!p0 [hbm:s6], $0xF7A  }
0x23: {  	s9 =	sor.u32 $0xD0000000, s2;
	s6 =	simm.s32 $0x108;
	_ =	swait.ge @!p0 [sflag:s8], $0x0  }
0x24: {  	s3 =	sadd.s32 $0x88, s3;
	s6 =	simm.s32 @!p1 $0x1082;
	[sflag:s4] =	ssyncset.s32 $0xFFFFF086  }
0x25: {  	[simem:s6], [sflag:s4] =	dma.local [hbm:s3], $0xF7A  }
0x26: {  	[smem:$0x3F98] =	sst s1;
	(tag) =	ssettag s2;
	_ =	strace s9  }
0x27: {  	s1 =	sld [smem:$0x3FA8]  }
0x28: {  	s2 =	sld [smem:$0x3FA9]  }
0x29: {  	s4 =	sld [smem:$0x3FAB]  }
0x2a: {  	p0 =	seq.s32 s5, $0x0;
	s5 =	sld [smem:$0x3FAC]  }
0x2b: {  	s6 =	sld [smem:$0x3FAD]  }
0x2c: {  	s7 =	sld [smem:$0x3FAE]  }
0x2d: {  	s3 =	simm.s32 $0x108;
	s8 =	sld [smem:$0x3FAF]  }
0x2e: {  	s3 =	simm.s32 @!p0 $0x1082;
	s9 =	sld [smem:$0x3FB0]  }
0x2f: {  	lr =	sadd.s32 s0, s3;
	s0 =	sld [smem:$0x3FA7]  }
0x30: {  	s3 =	sld [smem:$0x3FAA]  }
0x31: {  	[smem:$0x3FB3] =	sst s10  }
0x32: {  	s10 =	sld [smem:$0x3FB1];
	_ =	sdelay $0x3  }
0x33: {  	p0 =	seq.s32 s10, $0x1;
	s10 =	sld [smem:$0x3FB3];
	_ =	sdelay $0x3  }
0x34: {  	[smem:$0x3FB3] =	sst s10  }
0x35: {  	s10 =	sld [smem:$0x3FB2];
	_ =	sdelay $0x3  }
0x36: {  	p1 =	seq.s32 s10, $0x1;
	s10 =	sld [smem:$0x3FB3];
	_ =	sdelay $0x3  }
0x37: {  	[smem:$0x3FB3] =	sst s10  }
0x38: {  	s10 =	sld [smem:$0x3FB4]  }
0x39: {  	_ = 	snop;
	(pc) =	sbr.ind lr, $3  }
0x3a: {  	_ = 	snop  }
0x3b: {  	_ = 	snop  }
0x3c: {  	p2 =	seq.s32 s10, $0x1;
	s10 =	sld [smem:$0x3FB3]  }
0x3d: {  	_ =	shalt  }
0x3e: {  	_ =	shalt  }
0x3f: {  	_ =	shalt  }
0x40: {  	_ =	shalt  }
0x41: {  	_ =	shalt  }
0x42: {  	_ =	shalt  }
0x43: {  	_ =	shalt  }
0x44: {  	_ =	shalt  }
0x45: {  	_ =	shalt  }
0x46: {  	_ =	shalt  }
0x47: {  	_ =	shalt  }
0x48: {  	_ =	shalt  }
0x49: {  	_ =	shalt  }
0x4a: {  	_ =	shalt  }
0x4b: {  	_ =	shalt  }
0x4c: {  	_ =	shalt  }
0x4d: {  	_ =	shalt  }
0x4e: {  	_ =	shalt  }
0x4f: {  	_ =	shalt  }
0x50: {  	_ =	shalt  }
0x51: {  	_ =	shalt  }
0x52: {  	_ =	shalt  }
0x53: {  	_ =	shalt  }
0x54: {  	_ =	shalt  }
0x55: {  	_ =	shalt  }
0x56: {  	_ =	shalt  }
0x57: {  	_ =	shalt  }
0x58: {  	_ =	shalt  }
0x59: {  	_ =	shalt  }
0x5a: {  	_ =	shalt  }
0x5b: {  	_ =	shalt  }
0x5c: {  	_ =	shalt  }
0x5d: {  	_ =	shalt  }
0x5e: {  	_ =	shalt  }
0x5f: {  	_ =	shalt  }
0x60: {  	_ =	shalt  }
0x61: {  	_ =	shalt  }
0x62: {  	_ =	shalt  }
0x63: {  	_ =	shalt  }
0x64: {  	_ =	shalt  }
0x65: {  	_ =	shalt  }
0x66: {  	_ =	shalt  }
0x67: {  	_ =	shalt  }
0x68: {  	_ =	shalt  }
0x69: {  	_ =	shalt  }
0x6a: {  	_ =	shalt  }
0x6b: {  	_ =	shalt  }
0x6c: {  	_ =	shalt  }
0x6d: {  	_ =	shalt  }
0x6e: {  	_ =	shalt  }
0x6f: {  	_ =	shalt  }
0x70: {  	_ =	shalt  }
0x71: {  	_ =	shalt  }
0x72: {  	_ =	shalt  }
0x73: {  	_ =	shalt  }
0x74: {  	_ =	shalt  }
0x75: {  	_ =	shalt  }
0x76: {  	_ =	shalt  }
0x77: {  	_ =	shalt  }
0x78: {  	_ =	shalt  }
0x79: {  	_ =	shalt  }
0x7a: {  	_ =	shalt  }
0x7b: {  	_ =	shalt  }
0x7c: {  	_ =	shalt  }
0x7d: {  	_ =	shalt  }
0x7e: {  	_ =	shalt  }
0x7f: {  	_ =	shalt  }
0x80: {  	_ =	shalt  }
0x81: {  	_ =	shalt  }
0x82: {  	_ =	shalt  }
0x83: {  	_ =	shalt  }
0x84: {  	_ =	shalt  }
0x85: {  	_ =	shalt  }
0x86: {  	_ =	shalt  }
0x87: {  	_ =	shalt  }
.Lfunc_end0:
.L_simem_size_0:
called_computation_lowered:
.L_overlay_start_0:
0x88: {  	s2 =	sld [smem:$0x3FD9]  }
0x89: {  	s3 =	sld [smem:$0x3FFE];
	_ =	sdelay $0x1  }
0x8a: {  	s1 =	srdreg.scid  }
0x8b: {  	s0 =	sand.u32 $0x1, s1  }
0x8c: {  	s17 =	sshll.u32 s0, $0xA;
	s2 =	sadd.s32 s3, s2  }
0x8d: {  	s2 =	sadd.s32 s2, s17  }
0x8e: {  	[smem:$0x3FBF] =	sst s2  }
0x8f: {  	_ = 	snop  }
0x90: {  	s2 =	sld [smem:$0x3FD0];
	(tm) =	ssettm $0x1  }
0x91: {  	s18 =	sld [smem:$0x3FFB];
	_ =	sdelay $0x3  }
0x92: {  	_ =	strace s18  }
0x93: {  	s3 =	sld [smem:$0x3FFC];
	_ =	sdelay $0x3  }
0x94: {  	_ =	strace s3  }
0x95: {  	s3 =	sld [smem:$0x3FFD];
	_ =	sdelay $0x3  }
0x96: {  	_ =	strace s3  }
0x97: {  	_ =	strace $0x8FFFFFFF  }
0x98: {  	s19 =	sld [smem:$0x3FDB];
	_ =	sdelay $0x1  }
0x99: {  	s4 =	simm.s32 $_scs_section_size  }
0x9a: {  	s5 =	simm.s32 $_size__tile_overlayer_lowered;
	s6 =	simm.s32 $_tile_overlayer_lowered  }
0x9b: {  	s22 =	simm.s32 $0x1BFF;
	s21 =	sshll.u32 s6, $0x1;
	s3 =	sadd.s32 s4, s19  }
0x9c: {  	s7 =	simm.s32 $0x0;
	s20 =	sshll.u32 s5, $0x1;
	s5 =	sadd.s32 s21, s3  }
0x9d: {  	[timem:s7], [sflag:s22] =	dma.local [hbm:s5], s20  }
0x9e: {  	_ =	swait.ge [sflag:s22], s20  }
0x9f: {  	s4 =	ssub.s32 $0x0, s20;
	[sflag:s22] =	ssyncset.done $0x0  }
0xa0: {  	[sflag:s22] =	ssyncadd.s32 s4;
	_ =	sdelay $0x1  }
0xa1: {  	s23 =	simm.s32 $0x1B8B  }
0xa2: {  	_ =	swait.ge [sflag:s23], $0x1  }
0xa3: {  	[sflag:s23] =	ssyncset.done $0x0  }
0xa4: {  	s25 =	simm.s32 $0x1B8E;
	s24 =	sld [smem:$0x3FFE];
	[sflag:s23] =	ssyncadd.s32 $0xFFFFFFFF  }
0xa5: {  	s26 =	simm.s32 $execute0_lowered;
	[smem:$0x3FD2] =	sst s25  }
0xa6: {  	s5 =	sshll.u32 s26, $0x1;
	_ =	strace $0x80000046;
	[dreg:$0x1] =	wrdreg $0xFFFFFFFF  }
0xa7: {  	s28 =	simm.s32 $_size_execute0_lowered;
	s3 =	sadd.s32 s3, s5;
	[dreg:$0x0] =	wrdreg $0x0  }
0xa8: {  	s5 =	sshll.u32 s28, $0x1;
	[dreg:$0x2] =	wrdreg s3  }
0xa9: {  	[dreg:$0x3] =	wrdreg s5  }
0xaa: {  	[dreg:$0x4] =	wrdreg $0xC0  }
0xab: {  	_ =	task [dreg:s7], $0x5FFFF  }
0xac: {  	[dreg:$0x1] =	wrdreg $0xFFFFFFFF  }
0xad: {  	[dreg:$0x0] =	wrdreg $0x60  }
0xae: {  	[dreg:$0x2] =	wrdreg s2  }
0xaf: {  	[dreg:$0x3] =	wrdreg s24  }
0xb0: {  	[dreg:$0x4] =	wrdreg $0x9  }
0xb1: {  	_ =	task.clear_ibuf [dreg:s7], $0x5FFFF;
	_ =	strace $0x90000046  }
0xb2: {  	s29 =	simm.s32 $0x9;
	_ =	strace $0x80000048  }
0xb3: {  	_ =	swait.ge [sflag:s29], $0x1  }
0xb4: {  	[sflag:s29] =	ssyncadd.s32 $0xFFFFFFFF  }
0xb5: {  	_ =	strace $0x90000048  }
0xb6: {  	_ =	sfence  }
0xb7: {  	s30 =	sld [smem:$0x0];
	_ =	sdelay $0x2  }
0xb8: {  	s31 =	sshll.u32 s1, $0xD;
	s1 =	sshrl.u32 s1, $0x2  }
0xb9: {  	s3 =	sand.u32 $0x4000, s31;
	s1 =	sadd.s32 s1, s30  }
0xba: {  	s0 =	sor.u32 s3, s0;
	s1 =	sshll.u32 s1, $0x11  }
0xbb: {  	s0 =	sor.u32 s1, s0  }
0xbc: {  	s0 =	sadd.s32 $0x8F2B, s0  }
0xbd: {  	[sflag:s0] =	ssyncadd.remote.s32 $0x1  }
0xbe: {  	_ =	sfence.sel $0xFFFF  }
0xbf: {  	[dreg:$0x0] =	wrdreg $0xFFFFFFFF;
	(pc) =	sbr.abs _section_cstart, $3  }
0xc0: {  	[dreg:$0x1] =	wrdreg $0xFFFFFFFF  }
0xc1: {  	_ =	task.clear_ibuf [dreg:s7], $0x2FFFF;
	_ =	strace $0x9FFFFFFF  }
0xc2: {  	(tm) =	ssettm $0x7FFFFFFF  }
0xc3: {  	_ =	shalt  }
tec
execute0_lowered:
.L_overlay_start_1:
0x0: {  	(tag) =	ssettag $0x1  }
0x1: {  	s3 =	rddreg [dreg:$0x0];
	s1 =	srdreg.scid  }
0x2: {  	s0 =	stileid.u32;
	s4 =	rddreg [dreg:$0x1]  }
0x3: {  	s8 =	simm.s32 $0x0;
	s5 =	sand.u32 $0x1, s1;
	s2 =	sshll.u32 s0, $0x1  }
0x4: {  	s6 =	sor.u32 s5, s2;
	s2 =	simm.s32 $0x0;
	s5 =	ssub.s32 $0x2, s5  }
0x5: {  	s6 =	smul.u32 $0x500, s6;
	[smem:$0x7FF] =	sst s2;
	s7 =	sshrl.u32 s5, $0x1  }
0x6: {  	v1 =	vlaneseq.u32;
	s1 =	rddreg [dreg:$0x2];
	_ =	strace $0x80000047;
	s5 =	ssub.s32 s5, s7  }
0x7: {  	v0 =	vimm.f32 $0.0e+00;
	v1 =	vand.u32 $0x7, v1;
	s7 =	simm.s32 $0x2800;
	s4 =	sadd.s32 s6, s4;
	s3 =	sadd.s32 s3, s6  }
0x8: {  	v2 =	vimm.f32 $1.000000000e+00;
	vm0 =	vcmask $0x3F20;
	v1 =	vmul.u32 $0x2800, v1;
	s5 =	smax.u32 s5, $0x1;
	s6 =	simm.s32 $0x1;
	s4 =	sadd.s32 $0x2000, s4  }
.LBB2_1:
0x9: {  	[tilespmem:s2], [sflag:$0x1] =	stream.linear.gather [hbm4b:s3+s2], $0x2800, $0x38;
	[tilespmem:$0x16800] =	vst v63  }
0xa: {  	_ =	swait.ge [sflag:s6], $0x2800  }
0xb: {  	[sflag:s6] =	ssyncset.done $0x0  }
0xc: {  	s10 =	simm.s32 $0x0;
	s9 =	simm.s32 $0x200;
	[sflag:s6] =	ssyncadd.s32 $0xFFFFD800  }
.LBB2_2:
0xd: {  	p0 =	sne.s32 s9, $0x4FE00;
	[tilespmem:s10+$0x2870] =	vst v0  }
0xe: {  	[tilespmem:s10+$0x2800] =	vst v0  }
0xf: {  	[tilespmem:s10+$0x2810] =	vst v0  }
.Ltmp0:
0x10: {  	[tilespmem:s10+$0x2820] =	vst v0;
	(pc) =	sbr.rel @p0 .LBB2_2-.Ltmp0, $4  }
0x11: {  	[tilespmem:s10+$0x2830] =	vst v0  }
0x12: {  	[tilespmem:s10+$0x2840] =	vst v0  }
0x13: {  	[tilespmem:s10+$0x2850] =	vst v0  }
0x14: {  	[tilespmem:s10+$0x2860] =	vst v0;
	s10 =	sshra.s32 s9, $0x2;
	s9 =	sadd.s32 $0x200, s9  }
0x15: {  	[tilespmem:s10+$0x2870] =	vst v0  }
0x16: {  	[tilespmem:s10+$0x2800] =	vst v0  }
0x17: {  	[tilespmem:s10+$0x2810] =	vst v0  }
0x18: {  	[tilespmem:s10+$0x2820] =	vst v0  }
0x19: {  	[tilespmem:s10+$0x2830] =	vst v0  }
0x1a: {  	[tilespmem:s10+$0x2840] =	vst v0  }
0x1b: {  	[tilespmem:s10+$0x2850] =	vst v0  }
0x1c: {  	s9 =	simm.s32 $0x0;
	[tilespmem:s10+$0x2860] =	vst v0  }
.LBB2_4:
0x1d: {  	s10 =	sshra.s32 s9, $0x2  }
0x1e: {  	v3 =	vld [tilespmem:s10+$0x0];
	_ =	sdelay $0x4  }
0x1f: {  	v3 =	vadd.s32 v1, v3;
	_ =	sdelay $0x4  }
0x20: {  	[tilespmem:v3+s7+$0x0] =	vst.idx.add.f32.msk $0xff, v2  }
0x21: {  	[tilespmem:v3+s7+$0x0] =	vst.idx.add.f32.msk vm0, v2  }
0x22: {  	v3 =	vld [tilespmem:s10+$0x10];
	_ =	sdelay $0x4  }
0x23: {  	v3 =	vadd.s32 v1, v3;
	_ =	sdelay $0x4  }
0x24: {  	[tilespmem:v3+s7+$0x0] =	vst.idx.add.f32.msk $0xff, v2  }
0x25: {  	[tilespmem:v3+s7+$0x0] =	vst.idx.add.f32.msk vm0, v2  }
0x26: {  	v3 =	vld [tilespmem:s10+$0x20];
	_ =	sdelay $0x4  }
0x27: {  	v3 =	vadd.s32 v1, v3;
	_ =	sdelay $0x4  }
0x28: {  	[tilespmem:v3+s7+$0x0] =	vst.idx.add.f32.msk $0xff, v2  }
0x29: {  	[tilespmem:v3+s7+$0x0] =	vst.idx.add.f32.msk vm0, v2  }
0x2a: {  	v3 =	vld [tilespmem:s10+$0x30];
	_ =	sdelay $0x4  }
0x2b: {  	v3 =	vadd.s32 v1, v3;
	_ =	sdelay $0x4  }
0x2c: {  	[tilespmem:v3+s7+$0x0] =	vst.idx.add.f32.msk $0xff, v2  }
0x2d: {  	[tilespmem:v3+s7+$0x0] =	vst.idx.add.f32.msk vm0, v2  }
0x2e: {  	v3 =	vld [tilespmem:s10+$0x40];
	_ =	sdelay $0x4  }
0x2f: {  	v3 =	vadd.s32 v1, v3;
	_ =	sdelay $0x4  }
0x30: {  	[tilespmem:v3+s7+$0x0] =	vst.idx.add.f32.msk $0xff, v2  }
0x31: {  	[tilespmem:v3+s7+$0x0] =	vst.idx.add.f32.msk vm0, v2  }
0x32: {  	v3 =	vld [tilespmem:s10+$0x50];
	_ =	sdelay $0x4  }
0x33: {  	v3 =	vadd.s32 v1, v3;
	_ =	sdelay $0x4  }
0x34: {  	[tilespmem:v3+s7+$0x0] =	vst.idx.add.f32.msk $0xff, v2  }
0x35: {  	[tilespmem:v3+s7+$0x0] =	vst.idx.add.f32.msk vm0, v2  }
0x36: {  	v3 =	vld [tilespmem:s10+$0x60];
	_ =	sdelay $0x4  }
0x37: {  	v3 =	vadd.s32 v1, v3;
	_ =	sdelay $0x4  }
0x38: {  	[tilespmem:v3+s7+$0x0] =	vst.idx.add.f32.msk $0xff, v2  }
0x39: {  	[tilespmem:v3+s7+$0x0] =	vst.idx.add.f32.msk vm0, v2  }
0x3a: {  	v3 =	vld [tilespmem:s10+$0x70];
	_ =	sdelay $0x4  }
0x3b: {  	v3 =	vadd.s32 v1, v3  }
0x3c: {  	p0 =	sne.s32 s9, $0x9E00  }
.Ltmp1:
0x3d: {  	_ = 	snop;
	(pc) =	sbr.rel @p0 .LBB2_4-.Ltmp1, $3  }
0x3e: {  	_ =	sdelay $0x1  }
0x3f: {  	[tilespmem:v3+s7+$0x0] =	vst.idx.add.f32.msk $0xff, v2  }
0x40: {  	s9 =	sadd.s32 $0x200, s9;
	[tilespmem:v3+s7+$0x0] =	vst.idx.add.f32.msk vm0, v2  }
0x41: {  	s9 =	simm.s32 $0x0  }
0x42: {  	v12 =	vld [tilespmem:s9+$0x14000]  }
0x43: {  	v11 =	vld [tilespmem:s9+$0x14010]  }
0x44: {  	v10 =	vld [tilespmem:s9+$0x14020]  }
0x45: {  	v9 =	vld [tilespmem:s9+$0x14030]  }
0x46: {  	v4 =	vld [tilespmem:s9+$0x14040]  }
0x47: {  	v3 =	vld [tilespmem:s9+$0x14050]  }
0x48: {  	v26 =	vld [tilespmem:s9+$0x11800]  }
0x49: {  	v27 =	vld [tilespmem:s9+$0x11810]  }
0x4a: {  	v16 =	vld [tilespmem:s9+$0x11820]  }
0x4b: {  	v15 =	vld [tilespmem:s9+$0x11830]  }
0x4c: {  	v6 =	vld [tilespmem:s9+$0x11840]  }
0x4d: {  	v5 =	vld [tilespmem:s9+$0x11850]  }
0x4e: {  	v21 =	vld [tilespmem:s9+$0xF000]  }
0x4f: {  	v25 =	vld [tilespmem:s9+$0xF010]  }
0x50: {  	v29 =	vld [tilespmem:s9+$0xF020]  }
0x51: {  	v31 =	vld [tilespmem:s9+$0xF030]  }
0x52: {  	v8 =	vld [tilespmem:s9+$0xF040]  }
0x53: {  	v7 =	vld [tilespmem:s9+$0xF050]  }
0x54: {  	v23 =	vld [tilespmem:s9+$0xC800]  }
0x55: {  	v24 =	vld [tilespmem:s9+$0xC810]  }
0x56: {  	v28 =	vld [tilespmem:s9+$0xC820]  }
0x57: {  	v30 =	vld [tilespmem:s9+$0xC830]  }
0x58: {  	v14 =	vld [tilespmem:s9+$0xC840]  }
0x59: {  	v13 =	vld [tilespmem:s9+$0xC850]  }
0x5a: {  	v20 =	vld [tilespmem:s9+$0xA000]  }
0x5b: {  	v22 =	vld [tilespmem:s9+$0xA010]  }
0x5c: {  	v32 =	vld [tilespmem:s9+$0xA020]  }
0x5d: {  	v33 =	vld [tilespmem:s9+$0xA030]  }
0x5e: {  	v18 =	vld [tilespmem:s9+$0x7800]  }
0x5f: {  	v19 =	vld [tilespmem:s9+$0x7810]  }
0x60: {  	v17 =	vld [tilespmem:s9+$0x5000]  }
0x61: {  	v34 =	vld [tilespmem:s9+$0x5010]  }
0x62: {  	v35 =	vld [tilespmem:s9+$0x5020]  }
0x63: {  	v36 =	vld [tilespmem:s9+$0x5030]  }
0x64: {  	v37 =	vld [tilespmem:s9+$0x2800]  }
0x65: {  	v38 =	vld [tilespmem:s9+$0x2810]  }
0x66: {  	v39 =	vld [tilespmem:s9+$0x2820]  }
0x67: {  	v40 =	vld [tilespmem:s9+$0x2830]  }
0x68: {  	v41 =	vld [tilespmem:s9+$0x7820]  }
0x69: {  	v42 =	vld [tilespmem:s9+$0x7830];
	v37 =	vadd.f32 v17, v37  }
0x6a: {  	v34 =	vadd.f32 v34, v38;
	v17 =	vld [tilespmem:s9+$0xA040]  }
0x6b: {  	v35 =	vadd.f32 v35, v39;
	v37 =	vadd.f32 v18, v37;
	v18 =	vld [tilespmem:s9+$0xA050]  }
0x6c: {  	v36 =	vadd.f32 v36, v40;
	v34 =	vadd.f32 v19, v34;
	v19 =	vld [tilespmem:s9+$0x7840]  }
0x6d: {  	v35 =	vadd.f32 v41, v35;
	v37 =	vadd.f32 v20, v37;
	v20 =	vld [tilespmem:s9+$0x7850]  }
0x6e: {  	v36 =	vadd.f32 v42, v36;
	v34 =	vadd.f32 v22, v34;
	v22 =	vld [tilespmem:s9+$0x5040]  }
0x6f: {  	v32 =	vadd.f32 v32, v35;
	v37 =	vadd.f32 v23, v37;
	v23 =	vld [tilespmem:s9+$0x5050]  }
0x70: {  	v33 =	vadd.f32 v33, v36;
	v34 =	vadd.f32 v24, v34;
	v24 =	vld [tilespmem:s9+$0x5060]  }
0x71: {  	v32 =	vadd.f32 v28, v32;
	v63 =	vadd.f32 v21, v37;
	v21 =	vld [tilespmem:s9+$0x5070]  }
0x72: {  	v33 =	vadd.f32 v30, v33;
	v34 =	vadd.f32 v25, v34;
	v25 =	vld [tilespmem:s9+$0x2840]  }
0x73: {  	v29 =	vadd.f32 v29, v32;
	v28 =	vadd.f32 v26, v63;
	v26 =	vld [tilespmem:s9+$0x2850]  }
0x74: {  	s10 =	simm.s32 $0x200;
	v31 =	vadd.f32 v31, v33;
	v30 =	vadd.f32 v27, v34;
	v27 =	vld [tilespmem:s9+$0x2860]  }
.LBB2_6:
0x75: {  	p0 =	sne.s32 s10, $0x9E00;
	v12 =	vadd.f32 v12, v28;
	v16 =	vadd.f32 v16, v29;
	v28 =	vld [tilespmem:s9+$0x2870]  }
0x76: {  	v11 =	vadd.f32 v11, v30;
	v15 =	vadd.f32 v15, v31;
	v29 =	vld [tilespmem:s9+$0x7860]  }
0x77: {  	v10 =	vadd.f32 v10, v16;
	v16 =	vadd.f32 v22, v25;
	v22 =	vld [tilespmem:s9+$0x7870]  }
0x78: {  	v9 =	vadd.f32 v9, v15;
	v15 =	vadd.f32 v23, v26;
	v23 =	vld [tilespmem:s9+$0xA060]  }
0x79: {  	v16 =	vadd.f32 v19, v16;
	v19 =	vadd.f32 v24, v27;
	v24 =	vld [tilespmem:s9+$0xA070]  }
0x7a: {  	v15 =	vadd.f32 v20, v15;
	v20 =	vld [tilespmem:s9+$0xC860];
	v21 =	vadd.f32 v21, v28  }
0x7b: {  	v16 =	vadd.f32 v17, v16;
	v17 =	vadd.f32 v29, v19;
	v19 =	vld [tilespmem:s9+$0xC870]  }
0x7c: {  	v15 =	vadd.f32 v18, v15;
	v18 =	vld [tilespmem:s9+$0xF060];
	v21 =	vadd.f32 v22, v21  }
0x7d: {  	v14 =	vadd.f32 v14, v16;
	v16 =	vadd.f32 v23, v17;
	v17 =	vld [tilespmem:s9+$0xF070]  }
0x7e: {  	v13 =	vadd.f32 v13, v15;
	v15 =	vld [tilespmem:s9+$0x11860];
	v21 =	vadd.f32 v24, v21  }
0x7f: {  	v8 =	vadd.f32 v8, v14;
	v14 =	vadd.f32 v20, v16;
	v16 =	vld [tilespmem:s9+$0x11870]  }
0x80: {  	v7 =	vadd.f32 v7, v13;
	v13 =	vld [tilespmem:s9+$0x14060];
	v19 =	vadd.f32 v19, v21  }
0x81: {  	s11 =	sshra.s32 s10, $0x2;
	[tilespmem:s9+$0x2800] =	vst v12;
	v6 =	vadd.f32 v6, v8;
	v8 =	vadd.f32 v18, v14;
	v14 =	vld [tilespmem:s9+$0x14070]  }
0x82: {  	v12 =	vld [tilespmem:s11+$0x14000];
	[tilespmem:s9+$0x2810] =	vst v11;
	v5 =	vadd.f32 v5, v7;
	v7 =	vadd.f32 v17, v19  }
0x83: {  	v11 =	vld [tilespmem:s11+$0x14010];
	[tilespmem:s9+$0x2820] =	vst v10;
	v4 =	vadd.f32 v4, v6;
	v6 =	vadd.f32 v15, v8  }
0x84: {  	v10 =	vld [tilespmem:s11+$0x14020];
	[tilespmem:s9+$0x2830] =	vst v9;
	v3 =	vadd.f32 v3, v5;
	v5 =	vadd.f32 v16, v7  }
0x85: {  	v9 =	vld [tilespmem:s11+$0x14030];
	[tilespmem:s9+$0x2840] =	vst v4;
	v6 =	vadd.f32 v13, v6  }
0x86: {  	v4 =	vld [tilespmem:s11+$0x14040];
	[tilespmem:s9+$0x2850] =	vst v3;
	v5 =	vadd.f32 v14, v5  }
0x87: {  	v3 =	vld [tilespmem:s11+$0x14050];
	[tilespmem:s9+$0x2860] =	vst v6  }
0x88: {  	v26 =	vld [tilespmem:s11+$0x11800];
	[tilespmem:s9+$0x2870] =	vst v5;
	s9 =	smov.u32 s11  }
0x89: {  	v27 =	vld [tilespmem:s9+$0x11810]  }
0x8a: {  	v16 =	vld [tilespmem:s9+$0x11820]  }
0x8b: {  	v15 =	vld [tilespmem:s9+$0x11830]  }
0x8c: {  	v6 =	vld [tilespmem:s9+$0x11840]  }
0x8d: {  	v5 =	vld [tilespmem:s9+$0x11850]  }
0x8e: {  	v21 =	vld [tilespmem:s9+$0xF000]  }
0x8f: {  	v25 =	vld [tilespmem:s9+$0xF010]  }
0x90: {  	v29 =	vld [tilespmem:s9+$0xF020]  }
0x91: {  	v31 =	vld [tilespmem:s9+$0xF030]  }
0x92: {  	v8 =	vld [tilespmem:s9+$0xF040]  }
0x93: {  	v7 =	vld [tilespmem:s9+$0xF050]  }
0x94: {  	v23 =	vld [tilespmem:s9+$0xC800]  }
0x95: {  	v24 =	vld [tilespmem:s9+$0xC810]  }
0x96: {  	v28 =	vld [tilespmem:s9+$0xC820]  }
0x97: {  	v30 =	vld [tilespmem:s9+$0xC830]  }
0x98: {  	v14 =	vld [tilespmem:s9+$0xC840]  }
0x99: {  	v13 =	vld [tilespmem:s9+$0xC850]  }
0x9a: {  	v20 =	vld [tilespmem:s9+$0xA000]  }
0x9b: {  	v22 =	vld [tilespmem:s9+$0xA010]  }
0x9c: {  	v32 =	vld [tilespmem:s9+$0xA020]  }
0x9d: {  	v33 =	vld [tilespmem:s9+$0xA030]  }
0x9e: {  	v18 =	vld [tilespmem:s9+$0x7800]  }
0x9f: {  	v19 =	vld [tilespmem:s9+$0x7810]  }
0xa0: {  	v17 =	vld [tilespmem:s9+$0x5000]  }
0xa1: {  	v34 =	vld [tilespmem:s9+$0x5010]  }
0xa2: {  	v35 =	vld [tilespmem:s9+$0x5020]  }
0xa3: {  	v36 =	vld [tilespmem:s9+$0x5030]  }
0xa4: {  	v37 =	vld [tilespmem:s9+$0x2800]  }
0xa5: {  	v38 =	vld [tilespmem:s9+$0x2810]  }
0xa6: {  	v39 =	vld [tilespmem:s9+$0x2820]  }
0xa7: {  	v40 =	vld [tilespmem:s9+$0x2830]  }
0xa8: {  	v41 =	vld [tilespmem:s9+$0x7820]  }
0xa9: {  	v37 =	vadd.f32 v17, v37;
	v42 =	vld [tilespmem:s9+$0x7830]  }
0xaa: {  	v34 =	vadd.f32 v34, v38;
	v17 =	vld [tilespmem:s9+$0xA040]  }
0xab: {  	v37 =	vadd.f32 v18, v37;
	v35 =	vadd.f32 v35, v39;
	v18 =	vld [tilespmem:s9+$0xA050]  }
0xac: {  	v34 =	vadd.f32 v19, v34;
	v36 =	vadd.f32 v36, v40;
	v19 =	vld [tilespmem:s9+$0x7840]  }
0xad: {  	v37 =	vadd.f32 v20, v37;
	v35 =	vadd.f32 v41, v35;
	v20 =	vld [tilespmem:s9+$0x7850]  }
0xae: {  	v34 =	vadd.f32 v22, v34;
	v36 =	vadd.f32 v42, v36;
	v22 =	vld [tilespmem:s9+$0x5040]  }
0xaf: {  	v37 =	vadd.f32 v23, v37;
	v32 =	vadd.f32 v32, v35;
	v23 =	vld [tilespmem:s9+$0x5050]  }
.Ltmp2:
0xb0: {  	v34 =	vadd.f32 v24, v34;
	v33 =	vadd.f32 v33, v36;
	v24 =	vld [tilespmem:s9+$0x5060];
	(pc) =	sbr.rel @p0 .LBB2_6-.Ltmp2, $4  }
0xb1: {  	v35 =	vadd.f32 v21, v37;
	v32 =	vadd.f32 v28, v32;
	v21 =	vld [tilespmem:s9+$0x5070]  }
0xb2: {  	v34 =	vadd.f32 v25, v34;
	v33 =	vadd.f32 v30, v33;
	v25 =	vld [tilespmem:s9+$0x2840]  }
0xb3: {  	v28 =	vadd.f32 v26, v35;
	v29 =	vadd.f32 v29, v32;
	v26 =	vld [tilespmem:s9+$0x2850]  }
0xb4: {  	s10 =	sadd.s32 $0x200, s10;
	v30 =	vadd.f32 v27, v34;
	v31 =	vadd.f32 v31, v33;
	v27 =	vld [tilespmem:s9+$0x2860]  }
0xb5: {  	v32 =	vld [tilespmem:s9+$0x2870];
	v12 =	vadd.f32 v12, v28;
	v16 =	vadd.f32 v16, v29  }
0xb6: {  	v37 =	vld [tilespmem:s9+$0x7860];
	v11 =	vadd.f32 v11, v30;
	v15 =	vadd.f32 v15, v31  }
0xb7: {  	v38 =	vld [tilespmem:s9+$0x7870];
	v10 =	vadd.f32 v10, v16;
	v39 =	vadd.f32 v22, v25  }
0xb8: {  	v40 =	vld [tilespmem:s9+$0xA060];
	v9 =	vadd.f32 v9, v15;
	v41 =	vadd.f32 v23, v26  }
0xb9: {  	v42 =	vld [tilespmem:s9+$0xA070];
	v16 =	vadd.f32 v19, v39;
	v43 =	vadd.f32 v24, v27  }
0xba: {  	v44 =	vld [tilespmem:s9+$0xC860];
	v15 =	vadd.f32 v20, v41;
	v45 =	vadd.f32 v21, v32  }
0xbb: {  	v46 =	vld [tilespmem:s9+$0xC870];
	v16 =	vadd.f32 v17, v16;
	v47 =	vadd.f32 v37, v43  }
0xbc: {  	v48 =	vld [tilespmem:s9+$0xF060];
	v15 =	vadd.f32 v18, v15;
	v49 =	vadd.f32 v38, v45  }
0xbd: {  	v50 =	vld [tilespmem:s9+$0xF070];
	v14 =	vadd.f32 v14, v16;
	v51 =	vadd.f32 v40, v47  }
0xbe: {  	v52 =	vld [tilespmem:s9+$0x11860];
	v13 =	vadd.f32 v13, v15;
	v53 =	vadd.f32 v42, v49  }
0xbf: {  	v54 =	vld [tilespmem:s9+$0x11870];
	v8 =	vadd.f32 v8, v14;
	v55 =	vadd.f32 v44, v51  }
0xc0: {  	v56 =	vld [tilespmem:s9+$0x14060];
	v7 =	vadd.f32 v7, v13;
	v57 =	vadd.f32 v46, v53  }
0xc1: {  	v59 =	vld [tilespmem:s9+$0x14070];
	[tilespmem:s9+$0x2800] =	vst v12;
	v6 =	vadd.f32 v6, v8;
	v58 =	vadd.f32 v48, v55  }
0xc2: {  	[tilespmem:s9+$0x2810] =	vst v11;
	v5 =	vadd.f32 v5, v7;
	v60 =	vadd.f32 v50, v57  }
0xc3: {  	[tilespmem:s9+$0x2820] =	vst v10;
	v4 =	vadd.f32 v4, v6;
	v61 =	vadd.f32 v52, v58  }
0xc4: {  	[tilespmem:s9+$0x2830] =	vst v9;
	v3 =	vadd.f32 v3, v5;
	v62 =	vadd.f32 v54, v60  }
0xc5: {  	[tilespmem:s9+$0x2840] =	vst v4;
	v63 =	vadd.f32 v56, v61  }
0xc6: {  	s8 =	sadd.s32 $0x1, s8;
	[tilespmem:s9+$0x2850] =	vst v3;
	v3 =	vadd.f32 v59, v62  }
0xc7: {  	p0 =	sne.s32 s8, s5;
	[tilespmem:s9+$0x2860] =	vst v63  }
.Ltmp3:
0xc8: {  	[tilespmem:s9+$0x2870] =	vst v3;
	(pc) =	sbr.rel @p0 .LBB2_1-.Ltmp3, $4  }
0xc9: {  	[hbm4b:s4+s2] =	stream.linear.scatter [tilespmem:s7], [sflag:$0x1], $0x2800, $0x38;
	[tilespmem:$0x16800] =	vst v63  }
0xca: {  	_ =	swait.ge [sflag:s6], $0x2800  }
0xcb: {  	[sflag:s6] =	ssyncset.done $0x0  }
0xcc: {  	[sflag:s6] =	ssyncadd.s32 $0xFFFFD800  }
0xcd: {  	_ =	sfence.sel $0x180000  }
0xce: {  	[bflag:$0x0] =	sbarrier.arrive $0xFFFF  }
0xcf: {  	p0 =	sne.s32 s0, $0x0;
	_ =	strace $0x90000047  }
0xd0: {  	s0 =	sadd.s32 @!p0 $0x100000, s1;
	[bflag:$0x2] =	sbarrier.arrive $0xFFFF  }
0xd1: {  	[sflag:s0] =	ssyncadd.tile.s32 @!p0 $0x1;
	_ =	shalt  }
.Lfunc_end2:
_tile_overlayer_lowered:
.L_overlay_start_2:
0xd2: {  	(tag) =	ssettag $0x2  }
0xd3: {  	s0 =	rddreg [dreg:$0x0];
	s2 =	stileid.u32  }
0xd4: {  	s1 =	rddreg [dreg:$0x1];
	p0 =	sne.s32 s2, $0x0  }
0xd5: {  	s3 =	rddreg [dreg:$0x2];
	[bflag:$0x3] =	sbarrier.arrive $0xFFFF;
	s2 =	simm.s32 @!p0 $0x1C01  }
0xd6: {  	[timem:s3], [sflag:s2] =	dma.local @!p0 [hbm:s0], s1  }
0xd7: {  	s0 =	simm.s32 @!p0 $0x1  }
0xd8: {  	_ =	swait.ge @!p0 [sflag:s0], s1  }
0xd9: {  	s1 =	ssub.s32 @!p0 $0x0, s1;
	[sflag:s0] =	ssyncset.done @!p0 $0x0  }
0xda: {  	[sflag:s0] =	ssyncadd.s32 @!p0 s1  }
0xdb: {  	[bflag:$0x3] =	sbarrier.arrive $0xFFFF  }
0xdc: {  	_ =	shalt  }

</sc_bundles>
